<compile_context>
chip_gen: v7x
topology: tpu7x:2x2x1
jax: 0.10.2.dev20260603
libtpu: 0.0.44.dev20260713+nightly
codegen_flags: <defaults>
</compile_context>

<pallas_src>
import functools

import jax
import jax.numpy as jnp
from jax import lax
from jax.experimental import pallas as pl
from jax.experimental.pallas import tpu as pltpu
from jax.experimental.pallas import tpu_sc as plsc

F32 = jnp.float32
R = 144
ADW = 16
CH = 40
NC, NS = 2, 16


def _lane_splat(v, h):
    idx = jnp.full((16, 1), h, jnp.int32)
    dnums = lax.GatherDimensionNumbers(
        offset_dims=(), collapsed_slice_dims=(0,), start_index_map=(0,))
    return lax.gather(v, idx, dnums, (1,),
                      mode=lax.GatherScatterMode.PROMISE_IN_BOUNDS)


def _build_sc_edge(n, e_total, heads, cph, interpret=False):
    nw = NC * NS
    epw = e_total // nw
    nch = epw // CH
    rpt = n // NS
    mesh = plsc.VectorSubcoreMesh(core_axis_name="c", subcore_axis_name="s")

    assert nch % 2 == 0 and nch >= 4

    @functools.partial(
        pl.kernel,
        out_type=jax.ShapeDtypeStruct((NC, n, R), F32),
        mesh=mesh,
        compiler_params=pltpu.CompilerParams(use_tc_tiling_on_sc=False),
        scratch_types=[
            [pltpu.VMEM((CH,), jnp.int32)] * 2,
            [pltpu.VMEM((CH,), jnp.int32)] * 2,
            [pltpu.VMEM((CH,), jnp.int32)] * 2,
            [pltpu.VMEM((CH, R), F32)] * 2,
            [pltpu.VMEM((CH, ADW), F32)] * 2,
            [pltpu.VMEM((CH, R), F32)] * 2,
            pltpu.VMEM_SHARED((n, R), F32),
            [pltpu.SemaphoreType.DMA] * 2,
            [pltpu.SemaphoreType.DMA] * 2,
            [pltpu.SemaphoreType.DMA] * 2,
            [pltpu.SemaphoreType.DMA] * 2,
            [pltpu.SemaphoreType.DMA] * 2,
            [pltpu.SemaphoreType.DMA] * 2,
        ],
        interpret=interpret,
    )
    def sc_fn(hext, ad, src, dst, zz, out, idx_s, idx_d, idx_c, rows, adv,
              msg, acc, s_is, s_id, s_ic, s_g, s_a, s_sc):
        c = lax.axis_index("c")
        s = lax.axis_index("s")
        row0 = s * rpt
        pltpu.sync_copy(zz, acc.at[pl.ds(row0, rpt)])
        plsc.subcore_barrier()

        base = (c * NS + s) * epw
        lanes = lax.broadcasted_iota(jnp.int32, (16,), 0)

        def issue_idx(i, sl):
            off = base + i * CH
            pltpu.async_copy(src.at[pl.ds(off, CH)], idx_s[sl], s_is[sl])
            pltpu.async_copy(dst.at[pl.ds(off, CH)], idx_d[sl], s_id[sl])

        def wait_idx(sl):
            pltpu.make_async_copy(src.at[pl.ds(base, CH)], idx_s[sl],
                                  s_is[sl]).wait()
            pltpu.make_async_copy(dst.at[pl.ds(base, CH)], idx_d[sl],
                                  s_id[sl]).wait()

        def issue_idxc(i, sl):
            off = base + i * CH
            pltpu.async_copy(dst.at[pl.ds(off, CH)], idx_c[sl], s_ic[sl])

        def issue_gather(sl):
            pltpu.async_copy(hext.at[idx_s[sl]], rows[sl], s_g[sl])
            pltpu.async_copy(ad.at[idx_d[sl]], adv[sl], s_a[sl])

        def wait_gather(sl):
            pltpu.make_async_copy(hext.at[idx_s[sl]], rows[sl],
                                  s_g[sl]).wait()
            pltpu.make_async_copy(ad.at[idx_d[sl]], adv[sl], s_a[sl]).wait()

        def issue_scatter(sl):
            pltpu.make_async_copy(dst.at[pl.ds(base, CH)], idx_c[sl],
                                  s_ic[sl]).wait()
            pltpu.async_copy(msg[sl], acc.at[idx_c[sl]], s_sc[sl], add=True)

        def wait_scatter(sl):
            pltpu.make_async_copy(msg[sl], acc.at[idx_c[sl]],
                                  s_sc[sl]).wait()

        def compute(sl):
            rw, av, mg = rows[sl], adv[sl], msg[sl]

            def edge(ei):
                a = rw[ei, pl.ds(128, 16)]
                b = av[ei, :]
                ev = a + b
                lv = jnp.where(ev >= 0.0, ev, ev * 0.2)
                wv = jnp.exp(lv)
                wm = jnp.where(lanes < heads, wv, 0.0)
                mg[ei, pl.ds(128, 16)] = wm
                for h in range(heads):
                    wb = _lane_splat(wm, h)
                    for j in range(cph // 16):
                        cs = h * cph + j * 16
                        mg[ei, pl.ds(cs, 16)] = rw[ei, pl.ds(cs, 16)] * wb

            plsc.parallel_loop(0, CH, 1, unroll=4)(edge)

        issue_idx(0, 0)
        issue_idxc(0, 0)
        issue_idx(1, 1)
        wait_idx(0)
        issue_gather(0)

        def half(i, b):
            b2 = 1 - b
            wait_gather(b)
            pl.when(i + 2 < nch)(lambda: issue_idx(i + 2, b))
            pl.when(i + 1 < nch)(lambda: wait_idx(b2))
            pl.when(i + 1 < nch)(lambda: issue_gather(b2))
            compute(b)
            issue_scatter(b)
            pl.when(i >= 1)(lambda: wait_scatter(b2))
            pl.when(i + 1 < nch)(lambda: issue_idxc(i + 1, b2))

        def pair(p, carry):
            half(2 * p, 0)
            half(2 * p + 1, 1)
            return carry

        lax.fori_loop(0, nch // 2, pair, 0)
        wait_scatter((nch - 1) % 2)

        plsc.subcore_barrier()
        pltpu.sync_copy(acc.at[pl.ds(row0, rpt)], out.at[c, pl.ds(row0, rpt)])

    return sc_fn


def _head_sel(heads):
    r = lax.broadcasted_iota(jnp.int32, (128, heads), 0)
    c = lax.broadcasted_iota(jnp.int32, (128, heads), 1)
    return jnp.where(r // (128 // heads) == c, 1.0, 0.0).astype(F32)


def _head_expand(heads):
    r = lax.broadcasted_iota(jnp.int32, (heads, 128), 0)
    c = lax.broadcasted_iota(jnp.int32, (heads, 128), 1)
    return jnp.where(c // (128 // heads) == r, 1.0, 0.0).astype(F32)


def _prep1_body(heads, emb_ref, w1_ref, a1s_ref, a1d_ref, hx_ref, ad_ref):
    h = jnp.dot(emb_ref[...], w1_ref[...], preferred_element_type=F32)
    sel = _head_sel(heads)
    asv = jnp.dot(h * a1s_ref[...], sel, preferred_element_type=F32)
    adv = jnp.dot(h * a1d_ref[...], sel, preferred_element_type=F32)
    bn = h.shape[0]
    zs = jnp.zeros((bn, R - 128 - heads), F32)
    za = jnp.zeros((bn, ADW - heads), F32)
    hx_ref[...] = jnp.concatenate([h, asv, zs], axis=1)
    ad_ref[...] = jnp.concatenate([adv, za], axis=1)


def _mid_body(heads, acc_ref, b1_ref, w2_ref, a2s_ref, a2d_ref, hx_ref,
              ad_ref):
    t = acc_ref[0] + acc_ref[1]
    num = t[:, :128]
    den = t[:, 128:128 + heads] + 1e-16
    out1 = num * jnp.dot(1.0 / den, _head_expand(heads),
                         preferred_element_type=F32) + b1_ref[...]
    h2 = jnp.dot(out1, w2_ref[...], preferred_element_type=F32)
    as2 = jnp.sum(h2 * a2s_ref[...], axis=1, keepdims=True)
    ad2 = jnp.sum(h2 * a2d_ref[...], axis=1, keepdims=True)
    bn = h2.shape[0]
    zs = jnp.zeros((bn, R - 128 - 1), F32)
    za = jnp.zeros((bn, ADW - 1), F32)
    hx_ref[...] = jnp.concatenate([h2, as2, zs], axis=1)
    ad_ref[...] = jnp.concatenate([ad2, za], axis=1)


def _final_body(acc_ref, b2_ref, wo_ref, bo_ref, o_ref):
    t = acc_ref[0] + acc_ref[1]
    num = t[:, :128]
    den = t[:, 128:129] + 1e-16
    out2 = num / den + b2_ref[...]
    o_ref[...] = jnp.dot(out2, wo_ref[...],
                         preferred_element_type=F32) + bo_ref[...]


def _tc_prep1(emb, w1, a1s, a1d, heads, blk=1000, interpret=False):
    n = emb.shape[0]
    grid = n // blk
    full = lambda shp: pl.BlockSpec(shp, lambda i: (0, 0))
    return pl.pallas_call(
        functools.partial(_prep1_body, heads),
        grid=(grid,),
        in_specs=[pl.BlockSpec((blk, 128), lambda i: (i, 0)),
                  full((128, 128)), full((1, 128)), full((1, 128))],
        out_specs=[pl.BlockSpec((blk, R), lambda i: (i, 0)),
                   pl.BlockSpec((blk, ADW), lambda i: (i, 0))],
        out_shape=[jax.ShapeDtypeStruct((n, R), F32),
                   jax.ShapeDtypeStruct((n, ADW), F32)],
        interpret=interpret,
    )(emb, w1, a1s, a1d)


def _tc_mid(acc, b1, w2, a2s, a2d, heads, blk=1000, interpret=False):
    n = acc.shape[1]
    grid = n // blk
    full = lambda shp: pl.BlockSpec(shp, lambda i: (0, 0))
    return pl.pallas_call(
        functools.partial(_mid_body, heads),
        grid=(grid,),
        in_specs=[pl.BlockSpec((NC, blk, R), lambda i: (0, i, 0)),
                  full((1, 128)), full((128, 128)), full((1, 128)),
                  full((1, 128))],
        out_specs=[pl.BlockSpec((blk, R), lambda i: (i, 0)),
                   pl.BlockSpec((blk, ADW), lambda i: (i, 0))],
        out_shape=[jax.ShapeDtypeStruct((n, R), F32),
                   jax.ShapeDtypeStruct((n, ADW), F32)],
        interpret=interpret,
    )(acc, b1, w2, a2s, a2d)


def _tc_final(acc, b2, wo, bo, blk=1000, interpret=False):
    n = acc.shape[1]
    grid = n // blk
    full = lambda shp: pl.BlockSpec(shp, lambda i: (0, 0))
    return pl.pallas_call(
        _final_body,
        grid=(grid,),
        in_specs=[pl.BlockSpec((NC, blk, R), lambda i: (0, i, 0)),
                  full((1, 128)), full((128, 128)), full((1, 128))],
        out_specs=pl.BlockSpec((blk, 128), lambda i: (i, 0)),
        out_shape=jax.ShapeDtypeStruct((n, 128), F32),
        interpret=interpret,
    )(acc, b2, wo, bo)


def kernel(x, edge_index, emb, W1, att_src1, att_dst1, b1, W2, att_src2,
           att_dst2, b2, Wo, bo):
    n = emb.shape[0]
    e_total = edge_index.shape[1]
    heads = att_src1.shape[1]
    src = edge_index[0]
    dst = edge_index[1]
    blk = 1024
    np_ = ((n + blk - 1) // blk) * blk
    embp = jnp.pad(emb, ((0, np_ - n), (0, 0)))
    zz = jnp.zeros((np_ // NS, R), F32)

    hx1, ad1 = _tc_prep1(embp, W1, att_src1.reshape(1, 128),
                         att_dst1.reshape(1, 128), heads, blk=blk)
    acc1 = _build_sc_edge(np_, e_total, heads, 128 // heads)(
        hx1, ad1, src, dst, zz)
    hx2, ad2 = _tc_mid(acc1, b1.reshape(1, 128), W2,
                       att_src2.reshape(1, 128), att_dst2.reshape(1, 128),
                       heads, blk=blk)
    acc2 = _build_sc_edge(np_, e_total, 1, 128)(hx2, ad2, src, dst, zz)
    out = _tc_final(acc2, b2.reshape(1, 128), Wo, bo.reshape(1, 128),
                    blk=blk)
    return out[:n]

# --- scband reference (transcript-rebuilt; emitter-appended) ---
"""Pipeline reference for scband-graph-node-encoder-17772574671465 (READ-ONLY COPY).

The authoritative reference and input builder live on the scoring server;
editing this copy changes nothing except your own understanding.
"""

import jax, jax.numpy as jnp
import numpy as np

N, E, D, HID, HEADS, OUT = 10000, 320000, 128, 16, 8, 128


def setup_inputs(seed: int = 0) -> dict:
    key = jax.random.key(seed)
    ks = list(jax.random.split(key, 12))
    s = 0.05
    x = jnp.arange(N, dtype=jnp.int32)
    edge_index = jax.random.randint(ks[0], (2, E), 0, N, dtype=jnp.int32)
    emb = jax.random.normal(ks[1], (N, D), dtype=jnp.float32) * s
    W1 = jax.random.normal(ks[2], (D, HEADS * HID), dtype=jnp.float32) * s
    att_src1 = jax.random.normal(ks[3], (1, HEADS, HID), dtype=jnp.float32) * s
    att_dst1 = jax.random.normal(ks[4], (1, HEADS, HID), dtype=jnp.float32) * s
    b1 = jnp.zeros((HEADS * HID,), dtype=jnp.float32)
    W2 = jax.random.normal(ks[5], (HEADS * HID, OUT), dtype=jnp.float32) * s
    att_src2 = jax.random.normal(ks[6], (1, 1, OUT), dtype=jnp.float32) * s
    att_dst2 = jax.random.normal(ks[7], (1, 1, OUT), dtype=jnp.float32) * s
    b2 = jnp.zeros((OUT,), dtype=jnp.float32)
    Wo = jax.random.normal(ks[8], (OUT, OUT), dtype=jnp.float32) * s
    bo = jnp.zeros((OUT,), dtype=jnp.float32)
    return {"x": x, "edge_index": edge_index, "emb": emb,
            "W1": W1, "att_src1": att_src1, "att_dst1": att_dst1, "b1": b1,
            "W2": W2, "att_src2": att_src2, "att_dst2": att_dst2, "b2": b2,
            "Wo": Wo, "bo": bo}


def _gat(h_in, W, a_src, a_dst, b, edge_index, heads, ch, concat):
    n = h_in.shape[0]
    src, dst = edge_index[0], edge_index[1]
    h = (h_in @ W).reshape(n, heads, ch)
    a_s = jnp.sum(h * a_src, axis=-1)  # [N, H]
    a_d = jnp.sum(h * a_dst, axis=-1)  # [N, H]
    e = jax.nn.leaky_relu(a_s[src] + a_d[dst], 0.2)  # [E, H]
    m = jax.ops.segment_max(e, dst, num_segments=n)
    m = jnp.where(jnp.isfinite(m), m, 0.0)
    ex = jnp.exp(e - m[dst])
    den = jax.ops.segment_sum(ex, dst, num_segments=n)
    alpha = ex / (den[dst] + 1e-16)  # softmax over incoming edges per dst
    msg = h[src] * alpha[:, :, None]
    out = jax.ops.segment_sum(msg, dst, num_segments=n)
    if concat:
        out = out.reshape(n, heads * ch)
    else:
        out = out.mean(axis=1)
    return out + b


def reference(x, edge_index, emb, W1, att_src1, att_dst1, b1, W2, att_src2, att_dst2, b2, Wo, bo):
    # dropout disabled (eval / deterministic)
    h = jnp.take(emb, x, axis=0)
    h = _gat(h, W1, att_src1, att_dst1, b1, edge_index, HEADS, HID, True)
    h = _gat(h, W2, att_src2, att_dst2, b2, edge_index, 1, OUT, False)
    return h @ Wo + bo

if __name__ == "__main__":
    import jax
    _d = setup_inputs()
    print(jax.jit(kernel)(*tuple(_d.values())))

</pallas_src>

<mosaic_0001>
#map = affine_map<(d0, d1) -> (0, 0)>
#map1 = affine_map<(d0, d1) -> (0)>
#map2 = affine_map<(d0, d1) -> (0, 0, 0)>
module attributes {stable_mosaic.version = 14 : i64} {
  func.func @sc_fn(%arg0: i32, %arg1: i32, %arg2: memref<10240x144xf32, #tpu.memory_space<hbm>>, %arg3: memref<10240x16xf32, #tpu.memory_space<hbm>>, %arg4: memref<320000xi32, #tpu.memory_space<hbm>>, %arg5: memref<320000xi32, #tpu.memory_space<hbm>>, %arg6: memref<640x144xf32, #tpu.memory_space<hbm>>, %arg7: memref<2x10240x144xf32, #tpu.memory_space<hbm>>, %arg8: memref<40xi32, #tpu.memory_space<vmem>>, %arg9: memref<40xi32, #tpu.memory_space<vmem>>, %arg10: memref<40xi32, #tpu.memory_space<vmem>>, %arg11: memref<40xi32, #tpu.memory_space<vmem>>, %arg12: memref<40xi32, #tpu.memory_space<vmem>>, %arg13: memref<40xi32, #tpu.memory_space<vmem>>, %arg14: memref<40x144xf32, #tpu.memory_space<vmem>>, %arg15: memref<40x144xf32, #tpu.memory_space<vmem>>, %arg16: memref<40x16xf32, #tpu.memory_space<vmem>>, %arg17: memref<40x16xf32, #tpu.memory_space<vmem>>, %arg18: memref<40x144xf32, #tpu.memory_space<vmem>>, %arg19: memref<40x144xf32, #tpu.memory_space<vmem>>, %arg20: memref<10240x144xf32, #tpu.memory_space<vmem_shared>>, %arg21: memref<!tpu.dma_semaphore, #tpu.memory_space<semaphore_mem>>, %arg22: memref<!tpu.dma_semaphore, #tpu.memory_space<semaphore_mem>>, %arg23: memref<!tpu.dma_semaphore, #tpu.memory_space<semaphore_mem>>, %arg24: memref<!tpu.dma_semaphore, #tpu.memory_space<semaphore_mem>>, %arg25: memref<!tpu.dma_semaphore, #tpu.memory_space<semaphore_mem>>, %arg26: memref<!tpu.dma_semaphore, #tpu.memory_space<semaphore_mem>>, %arg27: memref<!tpu.dma_semaphore, #tpu.memory_space<semaphore_mem>>, %arg28: memref<!tpu.dma_semaphore, #tpu.memory_space<semaphore_mem>>, %arg29: memref<!tpu.dma_semaphore, #tpu.memory_space<semaphore_mem>>, %arg30: memref<!tpu.dma_semaphore, #tpu.memory_space<semaphore_mem>>, %arg31: memref<!tpu.dma_semaphore, #tpu.memory_space<semaphore_mem>>, %arg32: memref<!tpu.dma_semaphore, #tpu.memory_space<semaphore_mem>>) attributes {dimension_semantics = [#tpu.dimension_semantics<core_parallel>, #tpu.dimension_semantics<subcore_parallel>], iteration_bounds = array<i64: 2, 16>, scalar_prefetch = 0 : i64, scratch_operands = 25 : i64, tpu.core_type = #tpu.core_type<sc_vector_subcore>, window_params = [{transform_indices = #map}, {transform_indices = #map}, {transform_indices = #map1}, {transform_indices = #map1}, {transform_indices = #map}, {transform_indices = #map2}]} {
    %mul3A = arith.constant 640 : i32
    %mul3A_0 = arith.muli %arg1, %mul3A : i32
    "tpu.region"() ({
      %run_scoped3A = tpu.sem_alloc : memref<!tpu.dma_semaphore, #tpu.memory_space<semaphore_mem>>
      %dma_start3A_38 = arith.constant 0 : i32
      %dma_start3A_39 = tpu.memref_slice %arg20[%mul3A_0, %dma_start3A_38] : memref<10240x144xf32, #tpu.memory_space<vmem_shared>> -> memref<640x144xf32, #tpu.memory_space<vmem_shared>>
      tpu.enqueue_dma source(%arg6 : memref<640x144xf32, #tpu.memory_space<hbm>>) target(%dma_start3A_39 : memref<640x144xf32, #tpu.memory_space<vmem_shared>>) target_semaphore(%run_scoped3A : memref<!tpu.dma_semaphore, #tpu.memory_space<semaphore_mem>>)
      %dma_wait3A_40 = arith.constant 0 : i32
      %dma_wait3A_41 = tpu.memref_slice %arg20[%mul3A_0, %dma_wait3A_40] : memref<10240x144xf32, #tpu.memory_space<vmem_shared>> -> memref<640x144xf32, #tpu.memory_space<vmem_shared>>
      tpu.wait_dma2 semaphore(%run_scoped3A : memref<!tpu.dma_semaphore, #tpu.memory_space<semaphore_mem>>) src(%arg6 : memref<640x144xf32, #tpu.memory_space<hbm>>) dst(%dma_wait3A_41 : memref<640x144xf32, #tpu.memory_space<vmem_shared>>)
      tpu.yield
    }) : () -> ()
    %barrier3A = arith.constant 0 : index
    tpu.barrier barrier_id(%barrier3A)
    %mul3A_1 = arith.constant 16 : i32
    %mul3A_2 = arith.muli %arg0, %mul3A_1 : i32
    %add3A = arith.addi %mul3A_2, %arg1 : i32
    %mul3A_3 = arith.constant 10000 : i32
    %mul3A_4 = arith.muli %add3A, %mul3A_3 : i32
    %iota3A = tpu.iota {dimensions = array<i32: 0>} : vector<16xi32>
    %add3A_5 = arith.constant 0 : i32
    %add3A_6 = arith.addi %mul3A_4, %add3A_5 : i32
    %dma_start3A = tpu.memref_slice %arg4[%add3A_6] : memref<320000xi32, #tpu.memory_space<hbm>> -> memref<40xi32, #tpu.memory_space<hbm>>
    %dma_start3A_7 = tpu.memref_slice %arg4[%add3A_6] : memref<320000xi32, #tpu.memory_space<hbm>> -> memref<40xi32, #tpu.memory_space<hbm>>
    tpu.enqueue_dma source(%dma_start3A_7 : memref<40xi32, #tpu.memory_space<hbm>>) target(%arg8 : memref<40xi32, #tpu.memory_space<vmem>>) target_semaphore(%arg21 : memref<!tpu.dma_semaphore, #tpu.memory_space<semaphore_mem>>)
    %dma_start3A_8 = tpu.memref_slice %arg5[%add3A_6] : memref<320000xi32, #tpu.memory_space<hbm>> -> memref<40xi32, #tpu.memory_space<hbm>>
    %dma_start3A_9 = tpu.memref_slice %arg5[%add3A_6] : memref<320000xi32, #tpu.memory_space<hbm>> -> memref<40xi32, #tpu.memory_space<hbm>>
    tpu.enqueue_dma source(%dma_start3A_9 : memref<40xi32, #tpu.memory_space<hbm>>) target(%arg10 : memref<40xi32, #tpu.memory_space<vmem>>) target_semaphore(%arg23 : memref<!tpu.dma_semaphore, #tpu.memory_space<semaphore_mem>>)
    %add3A_10 = arith.constant 0 : i32
    %add3A_11 = arith.addi %mul3A_4, %add3A_10 : i32
    %dma_start3A_12 = tpu.memref_slice %arg5[%add3A_11] : memref<320000xi32, #tpu.memory_space<hbm>> -> memref<40xi32, #tpu.memory_space<hbm>>
    %dma_start3A_13 = tpu.memref_slice %arg5[%add3A_11] : memref<320000xi32, #tpu.memory_space<hbm>> -> memref<40xi32, #tpu.memory_space<hbm>>
    tpu.enqueue_dma source(%dma_start3A_13 : memref<40xi32, #tpu.memory_space<hbm>>) target(%arg12 : memref<40xi32, #tpu.memory_space<vmem>>) target_semaphore(%arg25 : memref<!tpu.dma_semaphore, #tpu.memory_space<semaphore_mem>>)
    %add3A_14 = arith.constant 40 : i32
    %add3A_15 = arith.addi %mul3A_4, %add3A_14 : i32
    %dma_start3A_16 = tpu.memref_slice %arg4[%add3A_15] : memref<320000xi32, #tpu.memory_space<hbm>> -> memref<40xi32, #tpu.memory_space<hbm>>
    %dma_start3A_17 = tpu.memref_slice %arg4[%add3A_15] : memref<320000xi32, #tpu.memory_space<hbm>> -> memref<40xi32, #tpu.memory_space<hbm>>
    tpu.enqueue_dma source(%dma_start3A_17 : memref<40xi32, #tpu.memory_space<hbm>>) target(%arg9 : memref<40xi32, #tpu.memory_space<vmem>>) target_semaphore(%arg22 : memref<!tpu.dma_semaphore, #tpu.memory_space<semaphore_mem>>)
    %dma_start3A_18 = tpu.memref_slice %arg5[%add3A_15] : memref<320000xi32, #tpu.memory_space<hbm>> -> memref<40xi32, #tpu.memory_space<hbm>>
    %dma_start3A_19 = tpu.memref_slice %arg5[%add3A_15] : memref<320000xi32, #tpu.memory_space<hbm>> -> memref<40xi32, #tpu.memory_space<hbm>>
    tpu.enqueue_dma source(%dma_start3A_19 : memref<40xi32, #tpu.memory_space<hbm>>) target(%arg11 : memref<40xi32, #tpu.memory_space<vmem>>) target_semaphore(%arg24 : memref<!tpu.dma_semaphore, #tpu.memory_space<semaphore_mem>>)
    %dma_wait3A = tpu.memref_slice %arg4[%mul3A_4] : memref<320000xi32, #tpu.memory_space<hbm>> -> memref<40xi32, #tpu.memory_space<hbm>>
    %dma_wait3A_20 = tpu.memref_slice %arg4[%mul3A_4] : memref<320000xi32, #tpu.memory_space<hbm>> -> memref<40xi32, #tpu.memory_space<hbm>>
    tpu.wait_dma2 semaphore(%arg21 : memref<!tpu.dma_semaphore, #tpu.memory_space<semaphore_mem>>) src(%dma_wait3A_20 : memref<40xi32, #tpu.memory_space<hbm>>) dst(%arg8 : memref<40xi32, #tpu.memory_space<vmem>>)
    %dma_wait3A_21 = tpu.memref_slice %arg5[%mul3A_4] : memref<320000xi32, #tpu.memory_space<hbm>> -> memref<40xi32, #tpu.memory_space<hbm>>
    %dma_wait3A_22 = tpu.memref_slice %arg5[%mul3A_4] : memref<320000xi32, #tpu.memory_space<hbm>> -> memref<40xi32, #tpu.memory_space<hbm>>
    tpu.wait_dma2 semaphore(%arg23 : memref<!tpu.dma_semaphore, #tpu.memory_space<semaphore_mem>>) src(%dma_wait3A_22 : memref<40xi32, #tpu.memory_space<hbm>>) dst(%arg10 : memref<40xi32, #tpu.memory_space<vmem>>)
    %dma_start3A_23 = arith.constant 0 : i32
    %dma_start3A_24 = arith.constant 0 : i32
    %dma_start3A_25 = tpu.memref_slice %arg2[%dma_start3A_23, %dma_start3A_24] : memref<10240x144xf32, #tpu.memory_space<hbm>> -> memref<10240x144xf32, #tpu.memory_space<hbm>>
    tpu.enqueue_indirect_dma source(%dma_start3A_25 : memref<10240x144xf32, #tpu.memory_space<hbm>>) target(%arg14 : memref<40x144xf32, #tpu.memory_space<vmem>>) offsets(%arg8 : memref<40xi32, #tpu.memory_space<vmem>>) semaphore(%arg27 : memref<!tpu.dma_semaphore, #tpu.memory_space<semaphore_mem>>)
    %dma_start3A_26 = arith.constant 0 : i32
    %dma_start3A_27 = arith.constant 0 : i32
    %dma_start3A_28 = tpu.memref_slice %arg3[%dma_start3A_26, %dma_start3A_27] : memref<10240x16xf32, #tpu.memory_space<hbm>> -> memref<10240x16xf32, #tpu.memory_space<hbm>>
    tpu.enqueue_indirect_dma source(%dma_start3A_28 : memref<10240x16xf32, #tpu.memory_space<hbm>>) target(%arg16 : memref<40x16xf32, #tpu.memory_space<vmem>>) offsets(%arg10 : memref<40xi32, #tpu.memory_space<vmem>>) semaphore(%arg29 : memref<!tpu.dma_semaphore, #tpu.memory_space<semaphore_mem>>)
    %scan3A = arith.constant 0 : i32
    %scan3A_29 = arith.constant 0 : i32
    %scan3A_30 = arith.constant 125 : i32
    %scan3A_31 = arith.addi %scan3A_29, %scan3A_30 : i32
    %scan3A_32 = arith.constant 1 : i32
    scf.for %scan3A_38 = %scan3A_29 to %scan3A_31 step %scan3A_32  : i32 {
      %mul3A_39 = arith.constant 2 : i32
      %mul3A_40 = arith.muli %mul3A_39, %scan3A_38 : i32
      %dma_wait3A_41 = arith.constant 0 : i32
      %dma_wait3A_42 = arith.constant 0 : i32
      %dma_wait3A_43 = tpu.memref_slice %arg2[%dma_wait3A_41, %dma_wait3A_42] : memref<10240x144xf32, #tpu.memory_space<hbm>> -> memref<10240x144xf32, #tpu.memory_space<hbm>>
      tpu.wait_indirect_dma semaphore(%arg27 : memref<!tpu.dma_semaphore, #tpu.memory_space<semaphore_mem>>) src(%dma_wait3A_43 : memref<10240x144xf32, #tpu.memory_space<hbm>>) dst(%arg14 : memref<40x144xf32, #tpu.memory_space<vmem>>)
      %dma_wait3A_44 = arith.constant 0 : i32
      %dma_wait3A_45 = arith.constant 0 : i32
      %dma_wait3A_46 = tpu.memref_slice %arg3[%dma_wait3A_44, %dma_wait3A_45] : memref<10240x16xf32, #tpu.memory_space<hbm>> -> memref<10240x16xf32, #tpu.memory_space<hbm>>
      tpu.wait_indirect_dma semaphore(%arg29 : memref<!tpu.dma_semaphore, #tpu.memory_space<semaphore_mem>>) src(%dma_wait3A_46 : memref<10240x16xf32, #tpu.memory_space<hbm>>) dst(%arg16 : memref<40x16xf32, #tpu.memory_space<vmem>>)
      %add3A_47 = arith.constant 2 : i32
      %add3A_48 = arith.addi %mul3A_40, %add3A_47 : i32
      %lt3A = arith.constant 250 : i32
      %lt3A_49 = arith.cmpi slt, %add3A_48, %lt3A : i32
      %convert_element_type3A = arith.extui %lt3A_49 : i1 to i32
      %cond3A = arith.constant 0 : i32
      %cond3A_50 = arith.cmpi ne, %convert_element_type3A, %cond3A : i32
      scf.if %cond3A_50 {
        %add3A_134 = arith.constant 2 : i32
        %add3A_135 = arith.addi %mul3A_40, %add3A_134 : i32
        %mul3A_136 = arith.constant 40 : i32
        %mul3A_137 = arith.muli %add3A_135, %mul3A_136 : i32
        %add3A_138 = arith.addi %mul3A_4, %mul3A_137 : i32
        %dma_start3A_139 = tpu.memref_slice %arg4[%add3A_138] : memref<320000xi32, #tpu.memory_space<hbm>> -> memref<40xi32, #tpu.memory_space<hbm>>
        %dma_start3A_140 = tpu.memref_slice %arg4[%add3A_138] : memref<320000xi32, #tpu.memory_space<hbm>> -> memref<40xi32, #tpu.memory_space<hbm>>
        tpu.enqueue_dma source(%dma_start3A_140 : memref<40xi32, #tpu.memory_space<hbm>>) target(%arg8 : memref<40xi32, #tpu.memory_space<vmem>>) target_semaphore(%arg21 : memref<!tpu.dma_semaphore, #tpu.memory_space<semaphore_mem>>)
        %dma_start3A_141 = tpu.memref_slice %arg5[%add3A_138] : memref<320000xi32, #tpu.memory_space<hbm>> -> memref<40xi32, #tpu.memory_space<hbm>>
        %dma_start3A_142 = tpu.memref_slice %arg5[%add3A_138] : memref<320000xi32, #tpu.memory_space<hbm>> -> memref<40xi32, #tpu.memory_space<hbm>>
        tpu.enqueue_dma source(%dma_start3A_142 : memref<40xi32, #tpu.memory_space<hbm>>) target(%arg10 : memref<40xi32, #tpu.memory_space<vmem>>) target_semaphore(%arg23 : memref<!tpu.dma_semaphore, #tpu.memory_space<semaphore_mem>>)
      } else {
      }
      %add3A_51 = arith.constant 1 : i32
      %add3A_52 = arith.addi %mul3A_40, %add3A_51 : i32
      %lt3A_53 = arith.constant 250 : i32
      %lt3A_54 = arith.cmpi slt, %add3A_52, %lt3A_53 : i32
      %convert_element_type3A_55 = arith.extui %lt3A_54 : i1 to i32
      %cond3A_56 = arith.constant 0 : i32
      %cond3A_57 = arith.cmpi ne, %convert_element_type3A_55, %cond3A_56 : i32
      scf.if %cond3A_57 {
        %dma_wait3A_134 = tpu.memref_slice %arg4[%mul3A_4] : memref<320000xi32, #tpu.memory_space<hbm>> -> memref<40xi32, #tpu.memory_space<hbm>>
        %dma_wait3A_135 = tpu.memref_slice %arg4[%mul3A_4] : memref<320000xi32, #tpu.memory_space<hbm>> -> memref<40xi32, #tpu.memory_space<hbm>>
        tpu.wait_dma2 semaphore(%arg22 : memref<!tpu.dma_semaphore, #tpu.memory_space<semaphore_mem>>) src(%dma_wait3A_135 : memref<40xi32, #tpu.memory_space<hbm>>) dst(%arg9 : memref<40xi32, #tpu.memory_space<vmem>>)
        %dma_wait3A_136 = tpu.memref_slice %arg5[%mul3A_4] : memref<320000xi32, #tpu.memory_space<hbm>> -> memref<40xi32, #tpu.memory_space<hbm>>
        %dma_wait3A_137 = tpu.memref_slice %arg5[%mul3A_4] : memref<320000xi32, #tpu.memory_space<hbm>> -> memref<40xi32, #tpu.memory_space<hbm>>
        tpu.wait_dma2 semaphore(%arg24 : memref<!tpu.dma_semaphore, #tpu.memory_space<semaphore_mem>>) src(%dma_wait3A_137 : memref<40xi32, #tpu.memory_space<hbm>>) dst(%arg11 : memref<40xi32, #tpu.memory_space<vmem>>)
      } else {
      }
      %add3A_58 = arith.constant 1 : i32
      %add3A_59 = arith.addi %mul3A_40, %add3A_58 : i32
      %lt3A_60 = arith.constant 250 : i32
      %lt3A_61 = arith.cmpi slt, %add3A_59, %lt3A_60 : i32
      %convert_element_type3A_62 = arith.extui %lt3A_61 : i1 to i32
      %cond3A_63 = arith.constant 0 : i32
      %cond3A_64 = arith.cmpi ne, %convert_element_type3A_62, %cond3A_63 : i32
      scf.if %cond3A_64 {
        %dma_start3A_134 = arith.constant 0 : i32
        %dma_start3A_135 = arith.constant 0 : i32
        %dma_start3A_136 = tpu.memref_slice %arg2[%dma_start3A_134, %dma_start3A_135] : memref<10240x144xf32, #tpu.memory_space<hbm>> -> memref<10240x144xf32, #tpu.memory_space<hbm>>
        tpu.enqueue_indirect_dma source(%dma_start3A_136 : memref<10240x144xf32, #tpu.memory_space<hbm>>) target(%arg15 : memref<40x144xf32, #tpu.memory_space<vmem>>) offsets(%arg9 : memref<40xi32, #tpu.memory_space<vmem>>) semaphore(%arg28 : memref<!tpu.dma_semaphore, #tpu.memory_space<semaphore_mem>>)
        %dma_start3A_137 = arith.constant 0 : i32
        %dma_start3A_138 = arith.constant 0 : i32
        %dma_start3A_139 = tpu.memref_slice %arg3[%dma_start3A_137, %dma_start3A_138] : memref<10240x16xf32, #tpu.memory_space<hbm>> -> memref<10240x16xf32, #tpu.memory_space<hbm>>
        tpu.enqueue_indirect_dma source(%dma_start3A_139 : memref<10240x16xf32, #tpu.memory_space<hbm>>) target(%arg17 : memref<40x16xf32, #tpu.memory_space<vmem>>) offsets(%arg11 : memref<40xi32, #tpu.memory_space<vmem>>) semaphore(%arg30 : memref<!tpu.dma_semaphore, #tpu.memory_space<semaphore_mem>>)
      } else {
      }
      %parallel_loop3A = arith.constant 0 : i32
      %parallel_loop3A_65 = arith.constant 40 : i32
      %parallel_loop3A_66 = arith.constant 1 : i32
      scf.for %parallel_loop3A_134 = %parallel_loop3A to %parallel_loop3A_65 step %parallel_loop3A_66  : i32 {
        %parallel_loop3A_135 = arith.index_cast %parallel_loop3A_134 : i32 to index
        %parallel_loop3A_136 = arith.constant 128 : index
        %parallel_loop3A_137 = tpu.vector_load %arg14[%parallel_loop3A_135, %parallel_loop3A_136] {strides = array<i32>} : memref<40x144xf32, #tpu.memory_space<vmem>>, vector<1x16xf32>,
        %parallel_loop3A_138 = vector.shape_cast %parallel_loop3A_137 : vector<1x16xf32> to vector<16xf32>
        %parallel_loop3A_139 = arith.index_cast %parallel_loop3A_134 : i32 to index
        %parallel_loop3A_140 = arith.constant 0 : index
        %parallel_loop3A_141 = tpu.vector_load %arg16[%parallel_loop3A_139, %parallel_loop3A_140] {strides = array<i32>} : memref<40x16xf32, #tpu.memory_space<vmem>>, vector<1x16xf32>,
        %parallel_loop3A_142 = vector.shape_cast %parallel_loop3A_141 : vector<1x16xf32> to vector<16xf32>
        %parallel_loop3A_143 = arith.addf %parallel_loop3A_138, %parallel_loop3A_142 : vector<16xf32>
        %parallel_loop3A_144 = arith.constant 0.000000e+00 : f32
        %parallel_loop3A_145 = vector.broadcast %parallel_loop3A_144 : f32 to vector<16xf32>
        %parallel_loop3A_146 = arith.cmpf oge, %parallel_loop3A_143, %parallel_loop3A_145 : vector<16xf32>
        %parallel_loop3A_147 = arith.constant 2.000000e-01 : f32
        %parallel_loop3A_148 = vector.broadcast %parallel_loop3A_147 : f32 to vector<16xf32>
        %parallel_loop3A_149 = arith.mulf %parallel_loop3A_143, %parallel_loop3A_148 : vector<16xf32>
        %parallel_loop3A_150 = arith.select %parallel_loop3A_146, %parallel_loop3A_143, %parallel_loop3A_149 : vector<16xi1>, vector<16xf32>
        %parallel_loop3A_151 = math.exp %parallel_loop3A_150 : vector<16xf32>
        %parallel_loop3A_152 = arith.constant 8 : i32
        %parallel_loop3A_153 = vector.broadcast %parallel_loop3A_152 : i32 to vector<16xi32>
        %parallel_loop3A_154 = arith.cmpi slt, %iota3A, %parallel_loop3A_153 : vector<16xi32>
        %parallel_loop3A_155 = arith.constant 0.000000e+00 : f32
        %parallel_loop3A_156 = vector.broadcast %parallel_loop3A_155 : f32 to vector<16xf32>
        %parallel_loop3A_157 = arith.select %parallel_loop3A_154, %parallel_loop3A_151, %parallel_loop3A_156 : vector<16xi1>, vector<16xf32>
        %parallel_loop3A_158 = arith.index_cast %parallel_loop3A_134 : i32 to index
        %parallel_loop3A_159 = arith.constant 128 : index
        %parallel_loop3A_160 = tpu.vector_load %arg18[%parallel_loop3A_158, %parallel_loop3A_159] {strides = array<i32>} : memref<40x144xf32, #tpu.memory_space<vmem>>, vector<1x16xf32>,
        %parallel_loop3A_161 = vector.shape_cast %parallel_loop3A_160 : vector<1x16xf32> to vector<16xf32>
        %parallel_loop3A_162 = vector.shape_cast %parallel_loop3A_157 : vector<16xf32> to vector<1x16xf32>
        tpu.vector_store %arg18[%parallel_loop3A_158, %parallel_loop3A_159], %parallel_loop3A_162 {strides = array<i32>} : memref<40x144xf32, #tpu.memory_space<vmem>>, vector<1x16xf32>,
        %parallel_loop3A_163 = arith.constant 0 : i32
        %parallel_loop3A_164 = vector.broadcast %parallel_loop3A_163 : i32 to vector<16x1xi32>
        %parallel_loop3A_165 = vector.shape_cast %parallel_loop3A_164 : vector<16x1xi32> to vector<16xi32>
        %parallel_loop3A_166 = tpu.dynamic_gather %parallel_loop3A_157[%parallel_loop3A_165] in [0] : vector<16xf32>, vector<16xi32> -> vector<16xf32>
        %parallel_loop3A_167 = arith.index_cast %parallel_loop3A_134 : i32 to index
        %parallel_loop3A_168 = arith.constant 0 : index
        %parallel_loop3A_169 = tpu.vector_load %arg14[%parallel_loop3A_167, %parallel_loop3A_168] {strides = array<i32>} : memref<40x144xf32, #tpu.memory_space<vmem>>, vector<1x16xf32>,
        %parallel_loop3A_170 = vector.shape_cast %parallel_loop3A_169 : vector<1x16xf32> to vector<16xf32>
        %parallel_loop3A_171 = arith.mulf %parallel_loop3A_170, %parallel_loop3A_166 : vector<16xf32>
        %parallel_loop3A_172 = arith.index_cast %parallel_loop3A_134 : i32 to index
        %parallel_loop3A_173 = arith.constant 0 : index
        %parallel_loop3A_174 = tpu.vector_load %arg18[%parallel_loop3A_172, %parallel_loop3A_173] {strides = array<i32>} : memref<40x144xf32, #tpu.memory_space<vmem>>, vector<1x16xf32>,
        %parallel_loop3A_175 = vector.shape_cast %parallel_loop3A_174 : vector<1x16xf32> to vector<16xf32>
        %parallel_loop3A_176 = vector.shape_cast %parallel_loop3A_171 : vector<16xf32> to vector<1x16xf32>
        tpu.vector_store %arg18[%parallel_loop3A_172, %parallel_loop3A_173], %parallel_loop3A_176 {strides = array<i32>} : memref<40x144xf32, #tpu.memory_space<vmem>>, vector<1x16xf32>,
        %parallel_loop3A_177 = arith.constant 1 : i32
        %parallel_loop3A_178 = vector.broadcast %parallel_loop3A_177 : i32 to vector<16x1xi32>
        %parallel_loop3A_179 = vector.shape_cast %parallel_loop3A_178 : vector<16x1xi32> to vector<16xi32>
        %parallel_loop3A_180 = tpu.dynamic_gather %parallel_loop3A_157[%parallel_loop3A_179] in [0] : vector<16xf32>, vector<16xi32> -> vector<16xf32>
        %parallel_loop3A_181 = arith.index_cast %parallel_loop3A_134 : i32 to index
        %parallel_loop3A_182 = arith.constant 16 : index
        %parallel_loop3A_183 = tpu.vector_load %arg14[%parallel_loop3A_181, %parallel_loop3A_182] {strides = array<i32>} : memref<40x144xf32, #tpu.memory_space<vmem>>, vector<1x16xf32>,
        %parallel_loop3A_184 = vector.shape_cast %parallel_loop3A_183 : vector<1x16xf32> to vector<16xf32>
        %parallel_loop3A_185 = arith.mulf %parallel_loop3A_184, %parallel_loop3A_180 : vector<16xf32>
        %parallel_loop3A_186 = arith.index_cast %parallel_loop3A_134 : i32 to index
        %parallel_loop3A_187 = arith.constant 16 : index
        %parallel_loop3A_188 = tpu.vector_load %arg18[%parallel_loop3A_186, %parallel_loop3A_187] {strides = array<i32>} : memref<40x144xf32, #tpu.memory_space<vmem>>, vector<1x16xf32>,
        %parallel_loop3A_189 = vector.shape_cast %parallel_loop3A_188 : vector<1x16xf32> to vector<16xf32>
        %parallel_loop3A_190 = vector.shape_cast %parallel_loop3A_185 : vector<16xf32> to vector<1x16xf32>
        tpu.vector_store %arg18[%parallel_loop3A_186, %parallel_loop3A_187], %parallel_loop3A_190 {strides = array<i32>} : memref<40x144xf32, #tpu.memory_space<vmem>>, vector<1x16xf32>,
        %parallel_loop3A_191 = arith.constant 2 : i32
        %parallel_loop3A_192 = vector.broadcast %parallel_loop3A_191 : i32 to vector<16x1xi32>
        %parallel_loop3A_193 = vector.shape_cast %parallel_loop3A_192 : vector<16x1xi32> to vector<16xi32>
        %parallel_loop3A_194 = tpu.dynamic_gather %parallel_loop3A_157[%parallel_loop3A_193] in [0] : vector<16xf32>, vector<16xi32> -> vector<16xf32>
        %parallel_loop3A_195 = arith.index_cast %parallel_loop3A_134 : i32 to index
        %parallel_loop3A_196 = arith.constant 32 : index
        %parallel_loop3A_197 = tpu.vector_load %arg14[%parallel_loop3A_195, %parallel_loop3A_196] {strides = array<i32>} : memref<40x144xf32, #tpu.memory_space<vmem>>, vector<1x16xf32>,
        %parallel_loop3A_198 = vector.shape_cast %parallel_loop3A_197 : vector<1x16xf32> to vector<16xf32>
        %parallel_loop3A_199 = arith.mulf %parallel_loop3A_198, %parallel_loop3A_194 : vector<16xf32>
        %parallel_loop3A_200 = arith.index_cast %parallel_loop3A_134 : i32 to index
        %parallel_loop3A_201 = arith.constant 32 : index
        %parallel_loop3A_202 = tpu.vector_load %arg18[%parallel_loop3A_200, %parallel_loop3A_201] {strides = array<i32>} : memref<40x144xf32, #tpu.memory_space<vmem>>, vector<1x16xf32>,
        %parallel_loop3A_203 = vector.shape_cast %parallel_loop3A_202 : vector<1x16xf32> to vector<16xf32>
        %parallel_loop3A_204 = vector.shape_cast %parallel_loop3A_199 : vector<16xf32> to vector<1x16xf32>
        tpu.vector_store %arg18[%parallel_loop3A_200, %parallel_loop3A_201], %parallel_loop3A_204 {strides = array<i32>} : memref<40x144xf32, #tpu.memory_space<vmem>>, vector<1x16xf32>,
        %parallel_loop3A_205 = arith.constant 3 : i32
        %parallel_loop3A_206 = vector.broadcast %parallel_loop3A_205 : i32 to vector<16x1xi32>
        %parallel_loop3A_207 = vector.shape_cast %parallel_loop3A_206 : vector<16x1xi32> to vector<16xi32>
        %parallel_loop3A_208 = tpu.dynamic_gather %parallel_loop3A_157[%parallel_loop3A_207] in [0] : vector<16xf32>, vector<16xi32> -> vector<16xf32>
        %parallel_loop3A_209 = arith.index_cast %parallel_loop3A_134 : i32 to index
        %parallel_loop3A_210 = arith.constant 48 : index
        %parallel_loop3A_211 = tpu.vector_load %arg14[%parallel_loop3A_209, %parallel_loop3A_210] {strides = array<i32>} : memref<40x144xf32, #tpu.memory_space<vmem>>, vector<1x16xf32>,
        %parallel_loop3A_212 = vector.shape_cast %parallel_loop3A_211 : vector<1x16xf32> to vector<16xf32>
        %parallel_loop3A_213 = arith.mulf %parallel_loop3A_212, %parallel_loop3A_208 : vector<16xf32>
        %parallel_loop3A_214 = arith.index_cast %parallel_loop3A_134 : i32 to index
        %parallel_loop3A_215 = arith.constant 48 : index
        %parallel_loop3A_216 = tpu.vector_load %arg18[%parallel_loop3A_214, %parallel_loop3A_215] {strides = array<i32>} : memref<40x144xf32, #tpu.memory_space<vmem>>, vector<1x16xf32>,
        %parallel_loop3A_217 = vector.shape_cast %parallel_loop3A_216 : vector<1x16xf32> to vector<16xf32>
        %parallel_loop3A_218 = vector.shape_cast %parallel_loop3A_213 : vector<16xf32> to vector<1x16xf32>
        tpu.vector_store %arg18[%parallel_loop3A_214, %parallel_loop3A_215], %parallel_loop3A_218 {strides = array<i32>} : memref<40x144xf32, #tpu.memory_space<vmem>>, vector<1x16xf32>,
        %parallel_loop3A_219 = arith.constant 4 : i32
        %parallel_loop3A_220 = vector.broadcast %parallel_loop3A_219 : i32 to vector<16x1xi32>
        %parallel_loop3A_221 = vector.shape_cast %parallel_loop3A_220 : vector<16x1xi32> to vector<16xi32>
        %parallel_loop3A_222 = tpu.dynamic_gather %parallel_loop3A_157[%parallel_loop3A_221] in [0] : vector<16xf32>, vector<16xi32> -> vector<16xf32>
        %parallel_loop3A_223 = arith.index_cast %parallel_loop3A_134 : i32 to index
        %parallel_loop3A_224 = arith.constant 64 : index
        %parallel_loop3A_225 = tpu.vector_load %arg14[%parallel_loop3A_223, %parallel_loop3A_224] {strides = array<i32>} : memref<40x144xf32, #tpu.memory_space<vmem>>, vector<1x16xf32>,
        %parallel_loop3A_226 = vector.shape_cast %parallel_loop3A_225 : vector<1x16xf32> to vector<16xf32>
        %parallel_loop3A_227 = arith.mulf %parallel_loop3A_226, %parallel_loop3A_222 : vector<16xf32>
        %parallel_loop3A_228 = arith.index_cast %parallel_loop3A_134 : i32 to index
        %parallel_loop3A_229 = arith.constant 64 : index
        %parallel_loop3A_230 = tpu.vector_load %arg18[%parallel_loop3A_228, %parallel_loop3A_229] {strides = array<i32>} : memref<40x144xf32, #tpu.memory_space<vmem>>, vector<1x16xf32>,
        %parallel_loop3A_231 = vector.shape_cast %parallel_loop3A_230 : vector<1x16xf32> to vector<16xf32>
        %parallel_loop3A_232 = vector.shape_cast %parallel_loop3A_227 : vector<16xf32> to vector<1x16xf32>
        tpu.vector_store %arg18[%parallel_loop3A_228, %parallel_loop3A_229], %parallel_loop3A_232 {strides = array<i32>} : memref<40x144xf32, #tpu.memory_space<vmem>>, vector<1x16xf32>,
        %parallel_loop3A_233 = arith.constant 5 : i32
        %parallel_loop3A_234 = vector.broadcast %parallel_loop3A_233 : i32 to vector<16x1xi32>
        %parallel_loop3A_235 = vector.shape_cast %parallel_loop3A_234 : vector<16x1xi32> to vector<16xi32>
        %parallel_loop3A_236 = tpu.dynamic_gather %parallel_loop3A_157[%parallel_loop3A_235] in [0] : vector<16xf32>, vector<16xi32> -> vector<16xf32>
        %parallel_loop3A_237 = arith.index_cast %parallel_loop3A_134 : i32 to index
        %parallel_loop3A_238 = arith.constant 80 : index
        %parallel_loop3A_239 = tpu.vector_load %arg14[%parallel_loop3A_237, %parallel_loop3A_238] {strides = array<i32>} : memref<40x144xf32, #tpu.memory_space<vmem>>, vector<1x16xf32>,
        %parallel_loop3A_240 = vector.shape_cast %parallel_loop3A_239 : vector<1x16xf32> to vector<16xf32>
        %parallel_loop3A_241 = arith.mulf %parallel_loop3A_240, %parallel_loop3A_236 : vector<16xf32>
        %parallel_loop3A_242 = arith.index_cast %parallel_loop3A_134 : i32 to index
        %parallel_loop3A_243 = arith.constant 80 : index
        %parallel_loop3A_244 = tpu.vector_load %arg18[%parallel_loop3A_242, %parallel_loop3A_243] {strides = array<i32>} : memref<40x144xf32, #tpu.memory_space<vmem>>, vector<1x16xf32>,
        %parallel_loop3A_245 = vector.shape_cast %parallel_loop3A_244 : vector<1x16xf32> to vector<16xf32>
        %parallel_loop3A_246 = vector.shape_cast %parallel_loop3A_241 : vector<16xf32> to vector<1x16xf32>
        tpu.vector_store %arg18[%parallel_loop3A_242, %parallel_loop3A_243], %parallel_loop3A_246 {strides = array<i32>} : memref<40x144xf32, #tpu.memory_space<vmem>>, vector<1x16xf32>,
        %parallel_loop3A_247 = arith.constant 6 : i32
        %parallel_loop3A_248 = vector.broadcast %parallel_loop3A_247 : i32 to vector<16x1xi32>
        %parallel_loop3A_249 = vector.shape_cast %parallel_loop3A_248 : vector<16x1xi32> to vector<16xi32>
        %parallel_loop3A_250 = tpu.dynamic_gather %parallel_loop3A_157[%parallel_loop3A_249] in [0] : vector<16xf32>, vector<16xi32> -> vector<16xf32>
        %parallel_loop3A_251 = arith.index_cast %parallel_loop3A_134 : i32 to index
        %parallel_loop3A_252 = arith.constant 96 : index
        %parallel_loop3A_253 = tpu.vector_load %arg14[%parallel_loop3A_251, %parallel_loop3A_252] {strides = array<i32>} : memref<40x144xf32, #tpu.memory_space<vmem>>, vector<1x16xf32>,
        %parallel_loop3A_254 = vector.shape_cast %parallel_loop3A_253 : vector<1x16xf32> to vector<16xf32>
        %parallel_loop3A_255 = arith.mulf %parallel_loop3A_254, %parallel_loop3A_250 : vector<16xf32>
        %parallel_loop3A_256 = arith.index_cast %parallel_loop3A_134 : i32 to index
        %parallel_loop3A_257 = arith.constant 96 : index
        %parallel_loop3A_258 = tpu.vector_load %arg18[%parallel_loop3A_256, %parallel_loop3A_257] {strides = array<i32>} : memref<40x144xf32, #tpu.memory_space<vmem>>, vector<1x16xf32>,
        %parallel_loop3A_259 = vector.shape_cast %parallel_loop3A_258 : vector<1x16xf32> to vector<16xf32>
        %parallel_loop3A_260 = vector.shape_cast %parallel_loop3A_255 : vector<16xf32> to vector<1x16xf32>
        tpu.vector_store %arg18[%parallel_loop3A_256, %parallel_loop3A_257], %parallel_loop3A_260 {strides = array<i32>} : memref<40x144xf32, #tpu.memory_space<vmem>>, vector<1x16xf32>,
        %parallel_loop3A_261 = arith.constant 7 : i32
        %parallel_loop3A_262 = vector.broadcast %parallel_loop3A_261 : i32 to vector<16x1xi32>
        %parallel_loop3A_263 = vector.shape_cast %parallel_loop3A_262 : vector<16x1xi32> to vector<16xi32>
        %parallel_loop3A_264 = tpu.dynamic_gather %parallel_loop3A_157[%parallel_loop3A_263] in [0] : vector<16xf32>, vector<16xi32> -> vector<16xf32>
        %parallel_loop3A_265 = arith.index_cast %parallel_loop3A_134 : i32 to index
        %parallel_loop3A_266 = arith.constant 112 : index
        %parallel_loop3A_267 = tpu.vector_load %arg14[%parallel_loop3A_265, %parallel_loop3A_266] {strides = array<i32>} : memref<40x144xf32, #tpu.memory_space<vmem>>, vector<1x16xf32>,
        %parallel_loop3A_268 = vector.shape_cast %parallel_loop3A_267 : vector<1x16xf32> to vector<16xf32>
        %parallel_loop3A_269 = arith.mulf %parallel_loop3A_268, %parallel_loop3A_264 : vector<16xf32>
        %parallel_loop3A_270 = arith.index_cast %parallel_loop3A_134 : i32 to index
        %parallel_loop3A_271 = arith.constant 112 : index
        %parallel_loop3A_272 = tpu.vector_load %arg18[%parallel_loop3A_270, %parallel_loop3A_271] {strides = array<i32>} : memref<40x144xf32, #tpu.memory_space<vmem>>, vector<1x16xf32>,
        %parallel_loop3A_273 = vector.shape_cast %parallel_loop3A_272 : vector<1x16xf32> to vector<16xf32>
        %parallel_loop3A_274 = vector.shape_cast %parallel_loop3A_269 : vector<16xf32> to vector<1x16xf32>
        tpu.vector_store %arg18[%parallel_loop3A_270, %parallel_loop3A_271], %parallel_loop3A_274 {strides = array<i32>} : memref<40x144xf32, #tpu.memory_space<vmem>>, vector<1x16xf32>,
      } {sc.loop_unroll_factor = 4 : i64, sc.parallel_access}
      %dma_wait3A_67 = tpu.memref_slice %arg5[%mul3A_4] : memref<320000xi32, #tpu.memory_space<hbm>> -> memref<40xi32, #tpu.memory_space<hbm>>
      %dma_wait3A_68 = tpu.memref_slice %arg5[%mul3A_4] : memref<320000xi32, #tpu.memory_space<hbm>> -> memref<40xi32, #tpu.memory_space<hbm>>
      tpu.wait_dma2 semaphore(%arg25 : memref<!tpu.dma_semaphore, #tpu.memory_space<semaphore_mem>>) src(%dma_wait3A_68 : memref<40xi32, #tpu.memory_space<hbm>>) dst(%arg12 : memref<40xi32, #tpu.memory_space<vmem>>)
      %dma_start3A_69 = arith.constant 0 : i32
      %dma_start3A_70 = arith.constant 0 : i32
      %dma_start3A_71 = tpu.memref_slice %arg20[%dma_start3A_69, %dma_start3A_70] : memref<10240x144xf32, #tpu.memory_space<vmem_shared>> -> memref<10240x144xf32, #tpu.memory_space<vmem_shared>>
      tpu.enqueue_indirect_dma source(%arg18 : memref<40x144xf32, #tpu.memory_space<vmem>>) target(%dma_start3A_71 : memref<10240x144xf32, #tpu.memory_space<vmem_shared>>) offsets(%arg12 : memref<40xi32, #tpu.memory_space<vmem>>) semaphore(%arg31 : memref<!tpu.dma_semaphore, #tpu.memory_space<semaphore_mem>>) {add = true}
      %ge3A = arith.constant 1 : i32
      %ge3A_72 = arith.cmpi sge, %mul3A_40, %ge3A : i32
      %convert_element_type3A_73 = arith.extui %ge3A_72 : i1 to i32
      %cond3A_74 = arith.constant 0 : i32
      %cond3A_75 = arith.cmpi ne, %convert_element_type3A_73, %cond3A_74 : i32
      scf.if %cond3A_75 {
        %dma_wait3A_134 = arith.constant 0 : i32
        %dma_wait3A_135 = arith.constant 0 : i32
        %dma_wait3A_136 = tpu.memref_slice %arg20[%dma_wait3A_134, %dma_wait3A_135] : memref<10240x144xf32, #tpu.memory_space<vmem_shared>> -> memref<10240x144xf32, #tpu.memory_space<vmem_shared>>
        tpu.wait_indirect_dma semaphore(%arg32 : memref<!tpu.dma_semaphore, #tpu.memory_space<semaphore_mem>>) src(%arg19 : memref<40x144xf32, #tpu.memory_space<vmem>>) dst(%dma_wait3A_136 : memref<10240x144xf32, #tpu.memory_space<vmem_shared>>)
      } else {
      }
      %add3A_76 = arith.constant 1 : i32
      %add3A_77 = arith.addi %mul3A_40, %add3A_76 : i32
      %lt3A_78 = arith.constant 250 : i32
      %lt3A_79 = arith.cmpi slt, %add3A_77, %lt3A_78 : i32
      %convert_element_type3A_80 = arith.extui %lt3A_79 : i1 to i32
      %cond3A_81 = arith.constant 0 : i32
      %cond3A_82 = arith.cmpi ne, %convert_element_type3A_80, %cond3A_81 : i32
      scf.if %cond3A_82 {
        %add3A_134 = arith.constant 1 : i32
        %add3A_135 = arith.addi %mul3A_40, %add3A_134 : i32
        %mul3A_136 = arith.constant 40 : i32
        %mul3A_137 = arith.muli %add3A_135, %mul3A_136 : i32
        %add3A_138 = arith.addi %mul3A_4, %mul3A_137 : i32
        %dma_start3A_139 = tpu.memref_slice %arg5[%add3A_138] : memref<320000xi32, #tpu.memory_space<hbm>> -> memref<40xi32, #tpu.memory_space<hbm>>
        %dma_start3A_140 = tpu.memref_slice %arg5[%add3A_138] : memref<320000xi32, #tpu.memory_space<hbm>> -> memref<40xi32, #tpu.memory_space<hbm>>
        tpu.enqueue_dma source(%dma_start3A_140 : memref<40xi32, #tpu.memory_space<hbm>>) target(%arg13 : memref<40xi32, #tpu.memory_space<vmem>>) target_semaphore(%arg26 : memref<!tpu.dma_semaphore, #tpu.memory_space<semaphore_mem>>)
      } else {
      }
      %mul3A_83 = arith.constant 2 : i32
      %mul3A_84 = arith.muli %mul3A_83, %scan3A_38 : i32
      %add3A_85 = arith.constant 1 : i32
      %add3A_86 = arith.addi %mul3A_84, %add3A_85 : i32
      %dma_wait3A_87 = arith.constant 0 : i32
      %dma_wait3A_88 = arith.constant 0 : i32
      %dma_wait3A_89 = tpu.memref_slice %arg2[%dma_wait3A_87, %dma_wait3A_88] : memref<10240x144xf32, #tpu.memory_space<hbm>> -> memref<10240x144xf32, #tpu.memory_space<hbm>>
      tpu.wait_indirect_dma semaphore(%arg28 : memref<!tpu.dma_semaphore, #tpu.memory_space<semaphore_mem>>) src(%dma_wait3A_89 : memref<10240x144xf32, #tpu.memory_space<hbm>>) dst(%arg15 : memref<40x144xf32, #tpu.memory_space<vmem>>)
      %dma_wait3A_90 = arith.constant 0 : i32
      %dma_wait3A_91 = arith.constant 0 : i32
      %dma_wait3A_92 = tpu.memref_slice %arg3[%dma_wait3A_90, %dma_wait3A_91] : memref<10240x16xf32, #tpu.memory_space<hbm>> -> memref<10240x16xf32, #tpu.memory_space<hbm>>
      tpu.wait_indirect_dma semaphore(%arg30 : memref<!tpu.dma_semaphore, #tpu.memory_space<semaphore_mem>>) src(%dma_wait3A_92 : memref<10240x16xf32, #tpu.memory_space<hbm>>) dst(%arg17 : memref<40x16xf32, #tpu.memory_space<vmem>>)
      %add3A_93 = arith.constant 2 : i32
      %add3A_94 = arith.addi %add3A_86, %add3A_93 : i32
      %lt3A_95 = arith.constant 250 : i32
      %lt3A_96 = arith.cmpi slt, %add3A_94, %lt3A_95 : i32
      %convert_element_type3A_97 = arith.extui %lt3A_96 : i1 to i32
      %cond3A_98 = arith.constant 0 : i32
      %cond3A_99 = arith.cmpi ne, %convert_element_type3A_97, %cond3A_98 : i32
      scf.if %cond3A_99 {
        %add3A_134 = arith.constant 2 : i32
        %add3A_135 = arith.addi %add3A_86, %add3A_134 : i32
        %mul3A_136 = arith.constant 40 : i32
        %mul3A_137 = arith.muli %add3A_135, %mul3A_136 : i32
        %add3A_138 = arith.addi %mul3A_4, %mul3A_137 : i32
        %dma_start3A_139 = tpu.memref_slice %arg4[%add3A_138] : memref<320000xi32, #tpu.memory_space<hbm>> -> memref<40xi32, #tpu.memory_space<hbm>>
        %dma_start3A_140 = tpu.memref_slice %arg4[%add3A_138] : memref<320000xi32, #tpu.memory_space<hbm>> -> memref<40xi32, #tpu.memory_space<hbm>>
        tpu.enqueue_dma source(%dma_start3A_140 : memref<40xi32, #tpu.memory_space<hbm>>) target(%arg9 : memref<40xi32, #tpu.memory_space<vmem>>) target_semaphore(%arg22 : memref<!tpu.dma_semaphore, #tpu.memory_space<semaphore_mem>>)
        %dma_start3A_141 = tpu.memref_slice %arg5[%add3A_138] : memref<320000xi32, #tpu.memory_space<hbm>> -> memref<40xi32, #tpu.memory_space<hbm>>
        %dma_start3A_142 = tpu.memref_slice %arg5[%add3A_138] : memref<320000xi32, #tpu.memory_space<hbm>> -> memref<40xi32, #tpu.memory_space<hbm>>
        tpu.enqueue_dma source(%dma_start3A_142 : memref<40xi32, #tpu.memory_space<hbm>>) target(%arg11 : memref<40xi32, #tpu.memory_space<vmem>>) target_semaphore(%arg24 : memref<!tpu.dma_semaphore, #tpu.memory_space<semaphore_mem>>)
      } else {
      }
      %add3A_100 = arith.constant 1 : i32
      %add3A_101 = arith.addi %add3A_86, %add3A_100 : i32
      %lt3A_102 = arith.constant 250 : i32
      %lt3A_103 = arith.cmpi slt, %add3A_101, %lt3A_102 : i32
      %convert_element_type3A_104 = arith.extui %lt3A_103 : i1 to i32
      %cond3A_105 = arith.constant 0 : i32
      %cond3A_106 = arith.cmpi ne, %convert_element_type3A_104, %cond3A_105 : i32
      scf.if %cond3A_106 {
        %dma_wait3A_134 = tpu.memref_slice %arg4[%mul3A_4] : memref<320000xi32, #tpu.memory_space<hbm>> -> memref<40xi32, #tpu.memory_space<hbm>>
        %dma_wait3A_135 = tpu.memref_slice %arg4[%mul3A_4] : memref<320000xi32, #tpu.memory_space<hbm>> -> memref<40xi32, #tpu.memory_space<hbm>>
        tpu.wait_dma2 semaphore(%arg21 : memref<!tpu.dma_semaphore, #tpu.memory_space<semaphore_mem>>) src(%dma_wait3A_135 : memref<40xi32, #tpu.memory_space<hbm>>) dst(%arg8 : memref<40xi32, #tpu.memory_space<vmem>>)
        %dma_wait3A_136 = tpu.memref_slice %arg5[%mul3A_4] : memref<320000xi32, #tpu.memory_space<hbm>> -> memref<40xi32, #tpu.memory_space<hbm>>
        %dma_wait3A_137 = tpu.memref_slice %arg5[%mul3A_4] : memref<320000xi32, #tpu.memory_space<hbm>> -> memref<40xi32, #tpu.memory_space<hbm>>
        tpu.wait_dma2 semaphore(%arg23 : memref<!tpu.dma_semaphore, #tpu.memory_space<semaphore_mem>>) src(%dma_wait3A_137 : memref<40xi32, #tpu.memory_space<hbm>>) dst(%arg10 : memref<40xi32, #tpu.memory_space<vmem>>)
      } else {
      }
      %add3A_107 = arith.constant 1 : i32
      %add3A_108 = arith.addi %add3A_86, %add3A_107 : i32
      %lt3A_109 = arith.constant 250 : i32
      %lt3A_110 = arith.cmpi slt, %add3A_108, %lt3A_109 : i32
      %convert_element_type3A_111 = arith.extui %lt3A_110 : i1 to i32
      %cond3A_112 = arith.constant 0 : i32
      %cond3A_113 = arith.cmpi ne, %convert_element_type3A_111, %cond3A_112 : i32
      scf.if %cond3A_113 {
        %dma_start3A_134 = arith.constant 0 : i32
        %dma_start3A_135 = arith.constant 0 : i32
        %dma_start3A_136 = tpu.memref_slice %arg2[%dma_start3A_134, %dma_start3A_135] : memref<10240x144xf32, #tpu.memory_space<hbm>> -> memref<10240x144xf32, #tpu.memory_space<hbm>>
        tpu.enqueue_indirect_dma source(%dma_start3A_136 : memref<10240x144xf32, #tpu.memory_space<hbm>>) target(%arg14 : memref<40x144xf32, #tpu.memory_space<vmem>>) offsets(%arg8 : memref<40xi32, #tpu.memory_space<vmem>>) semaphore(%arg27 : memref<!tpu.dma_semaphore, #tpu.memory_space<semaphore_mem>>)
        %dma_start3A_137 = arith.constant 0 : i32
        %dma_start3A_138 = arith.constant 0 : i32
        %dma_start3A_139 = tpu.memref_slice %arg3[%dma_start3A_137, %dma_start3A_138] : memref<10240x16xf32, #tpu.memory_space<hbm>> -> memref<10240x16xf32, #tpu.memory_space<hbm>>
        tpu.enqueue_indirect_dma source(%dma_start3A_139 : memref<10240x16xf32, #tpu.memory_space<hbm>>) target(%arg16 : memref<40x16xf32, #tpu.memory_space<vmem>>) offsets(%arg10 : memref<40xi32, #tpu.memory_space<vmem>>) semaphore(%arg29 : memref<!tpu.dma_semaphore, #tpu.memory_space<semaphore_mem>>)
      } else {
      }
      %parallel_loop3A_114 = arith.constant 0 : i32
      %parallel_loop3A_115 = arith.constant 40 : i32
      %parallel_loop3A_116 = arith.constant 1 : i32
      scf.for %parallel_loop3A_134 = %parallel_loop3A_114 to %parallel_loop3A_115 step %parallel_loop3A_116  : i32 {
        %parallel_loop3A_135 = arith.index_cast %parallel_loop3A_134 : i32 to index
        %parallel_loop3A_136 = arith.constant 128 : index
        %parallel_loop3A_137 = tpu.vector_load %arg15[%parallel_loop3A_135, %parallel_loop3A_136] {strides = array<i32>} : memref<40x144xf32, #tpu.memory_space<vmem>>, vector<1x16xf32>,
        %parallel_loop3A_138 = vector.shape_cast %parallel_loop3A_137 : vector<1x16xf32> to vector<16xf32>
        %parallel_loop3A_139 = arith.index_cast %parallel_loop3A_134 : i32 to index
        %parallel_loop3A_140 = arith.constant 0 : index
        %parallel_loop3A_141 = tpu.vector_load %arg17[%parallel_loop3A_139, %parallel_loop3A_140] {strides = array<i32>} : memref<40x16xf32, #tpu.memory_space<vmem>>, vector<1x16xf32>,
        %parallel_loop3A_142 = vector.shape_cast %parallel_loop3A_141 : vector<1x16xf32> to vector<16xf32>
        %parallel_loop3A_143 = arith.addf %parallel_loop3A_138, %parallel_loop3A_142 : vector<16xf32>
        %parallel_loop3A_144 = arith.constant 0.000000e+00 : f32
        %parallel_loop3A_145 = vector.broadcast %parallel_loop3A_144 : f32 to vector<16xf32>
        %parallel_loop3A_146 = arith.cmpf oge, %parallel_loop3A_143, %parallel_loop3A_145 : vector<16xf32>
        %parallel_loop3A_147 = arith.constant 2.000000e-01 : f32
        %parallel_loop3A_148 = vector.broadcast %parallel_loop3A_147 : f32 to vector<16xf32>
        %parallel_loop3A_149 = arith.mulf %parallel_loop3A_143, %parallel_loop3A_148 : vector<16xf32>
        %parallel_loop3A_150 = arith.select %parallel_loop3A_146, %parallel_loop3A_143, %parallel_loop3A_149 : vector<16xi1>, vector<16xf32>
        %parallel_loop3A_151 = math.exp %parallel_loop3A_150 : vector<16xf32>
        %parallel_loop3A_152 = arith.constant 8 : i32
        %parallel_loop3A_153 = vector.broadcast %parallel_loop3A_152 : i32 to vector<16xi32>
        %parallel_loop3A_154 = arith.cmpi slt, %iota3A, %parallel_loop3A_153 : vector<16xi32>
        %parallel_loop3A_155 = arith.constant 0.000000e+00 : f32
        %parallel_loop3A_156 = vector.broadcast %parallel_loop3A_155 : f32 to vector<16xf32>
        %parallel_loop3A_157 = arith.select %parallel_loop3A_154, %parallel_loop3A_151, %parallel_loop3A_156 : vector<16xi1>, vector<16xf32>
        %parallel_loop3A_158 = arith.index_cast %parallel_loop3A_134 : i32 to index
        %parallel_loop3A_159 = arith.constant 128 : index
        %parallel_loop3A_160 = tpu.vector_load %arg19[%parallel_loop3A_158, %parallel_loop3A_159] {strides = array<i32>} : memref<40x144xf32, #tpu.memory_space<vmem>>, vector<1x16xf32>,
        %parallel_loop3A_161 = vector.shape_cast %parallel_loop3A_160 : vector<1x16xf32> to vector<16xf32>
        %parallel_loop3A_162 = vector.shape_cast %parallel_loop3A_157 : vector<16xf32> to vector<1x16xf32>
        tpu.vector_store %arg19[%parallel_loop3A_158, %parallel_loop3A_159], %parallel_loop3A_162 {strides = array<i32>} : memref<40x144xf32, #tpu.memory_space<vmem>>, vector<1x16xf32>,
        %parallel_loop3A_163 = arith.constant 0 : i32
        %parallel_loop3A_164 = vector.broadcast %parallel_loop3A_163 : i32 to vector<16x1xi32>
        %parallel_loop3A_165 = vector.shape_cast %parallel_loop3A_164 : vector<16x1xi32> to vector<16xi32>
        %parallel_loop3A_166 = tpu.dynamic_gather %parallel_loop3A_157[%parallel_loop3A_165] in [0] : vector<16xf32>, vector<16xi32> -> vector<16xf32>
        %parallel_loop3A_167 = arith.index_cast %parallel_loop3A_134 : i32 to index
        %parallel_loop3A_168 = arith.constant 0 : index
        %parallel_loop3A_169 = tpu.vector_load %arg15[%parallel_loop3A_167, %parallel_loop3A_168] {strides = array<i32>} : memref<40x144xf32, #tpu.memory_space<vmem>>, vector<1x16xf32>,
        %parallel_loop3A_170 = vector.shape_cast %parallel_loop3A_169 : vector<1x16xf32> to vector<16xf32>
        %parallel_loop3A_171 = arith.mulf %parallel_loop3A_170, %parallel_loop3A_166 : vector<16xf32>
        %parallel_loop3A_172 = arith.index_cast %parallel_loop3A_134 : i32 to index
        %parallel_loop3A_173 = arith.constant 0 : index
        %parallel_loop3A_174 = tpu.vector_load %arg19[%parallel_loop3A_172, %parallel_loop3A_173] {strides = array<i32>} : memref<40x144xf32, #tpu.memory_space<vmem>>, vector<1x16xf32>,
        %parallel_loop3A_175 = vector.shape_cast %parallel_loop3A_174 : vector<1x16xf32> to vector<16xf32>
        %parallel_loop3A_176 = vector.shape_cast %parallel_loop3A_171 : vector<16xf32> to vector<1x16xf32>
        tpu.vector_store %arg19[%parallel_loop3A_172, %parallel_loop3A_173], %parallel_loop3A_176 {strides = array<i32>} : memref<40x144xf32, #tpu.memory_space<vmem>>, vector<1x16xf32>,
        %parallel_loop3A_177 = arith.constant 1 : i32
        %parallel_loop3A_178 = vector.broadcast %parallel_loop3A_177 : i32 to vector<16x1xi32>
        %parallel_loop3A_179 = vector.shape_cast %parallel_loop3A_178 : vector<16x1xi32> to vector<16xi32>
        %parallel_loop3A_180 = tpu.dynamic_gather %parallel_loop3A_157[%parallel_loop3A_179] in [0] : vector<16xf32>, vector<16xi32> -> vector<16xf32>
        %parallel_loop3A_181 = arith.index_cast %parallel_loop3A_134 : i32 to index
        %parallel_loop3A_182 = arith.constant 16 : index
        %parallel_loop3A_183 = tpu.vector_load %arg15[%parallel_loop3A_181, %parallel_loop3A_182] {strides = array<i32>} : memref<40x144xf32, #tpu.memory_space<vmem>>, vector<1x16xf32>,
        %parallel_loop3A_184 = vector.shape_cast %parallel_loop3A_183 : vector<1x16xf32> to vector<16xf32>
        %parallel_loop3A_185 = arith.mulf %parallel_loop3A_184, %parallel_loop3A_180 : vector<16xf32>
        %parallel_loop3A_186 = arith.index_cast %parallel_loop3A_134 : i32 to index
        %parallel_loop3A_187 = arith.constant 16 : index
        %parallel_loop3A_188 = tpu.vector_load %arg19[%parallel_loop3A_186, %parallel_loop3A_187] {strides = array<i32>} : memref<40x144xf32, #tpu.memory_space<vmem>>, vector<1x16xf32>,
        %parallel_loop3A_189 = vector.shape_cast %parallel_loop3A_188 : vector<1x16xf32> to vector<16xf32>
        %parallel_loop3A_190 = vector.shape_cast %parallel_loop3A_185 : vector<16xf32> to vector<1x16xf32>
        tpu.vector_store %arg19[%parallel_loop3A_186, %parallel_loop3A_187], %parallel_loop3A_190 {strides = array<i32>} : memref<40x144xf32, #tpu.memory_space<vmem>>, vector<1x16xf32>,
        %parallel_loop3A_191 = arith.constant 2 : i32
        %parallel_loop3A_192 = vector.broadcast %parallel_loop3A_191 : i32 to vector<16x1xi32>
        %parallel_loop3A_193 = vector.shape_cast %parallel_loop3A_192 : vector<16x1xi32> to vector<16xi32>
        %parallel_loop3A_194 = tpu.dynamic_gather %parallel_loop3A_157[%parallel_loop3A_193] in [0] : vector<16xf32>, vector<16xi32> -> vector<16xf32>
        %parallel_loop3A_195 = arith.index_cast %parallel_loop3A_134 : i32 to index
        %parallel_loop3A_196 = arith.constant 32 : index
        %parallel_loop3A_197 = tpu.vector_load %arg15[%parallel_loop3A_195, %parallel_loop3A_196] {strides = array<i32>} : memref<40x144xf32, #tpu.memory_space<vmem>>, vector<1x16xf32>,
        %parallel_loop3A_198 = vector.shape_cast %parallel_loop3A_197 : vector<1x16xf32> to vector<16xf32>
        %parallel_loop3A_199 = arith.mulf %parallel_loop3A_198, %parallel_loop3A_194 : vector<16xf32>
        %parallel_loop3A_200 = arith.index_cast %parallel_loop3A_134 : i32 to index
        %parallel_loop3A_201 = arith.constant 32 : index
        %parallel_loop3A_202 = tpu.vector_load %arg19[%parallel_loop3A_200, %parallel_loop3A_201] {strides = array<i32>} : memref<40x144xf32, #tpu.memory_space<vmem>>, vector<1x16xf32>,
        %parallel_loop3A_203 = vector.shape_cast %parallel_loop3A_202 : vector<1x16xf32> to vector<16xf32>
        %parallel_loop3A_204 = vector.shape_cast %parallel_loop3A_199 : vector<16xf32> to vector<1x16xf32>
        tpu.vector_store %arg19[%parallel_loop3A_200, %parallel_loop3A_201], %parallel_loop3A_204 {strides = array<i32>} : memref<40x144xf32, #tpu.memory_space<vmem>>, vector<1x16xf32>,
        %parallel_loop3A_205 = arith.constant 3 : i32
        %parallel_loop3A_206 = vector.broadcast %parallel_loop3A_205 : i32 to vector<16x1xi32>
        %parallel_loop3A_207 = vector.shape_cast %parallel_loop3A_206 : vector<16x1xi32> to vector<16xi32>
        %parallel_loop3A_208 = tpu.dynamic_gather %parallel_loop3A_157[%parallel_loop3A_207] in [0] : vector<16xf32>, vector<16xi32> -> vector<16xf32>
        %parallel_loop3A_209 = arith.index_cast %parallel_loop3A_134 : i32 to index
        %parallel_loop3A_210 = arith.constant 48 : index
        %parallel_loop3A_211 = tpu.vector_load %arg15[%parallel_loop3A_209, %parallel_loop3A_210] {strides = array<i32>} : memref<40x144xf32, #tpu.memory_space<vmem>>, vector<1x16xf32>,
        %parallel_loop3A_212 = vector.shape_cast %parallel_loop3A_211 : vector<1x16xf32> to vector<16xf32>
        %parallel_loop3A_213 = arith.mulf %parallel_loop3A_212, %parallel_loop3A_208 : vector<16xf32>
        %parallel_loop3A_214 = arith.index_cast %parallel_loop3A_134 : i32 to index
        %parallel_loop3A_215 = arith.constant 48 : index
        %parallel_loop3A_216 = tpu.vector_load %arg19[%parallel_loop3A_214, %parallel_loop3A_215] {strides = array<i32>} : memref<40x144xf32, #tpu.memory_space<vmem>>, vector<1x16xf32>,
        %parallel_loop3A_217 = vector.shape_cast %parallel_loop3A_216 : vector<1x16xf32> to vector<16xf32>
        %parallel_loop3A_218 = vector.shape_cast %parallel_loop3A_213 : vector<16xf32> to vector<1x16xf32>
        tpu.vector_store %arg19[%parallel_loop3A_214, %parallel_loop3A_215], %parallel_loop3A_218 {strides = array<i32>} : memref<40x144xf32, #tpu.memory_space<vmem>>, vector<1x16xf32>,
        %parallel_loop3A_219 = arith.constant 4 : i32
        %parallel_loop3A_220 = vector.broadcast %parallel_loop3A_219 : i32 to vector<16x1xi32>
        %parallel_loop3A_221 = vector.shape_cast %parallel_loop3A_220 : vector<16x1xi32> to vector<16xi32>
        %parallel_loop3A_222 = tpu.dynamic_gather %parallel_loop3A_157[%parallel_loop3A_221] in [0] : vector<16xf32>, vector<16xi32> -> vector<16xf32>
        %parallel_loop3A_223 = arith.index_cast %parallel_loop3A_134 : i32 to index
        %parallel_loop3A_224 = arith.constant 64 : index
        %parallel_loop3A_225 = tpu.vector_load %arg15[%parallel_loop3A_223, %parallel_loop3A_224] {strides = array<i32>} : memref<40x144xf32, #tpu.memory_space<vmem>>, vector<1x16xf32>,
        %parallel_loop3A_226 = vector.shape_cast %parallel_loop3A_225 : vector<1x16xf32> to vector<16xf32>
        %parallel_loop3A_227 = arith.mulf %parallel_loop3A_226, %parallel_loop3A_222 : vector<16xf32>
        %parallel_loop3A_228 = arith.index_cast %parallel_loop3A_134 : i32 to index
        %parallel_loop3A_229 = arith.constant 64 : index
        %parallel_loop3A_230 = tpu.vector_load %arg19[%parallel_loop3A_228, %parallel_loop3A_229] {strides = array<i32>} : memref<40x144xf32, #tpu.memory_space<vmem>>, vector<1x16xf32>,
        %parallel_loop3A_231 = vector.shape_cast %parallel_loop3A_230 : vector<1x16xf32> to vector<16xf32>
        %parallel_loop3A_232 = vector.shape_cast %parallel_loop3A_227 : vector<16xf32> to vector<1x16xf32>
        tpu.vector_store %arg19[%parallel_loop3A_228, %parallel_loop3A_229], %parallel_loop3A_232 {strides = array<i32>} : memref<40x144xf32, #tpu.memory_space<vmem>>, vector<1x16xf32>,
        %parallel_loop3A_233 = arith.constant 5 : i32
        %parallel_loop3A_234 = vector.broadcast %parallel_loop3A_233 : i32 to vector<16x1xi32>
        %parallel_loop3A_235 = vector.shape_cast %parallel_loop3A_234 : vector<16x1xi32> to vector<16xi32>
        %parallel_loop3A_236 = tpu.dynamic_gather %parallel_loop3A_157[%parallel_loop3A_235] in [0] : vector<16xf32>, vector<16xi32> -> vector<16xf32>
        %parallel_loop3A_237 = arith.index_cast %parallel_loop3A_134 : i32 to index
        %parallel_loop3A_238 = arith.constant 80 : index
        %parallel_loop3A_239 = tpu.vector_load %arg15[%parallel_loop3A_237, %parallel_loop3A_238] {strides = array<i32>} : memref<40x144xf32, #tpu.memory_space<vmem>>, vector<1x16xf32>,
        %parallel_loop3A_240 = vector.shape_cast %parallel_loop3A_239 : vector<1x16xf32> to vector<16xf32>
        %parallel_loop3A_241 = arith.mulf %parallel_loop3A_240, %parallel_loop3A_236 : vector<16xf32>
        %parallel_loop3A_242 = arith.index_cast %parallel_loop3A_134 : i32 to index
        %parallel_loop3A_243 = arith.constant 80 : index
        %parallel_loop3A_244 = tpu.vector_load %arg19[%parallel_loop3A_242, %parallel_loop3A_243] {strides = array<i32>} : memref<40x144xf32, #tpu.memory_space<vmem>>, vector<1x16xf32>,
        %parallel_loop3A_245 = vector.shape_cast %parallel_loop3A_244 : vector<1x16xf32> to vector<16xf32>
        %parallel_loop3A_246 = vector.shape_cast %parallel_loop3A_241 : vector<16xf32> to vector<1x16xf32>
        tpu.vector_store %arg19[%parallel_loop3A_242, %parallel_loop3A_243], %parallel_loop3A_246 {strides = array<i32>} : memref<40x144xf32, #tpu.memory_space<vmem>>, vector<1x16xf32>,
        %parallel_loop3A_247 = arith.constant 6 : i32
        %parallel_loop3A_248 = vector.broadcast %parallel_loop3A_247 : i32 to vector<16x1xi32>
        %parallel_loop3A_249 = vector.shape_cast %parallel_loop3A_248 : vector<16x1xi32> to vector<16xi32>
        %parallel_loop3A_250 = tpu.dynamic_gather %parallel_loop3A_157[%parallel_loop3A_249] in [0] : vector<16xf32>, vector<16xi32> -> vector<16xf32>
        %parallel_loop3A_251 = arith.index_cast %parallel_loop3A_134 : i32 to index
        %parallel_loop3A_252 = arith.constant 96 : index
        %parallel_loop3A_253 = tpu.vector_load %arg15[%parallel_loop3A_251, %parallel_loop3A_252] {strides = array<i32>} : memref<40x144xf32, #tpu.memory_space<vmem>>, vector<1x16xf32>,
        %parallel_loop3A_254 = vector.shape_cast %parallel_loop3A_253 : vector<1x16xf32> to vector<16xf32>
        %parallel_loop3A_255 = arith.mulf %parallel_loop3A_254, %parallel_loop3A_250 : vector<16xf32>
        %parallel_loop3A_256 = arith.index_cast %parallel_loop3A_134 : i32 to index
        %parallel_loop3A_257 = arith.constant 96 : index
        %parallel_loop3A_258 = tpu.vector_load %arg19[%parallel_loop3A_256, %parallel_loop3A_257] {strides = array<i32>} : memref<40x144xf32, #tpu.memory_space<vmem>>, vector<1x16xf32>,
        %parallel_loop3A_259 = vector.shape_cast %parallel_loop3A_258 : vector<1x16xf32> to vector<16xf32>
        %parallel_loop3A_260 = vector.shape_cast %parallel_loop3A_255 : vector<16xf32> to vector<1x16xf32>
        tpu.vector_store %arg19[%parallel_loop3A_256, %parallel_loop3A_257], %parallel_loop3A_260 {strides = array<i32>} : memref<40x144xf32, #tpu.memory_space<vmem>>, vector<1x16xf32>,
        %parallel_loop3A_261 = arith.constant 7 : i32
        %parallel_loop3A_262 = vector.broadcast %parallel_loop3A_261 : i32 to vector<16x1xi32>
        %parallel_loop3A_263 = vector.shape_cast %parallel_loop3A_262 : vector<16x1xi32> to vector<16xi32>
        %parallel_loop3A_264 = tpu.dynamic_gather %parallel_loop3A_157[%parallel_loop3A_263] in [0] : vector<16xf32>, vector<16xi32> -> vector<16xf32>
        %parallel_loop3A_265 = arith.index_cast %parallel_loop3A_134 : i32 to index
        %parallel_loop3A_266 = arith.constant 112 : index
        %parallel_loop3A_267 = tpu.vector_load %arg15[%parallel_loop3A_265, %parallel_loop3A_266] {strides = array<i32>} : memref<40x144xf32, #tpu.memory_space<vmem>>, vector<1x16xf32>,
        %parallel_loop3A_268 = vector.shape_cast %parallel_loop3A_267 : vector<1x16xf32> to vector<16xf32>
        %parallel_loop3A_269 = arith.mulf %parallel_loop3A_268, %parallel_loop3A_264 : vector<16xf32>
        %parallel_loop3A_270 = arith.index_cast %parallel_loop3A_134 : i32 to index
        %parallel_loop3A_271 = arith.constant 112 : index
        %parallel_loop3A_272 = tpu.vector_load %arg19[%parallel_loop3A_270, %parallel_loop3A_271] {strides = array<i32>} : memref<40x144xf32, #tpu.memory_space<vmem>>, vector<1x16xf32>,
        %parallel_loop3A_273 = vector.shape_cast %parallel_loop3A_272 : vector<1x16xf32> to vector<16xf32>
        %parallel_loop3A_274 = vector.shape_cast %parallel_loop3A_269 : vector<16xf32> to vector<1x16xf32>
        tpu.vector_store %arg19[%parallel_loop3A_270, %parallel_loop3A_271], %parallel_loop3A_274 {strides = array<i32>} : memref<40x144xf32, #tpu.memory_space<vmem>>, vector<1x16xf32>,
      } {sc.loop_unroll_factor = 4 : i64, sc.parallel_access}
      %dma_wait3A_117 = tpu.memref_slice %arg5[%mul3A_4] : memref<320000xi32, #tpu.memory_space<hbm>> -> memref<40xi32, #tpu.memory_space<hbm>>
      %dma_wait3A_118 = tpu.memref_slice %arg5[%mul3A_4] : memref<320000xi32, #tpu.memory_space<hbm>> -> memref<40xi32, #tpu.memory_space<hbm>>
      tpu.wait_dma2 semaphore(%arg26 : memref<!tpu.dma_semaphore, #tpu.memory_space<semaphore_mem>>) src(%dma_wait3A_118 : memref<40xi32, #tpu.memory_space<hbm>>) dst(%arg13 : memref<40xi32, #tpu.memory_space<vmem>>)
      %dma_start3A_119 = arith.constant 0 : i32
      %dma_start3A_120 = arith.constant 0 : i32
      %dma_start3A_121 = tpu.memref_slice %arg20[%dma_start3A_119, %dma_start3A_120] : memref<10240x144xf32, #tpu.memory_space<vmem_shared>> -> memref<10240x144xf32, #tpu.memory_space<vmem_shared>>
      tpu.enqueue_indirect_dma source(%arg19 : memref<40x144xf32, #tpu.memory_space<vmem>>) target(%dma_start3A_121 : memref<10240x144xf32, #tpu.memory_space<vmem_shared>>) offsets(%arg13 : memref<40xi32, #tpu.memory_space<vmem>>) semaphore(%arg32 : memref<!tpu.dma_semaphore, #tpu.memory_space<semaphore_mem>>) {add = true}
      %ge3A_122 = arith.constant 1 : i32
      %ge3A_123 = arith.cmpi sge, %add3A_86, %ge3A_122 : i32
      %convert_element_type3A_124 = arith.extui %ge3A_123 : i1 to i32
      %cond3A_125 = arith.constant 0 : i32
      %cond3A_126 = arith.cmpi ne, %convert_element_type3A_124, %cond3A_125 : i32
      scf.if %cond3A_126 {
        %dma_wait3A_134 = arith.constant 0 : i32
        %dma_wait3A_135 = arith.constant 0 : i32
        %dma_wait3A_136 = tpu.memref_slice %arg20[%dma_wait3A_134, %dma_wait3A_135] : memref<10240x144xf32, #tpu.memory_space<vmem_shared>> -> memref<10240x144xf32, #tpu.memory_space<vmem_shared>>
        tpu.wait_indirect_dma semaphore(%arg31 : memref<!tpu.dma_semaphore, #tpu.memory_space<semaphore_mem>>) src(%arg18 : memref<40x144xf32, #tpu.memory_space<vmem>>) dst(%dma_wait3A_136 : memref<10240x144xf32, #tpu.memory_space<vmem_shared>>)
      } else {
      }
      %add3A_127 = arith.constant 1 : i32
      %add3A_128 = arith.addi %add3A_86, %add3A_127 : i32
      %lt3A_129 = arith.constant 250 : i32
      %lt3A_130 = arith.cmpi slt, %add3A_128, %lt3A_129 : i32
      %convert_element_type3A_131 = arith.extui %lt3A_130 : i1 to i32
      %cond3A_132 = arith.constant 0 : i32
      %cond3A_133 = arith.cmpi ne, %convert_element_type3A_131, %cond3A_132 : i32
      scf.if %cond3A_133 {
        %add3A_134 = arith.constant 1 : i32
        %add3A_135 = arith.addi %add3A_86, %add3A_134 : i32
        %mul3A_136 = arith.constant 40 : i32
        %mul3A_137 = arith.muli %add3A_135, %mul3A_136 : i32
        %add3A_138 = arith.addi %mul3A_4, %mul3A_137 : i32
        %dma_start3A_139 = tpu.memref_slice %arg5[%add3A_138] : memref<320000xi32, #tpu.memory_space<hbm>> -> memref<40xi32, #tpu.memory_space<hbm>>
        %dma_start3A_140 = tpu.memref_slice %arg5[%add3A_138] : memref<320000xi32, #tpu.memory_space<hbm>> -> memref<40xi32, #tpu.memory_space<hbm>>
        tpu.enqueue_dma source(%dma_start3A_140 : memref<40xi32, #tpu.memory_space<hbm>>) target(%arg12 : memref<40xi32, #tpu.memory_space<vmem>>) target_semaphore(%arg25 : memref<!tpu.dma_semaphore, #tpu.memory_space<semaphore_mem>>)
      } else {
      }
    }
    %scan3A_33 = arith.constant 125 : i32
    %dma_wait3A_34 = arith.constant 0 : i32
    %dma_wait3A_35 = arith.constant 0 : i32
    %dma_wait3A_36 = tpu.memref_slice %arg20[%dma_wait3A_34, %dma_wait3A_35] : memref<10240x144xf32, #tpu.memory_space<vmem_shared>> -> memref<10240x144xf32, #tpu.memory_space<vmem_shared>>
    tpu.wait_indirect_dma semaphore(%arg32 : memref<!tpu.dma_semaphore, #tpu.memory_space<semaphore_mem>>) src(%arg19 : memref<40x144xf32, #tpu.memory_space<vmem>>) dst(%dma_wait3A_36 : memref<10240x144xf32, #tpu.memory_space<vmem_shared>>)
    %barrier3A_37 = arith.constant 0 : index
    tpu.barrier barrier_id(%barrier3A_37)
    "tpu.region"() ({
      %run_scoped3A = tpu.sem_alloc : memref<!tpu.dma_semaphore, #tpu.memory_space<semaphore_mem>>
      %dma_start3A_38 = arith.constant 0 : i32
      %dma_start3A_39 = tpu.memref_slice %arg7[%arg0, %mul3A_0, %dma_start3A_38] : memref<2x10240x144xf32, #tpu.memory_space<hbm>> -> memref<1x640x144xf32, #tpu.memory_space<hbm>>
      %dma_start3A_40 = tpu.memref_squeeze %dma_start3A_39 : memref<1x640x144xf32, #tpu.memory_space<hbm>> -> memref<640x144xf32, #tpu.memory_space<hbm>>
      %dma_start3A_41 = arith.constant 0 : i32
      %dma_start3A_42 = tpu.memref_slice %arg20[%mul3A_0, %dma_start3A_41] : memref<10240x144xf32, #tpu.memory_space<vmem_shared>> -> memref<640x144xf32, #tpu.memory_space<vmem_shared>>
      tpu.enqueue_dma source(%dma_start3A_42 : memref<640x144xf32, #tpu.memory_space<vmem_shared>>) target(%dma_start3A_40 : memref<640x144xf32, #tpu.memory_space<hbm>>) target_semaphore(%run_scoped3A : memref<!tpu.dma_semaphore, #tpu.memory_space<semaphore_mem>>)
      %dma_wait3A_43 = arith.constant 0 : i32
      %dma_wait3A_44 = tpu.memref_slice %arg7[%arg0, %mul3A_0, %dma_wait3A_43] : memref<2x10240x144xf32, #tpu.memory_space<hbm>> -> memref<1x640x144xf32, #tpu.memory_space<hbm>>
      %dma_wait3A_45 = tpu.memref_squeeze %dma_wait3A_44 : memref<1x640x144xf32, #tpu.memory_space<hbm>> -> memref<640x144xf32, #tpu.memory_space<hbm>>
      %dma_wait3A_46 = arith.constant 0 : i32
      %dma_wait3A_47 = tpu.memref_slice %arg20[%mul3A_0, %dma_wait3A_46] : memref<10240x144xf32, #tpu.memory_space<vmem_shared>> -> memref<640x144xf32, #tpu.memory_space<vmem_shared>>
      tpu.wait_dma2 semaphore(%run_scoped3A : memref<!tpu.dma_semaphore, #tpu.memory_space<semaphore_mem>>) src(%dma_wait3A_47 : memref<640x144xf32, #tpu.memory_space<vmem_shared>>) dst(%dma_wait3A_45 : memref<640x144xf32, #tpu.memory_space<hbm>>)
      tpu.yield
    }) : () -> ()
    return
  }
}

#map = affine_map<(d0, d1) -> (0, 0)>
#map1 = affine_map<(d0, d1) -> (0)>
#map2 = affine_map<(d0, d1) -> (0, 0, 0)>
module attributes {stable_mosaic.version = 14 : i64} {
  func.func @sc_fn(%arg0: i32, %arg1: i32, %arg2: memref<10240x144xf32, #tpu.memory_space<hbm>>, %arg3: memref<10240x16xf32, #tpu.memory_space<hbm>>, %arg4: memref<320000xi32, #tpu.memory_space<hbm>>, %arg5: memref<320000xi32, #tpu.memory_space<hbm>>, %arg6: memref<640x144xf32, #tpu.memory_space<hbm>>, %arg7: memref<2x10240x144xf32, #tpu.memory_space<hbm>>, %arg8: memref<40xi32, #tpu.memory_space<vmem>>, %arg9: memref<40xi32, #tpu.memory_space<vmem>>, %arg10: memref<40xi32, #tpu.memory_space<vmem>>, %arg11: memref<40xi32, #tpu.memory_space<vmem>>, %arg12: memref<40xi32, #tpu.memory_space<vmem>>, %arg13: memref<40xi32, #tpu.memory_space<vmem>>, %arg14: memref<40x144xf32, #tpu.memory_space<vmem>>, %arg15: memref<40x144xf32, #tpu.memory_space<vmem>>, %arg16: memref<40x16xf32, #tpu.memory_space<vmem>>, %arg17: memref<40x16xf32, #tpu.memory_space<vmem>>, %arg18: memref<40x144xf32, #tpu.memory_space<vmem>>, %arg19: memref<40x144xf32, #tpu.memory_space<vmem>>, %arg20: memref<10240x144xf32, #tpu.memory_space<vmem_shared>>, %arg21: memref<!tpu.dma_semaphore, #tpu.memory_space<semaphore_mem>>, %arg22: memref<!tpu.dma_semaphore, #tpu.memory_space<semaphore_mem>>, %arg23: memref<!tpu.dma_semaphore, #tpu.memory_space<semaphore_mem>>, %arg24: memref<!tpu.dma_semaphore, #tpu.memory_space<semaphore_mem>>, %arg25: memref<!tpu.dma_semaphore, #tpu.memory_space<semaphore_mem>>, %arg26: memref<!tpu.dma_semaphore, #tpu.memory_space<semaphore_mem>>, %arg27: memref<!tpu.dma_semaphore, #tpu.memory_space<semaphore_mem>>, %arg28: memref<!tpu.dma_semaphore, #tpu.memory_space<semaphore_mem>>, %arg29: memref<!tpu.dma_semaphore, #tpu.memory_space<semaphore_mem>>, %arg30: memref<!tpu.dma_semaphore, #tpu.memory_space<semaphore_mem>>, %arg31: memref<!tpu.dma_semaphore, #tpu.memory_space<semaphore_mem>>, %arg32: memref<!tpu.dma_semaphore, #tpu.memory_space<semaphore_mem>>) attributes {dimension_semantics = [#tpu.dimension_semantics<core_parallel>, #tpu.dimension_semantics<subcore_parallel>], iteration_bounds = array<i64: 2, 16>, scalar_prefetch = 0 : i64, scratch_operands = 25 : i64, tpu.core_type = #tpu.core_type<sc_vector_subcore>, window_params = [{transform_indices = #map}, {transform_indices = #map}, {transform_indices = #map1}, {transform_indices = #map1}, {transform_indices = #map}, {transform_indices = #map2}]} {
    %mul3A = arith.constant 640 : i32
    %mul3A_0 = arith.muli %arg1, %mul3A : i32
    "tpu.region"() ({
      %run_scoped3A = tpu.sem_alloc : memref<!tpu.dma_semaphore, #tpu.memory_space<semaphore_mem>>
      %dma_start3A_38 = arith.constant 0 : i32
      %dma_start3A_39 = tpu.memref_slice %arg20[%mul3A_0, %dma_start3A_38] : memref<10240x144xf32, #tpu.memory_space<vmem_shared>> -> memref<640x144xf32, #tpu.memory_space<vmem_shared>>
      tpu.enqueue_dma source(%arg6 : memref<640x144xf32, #tpu.memory_space<hbm>>) target(%dma_start3A_39 : memref<640x144xf32, #tpu.memory_space<vmem_shared>>) target_semaphore(%run_scoped3A : memref<!tpu.dma_semaphore, #tpu.memory_space<semaphore_mem>>)
      %dma_wait3A_40 = arith.constant 0 : i32
      %dma_wait3A_41 = tpu.memref_slice %arg20[%mul3A_0, %dma_wait3A_40] : memref<10240x144xf32, #tpu.memory_space<vmem_shared>> -> memref<640x144xf32, #tpu.memory_space<vmem_shared>>
      tpu.wait_dma2 semaphore(%run_scoped3A : memref<!tpu.dma_semaphore, #tpu.memory_space<semaphore_mem>>) src(%arg6 : memref<640x144xf32, #tpu.memory_space<hbm>>) dst(%dma_wait3A_41 : memref<640x144xf32, #tpu.memory_space<vmem_shared>>)
      tpu.yield
    }) : () -> ()
    %barrier3A = arith.constant 0 : index
    tpu.barrier barrier_id(%barrier3A)
    %mul3A_1 = arith.constant 16 : i32
    %mul3A_2 = arith.muli %arg0, %mul3A_1 : i32
    %add3A = arith.addi %mul3A_2, %arg1 : i32
    %mul3A_3 = arith.constant 10000 : i32
    %mul3A_4 = arith.muli %add3A, %mul3A_3 : i32
    %iota3A = tpu.iota {dimensions = array<i32: 0>} : vector<16xi32>
    %add3A_5 = arith.constant 0 : i32
    %add3A_6 = arith.addi %mul3A_4, %add3A_5 : i32
    %dma_start3A = tpu.memref_slice %arg4[%add3A_6] : memref<320000xi32, #tpu.memory_space<hbm>> -> memref<40xi32, #tpu.memory_space<hbm>>
    %dma_start3A_7 = tpu.memref_slice %arg4[%add3A_6] : memref<320000xi32, #tpu.memory_space<hbm>> -> memref<40xi32, #tpu.memory_space<hbm>>
    tpu.enqueue_dma source(%dma_start3A_7 : memref<40xi32, #tpu.memory_space<hbm>>) target(%arg8 : memref<40xi32, #tpu.memory_space<vmem>>) target_semaphore(%arg21 : memref<!tpu.dma_semaphore, #tpu.memory_space<semaphore_mem>>)
    %dma_start3A_8 = tpu.memref_slice %arg5[%add3A_6] : memref<320000xi32, #tpu.memory_space<hbm>> -> memref<40xi32, #tpu.memory_space<hbm>>
    %dma_start3A_9 = tpu.memref_slice %arg5[%add3A_6] : memref<320000xi32, #tpu.memory_space<hbm>> -> memref<40xi32, #tpu.memory_space<hbm>>
    tpu.enqueue_dma source(%dma_start3A_9 : memref<40xi32, #tpu.memory_space<hbm>>) target(%arg10 : memref<40xi32, #tpu.memory_space<vmem>>) target_semaphore(%arg23 : memref<!tpu.dma_semaphore, #tpu.memory_space<semaphore_mem>>)
    %add3A_10 = arith.constant 0 : i32
    %add3A_11 = arith.addi %mul3A_4, %add3A_10 : i32
    %dma_start3A_12 = tpu.memref_slice %arg5[%add3A_11] : memref<320000xi32, #tpu.memory_space<hbm>> -> memref<40xi32, #tpu.memory_space<hbm>>
    %dma_start3A_13 = tpu.memref_slice %arg5[%add3A_11] : memref<320000xi32, #tpu.memory_space<hbm>> -> memref<40xi32, #tpu.memory_space<hbm>>
    tpu.enqueue_dma source(%dma_start3A_13 : memref<40xi32, #tpu.memory_space<hbm>>) target(%arg12 : memref<40xi32, #tpu.memory_space<vmem>>) target_semaphore(%arg25 : memref<!tpu.dma_semaphore, #tpu.memory_space<semaphore_mem>>)
    %add3A_14 = arith.constant 40 : i32
    %add3A_15 = arith.addi %mul3A_4, %add3A_14 : i32
    %dma_start3A_16 = tpu.memref_slice %arg4[%add3A_15] : memref<320000xi32, #tpu.memory_space<hbm>> -> memref<40xi32, #tpu.memory_space<hbm>>
    %dma_start3A_17 = tpu.memref_slice %arg4[%add3A_15] : memref<320000xi32, #tpu.memory_space<hbm>> -> memref<40xi32, #tpu.memory_space<hbm>>
    tpu.enqueue_dma source(%dma_start3A_17 : memref<40xi32, #tpu.memory_space<hbm>>) target(%arg9 : memref<40xi32, #tpu.memory_space<vmem>>) target_semaphore(%arg22 : memref<!tpu.dma_semaphore, #tpu.memory_space<semaphore_mem>>)
    %dma_start3A_18 = tpu.memref_slice %arg5[%add3A_15] : memref<320000xi32, #tpu.memory_space<hbm>> -> memref<40xi32, #tpu.memory_space<hbm>>
    %dma_start3A_19 = tpu.memref_slice %arg5[%add3A_15] : memref<320000xi32, #tpu.memory_space<hbm>> -> memref<40xi32, #tpu.memory_space<hbm>>
    tpu.enqueue_dma source(%dma_start3A_19 : memref<40xi32, #tpu.memory_space<hbm>>) target(%arg11 : memref<40xi32, #tpu.memory_space<vmem>>) target_semaphore(%arg24 : memref<!tpu.dma_semaphore, #tpu.memory_space<semaphore_mem>>)
    %dma_wait3A = tpu.memref_slice %arg4[%mul3A_4] : memref<320000xi32, #tpu.memory_space<hbm>> -> memref<40xi32, #tpu.memory_space<hbm>>
    %dma_wait3A_20 = tpu.memref_slice %arg4[%mul3A_4] : memref<320000xi32, #tpu.memory_space<hbm>> -> memref<40xi32, #tpu.memory_space<hbm>>
    tpu.wait_dma2 semaphore(%arg21 : memref<!tpu.dma_semaphore, #tpu.memory_space<semaphore_mem>>) src(%dma_wait3A_20 : memref<40xi32, #tpu.memory_space<hbm>>) dst(%arg8 : memref<40xi32, #tpu.memory_space<vmem>>)
    %dma_wait3A_21 = tpu.memref_slice %arg5[%mul3A_4] : memref<320000xi32, #tpu.memory_space<hbm>> -> memref<40xi32, #tpu.memory_space<hbm>>
    %dma_wait3A_22 = tpu.memref_slice %arg5[%mul3A_4] : memref<320000xi32, #tpu.memory_space<hbm>> -> memref<40xi32, #tpu.memory_space<hbm>>
    tpu.wait_dma2 semaphore(%arg23 : memref<!tpu.dma_semaphore, #tpu.memory_space<semaphore_mem>>) src(%dma_wait3A_22 : memref<40xi32, #tpu.memory_space<hbm>>) dst(%arg10 : memref<40xi32, #tpu.memory_space<vmem>>)
    %dma_start3A_23 = arith.constant 0 : i32
    %dma_start3A_24 = arith.constant 0 : i32
    %dma_start3A_25 = tpu.memref_slice %arg2[%dma_start3A_23, %dma_start3A_24] : memref<10240x144xf32, #tpu.memory_space<hbm>> -> memref<10240x144xf32, #tpu.memory_space<hbm>>
    tpu.enqueue_indirect_dma source(%dma_start3A_25 : memref<10240x144xf32, #tpu.memory_space<hbm>>) target(%arg14 : memref<40x144xf32, #tpu.memory_space<vmem>>) offsets(%arg8 : memref<40xi32, #tpu.memory_space<vmem>>) semaphore(%arg27 : memref<!tpu.dma_semaphore, #tpu.memory_space<semaphore_mem>>)
    %dma_start3A_26 = arith.constant 0 : i32
    %dma_start3A_27 = arith.constant 0 : i32
    %dma_start3A_28 = tpu.memref_slice %arg3[%dma_start3A_26, %dma_start3A_27] : memref<10240x16xf32, #tpu.memory_space<hbm>> -> memref<10240x16xf32, #tpu.memory_space<hbm>>
    tpu.enqueue_indirect_dma source(%dma_start3A_28 : memref<10240x16xf32, #tpu.memory_space<hbm>>) target(%arg16 : memref<40x16xf32, #tpu.memory_space<vmem>>) offsets(%arg10 : memref<40xi32, #tpu.memory_space<vmem>>) semaphore(%arg29 : memref<!tpu.dma_semaphore, #tpu.memory_space<semaphore_mem>>)
    %scan3A = arith.constant 0 : i32
    %scan3A_29 = arith.constant 0 : i32
    %scan3A_30 = arith.constant 125 : i32
    %scan3A_31 = arith.addi %scan3A_29, %scan3A_30 : i32
    %scan3A_32 = arith.constant 1 : i32
    scf.for %scan3A_38 = %scan3A_29 to %scan3A_31 step %scan3A_32  : i32 {
      %mul3A_39 = arith.constant 2 : i32
      %mul3A_40 = arith.muli %mul3A_39, %scan3A_38 : i32
      %dma_wait3A_41 = arith.constant 0 : i32
      %dma_wait3A_42 = arith.constant 0 : i32
      %dma_wait3A_43 = tpu.memref_slice %arg2[%dma_wait3A_41, %dma_wait3A_42] : memref<10240x144xf32, #tpu.memory_space<hbm>> -> memref<10240x144xf32, #tpu.memory_space<hbm>>
      tpu.wait_indirect_dma semaphore(%arg27 : memref<!tpu.dma_semaphore, #tpu.memory_space<semaphore_mem>>) src(%dma_wait3A_43 : memref<10240x144xf32, #tpu.memory_space<hbm>>) dst(%arg14 : memref<40x144xf32, #tpu.memory_space<vmem>>)
      %dma_wait3A_44 = arith.constant 0 : i32
      %dma_wait3A_45 = arith.constant 0 : i32
      %dma_wait3A_46 = tpu.memref_slice %arg3[%dma_wait3A_44, %dma_wait3A_45] : memref<10240x16xf32, #tpu.memory_space<hbm>> -> memref<10240x16xf32, #tpu.memory_space<hbm>>
      tpu.wait_indirect_dma semaphore(%arg29 : memref<!tpu.dma_semaphore, #tpu.memory_space<semaphore_mem>>) src(%dma_wait3A_46 : memref<10240x16xf32, #tpu.memory_space<hbm>>) dst(%arg16 : memref<40x16xf32, #tpu.memory_space<vmem>>)
      %add3A_47 = arith.constant 2 : i32
      %add3A_48 = arith.addi %mul3A_40, %add3A_47 : i32
      %lt3A = arith.constant 250 : i32
      %lt3A_49 = arith.cmpi slt, %add3A_48, %lt3A : i32
      %convert_element_type3A = arith.extui %lt3A_49 : i1 to i32
      %cond3A = arith.constant 0 : i32
      %cond3A_50 = arith.cmpi ne, %convert_element_type3A, %cond3A : i32
      scf.if %cond3A_50 {
        %add3A_134 = arith.constant 2 : i32
        %add3A_135 = arith.addi %mul3A_40, %add3A_134 : i32
        %mul3A_136 = arith.constant 40 : i32
        %mul3A_137 = arith.muli %add3A_135, %mul3A_136 : i32
        %add3A_138 = arith.addi %mul3A_4, %mul3A_137 : i32
        %dma_start3A_139 = tpu.memref_slice %arg4[%add3A_138] : memref<320000xi32, #tpu.memory_space<hbm>> -> memref<40xi32, #tpu.memory_space<hbm>>
        %dma_start3A_140 = tpu.memref_slice %arg4[%add3A_138] : memref<320000xi32, #tpu.memory_space<hbm>> -> memref<40xi32, #tpu.memory_space<hbm>>
        tpu.enqueue_dma source(%dma_start3A_140 : memref<40xi32, #tpu.memory_space<hbm>>) target(%arg8 : memref<40xi32, #tpu.memory_space<vmem>>) target_semaphore(%arg21 : memref<!tpu.dma_semaphore, #tpu.memory_space<semaphore_mem>>)
        %dma_start3A_141 = tpu.memref_slice %arg5[%add3A_138] : memref<320000xi32, #tpu.memory_space<hbm>> -> memref<40xi32, #tpu.memory_space<hbm>>
        %dma_start3A_142 = tpu.memref_slice %arg5[%add3A_138] : memref<320000xi32, #tpu.memory_space<hbm>> -> memref<40xi32, #tpu.memory_space<hbm>>
        tpu.enqueue_dma source(%dma_start3A_142 : memref<40xi32, #tpu.memory_space<hbm>>) target(%arg10 : memref<40xi32, #tpu.memory_space<vmem>>) target_semaphore(%arg23 : memref<!tpu.dma_semaphore, #tpu.memory_space<semaphore_mem>>)
      } else {
      }
      %add3A_51 = arith.constant 1 : i32
      %add3A_52 = arith.addi %mul3A_40, %add3A_51 : i32
      %lt3A_53 = arith.constant 250 : i32
      %lt3A_54 = arith.cmpi slt, %add3A_52, %lt3A_53 : i32
      %convert_element_type3A_55 = arith.extui %lt3A_54 : i1 to i32
      %cond3A_56 = arith.constant 0 : i32
      %cond3A_57 = arith.cmpi ne, %convert_element_type3A_55, %cond3A_56 : i32
      scf.if %cond3A_57 {
        %dma_wait3A_134 = tpu.memref_slice %arg4[%mul3A_4] : memref<320000xi32, #tpu.memory_space<hbm>> -> memref<40xi32, #tpu.memory_space<hbm>>
        %dma_wait3A_135 = tpu.memref_slice %arg4[%mul3A_4] : memref<320000xi32, #tpu.memory_space<hbm>> -> memref<40xi32, #tpu.memory_space<hbm>>
        tpu.wait_dma2 semaphore(%arg22 : memref<!tpu.dma_semaphore, #tpu.memory_space<semaphore_mem>>) src(%dma_wait3A_135 : memref<40xi32, #tpu.memory_space<hbm>>) dst(%arg9 : memref<40xi32, #tpu.memory_space<vmem>>)
        %dma_wait3A_136 = tpu.memref_slice %arg5[%mul3A_4] : memref<320000xi32, #tpu.memory_space<hbm>> -> memref<40xi32, #tpu.memory_space<hbm>>
        %dma_wait3A_137 = tpu.memref_slice %arg5[%mul3A_4] : memref<320000xi32, #tpu.memory_space<hbm>> -> memref<40xi32, #tpu.memory_space<hbm>>
        tpu.wait_dma2 semaphore(%arg24 : memref<!tpu.dma_semaphore, #tpu.memory_space<semaphore_mem>>) src(%dma_wait3A_137 : memref<40xi32, #tpu.memory_space<hbm>>) dst(%arg11 : memref<40xi32, #tpu.memory_space<vmem>>)
      } else {
      }
      %add3A_58 = arith.constant 1 : i32
      %add3A_59 = arith.addi %mul3A_40, %add3A_58 : i32
      %lt3A_60 = arith.constant 250 : i32
      %lt3A_61 = arith.cmpi slt, %add3A_59, %lt3A_60 : i32
      %convert_element_type3A_62 = arith.extui %lt3A_61 : i1 to i32
      %cond3A_63 = arith.constant 0 : i32
      %cond3A_64 = arith.cmpi ne, %convert_element_type3A_62, %cond3A_63 : i32
      scf.if %cond3A_64 {
        %dma_start3A_134 = arith.constant 0 : i32
        %dma_start3A_135 = arith.constant 0 : i32
        %dma_start3A_136 = tpu.memref_slice %arg2[%dma_start3A_134, %dma_start3A_135] : memref<10240x144xf32, #tpu.memory_space<hbm>> -> memref<10240x144xf32, #tpu.memory_space<hbm>>
        tpu.enqueue_indirect_dma source(%dma_start3A_136 : memref<10240x144xf32, #tpu.memory_space<hbm>>) target(%arg15 : memref<40x144xf32, #tpu.memory_space<vmem>>) offsets(%arg9 : memref<40xi32, #tpu.memory_space<vmem>>) semaphore(%arg28 : memref<!tpu.dma_semaphore, #tpu.memory_space<semaphore_mem>>)
        %dma_start3A_137 = arith.constant 0 : i32
        %dma_start3A_138 = arith.constant 0 : i32
        %dma_start3A_139 = tpu.memref_slice %arg3[%dma_start3A_137, %dma_start3A_138] : memref<10240x16xf32, #tpu.memory_space<hbm>> -> memref<10240x16xf32, #tpu.memory_space<hbm>>
        tpu.enqueue_indirect_dma source(%dma_start3A_139 : memref<10240x16xf32, #tpu.memory_space<hbm>>) target(%arg17 : memref<40x16xf32, #tpu.memory_space<vmem>>) offsets(%arg11 : memref<40xi32, #tpu.memory_space<vmem>>) semaphore(%arg30 : memref<!tpu.dma_semaphore, #tpu.memory_space<semaphore_mem>>)
      } else {
      }
      %parallel_loop3A = arith.constant 0 : i32
      %parallel_loop3A_65 = arith.constant 40 : i32
      %parallel_loop3A_66 = arith.constant 1 : i32
      scf.for %parallel_loop3A_134 = %parallel_loop3A to %parallel_loop3A_65 step %parallel_loop3A_66  : i32 {
        %parallel_loop3A_135 = arith.index_cast %parallel_loop3A_134 : i32 to index
        %parallel_loop3A_136 = arith.constant 128 : index
        %parallel_loop3A_137 = tpu.vector_load %arg14[%parallel_loop3A_135, %parallel_loop3A_136] {strides = array<i32>} : memref<40x144xf32, #tpu.memory_space<vmem>>, vector<1x16xf32>,
        %parallel_loop3A_138 = vector.shape_cast %parallel_loop3A_137 : vector<1x16xf32> to vector<16xf32>
        %parallel_loop3A_139 = arith.index_cast %parallel_loop3A_134 : i32 to index
        %parallel_loop3A_140 = arith.constant 0 : index
        %parallel_loop3A_141 = tpu.vector_load %arg16[%parallel_loop3A_139, %parallel_loop3A_140] {strides = array<i32>} : memref<40x16xf32, #tpu.memory_space<vmem>>, vector<1x16xf32>,
        %parallel_loop3A_142 = vector.shape_cast %parallel_loop3A_141 : vector<1x16xf32> to vector<16xf32>
        %parallel_loop3A_143 = arith.addf %parallel_loop3A_138, %parallel_loop3A_142 : vector<16xf32>
        %parallel_loop3A_144 = arith.constant 0.000000e+00 : f32
        %parallel_loop3A_145 = vector.broadcast %parallel_loop3A_144 : f32 to vector<16xf32>
        %parallel_loop3A_146 = arith.cmpf oge, %parallel_loop3A_143, %parallel_loop3A_145 : vector<16xf32>
        %parallel_loop3A_147 = arith.constant 2.000000e-01 : f32
        %parallel_loop3A_148 = vector.broadcast %parallel_loop3A_147 : f32 to vector<16xf32>
        %parallel_loop3A_149 = arith.mulf %parallel_loop3A_143, %parallel_loop3A_148 : vector<16xf32>
        %parallel_loop3A_150 = arith.select %parallel_loop3A_146, %parallel_loop3A_143, %parallel_loop3A_149 : vector<16xi1>, vector<16xf32>
        %parallel_loop3A_151 = math.exp %parallel_loop3A_150 : vector<16xf32>
        %parallel_loop3A_152 = arith.constant 1 : i32
        %parallel_loop3A_153 = vector.broadcast %parallel_loop3A_152 : i32 to vector<16xi32>
        %parallel_loop3A_154 = arith.cmpi slt, %iota3A, %parallel_loop3A_153 : vector<16xi32>
        %parallel_loop3A_155 = arith.constant 0.000000e+00 : f32
        %parallel_loop3A_156 = vector.broadcast %parallel_loop3A_155 : f32 to vector<16xf32>
        %parallel_loop3A_157 = arith.select %parallel_loop3A_154, %parallel_loop3A_151, %parallel_loop3A_156 : vector<16xi1>, vector<16xf32>
        %parallel_loop3A_158 = arith.index_cast %parallel_loop3A_134 : i32 to index
        %parallel_loop3A_159 = arith.constant 128 : index
        %parallel_loop3A_160 = tpu.vector_load %arg18[%parallel_loop3A_158, %parallel_loop3A_159] {strides = array<i32>} : memref<40x144xf32, #tpu.memory_space<vmem>>, vector<1x16xf32>,
        %parallel_loop3A_161 = vector.shape_cast %parallel_loop3A_160 : vector<1x16xf32> to vector<16xf32>
        %parallel_loop3A_162 = vector.shape_cast %parallel_loop3A_157 : vector<16xf32> to vector<1x16xf32>
        tpu.vector_store %arg18[%parallel_loop3A_158, %parallel_loop3A_159], %parallel_loop3A_162 {strides = array<i32>} : memref<40x144xf32, #tpu.memory_space<vmem>>, vector<1x16xf32>,
        %parallel_loop3A_163 = arith.constant 0 : i32
        %parallel_loop3A_164 = vector.broadcast %parallel_loop3A_163 : i32 to vector<16x1xi32>
        %parallel_loop3A_165 = vector.shape_cast %parallel_loop3A_164 : vector<16x1xi32> to vector<16xi32>
        %parallel_loop3A_166 = tpu.dynamic_gather %parallel_loop3A_157[%parallel_loop3A_165] in [0] : vector<16xf32>, vector<16xi32> -> vector<16xf32>
        %parallel_loop3A_167 = arith.index_cast %parallel_loop3A_134 : i32 to index
        %parallel_loop3A_168 = arith.constant 0 : index
        %parallel_loop3A_169 = tpu.vector_load %arg14[%parallel_loop3A_167, %parallel_loop3A_168] {strides = array<i32>} : memref<40x144xf32, #tpu.memory_space<vmem>>, vector<1x16xf32>,
        %parallel_loop3A_170 = vector.shape_cast %parallel_loop3A_169 : vector<1x16xf32> to vector<16xf32>
        %parallel_loop3A_171 = arith.mulf %parallel_loop3A_170, %parallel_loop3A_166 : vector<16xf32>
        %parallel_loop3A_172 = arith.index_cast %parallel_loop3A_134 : i32 to index
        %parallel_loop3A_173 = arith.constant 0 : index
        %parallel_loop3A_174 = tpu.vector_load %arg18[%parallel_loop3A_172, %parallel_loop3A_173] {strides = array<i32>} : memref<40x144xf32, #tpu.memory_space<vmem>>, vector<1x16xf32>,
        %parallel_loop3A_175 = vector.shape_cast %parallel_loop3A_174 : vector<1x16xf32> to vector<16xf32>
        %parallel_loop3A_176 = vector.shape_cast %parallel_loop3A_171 : vector<16xf32> to vector<1x16xf32>
        tpu.vector_store %arg18[%parallel_loop3A_172, %parallel_loop3A_173], %parallel_loop3A_176 {strides = array<i32>} : memref<40x144xf32, #tpu.memory_space<vmem>>, vector<1x16xf32>,
        %parallel_loop3A_177 = arith.index_cast %parallel_loop3A_134 : i32 to index
        %parallel_loop3A_178 = arith.constant 16 : index
        %parallel_loop3A_179 = tpu.vector_load %arg14[%parallel_loop3A_177, %parallel_loop3A_178] {strides = array<i32>} : memref<40x144xf32, #tpu.memory_space<vmem>>, vector<1x16xf32>,
        %parallel_loop3A_180 = vector.shape_cast %parallel_loop3A_179 : vector<1x16xf32> to vector<16xf32>
        %parallel_loop3A_181 = arith.mulf %parallel_loop3A_180, %parallel_loop3A_166 : vector<16xf32>
        %parallel_loop3A_182 = arith.index_cast %parallel_loop3A_134 : i32 to index
        %parallel_loop3A_183 = arith.constant 16 : index
        %parallel_loop3A_184 = tpu.vector_load %arg18[%parallel_loop3A_182, %parallel_loop3A_183] {strides = array<i32>} : memref<40x144xf32, #tpu.memory_space<vmem>>, vector<1x16xf32>,
        %parallel_loop3A_185 = vector.shape_cast %parallel_loop3A_184 : vector<1x16xf32> to vector<16xf32>
        %parallel_loop3A_186 = vector.shape_cast %parallel_loop3A_181 : vector<16xf32> to vector<1x16xf32>
        tpu.vector_store %arg18[%parallel_loop3A_182, %parallel_loop3A_183], %parallel_loop3A_186 {strides = array<i32>} : memref<40x144xf32, #tpu.memory_space<vmem>>, vector<1x16xf32>,
        %parallel_loop3A_187 = arith.index_cast %parallel_loop3A_134 : i32 to index
        %parallel_loop3A_188 = arith.constant 32 : index
        %parallel_loop3A_189 = tpu.vector_load %arg14[%parallel_loop3A_187, %parallel_loop3A_188] {strides = array<i32>} : memref<40x144xf32, #tpu.memory_space<vmem>>, vector<1x16xf32>,
        %parallel_loop3A_190 = vector.shape_cast %parallel_loop3A_189 : vector<1x16xf32> to vector<16xf32>
        %parallel_loop3A_191 = arith.mulf %parallel_loop3A_190, %parallel_loop3A_166 : vector<16xf32>
        %parallel_loop3A_192 = arith.index_cast %parallel_loop3A_134 : i32 to index
        %parallel_loop3A_193 = arith.constant 32 : index
        %parallel_loop3A_194 = tpu.vector_load %arg18[%parallel_loop3A_192, %parallel_loop3A_193] {strides = array<i32>} : memref<40x144xf32, #tpu.memory_space<vmem>>, vector<1x16xf32>,
        %parallel_loop3A_195 = vector.shape_cast %parallel_loop3A_194 : vector<1x16xf32> to vector<16xf32>
        %parallel_loop3A_196 = vector.shape_cast %parallel_loop3A_191 : vector<16xf32> to vector<1x16xf32>
        tpu.vector_store %arg18[%parallel_loop3A_192, %parallel_loop3A_193], %parallel_loop3A_196 {strides = array<i32>} : memref<40x144xf32, #tpu.memory_space<vmem>>, vector<1x16xf32>,
        %parallel_loop3A_197 = arith.index_cast %parallel_loop3A_134 : i32 to index
        %parallel_loop3A_198 = arith.constant 48 : index
        %parallel_loop3A_199 = tpu.vector_load %arg14[%parallel_loop3A_197, %parallel_loop3A_198] {strides = array<i32>} : memref<40x144xf32, #tpu.memory_space<vmem>>, vector<1x16xf32>,
        %parallel_loop3A_200 = vector.shape_cast %parallel_loop3A_199 : vector<1x16xf32> to vector<16xf32>
        %parallel_loop3A_201 = arith.mulf %parallel_loop3A_200, %parallel_loop3A_166 : vector<16xf32>
        %parallel_loop3A_202 = arith.index_cast %parallel_loop3A_134 : i32 to index
        %parallel_loop3A_203 = arith.constant 48 : index
        %parallel_loop3A_204 = tpu.vector_load %arg18[%parallel_loop3A_202, %parallel_loop3A_203] {strides = array<i32>} : memref<40x144xf32, #tpu.memory_space<vmem>>, vector<1x16xf32>,
        %parallel_loop3A_205 = vector.shape_cast %parallel_loop3A_204 : vector<1x16xf32> to vector<16xf32>
        %parallel_loop3A_206 = vector.shape_cast %parallel_loop3A_201 : vector<16xf32> to vector<1x16xf32>
        tpu.vector_store %arg18[%parallel_loop3A_202, %parallel_loop3A_203], %parallel_loop3A_206 {strides = array<i32>} : memref<40x144xf32, #tpu.memory_space<vmem>>, vector<1x16xf32>,
        %parallel_loop3A_207 = arith.index_cast %parallel_loop3A_134 : i32 to index
        %parallel_loop3A_208 = arith.constant 64 : index
        %parallel_loop3A_209 = tpu.vector_load %arg14[%parallel_loop3A_207, %parallel_loop3A_208] {strides = array<i32>} : memref<40x144xf32, #tpu.memory_space<vmem>>, vector<1x16xf32>,
        %parallel_loop3A_210 = vector.shape_cast %parallel_loop3A_209 : vector<1x16xf32> to vector<16xf32>
        %parallel_loop3A_211 = arith.mulf %parallel_loop3A_210, %parallel_loop3A_166 : vector<16xf32>
        %parallel_loop3A_212 = arith.index_cast %parallel_loop3A_134 : i32 to index
        %parallel_loop3A_213 = arith.constant 64 : index
        %parallel_loop3A_214 = tpu.vector_load %arg18[%parallel_loop3A_212, %parallel_loop3A_213] {strides = array<i32>} : memref<40x144xf32, #tpu.memory_space<vmem>>, vector<1x16xf32>,
        %parallel_loop3A_215 = vector.shape_cast %parallel_loop3A_214 : vector<1x16xf32> to vector<16xf32>
        %parallel_loop3A_216 = vector.shape_cast %parallel_loop3A_211 : vector<16xf32> to vector<1x16xf32>
        tpu.vector_store %arg18[%parallel_loop3A_212, %parallel_loop3A_213], %parallel_loop3A_216 {strides = array<i32>} : memref<40x144xf32, #tpu.memory_space<vmem>>, vector<1x16xf32>,
        %parallel_loop3A_217 = arith.index_cast %parallel_loop3A_134 : i32 to index
        %parallel_loop3A_218 = arith.constant 80 : index
        %parallel_loop3A_219 = tpu.vector_load %arg14[%parallel_loop3A_217, %parallel_loop3A_218] {strides = array<i32>} : memref<40x144xf32, #tpu.memory_space<vmem>>, vector<1x16xf32>,
        %parallel_loop3A_220 = vector.shape_cast %parallel_loop3A_219 : vector<1x16xf32> to vector<16xf32>
        %parallel_loop3A_221 = arith.mulf %parallel_loop3A_220, %parallel_loop3A_166 : vector<16xf32>
        %parallel_loop3A_222 = arith.index_cast %parallel_loop3A_134 : i32 to index
        %parallel_loop3A_223 = arith.constant 80 : index
        %parallel_loop3A_224 = tpu.vector_load %arg18[%parallel_loop3A_222, %parallel_loop3A_223] {strides = array<i32>} : memref<40x144xf32, #tpu.memory_space<vmem>>, vector<1x16xf32>,
        %parallel_loop3A_225 = vector.shape_cast %parallel_loop3A_224 : vector<1x16xf32> to vector<16xf32>
        %parallel_loop3A_226 = vector.shape_cast %parallel_loop3A_221 : vector<16xf32> to vector<1x16xf32>
        tpu.vector_store %arg18[%parallel_loop3A_222, %parallel_loop3A_223], %parallel_loop3A_226 {strides = array<i32>} : memref<40x144xf32, #tpu.memory_space<vmem>>, vector<1x16xf32>,
        %parallel_loop3A_227 = arith.index_cast %parallel_loop3A_134 : i32 to index
        %parallel_loop3A_228 = arith.constant 96 : index
        %parallel_loop3A_229 = tpu.vector_load %arg14[%parallel_loop3A_227, %parallel_loop3A_228] {strides = array<i32>} : memref<40x144xf32, #tpu.memory_space<vmem>>, vector<1x16xf32>,
        %parallel_loop3A_230 = vector.shape_cast %parallel_loop3A_229 : vector<1x16xf32> to vector<16xf32>
        %parallel_loop3A_231 = arith.mulf %parallel_loop3A_230, %parallel_loop3A_166 : vector<16xf32>
        %parallel_loop3A_232 = arith.index_cast %parallel_loop3A_134 : i32 to index
        %parallel_loop3A_233 = arith.constant 96 : index
        %parallel_loop3A_234 = tpu.vector_load %arg18[%parallel_loop3A_232, %parallel_loop3A_233] {strides = array<i32>} : memref<40x144xf32, #tpu.memory_space<vmem>>, vector<1x16xf32>,
        %parallel_loop3A_235 = vector.shape_cast %parallel_loop3A_234 : vector<1x16xf32> to vector<16xf32>
        %parallel_loop3A_236 = vector.shape_cast %parallel_loop3A_231 : vector<16xf32> to vector<1x16xf32>
        tpu.vector_store %arg18[%parallel_loop3A_232, %parallel_loop3A_233], %parallel_loop3A_236 {strides = array<i32>} : memref<40x144xf32, #tpu.memory_space<vmem>>, vector<1x16xf32>,
        %parallel_loop3A_237 = arith.index_cast %parallel_loop3A_134 : i32 to index
        %parallel_loop3A_238 = arith.constant 112 : index
        %parallel_loop3A_239 = tpu.vector_load %arg14[%parallel_loop3A_237, %parallel_loop3A_238] {strides = array<i32>} : memref<40x144xf32, #tpu.memory_space<vmem>>, vector<1x16xf32>,
        %parallel_loop3A_240 = vector.shape_cast %parallel_loop3A_239 : vector<1x16xf32> to vector<16xf32>
        %parallel_loop3A_241 = arith.mulf %parallel_loop3A_240, %parallel_loop3A_166 : vector<16xf32>
        %parallel_loop3A_242 = arith.index_cast %parallel_loop3A_134 : i32 to index
        %parallel_loop3A_243 = arith.constant 112 : index
        %parallel_loop3A_244 = tpu.vector_load %arg18[%parallel_loop3A_242, %parallel_loop3A_243] {strides = array<i32>} : memref<40x144xf32, #tpu.memory_space<vmem>>, vector<1x16xf32>,
        %parallel_loop3A_245 = vector.shape_cast %parallel_loop3A_244 : vector<1x16xf32> to vector<16xf32>
        %parallel_loop3A_246 = vector.shape_cast %parallel_loop3A_241 : vector<16xf32> to vector<1x16xf32>
        tpu.vector_store %arg18[%parallel_loop3A_242, %parallel_loop3A_243], %parallel_loop3A_246 {strides = array<i32>} : memref<40x144xf32, #tpu.memory_space<vmem>>, vector<1x16xf32>,
      } {sc.loop_unroll_factor = 4 : i64, sc.parallel_access}
      %dma_wait3A_67 = tpu.memref_slice %arg5[%mul3A_4] : memref<320000xi32, #tpu.memory_space<hbm>> -> memref<40xi32, #tpu.memory_space<hbm>>
      %dma_wait3A_68 = tpu.memref_slice %arg5[%mul3A_4] : memref<320000xi32, #tpu.memory_space<hbm>> -> memref<40xi32, #tpu.memory_space<hbm>>
      tpu.wait_dma2 semaphore(%arg25 : memref<!tpu.dma_semaphore, #tpu.memory_space<semaphore_mem>>) src(%dma_wait3A_68 : memref<40xi32, #tpu.memory_space<hbm>>) dst(%arg12 : memref<40xi32, #tpu.memory_space<vmem>>)
      %dma_start3A_69 = arith.constant 0 : i32
      %dma_start3A_70 = arith.constant 0 : i32
      %dma_start3A_71 = tpu.memref_slice %arg20[%dma_start3A_69, %dma_start3A_70] : memref<10240x144xf32, #tpu.memory_space<vmem_shared>> -> memref<10240x144xf32, #tpu.memory_space<vmem_shared>>
      tpu.enqueue_indirect_dma source(%arg18 : memref<40x144xf32, #tpu.memory_space<vmem>>) target(%dma_start3A_71 : memref<10240x144xf32, #tpu.memory_space<vmem_shared>>) offsets(%arg12 : memref<40xi32, #tpu.memory_space<vmem>>) semaphore(%arg31 : memref<!tpu.dma_semaphore, #tpu.memory_space<semaphore_mem>>) {add = true}
      %ge3A = arith.constant 1 : i32
      %ge3A_72 = arith.cmpi sge, %mul3A_40, %ge3A : i32
      %convert_element_type3A_73 = arith.extui %ge3A_72 : i1 to i32
      %cond3A_74 = arith.constant 0 : i32
      %cond3A_75 = arith.cmpi ne, %convert_element_type3A_73, %cond3A_74 : i32
      scf.if %cond3A_75 {
        %dma_wait3A_134 = arith.constant 0 : i32
        %dma_wait3A_135 = arith.constant 0 : i32
        %dma_wait3A_136 = tpu.memref_slice %arg20[%dma_wait3A_134, %dma_wait3A_135] : memref<10240x144xf32, #tpu.memory_space<vmem_shared>> -> memref<10240x144xf32, #tpu.memory_space<vmem_shared>>
        tpu.wait_indirect_dma semaphore(%arg32 : memref<!tpu.dma_semaphore, #tpu.memory_space<semaphore_mem>>) src(%arg19 : memref<40x144xf32, #tpu.memory_space<vmem>>) dst(%dma_wait3A_136 : memref<10240x144xf32, #tpu.memory_space<vmem_shared>>)
      } else {
      }
      %add3A_76 = arith.constant 1 : i32
      %add3A_77 = arith.addi %mul3A_40, %add3A_76 : i32
      %lt3A_78 = arith.constant 250 : i32
      %lt3A_79 = arith.cmpi slt, %add3A_77, %lt3A_78 : i32
      %convert_element_type3A_80 = arith.extui %lt3A_79 : i1 to i32
      %cond3A_81 = arith.constant 0 : i32
      %cond3A_82 = arith.cmpi ne, %convert_element_type3A_80, %cond3A_81 : i32
      scf.if %cond3A_82 {
        %add3A_134 = arith.constant 1 : i32
        %add3A_135 = arith.addi %mul3A_40, %add3A_134 : i32
        %mul3A_136 = arith.constant 40 : i32
        %mul3A_137 = arith.muli %add3A_135, %mul3A_136 : i32
        %add3A_138 = arith.addi %mul3A_4, %mul3A_137 : i32
        %dma_start3A_139 = tpu.memref_slice %arg5[%add3A_138] : memref<320000xi32, #tpu.memory_space<hbm>> -> memref<40xi32, #tpu.memory_space<hbm>>
        %dma_start3A_140 = tpu.memref_slice %arg5[%add3A_138] : memref<320000xi32, #tpu.memory_space<hbm>> -> memref<40xi32, #tpu.memory_space<hbm>>
        tpu.enqueue_dma source(%dma_start3A_140 : memref<40xi32, #tpu.memory_space<hbm>>) target(%arg13 : memref<40xi32, #tpu.memory_space<vmem>>) target_semaphore(%arg26 : memref<!tpu.dma_semaphore, #tpu.memory_space<semaphore_mem>>)
      } else {
      }
      %mul3A_83 = arith.constant 2 : i32
      %mul3A_84 = arith.muli %mul3A_83, %scan3A_38 : i32
      %add3A_85 = arith.constant 1 : i32
      %add3A_86 = arith.addi %mul3A_84, %add3A_85 : i32
      %dma_wait3A_87 = arith.constant 0 : i32
      %dma_wait3A_88 = arith.constant 0 : i32
      %dma_wait3A_89 = tpu.memref_slice %arg2[%dma_wait3A_87, %dma_wait3A_88] : memref<10240x144xf32, #tpu.memory_space<hbm>> -> memref<10240x144xf32, #tpu.memory_space<hbm>>
      tpu.wait_indirect_dma semaphore(%arg28 : memref<!tpu.dma_semaphore, #tpu.memory_space<semaphore_mem>>) src(%dma_wait3A_89 : memref<10240x144xf32, #tpu.memory_space<hbm>>) dst(%arg15 : memref<40x144xf32, #tpu.memory_space<vmem>>)
      %dma_wait3A_90 = arith.constant 0 : i32
      %dma_wait3A_91 = arith.constant 0 : i32
      %dma_wait3A_92 = tpu.memref_slice %arg3[%dma_wait3A_90, %dma_wait3A_91] : memref<10240x16xf32, #tpu.memory_space<hbm>> -> memref<10240x16xf32, #tpu.memory_space<hbm>>
      tpu.wait_indirect_dma semaphore(%arg30 : memref<!tpu.dma_semaphore, #tpu.memory_space<semaphore_mem>>) src(%dma_wait3A_92 : memref<10240x16xf32, #tpu.memory_space<hbm>>) dst(%arg17 : memref<40x16xf32, #tpu.memory_space<vmem>>)
      %add3A_93 = arith.constant 2 : i32
      %add3A_94 = arith.addi %add3A_86, %add3A_93 : i32
      %lt3A_95 = arith.constant 250 : i32
      %lt3A_96 = arith.cmpi slt, %add3A_94, %lt3A_95 : i32
      %convert_element_type3A_97 = arith.extui %lt3A_96 : i1 to i32
      %cond3A_98 = arith.constant 0 : i32
      %cond3A_99 = arith.cmpi ne, %convert_element_type3A_97, %cond3A_98 : i32
      scf.if %cond3A_99 {
        %add3A_134 = arith.constant 2 : i32
        %add3A_135 = arith.addi %add3A_86, %add3A_134 : i32
        %mul3A_136 = arith.constant 40 : i32
        %mul3A_137 = arith.muli %add3A_135, %mul3A_136 : i32
        %add3A_138 = arith.addi %mul3A_4, %mul3A_137 : i32
        %dma_start3A_139 = tpu.memref_slice %arg4[%add3A_138] : memref<320000xi32, #tpu.memory_space<hbm>> -> memref<40xi32, #tpu.memory_space<hbm>>
        %dma_start3A_140 = tpu.memref_slice %arg4[%add3A_138] : memref<320000xi32, #tpu.memory_space<hbm>> -> memref<40xi32, #tpu.memory_space<hbm>>
        tpu.enqueue_dma source(%dma_start3A_140 : memref<40xi32, #tpu.memory_space<hbm>>) target(%arg9 : memref<40xi32, #tpu.memory_space<vmem>>) target_semaphore(%arg22 : memref<!tpu.dma_semaphore, #tpu.memory_space<semaphore_mem>>)
        %dma_start3A_141 = tpu.memref_slice %arg5[%add3A_138] : memref<320000xi32, #tpu.memory_space<hbm>> -> memref<40xi32, #tpu.memory_space<hbm>>
        %dma_start3A_142 = tpu.memref_slice %arg5[%add3A_138] : memref<320000xi32, #tpu.memory_space<hbm>> -> memref<40xi32, #tpu.memory_space<hbm>>
        tpu.enqueue_dma source(%dma_start3A_142 : memref<40xi32, #tpu.memory_space<hbm>>) target(%arg11 : memref<40xi32, #tpu.memory_space<vmem>>) target_semaphore(%arg24 : memref<!tpu.dma_semaphore, #tpu.memory_space<semaphore_mem>>)
      } else {
      }
      %add3A_100 = arith.constant 1 : i32
      %add3A_101 = arith.addi %add3A_86, %add3A_100 : i32
      %lt3A_102 = arith.constant 250 : i32
      %lt3A_103 = arith.cmpi slt, %add3A_101, %lt3A_102 : i32
      %convert_element_type3A_104 = arith.extui %lt3A_103 : i1 to i32
      %cond3A_105 = arith.constant 0 : i32
      %cond3A_106 = arith.cmpi ne, %convert_element_type3A_104, %cond3A_105 : i32
      scf.if %cond3A_106 {
        %dma_wait3A_134 = tpu.memref_slice %arg4[%mul3A_4] : memref<320000xi32, #tpu.memory_space<hbm>> -> memref<40xi32, #tpu.memory_space<hbm>>
        %dma_wait3A_135 = tpu.memref_slice %arg4[%mul3A_4] : memref<320000xi32, #tpu.memory_space<hbm>> -> memref<40xi32, #tpu.memory_space<hbm>>
        tpu.wait_dma2 semaphore(%arg21 : memref<!tpu.dma_semaphore, #tpu.memory_space<semaphore_mem>>) src(%dma_wait3A_135 : memref<40xi32, #tpu.memory_space<hbm>>) dst(%arg8 : memref<40xi32, #tpu.memory_space<vmem>>)
        %dma_wait3A_136 = tpu.memref_slice %arg5[%mul3A_4] : memref<320000xi32, #tpu.memory_space<hbm>> -> memref<40xi32, #tpu.memory_space<hbm>>
        %dma_wait3A_137 = tpu.memref_slice %arg5[%mul3A_4] : memref<320000xi32, #tpu.memory_space<hbm>> -> memref<40xi32, #tpu.memory_space<hbm>>
        tpu.wait_dma2 semaphore(%arg23 : memref<!tpu.dma_semaphore, #tpu.memory_space<semaphore_mem>>) src(%dma_wait3A_137 : memref<40xi32, #tpu.memory_space<hbm>>) dst(%arg10 : memref<40xi32, #tpu.memory_space<vmem>>)
      } else {
      }
      %add3A_107 = arith.constant 1 : i32
      %add3A_108 = arith.addi %add3A_86, %add3A_107 : i32
      %lt3A_109 = arith.constant 250 : i32
      %lt3A_110 = arith.cmpi slt, %add3A_108, %lt3A_109 : i32
      %convert_element_type3A_111 = arith.extui %lt3A_110 : i1 to i32
      %cond3A_112 = arith.constant 0 : i32
      %cond3A_113 = arith.cmpi ne, %convert_element_type3A_111, %cond3A_112 : i32
      scf.if %cond3A_113 {
        %dma_start3A_134 = arith.constant 0 : i32
        %dma_start3A_135 = arith.constant 0 : i32
        %dma_start3A_136 = tpu.memref_slice %arg2[%dma_start3A_134, %dma_start3A_135] : memref<10240x144xf32, #tpu.memory_space<hbm>> -> memref<10240x144xf32, #tpu.memory_space<hbm>>
        tpu.enqueue_indirect_dma source(%dma_start3A_136 : memref<10240x144xf32, #tpu.memory_space<hbm>>) target(%arg14 : memref<40x144xf32, #tpu.memory_space<vmem>>) offsets(%arg8 : memref<40xi32, #tpu.memory_space<vmem>>) semaphore(%arg27 : memref<!tpu.dma_semaphore, #tpu.memory_space<semaphore_mem>>)
        %dma_start3A_137 = arith.constant 0 : i32
        %dma_start3A_138 = arith.constant 0 : i32
        %dma_start3A_139 = tpu.memref_slice %arg3[%dma_start3A_137, %dma_start3A_138] : memref<10240x16xf32, #tpu.memory_space<hbm>> -> memref<10240x16xf32, #tpu.memory_space<hbm>>
        tpu.enqueue_indirect_dma source(%dma_start3A_139 : memref<10240x16xf32, #tpu.memory_space<hbm>>) target(%arg16 : memref<40x16xf32, #tpu.memory_space<vmem>>) offsets(%arg10 : memref<40xi32, #tpu.memory_space<vmem>>) semaphore(%arg29 : memref<!tpu.dma_semaphore, #tpu.memory_space<semaphore_mem>>)
      } else {
      }
      %parallel_loop3A_114 = arith.constant 0 : i32
      %parallel_loop3A_115 = arith.constant 40 : i32
      %parallel_loop3A_116 = arith.constant 1 : i32
      scf.for %parallel_loop3A_134 = %parallel_loop3A_114 to %parallel_loop3A_115 step %parallel_loop3A_116  : i32 {
        %parallel_loop3A_135 = arith.index_cast %parallel_loop3A_134 : i32 to index
        %parallel_loop3A_136 = arith.constant 128 : index
        %parallel_loop3A_137 = tpu.vector_load %arg15[%parallel_loop3A_135, %parallel_loop3A_136] {strides = array<i32>} : memref<40x144xf32, #tpu.memory_space<vmem>>, vector<1x16xf32>,
        %parallel_loop3A_138 = vector.shape_cast %parallel_loop3A_137 : vector<1x16xf32> to vector<16xf32>
        %parallel_loop3A_139 = arith.index_cast %parallel_loop3A_134 : i32 to index
        %parallel_loop3A_140 = arith.constant 0 : index
        %parallel_loop3A_141 = tpu.vector_load %arg17[%parallel_loop3A_139, %parallel_loop3A_140] {strides = array<i32>} : memref<40x16xf32, #tpu.memory_space<vmem>>, vector<1x16xf32>,
        %parallel_loop3A_142 = vector.shape_cast %parallel_loop3A_141 : vector<1x16xf32> to vector<16xf32>
        %parallel_loop3A_143 = arith.addf %parallel_loop3A_138, %parallel_loop3A_142 : vector<16xf32>
        %parallel_loop3A_144 = arith.constant 0.000000e+00 : f32
        %parallel_loop3A_145 = vector.broadcast %parallel_loop3A_144 : f32 to vector<16xf32>
        %parallel_loop3A_146 = arith.cmpf oge, %parallel_loop3A_143, %parallel_loop3A_145 : vector<16xf32>
        %parallel_loop3A_147 = arith.constant 2.000000e-01 : f32
        %parallel_loop3A_148 = vector.broadcast %parallel_loop3A_147 : f32 to vector<16xf32>
        %parallel_loop3A_149 = arith.mulf %parallel_loop3A_143, %parallel_loop3A_148 : vector<16xf32>
        %parallel_loop3A_150 = arith.select %parallel_loop3A_146, %parallel_loop3A_143, %parallel_loop3A_149 : vector<16xi1>, vector<16xf32>
        %parallel_loop3A_151 = math.exp %parallel_loop3A_150 : vector<16xf32>
        %parallel_loop3A_152 = arith.constant 1 : i32
        %parallel_loop3A_153 = vector.broadcast %parallel_loop3A_152 : i32 to vector<16xi32>
        %parallel_loop3A_154 = arith.cmpi slt, %iota3A, %parallel_loop3A_153 : vector<16xi32>
        %parallel_loop3A_155 = arith.constant 0.000000e+00 : f32
        %parallel_loop3A_156 = vector.broadcast %parallel_loop3A_155 : f32 to vector<16xf32>
        %parallel_loop3A_157 = arith.select %parallel_loop3A_154, %parallel_loop3A_151, %parallel_loop3A_156 : vector<16xi1>, vector<16xf32>
        %parallel_loop3A_158 = arith.index_cast %parallel_loop3A_134 : i32 to index
        %parallel_loop3A_159 = arith.constant 128 : index
        %parallel_loop3A_160 = tpu.vector_load %arg19[%parallel_loop3A_158, %parallel_loop3A_159] {strides = array<i32>} : memref<40x144xf32, #tpu.memory_space<vmem>>, vector<1x16xf32>,
        %parallel_loop3A_161 = vector.shape_cast %parallel_loop3A_160 : vector<1x16xf32> to vector<16xf32>
        %parallel_loop3A_162 = vector.shape_cast %parallel_loop3A_157 : vector<16xf32> to vector<1x16xf32>
        tpu.vector_store %arg19[%parallel_loop3A_158, %parallel_loop3A_159], %parallel_loop3A_162 {strides = array<i32>} : memref<40x144xf32, #tpu.memory_space<vmem>>, vector<1x16xf32>,
        %parallel_loop3A_163 = arith.constant 0 : i32
        %parallel_loop3A_164 = vector.broadcast %parallel_loop3A_163 : i32 to vector<16x1xi32>
        %parallel_loop3A_165 = vector.shape_cast %parallel_loop3A_164 : vector<16x1xi32> to vector<16xi32>
        %parallel_loop3A_166 = tpu.dynamic_gather %parallel_loop3A_157[%parallel_loop3A_165] in [0] : vector<16xf32>, vector<16xi32> -> vector<16xf32>
        %parallel_loop3A_167 = arith.index_cast %parallel_loop3A_134 : i32 to index
        %parallel_loop3A_168 = arith.constant 0 : index
        %parallel_loop3A_169 = tpu.vector_load %arg15[%parallel_loop3A_167, %parallel_loop3A_168] {strides = array<i32>} : memref<40x144xf32, #tpu.memory_space<vmem>>, vector<1x16xf32>,
        %parallel_loop3A_170 = vector.shape_cast %parallel_loop3A_169 : vector<1x16xf32> to vector<16xf32>
        %parallel_loop3A_171 = arith.mulf %parallel_loop3A_170, %parallel_loop3A_166 : vector<16xf32>
        %parallel_loop3A_172 = arith.index_cast %parallel_loop3A_134 : i32 to index
        %parallel_loop3A_173 = arith.constant 0 : index
        %parallel_loop3A_174 = tpu.vector_load %arg19[%parallel_loop3A_172, %parallel_loop3A_173] {strides = array<i32>} : memref<40x144xf32, #tpu.memory_space<vmem>>, vector<1x16xf32>,
        %parallel_loop3A_175 = vector.shape_cast %parallel_loop3A_174 : vector<1x16xf32> to vector<16xf32>
        %parallel_loop3A_176 = vector.shape_cast %parallel_loop3A_171 : vector<16xf32> to vector<1x16xf32>
        tpu.vector_store %arg19[%parallel_loop3A_172, %parallel_loop3A_173], %parallel_loop3A_176 {strides = array<i32>} : memref<40x144xf32, #tpu.memory_space<vmem>>, vector<1x16xf32>,
        %parallel_loop3A_177 = arith.index_cast %parallel_loop3A_134 : i32 to index
        %parallel_loop3A_178 = arith.constant 16 : index
        %parallel_loop3A_179 = tpu.vector_load %arg15[%parallel_loop3A_177, %parallel_loop3A_178] {strides = array<i32>} : memref<40x144xf32, #tpu.memory_space<vmem>>, vector<1x16xf32>,
        %parallel_loop3A_180 = vector.shape_cast %parallel_loop3A_179 : vector<1x16xf32> to vector<16xf32>
        %parallel_loop3A_181 = arith.mulf %parallel_loop3A_180, %parallel_loop3A_166 : vector<16xf32>
        %parallel_loop3A_182 = arith.index_cast %parallel_loop3A_134 : i32 to index
        %parallel_loop3A_183 = arith.constant 16 : index
        %parallel_loop3A_184 = tpu.vector_load %arg19[%parallel_loop3A_182, %parallel_loop3A_183] {strides = array<i32>} : memref<40x144xf32, #tpu.memory_space<vmem>>, vector<1x16xf32>,
        %parallel_loop3A_185 = vector.shape_cast %parallel_loop3A_184 : vector<1x16xf32> to vector<16xf32>
        %parallel_loop3A_186 = vector.shape_cast %parallel_loop3A_181 : vector<16xf32> to vector<1x16xf32>
        tpu.vector_store %arg19[%parallel_loop3A_182, %parallel_loop3A_183], %parallel_loop3A_186 {strides = array<i32>} : memref<40x144xf32, #tpu.memory_space<vmem>>, vector<1x16xf32>,
        %parallel_loop3A_187 = arith.index_cast %parallel_loop3A_134 : i32 to index
        %parallel_loop3A_188 = arith.constant 32 : index
        %parallel_loop3A_189 = tpu.vector_load %arg15[%parallel_loop3A_187, %parallel_loop3A_188] {strides = array<i32>} : memref<40x144xf32, #tpu.memory_space<vmem>>, vector<1x16xf32>,
        %parallel_loop3A_190 = vector.shape_cast %parallel_loop3A_189 : vector<1x16xf32> to vector<16xf32>
        %parallel_loop3A_191 = arith.mulf %parallel_loop3A_190, %parallel_loop3A_166 : vector<16xf32>
        %parallel_loop3A_192 = arith.index_cast %parallel_loop3A_134 : i32 to index
        %parallel_loop3A_193 = arith.constant 32 : index
        %parallel_loop3A_194 = tpu.vector_load %arg19[%parallel_loop3A_192, %parallel_loop3A_193] {strides = array<i32>} : memref<40x144xf32, #tpu.memory_space<vmem>>, vector<1x16xf32>,
        %parallel_loop3A_195 = vector.shape_cast %parallel_loop3A_194 : vector<1x16xf32> to vector<16xf32>
        %parallel_loop3A_196 = vector.shape_cast %parallel_loop3A_191 : vector<16xf32> to vector<1x16xf32>
        tpu.vector_store %arg19[%parallel_loop3A_192, %parallel_loop3A_193], %parallel_loop3A_196 {strides = array<i32>} : memref<40x144xf32, #tpu.memory_space<vmem>>, vector<1x16xf32>,
        %parallel_loop3A_197 = arith.index_cast %parallel_loop3A_134 : i32 to index
        %parallel_loop3A_198 = arith.constant 48 : index
        %parallel_loop3A_199 = tpu.vector_load %arg15[%parallel_loop3A_197, %parallel_loop3A_198] {strides = array<i32>} : memref<40x144xf32, #tpu.memory_space<vmem>>, vector<1x16xf32>,
        %parallel_loop3A_200 = vector.shape_cast %parallel_loop3A_199 : vector<1x16xf32> to vector<16xf32>
        %parallel_loop3A_201 = arith.mulf %parallel_loop3A_200, %parallel_loop3A_166 : vector<16xf32>
        %parallel_loop3A_202 = arith.index_cast %parallel_loop3A_134 : i32 to index
        %parallel_loop3A_203 = arith.constant 48 : index
        %parallel_loop3A_204 = tpu.vector_load %arg19[%parallel_loop3A_202, %parallel_loop3A_203] {strides = array<i32>} : memref<40x144xf32, #tpu.memory_space<vmem>>, vector<1x16xf32>,
        %parallel_loop3A_205 = vector.shape_cast %parallel_loop3A_204 : vector<1x16xf32> to vector<16xf32>
        %parallel_loop3A_206 = vector.shape_cast %parallel_loop3A_201 : vector<16xf32> to vector<1x16xf32>
        tpu.vector_store %arg19[%parallel_loop3A_202, %parallel_loop3A_203], %parallel_loop3A_206 {strides = array<i32>} : memref<40x144xf32, #tpu.memory_space<vmem>>, vector<1x16xf32>,
        %parallel_loop3A_207 = arith.index_cast %parallel_loop3A_134 : i32 to index
        %parallel_loop3A_208 = arith.constant 64 : index
        %parallel_loop3A_209 = tpu.vector_load %arg15[%parallel_loop3A_207, %parallel_loop3A_208] {strides = array<i32>} : memref<40x144xf32, #tpu.memory_space<vmem>>, vector<1x16xf32>,
        %parallel_loop3A_210 = vector.shape_cast %parallel_loop3A_209 : vector<1x16xf32> to vector<16xf32>
        %parallel_loop3A_211 = arith.mulf %parallel_loop3A_210, %parallel_loop3A_166 : vector<16xf32>
        %parallel_loop3A_212 = arith.index_cast %parallel_loop3A_134 : i32 to index
        %parallel_loop3A_213 = arith.constant 64 : index
        %parallel_loop3A_214 = tpu.vector_load %arg19[%parallel_loop3A_212, %parallel_loop3A_213] {strides = array<i32>} : memref<40x144xf32, #tpu.memory_space<vmem>>, vector<1x16xf32>,
        %parallel_loop3A_215 = vector.shape_cast %parallel_loop3A_214 : vector<1x16xf32> to vector<16xf32>
        %parallel_loop3A_216 = vector.shape_cast %parallel_loop3A_211 : vector<16xf32> to vector<1x16xf32>
        tpu.vector_store %arg19[%parallel_loop3A_212, %parallel_loop3A_213], %parallel_loop3A_216 {strides = array<i32>} : memref<40x144xf32, #tpu.memory_space<vmem>>, vector<1x16xf32>,
        %parallel_loop3A_217 = arith.index_cast %parallel_loop3A_134 : i32 to index
        %parallel_loop3A_218 = arith.constant 80 : index
        %parallel_loop3A_219 = tpu.vector_load %arg15[%parallel_loop3A_217, %parallel_loop3A_218] {strides = array<i32>} : memref<40x144xf32, #tpu.memory_space<vmem>>, vector<1x16xf32>,
        %parallel_loop3A_220 = vector.shape_cast %parallel_loop3A_219 : vector<1x16xf32> to vector<16xf32>
        %parallel_loop3A_221 = arith.mulf %parallel_loop3A_220, %parallel_loop3A_166 : vector<16xf32>
        %parallel_loop3A_222 = arith.index_cast %parallel_loop3A_134 : i32 to index
        %parallel_loop3A_223 = arith.constant 80 : index
        %parallel_loop3A_224 = tpu.vector_load %arg19[%parallel_loop3A_222, %parallel_loop3A_223] {strides = array<i32>} : memref<40x144xf32, #tpu.memory_space<vmem>>, vector<1x16xf32>,
        %parallel_loop3A_225 = vector.shape_cast %parallel_loop3A_224 : vector<1x16xf32> to vector<16xf32>
        %parallel_loop3A_226 = vector.shape_cast %parallel_loop3A_221 : vector<16xf32> to vector<1x16xf32>
        tpu.vector_store %arg19[%parallel_loop3A_222, %parallel_loop3A_223], %parallel_loop3A_226 {strides = array<i32>} : memref<40x144xf32, #tpu.memory_space<vmem>>, vector<1x16xf32>,
        %parallel_loop3A_227 = arith.index_cast %parallel_loop3A_134 : i32 to index
        %parallel_loop3A_228 = arith.constant 96 : index
        %parallel_loop3A_229 = tpu.vector_load %arg15[%parallel_loop3A_227, %parallel_loop3A_228] {strides = array<i32>} : memref<40x144xf32, #tpu.memory_space<vmem>>, vector<1x16xf32>,
        %parallel_loop3A_230 = vector.shape_cast %parallel_loop3A_229 : vector<1x16xf32> to vector<16xf32>
        %parallel_loop3A_231 = arith.mulf %parallel_loop3A_230, %parallel_loop3A_166 : vector<16xf32>
        %parallel_loop3A_232 = arith.index_cast %parallel_loop3A_134 : i32 to index
        %parallel_loop3A_233 = arith.constant 96 : index
        %parallel_loop3A_234 = tpu.vector_load %arg19[%parallel_loop3A_232, %parallel_loop3A_233] {strides = array<i32>} : memref<40x144xf32, #tpu.memory_space<vmem>>, vector<1x16xf32>,
        %parallel_loop3A_235 = vector.shape_cast %parallel_loop3A_234 : vector<1x16xf32> to vector<16xf32>
        %parallel_loop3A_236 = vector.shape_cast %parallel_loop3A_231 : vector<16xf32> to vector<1x16xf32>
        tpu.vector_store %arg19[%parallel_loop3A_232, %parallel_loop3A_233], %parallel_loop3A_236 {strides = array<i32>} : memref<40x144xf32, #tpu.memory_space<vmem>>, vector<1x16xf32>,
        %parallel_loop3A_237 = arith.index_cast %parallel_loop3A_134 : i32 to index
        %parallel_loop3A_238 = arith.constant 112 : index
        %parallel_loop3A_239 = tpu.vector_load %arg15[%parallel_loop3A_237, %parallel_loop3A_238] {strides = array<i32>} : memref<40x144xf32, #tpu.memory_space<vmem>>, vector<1x16xf32>,
        %parallel_loop3A_240 = vector.shape_cast %parallel_loop3A_239 : vector<1x16xf32> to vector<16xf32>
        %parallel_loop3A_241 = arith.mulf %parallel_loop3A_240, %parallel_loop3A_166 : vector<16xf32>
        %parallel_loop3A_242 = arith.index_cast %parallel_loop3A_134 : i32 to index
        %parallel_loop3A_243 = arith.constant 112 : index
        %parallel_loop3A_244 = tpu.vector_load %arg19[%parallel_loop3A_242, %parallel_loop3A_243] {strides = array<i32>} : memref<40x144xf32, #tpu.memory_space<vmem>>, vector<1x16xf32>,
        %parallel_loop3A_245 = vector.shape_cast %parallel_loop3A_244 : vector<1x16xf32> to vector<16xf32>
        %parallel_loop3A_246 = vector.shape_cast %parallel_loop3A_241 : vector<16xf32> to vector<1x16xf32>
        tpu.vector_store %arg19[%parallel_loop3A_242, %parallel_loop3A_243], %parallel_loop3A_246 {strides = array<i32>} : memref<40x144xf32, #tpu.memory_space<vmem>>, vector<1x16xf32>,
      } {sc.loop_unroll_factor = 4 : i64, sc.parallel_access}
      %dma_wait3A_117 = tpu.memref_slice %arg5[%mul3A_4] : memref<320000xi32, #tpu.memory_space<hbm>> -> memref<40xi32, #tpu.memory_space<hbm>>
      %dma_wait3A_118 = tpu.memref_slice %arg5[%mul3A_4] : memref<320000xi32, #tpu.memory_space<hbm>> -> memref<40xi32, #tpu.memory_space<hbm>>
      tpu.wait_dma2 semaphore(%arg26 : memref<!tpu.dma_semaphore, #tpu.memory_space<semaphore_mem>>) src(%dma_wait3A_118 : memref<40xi32, #tpu.memory_space<hbm>>) dst(%arg13 : memref<40xi32, #tpu.memory_space<vmem>>)
      %dma_start3A_119 = arith.constant 0 : i32
      %dma_start3A_120 = arith.constant 0 : i32
      %dma_start3A_121 = tpu.memref_slice %arg20[%dma_start3A_119, %dma_start3A_120] : memref<10240x144xf32, #tpu.memory_space<vmem_shared>> -> memref<10240x144xf32, #tpu.memory_space<vmem_shared>>
      tpu.enqueue_indirect_dma source(%arg19 : memref<40x144xf32, #tpu.memory_space<vmem>>) target(%dma_start3A_121 : memref<10240x144xf32, #tpu.memory_space<vmem_shared>>) offsets(%arg13 : memref<40xi32, #tpu.memory_space<vmem>>) semaphore(%arg32 : memref<!tpu.dma_semaphore, #tpu.memory_space<semaphore_mem>>) {add = true}
      %ge3A_122 = arith.constant 1 : i32
      %ge3A_123 = arith.cmpi sge, %add3A_86, %ge3A_122 : i32
      %convert_element_type3A_124 = arith.extui %ge3A_123 : i1 to i32
      %cond3A_125 = arith.constant 0 : i32
      %cond3A_126 = arith.cmpi ne, %convert_element_type3A_124, %cond3A_125 : i32
      scf.if %cond3A_126 {
        %dma_wait3A_134 = arith.constant 0 : i32
        %dma_wait3A_135 = arith.constant 0 : i32
        %dma_wait3A_136 = tpu.memref_slice %arg20[%dma_wait3A_134, %dma_wait3A_135] : memref<10240x144xf32, #tpu.memory_space<vmem_shared>> -> memref<10240x144xf32, #tpu.memory_space<vmem_shared>>
        tpu.wait_indirect_dma semaphore(%arg31 : memref<!tpu.dma_semaphore, #tpu.memory_space<semaphore_mem>>) src(%arg18 : memref<40x144xf32, #tpu.memory_space<vmem>>) dst(%dma_wait3A_136 : memref<10240x144xf32, #tpu.memory_space<vmem_shared>>)
      } else {
      }
      %add3A_127 = arith.constant 1 : i32
      %add3A_128 = arith.addi %add3A_86, %add3A_127 : i32
      %lt3A_129 = arith.constant 250 : i32
      %lt3A_130 = arith.cmpi slt, %add3A_128, %lt3A_129 : i32
      %convert_element_type3A_131 = arith.extui %lt3A_130 : i1 to i32
      %cond3A_132 = arith.constant 0 : i32
      %cond3A_133 = arith.cmpi ne, %convert_element_type3A_131, %cond3A_132 : i32
      scf.if %cond3A_133 {
        %add3A_134 = arith.constant 1 : i32
        %add3A_135 = arith.addi %add3A_86, %add3A_134 : i32
        %mul3A_136 = arith.constant 40 : i32
        %mul3A_137 = arith.muli %add3A_135, %mul3A_136 : i32
        %add3A_138 = arith.addi %mul3A_4, %mul3A_137 : i32
        %dma_start3A_139 = tpu.memref_slice %arg5[%add3A_138] : memref<320000xi32, #tpu.memory_space<hbm>> -> memref<40xi32, #tpu.memory_space<hbm>>
        %dma_start3A_140 = tpu.memref_slice %arg5[%add3A_138] : memref<320000xi32, #tpu.memory_space<hbm>> -> memref<40xi32, #tpu.memory_space<hbm>>
        tpu.enqueue_dma source(%dma_start3A_140 : memref<40xi32, #tpu.memory_space<hbm>>) target(%arg12 : memref<40xi32, #tpu.memory_space<vmem>>) target_semaphore(%arg25 : memref<!tpu.dma_semaphore, #tpu.memory_space<semaphore_mem>>)
      } else {
      }
    }
    %scan3A_33 = arith.constant 125 : i32
    %dma_wait3A_34 = arith.constant 0 : i32
    %dma_wait3A_35 = arith.constant 0 : i32
    %dma_wait3A_36 = tpu.memref_slice %arg20[%dma_wait3A_34, %dma_wait3A_35] : memref<10240x144xf32, #tpu.memory_space<vmem_shared>> -> memref<10240x144xf32, #tpu.memory_space<vmem_shared>>
    tpu.wait_indirect_dma semaphore(%arg32 : memref<!tpu.dma_semaphore, #tpu.memory_space<semaphore_mem>>) src(%arg19 : memref<40x144xf32, #tpu.memory_space<vmem>>) dst(%dma_wait3A_36 : memref<10240x144xf32, #tpu.memory_space<vmem_shared>>)
    %barrier3A_37 = arith.constant 0 : index
    tpu.barrier barrier_id(%barrier3A_37)
    "tpu.region"() ({
      %run_scoped3A = tpu.sem_alloc : memref<!tpu.dma_semaphore, #tpu.memory_space<semaphore_mem>>
      %dma_start3A_38 = arith.constant 0 : i32
      %dma_start3A_39 = tpu.memref_slice %arg7[%arg0, %mul3A_0, %dma_start3A_38] : memref<2x10240x144xf32, #tpu.memory_space<hbm>> -> memref<1x640x144xf32, #tpu.memory_space<hbm>>
      %dma_start3A_40 = tpu.memref_squeeze %dma_start3A_39 : memref<1x640x144xf32, #tpu.memory_space<hbm>> -> memref<640x144xf32, #tpu.memory_space<hbm>>
      %dma_start3A_41 = arith.constant 0 : i32
      %dma_start3A_42 = tpu.memref_slice %arg20[%mul3A_0, %dma_start3A_41] : memref<10240x144xf32, #tpu.memory_space<vmem_shared>> -> memref<640x144xf32, #tpu.memory_space<vmem_shared>>
      tpu.enqueue_dma source(%dma_start3A_42 : memref<640x144xf32, #tpu.memory_space<vmem_shared>>) target(%dma_start3A_40 : memref<640x144xf32, #tpu.memory_space<hbm>>) target_semaphore(%run_scoped3A : memref<!tpu.dma_semaphore, #tpu.memory_space<semaphore_mem>>)
      %dma_wait3A_43 = arith.constant 0 : i32
      %dma_wait3A_44 = tpu.memref_slice %arg7[%arg0, %mul3A_0, %dma_wait3A_43] : memref<2x10240x144xf32, #tpu.memory_space<hbm>> -> memref<1x640x144xf32, #tpu.memory_space<hbm>>
      %dma_wait3A_45 = tpu.memref_squeeze %dma_wait3A_44 : memref<1x640x144xf32, #tpu.memory_space<hbm>> -> memref<640x144xf32, #tpu.memory_space<hbm>>
      %dma_wait3A_46 = arith.constant 0 : i32
      %dma_wait3A_47 = tpu.memref_slice %arg20[%mul3A_0, %dma_wait3A_46] : memref<10240x144xf32, #tpu.memory_space<vmem_shared>> -> memref<640x144xf32, #tpu.memory_space<vmem_shared>>
      tpu.wait_dma2 semaphore(%run_scoped3A : memref<!tpu.dma_semaphore, #tpu.memory_space<semaphore_mem>>) src(%dma_wait3A_47 : memref<640x144xf32, #tpu.memory_space<vmem_shared>>) dst(%dma_wait3A_45 : memref<640x144xf32, #tpu.memory_space<hbm>>)
      tpu.yield
    }) : () -> ()
    return
  }
}

module attributes {stable_mosaic.version = 14 : i64} {
  func.func @_prep1_body(%arg0: i32, %arg1: memref<1024x128xf32, #tpu.memory_space<vmem>>, %arg2: memref<128x128xf32, #tpu.memory_space<vmem>>, %arg3: memref<1x128xf32, #tpu.memory_space<vmem>>, %arg4: memref<1x128xf32, #tpu.memory_space<vmem>>, %arg5: memref<1024x144xf32, #tpu.memory_space<vmem>>, %arg6: memref<1024x16xf32, #tpu.memory_space<vmem>>) attributes {dimension_semantics = [#tpu.dimension_semantics<arbitrary>], iteration_bounds = array<i64: 10>, scalar_prefetch = 0 : i64, scratch_operands = 0 : i64, tpu.core_type = #tpu.core_type<tc>, window_params = [{transform_indices = @transform_0, window_bounds = array<i64: 1024, 128>}, {pipeline_mode = #tpu.pipeline_mode<synchronous>, transform_indices = @transform_1, window_bounds = array<i64: 128, 128>}, {pipeline_mode = #tpu.pipeline_mode<synchronous>, transform_indices = @transform_2, window_bounds = array<i64: 1, 128>}, {pipeline_mode = #tpu.pipeline_mode<synchronous>, transform_indices = @transform_3, window_bounds = array<i64: 1, 128>}, {transform_indices = @transform_4, window_bounds = array<i64: 1024, 144>}, {transform_indices = @transform_5, window_bounds = array<i64: 1024, 16>}]} {
    %get3A = arith.constant 0 : index
    %get3A_0 = arith.constant 0 : index
    %get3A_1 = vector.load %arg1[%get3A, %get3A_0] : memref<1024x128xf32, #tpu.memory_space<vmem>>, vector<1024x128xf32>
    %get3A_2 = arith.constant 0 : index
    %get3A_3 = arith.constant 0 : index
    %get3A_4 = vector.load %arg2[%get3A_2, %get3A_3] : memref<128x128xf32, #tpu.memory_space<vmem>>, vector<128x128xf32>
    %dot_general3A = arith.constant dense<0.000000e+00> : vector<1024x128xf32>
    %dot_general3A_5 = tpu.matmul %get3A_1, %get3A_4, %dot_general3A {dimension_numbers = #tpu.dot_dimension_numbers<[1], [0], [0], [1], [0, 0, 1, 1], [], []>, transpose_lhs_hint = false} : vector<1024x128xf32>, vector<128x128xf32>, vector<1024x128xf32> -> vector<1024x128xf32>
    %iota3A = tpu.iota {dimensions = array<i32: 0>} : vector<128x8xi32>
    %iota3A_6 = tpu.iota {dimensions = array<i32: 1>} : vector<128x8xi32>
    %jit3A = arith.constant 16 : i32
    %div3A = vector.broadcast %jit3A : i32 to vector<128x8xi32>
    %div3A_7 = arith.divsi %iota3A, %div3A : vector<128x8xi32>
    %sign3A = arith.constant 0 : i32
    %sign3A_8 = vector.broadcast %sign3A : i32 to vector<128x8xi32>
    %sign3A_9 = arith.cmpi sgt, %iota3A, %sign3A_8 : vector<128x8xi32>
    %sign3A_10 = arith.extui %sign3A_9 : vector<128x8xi1> to vector<128x8xi32>
    %sign3A_11 = arith.constant 0 : i32
    %sign3A_12 = vector.broadcast %sign3A_11 : i32 to vector<128x8xi32>
    %sign3A_13 = arith.cmpi slt, %iota3A, %sign3A_12 : vector<128x8xi32>
    %sign3A_14 = arith.extui %sign3A_13 : vector<128x8xi1> to vector<128x8xi32>
    %sign3A_15 = arith.subi %sign3A_10, %sign3A_14 : vector<128x8xi32>
    %sign3A_16 = arith.constant 0 : i32
    %sign3A_17 = arith.cmpi sgt, %jit3A, %sign3A_16 : i32
    %sign3A_18 = arith.extui %sign3A_17 : i1 to i32
    %sign3A_19 = arith.constant 0 : i32
    %sign3A_20 = arith.cmpi slt, %jit3A, %sign3A_19 : i32
    %sign3A_21 = arith.extui %sign3A_20 : i1 to i32
    %sign3A_22 = arith.subi %sign3A_18, %sign3A_21 : i32
    %ne3A = vector.broadcast %sign3A_22 : i32 to vector<128x8xi32>
    %ne3A_23 = arith.cmpi ne, %sign3A_15, %ne3A : vector<128x8xi32>
    %rem3A = vector.broadcast %jit3A : i32 to vector<128x8xi32>
    %rem3A_24 = arith.remsi %iota3A, %rem3A : vector<128x8xi32>
    %ne3A_25 = arith.constant 0 : i32
    %ne3A_26 = vector.broadcast %ne3A_25 : i32 to vector<128x8xi32>
    %ne3A_27 = arith.cmpi ne, %rem3A_24, %ne3A_26 : vector<128x8xi32>
    %and3A = arith.andi %ne3A_23, %ne3A_27 : vector<128x8xi1>
    %sub3A = arith.constant 1 : i32
    %sub3A_28 = vector.broadcast %sub3A : i32 to vector<128x8xi32>
    %sub3A_29 = arith.subi %div3A_7, %sub3A_28 : vector<128x8xi32>
    %select_n3A = arith.select %and3A, %sub3A_29, %div3A_7 : vector<128x8xi1>, vector<128x8xi32>
    %eq3A = arith.cmpi eq, %select_n3A, %iota3A_6 : vector<128x8xi32>
    %jit3A_30 = arith.constant 1.000000e+00 : f32
    %jit3A_31 = arith.constant 0.000000e+00 : f32
    %broadcast_in_dim3A = vector.broadcast %jit3A_30 : f32 to vector<128x8xf32>
    %broadcast_in_dim3A_32 = vector.broadcast %jit3A_31 : f32 to vector<128x8xf32>
    %select_n3A_33 = arith.select %eq3A, %broadcast_in_dim3A, %broadcast_in_dim3A_32 : vector<128x8xi1>, vector<128x8xf32>
    %get3A_34 = arith.constant 0 : index
    %get3A_35 = arith.constant 0 : index
    %get3A_36 = vector.load %arg3[%get3A_34, %get3A_35] : memref<1x128xf32, #tpu.memory_space<vmem>>, vector<1x128xf32>
    %mul3A = vector.broadcast %get3A_36 : vector<1x128xf32> to vector<1024x128xf32>
    %mul3A_37 = arith.mulf %dot_general3A_5, %mul3A : vector<1024x128xf32>
    %dot_general3A_38 = arith.constant dense<0.000000e+00> : vector<1024x8xf32>
    %dot_general3A_39 = tpu.matmul %mul3A_37, %select_n3A_33, %dot_general3A_38 {dimension_numbers = #tpu.dot_dimension_numbers<[1], [0], [0], [1], [0, 0, 1, 1], [], []>, transpose_lhs_hint = false} : vector<1024x128xf32>, vector<128x8xf32>, vector<1024x8xf32> -> vector<1024x8xf32>
    %get3A_40 = arith.constant 0 : index
    %get3A_41 = arith.constant 0 : index
    %get3A_42 = vector.load %arg4[%get3A_40, %get3A_41] : memref<1x128xf32, #tpu.memory_space<vmem>>, vector<1x128xf32>
    %mul3A_43 = vector.broadcast %get3A_42 : vector<1x128xf32> to vector<1024x128xf32>
    %mul3A_44 = arith.mulf %dot_general3A_5, %mul3A_43 : vector<1024x128xf32>
    %dot_general3A_45 = arith.constant dense<0.000000e+00> : vector<1024x8xf32>
    %dot_general3A_46 = tpu.matmul %mul3A_44, %select_n3A_33, %dot_general3A_45 {dimension_numbers = #tpu.dot_dimension_numbers<[1], [0], [0], [1], [0, 0, 1, 1], [], []>, transpose_lhs_hint = false} : vector<1024x128xf32>, vector<128x8xf32>, vector<1024x8xf32> -> vector<1024x8xf32>
    %broadcast_in_dim3A_47 = arith.constant 0.000000e+00 : f32
    %broadcast_in_dim3A_48 = vector.broadcast %broadcast_in_dim3A_47 : f32 to vector<1024x8xf32>
    %broadcast_in_dim3A_49 = arith.constant 0.000000e+00 : f32
    %broadcast_in_dim3A_50 = vector.broadcast %broadcast_in_dim3A_49 : f32 to vector<1024x8xf32>
    %concatenate3A = tpu.concatenate %dot_general3A_5, %dot_general3A_39, %broadcast_in_dim3A_48 in 1 : vector<1024x128xf32>, vector<1024x8xf32>, vector<1024x8xf32> -> vector<1024x144xf32>
    %swap3A = arith.constant 0 : index
    %swap3A_51 = arith.constant 0 : index
    %swap3A_52 = vector.load %arg5[%swap3A, %swap3A_51] : memref<1024x144xf32, #tpu.memory_space<vmem>>, vector<1024x144xf32>
    tpu.vector_store %arg5[%swap3A, %swap3A_51], %concatenate3A {strides = array<i32>} : memref<1024x144xf32, #tpu.memory_space<vmem>>, vector<1024x144xf32>,
    %concatenate3A_53 = tpu.concatenate %dot_general3A_46, %broadcast_in_dim3A_50 in 1 : vector<1024x8xf32>, vector<1024x8xf32> -> vector<1024x16xf32>
    %swap3A_54 = arith.constant 0 : index
    %swap3A_55 = arith.constant 0 : index
    %swap3A_56 = vector.load %arg6[%swap3A_54, %swap3A_55] : memref<1024x16xf32, #tpu.memory_space<vmem>>, vector<1024x16xf32>
    tpu.vector_store %arg6[%swap3A_54, %swap3A_55], %concatenate3A_53 {strides = array<i32>} : memref<1024x16xf32, #tpu.memory_space<vmem>>, vector<1024x16xf32>,
    return
  }
  func.func @transform_0(%arg0: i32) -> (i32, i32) {
    %c0_i32 = arith.constant 0 : i32
    %c0_i32_0 = arith.constant 0 : i32
    return %arg0, %c0_i32 : i32, i32
  }
  func.func @transform_1(%arg0: i32) -> (i32, i32) {
    %c0_i32 = arith.constant 0 : i32
    %c0_i32_0 = arith.constant 0 : i32
    %c0_i32_1 = arith.constant 0 : i32
    return %c0_i32, %c0_i32_0 : i32, i32
  }
  func.func @transform_2(%arg0: i32) -> (i32, i32) {
    %c0_i32 = arith.constant 0 : i32
    %c0_i32_0 = arith.constant 0 : i32
    %c0_i32_1 = arith.constant 0 : i32
    return %c0_i32, %c0_i32_0 : i32, i32
  }
  func.func @transform_3(%arg0: i32) -> (i32, i32) {
    %c0_i32 = arith.constant 0 : i32
    %c0_i32_0 = arith.constant 0 : i32
    %c0_i32_1 = arith.constant 0 : i32
    return %c0_i32, %c0_i32_0 : i32, i32
  }
  func.func @transform_4(%arg0: i32) -> (i32, i32) {
    %c0_i32 = arith.constant 0 : i32
    %c0_i32_0 = arith.constant 0 : i32
    return %arg0, %c0_i32 : i32, i32
  }
  func.func @transform_5(%arg0: i32) -> (i32, i32) {
    %c0_i32 = arith.constant 0 : i32
    %c0_i32_0 = arith.constant 0 : i32
    return %arg0, %c0_i32 : i32, i32
  }
}

module attributes {stable_mosaic.version = 14 : i64} {
  func.func @_mid_body(%arg0: i32, %arg1: memref<2x1024x144xf32, #tpu.memory_space<vmem>>, %arg2: memref<1x128xf32, #tpu.memory_space<vmem>>, %arg3: memref<128x128xf32, #tpu.memory_space<vmem>>, %arg4: memref<1x128xf32, #tpu.memory_space<vmem>>, %arg5: memref<1x128xf32, #tpu.memory_space<vmem>>, %arg6: memref<1024x144xf32, #tpu.memory_space<vmem>>, %arg7: memref<1024x16xf32, #tpu.memory_space<vmem>>) attributes {dimension_semantics = [#tpu.dimension_semantics<arbitrary>], iteration_bounds = array<i64: 10>, scalar_prefetch = 0 : i64, scratch_operands = 0 : i64, tpu.core_type = #tpu.core_type<tc>, window_params = [{transform_indices = @transform_0, window_bounds = array<i64: 2, 1024, 144>}, {pipeline_mode = #tpu.pipeline_mode<synchronous>, transform_indices = @transform_1, window_bounds = array<i64: 1, 128>}, {pipeline_mode = #tpu.pipeline_mode<synchronous>, transform_indices = @transform_2, window_bounds = array<i64: 128, 128>}, {pipeline_mode = #tpu.pipeline_mode<synchronous>, transform_indices = @transform_3, window_bounds = array<i64: 1, 128>}, {pipeline_mode = #tpu.pipeline_mode<synchronous>, transform_indices = @transform_4, window_bounds = array<i64: 1, 128>}, {transform_indices = @transform_5, window_bounds = array<i64: 1024, 144>}, {transform_indices = @transform_6, window_bounds = array<i64: 1024, 16>}]} {
    %get3A = arith.constant 0 : index
    %get3A_0 = arith.constant 0 : index
    %get3A_1 = arith.constant 0 : index
    %get3A_2 = vector.load %arg1[%get3A, %get3A_0, %get3A_1] : memref<2x1024x144xf32, #tpu.memory_space<vmem>>, vector<1x1024x144xf32>
    %get3A_3 = vector.shape_cast %get3A_2 : vector<1x1024x144xf32> to vector<1024x144xf32>
    %get3A_4 = arith.constant 1 : index
    %get3A_5 = arith.constant 0 : index
    %get3A_6 = arith.constant 0 : index
    %get3A_7 = vector.load %arg1[%get3A_4, %get3A_5, %get3A_6] : memref<2x1024x144xf32, #tpu.memory_space<vmem>>, vector<1x1024x144xf32>
    %get3A_8 = vector.shape_cast %get3A_7 : vector<1x1024x144xf32> to vector<1024x144xf32>
    %add3A = arith.addf %get3A_3, %get3A_8 : vector<1024x144xf32>
    %slice3A = vector.extract_strided_slice %add3A {offsets = [0, 0], sizes = [1024, 128], strides = [1, 1]} : vector<1024x144xf32> to vector<1024x128xf32>
    %slice3A_9 = vector.extract_strided_slice %add3A {offsets = [0, 128], sizes = [1024, 8], strides = [1, 1]} : vector<1024x144xf32> to vector<1024x8xf32>
    %add3A_10 = arith.constant 1.000000e-16 : f32
    %add3A_11 = vector.broadcast %add3A_10 : f32 to vector<1024x8xf32>
    %add3A_12 = arith.addf %slice3A_9, %add3A_11 : vector<1024x8xf32>
    %div3A = arith.constant 1.000000e+00 : f32
    %div3A_13 = vector.broadcast %div3A : f32 to vector<1024x8xf32>
    %div3A_14 = arith.divf %div3A_13, %add3A_12 : vector<1024x8xf32>
    %iota3A = tpu.iota {dimensions = array<i32: 0>} : vector<8x128xi32>
    %iota3A_15 = tpu.iota {dimensions = array<i32: 1>} : vector<8x128xi32>
    %jit3A = arith.constant 16 : i32
    %div3A_16 = vector.broadcast %jit3A : i32 to vector<8x128xi32>
    %div3A_17 = arith.divsi %iota3A_15, %div3A_16 : vector<8x128xi32>
    %sign3A = arith.constant 0 : i32
    %sign3A_18 = vector.broadcast %sign3A : i32 to vector<8x128xi32>
    %sign3A_19 = arith.cmpi sgt, %iota3A_15, %sign3A_18 : vector<8x128xi32>
    %sign3A_20 = arith.extui %sign3A_19 : vector<8x128xi1> to vector<8x128xi32>
    %sign3A_21 = arith.constant 0 : i32
    %sign3A_22 = vector.broadcast %sign3A_21 : i32 to vector<8x128xi32>
    %sign3A_23 = arith.cmpi slt, %iota3A_15, %sign3A_22 : vector<8x128xi32>
    %sign3A_24 = arith.extui %sign3A_23 : vector<8x128xi1> to vector<8x128xi32>
    %sign3A_25 = arith.subi %sign3A_20, %sign3A_24 : vector<8x128xi32>
    %sign3A_26 = arith.constant 0 : i32
    %sign3A_27 = arith.cmpi sgt, %jit3A, %sign3A_26 : i32
    %sign3A_28 = arith.extui %sign3A_27 : i1 to i32
    %sign3A_29 = arith.constant 0 : i32
    %sign3A_30 = arith.cmpi slt, %jit3A, %sign3A_29 : i32
    %sign3A_31 = arith.extui %sign3A_30 : i1 to i32
    %sign3A_32 = arith.subi %sign3A_28, %sign3A_31 : i32
    %ne3A = vector.broadcast %sign3A_32 : i32 to vector<8x128xi32>
    %ne3A_33 = arith.cmpi ne, %sign3A_25, %ne3A : vector<8x128xi32>
    %rem3A = vector.broadcast %jit3A : i32 to vector<8x128xi32>
    %rem3A_34 = arith.remsi %iota3A_15, %rem3A : vector<8x128xi32>
    %ne3A_35 = arith.constant 0 : i32
    %ne3A_36 = vector.broadcast %ne3A_35 : i32 to vector<8x128xi32>
    %ne3A_37 = arith.cmpi ne, %rem3A_34, %ne3A_36 : vector<8x128xi32>
    %and3A = arith.andi %ne3A_33, %ne3A_37 : vector<8x128xi1>
    %sub3A = arith.constant 1 : i32
    %sub3A_38 = vector.broadcast %sub3A : i32 to vector<8x128xi32>
    %sub3A_39 = arith.subi %div3A_17, %sub3A_38 : vector<8x128xi32>
    %select_n3A = arith.select %and3A, %sub3A_39, %div3A_17 : vector<8x128xi1>, vector<8x128xi32>
    %eq3A = arith.cmpi eq, %select_n3A, %iota3A : vector<8x128xi32>
    %jit3A_40 = arith.constant 1.000000e+00 : f32
    %jit3A_41 = arith.constant 0.000000e+00 : f32
    %broadcast_in_dim3A = vector.broadcast %jit3A_40 : f32 to vector<8x128xf32>
    %broadcast_in_dim3A_42 = vector.broadcast %jit3A_41 : f32 to vector<8x128xf32>
    %select_n3A_43 = arith.select %eq3A, %broadcast_in_dim3A, %broadcast_in_dim3A_42 : vector<8x128xi1>, vector<8x128xf32>
    %dot_general3A = arith.constant dense<0.000000e+00> : vector<1024x128xf32>
    %dot_general3A_44 = tpu.matmul %div3A_14, %select_n3A_43, %dot_general3A {dimension_numbers = #tpu.dot_dimension_numbers<[1], [0], [0], [1], [0, 0, 1, 1], [], []>, transpose_lhs_hint = false} : vector<1024x8xf32>, vector<8x128xf32>, vector<1024x128xf32> -> vector<1024x128xf32>
    %mul3A = arith.mulf %slice3A, %dot_general3A_44 : vector<1024x128xf32>
    %get3A_45 = arith.constant 0 : index
    %get3A_46 = arith.constant 0 : index
    %get3A_47 = vector.load %arg2[%get3A_45, %get3A_46] : memref<1x128xf32, #tpu.memory_space<vmem>>, vector<1x128xf32>
    %add3A_48 = vector.broadcast %get3A_47 : vector<1x128xf32> to vector<1024x128xf32>
    %add3A_49 = arith.addf %mul3A, %add3A_48 : vector<1024x128xf32>
    %get3A_50 = arith.constant 0 : index
    %get3A_51 = arith.constant 0 : index
    %get3A_52 = vector.load %arg3[%get3A_50, %get3A_51] : memref<128x128xf32, #tpu.memory_space<vmem>>, vector<128x128xf32>
    %dot_general3A_53 = arith.constant dense<0.000000e+00> : vector<1024x128xf32>
    %dot_general3A_54 = tpu.matmul %add3A_49, %get3A_52, %dot_general3A_53 {dimension_numbers = #tpu.dot_dimension_numbers<[1], [0], [0], [1], [0, 0, 1, 1], [], []>, transpose_lhs_hint = false} : vector<1024x128xf32>, vector<128x128xf32>, vector<1024x128xf32> -> vector<1024x128xf32>
    %get3A_55 = arith.constant 0 : index
    %get3A_56 = arith.constant 0 : index
    %get3A_57 = vector.load %arg4[%get3A_55, %get3A_56] : memref<1x128xf32, #tpu.memory_space<vmem>>, vector<1x128xf32>
    %mul3A_58 = vector.broadcast %get3A_57 : vector<1x128xf32> to vector<1024x128xf32>
    %mul3A_59 = arith.mulf %dot_general3A_54, %mul3A_58 : vector<1024x128xf32>
    %reduce_sum3A = arith.constant dense<0.000000e+00> : vector<1024xf32>
    %reduce_sum3A_60 = vector.multi_reduction <add>, %mul3A_59, %reduce_sum3A [1] : vector<1024x128xf32> to vector<1024xf32>
    %broadcast_in_dim3A_61 = vector.shape_cast %reduce_sum3A_60 : vector<1024xf32> to vector<1024x1xf32>
    %get3A_62 = arith.constant 0 : index
    %get3A_63 = arith.constant 0 : index
    %get3A_64 = vector.load %arg5[%get3A_62, %get3A_63] : memref<1x128xf32, #tpu.memory_space<vmem>>, vector<1x128xf32>
    %mul3A_65 = vector.broadcast %get3A_64 : vector<1x128xf32> to vector<1024x128xf32>
    %mul3A_66 = arith.mulf %dot_general3A_54, %mul3A_65 : vector<1024x128xf32>
    %reduce_sum3A_67 = arith.constant dense<0.000000e+00> : vector<1024xf32>
    %reduce_sum3A_68 = vector.multi_reduction <add>, %mul3A_66, %reduce_sum3A_67 [1] : vector<1024x128xf32> to vector<1024xf32>
    %broadcast_in_dim3A_69 = vector.shape_cast %reduce_sum3A_68 : vector<1024xf32> to vector<1024x1xf32>
    %broadcast_in_dim3A_70 = arith.constant 0.000000e+00 : f32
    %broadcast_in_dim3A_71 = vector.broadcast %broadcast_in_dim3A_70 : f32 to vector<1024x15xf32>
    %broadcast_in_dim3A_72 = arith.constant 0.000000e+00 : f32
    %broadcast_in_dim3A_73 = vector.broadcast %broadcast_in_dim3A_72 : f32 to vector<1024x15xf32>
    %concatenate3A = tpu.concatenate %dot_general3A_54, %broadcast_in_dim3A_61, %broadcast_in_dim3A_71 in 1 : vector<1024x128xf32>, vector<1024x1xf32>, vector<1024x15xf32> -> vector<1024x144xf32>
    %swap3A = arith.constant 0 : index
    %swap3A_74 = arith.constant 0 : index
    %swap3A_75 = vector.load %arg6[%swap3A, %swap3A_74] : memref<1024x144xf32, #tpu.memory_space<vmem>>, vector<1024x144xf32>
    tpu.vector_store %arg6[%swap3A, %swap3A_74], %concatenate3A {strides = array<i32>} : memref<1024x144xf32, #tpu.memory_space<vmem>>, vector<1024x144xf32>,
    %concatenate3A_76 = tpu.concatenate %broadcast_in_dim3A_69, %broadcast_in_dim3A_73 in 1 : vector<1024x1xf32>, vector<1024x15xf32> -> vector<1024x16xf32>
    %swap3A_77 = arith.constant 0 : index
    %swap3A_78 = arith.constant 0 : index
    %swap3A_79 = vector.load %arg7[%swap3A_77, %swap3A_78] : memref<1024x16xf32, #tpu.memory_space<vmem>>, vector<1024x16xf32>
    tpu.vector_store %arg7[%swap3A_77, %swap3A_78], %concatenate3A_76 {strides = array<i32>} : memref<1024x16xf32, #tpu.memory_space<vmem>>, vector<1024x16xf32>,
    return
  }
  func.func @transform_0(%arg0: i32) -> (i32, i32, i32) {
    %c0_i32 = arith.constant 0 : i32
    %c0_i32_0 = arith.constant 0 : i32
    %c0_i32_1 = arith.constant 0 : i32
    return %c0_i32, %arg0, %c0_i32_0 : i32, i32, i32
  }
  func.func @transform_1(%arg0: i32) -> (i32, i32) {
    %c0_i32 = arith.constant 0 : i32
    %c0_i32_0 = arith.constant 0 : i32
    %c0_i32_1 = arith.constant 0 : i32
    return %c0_i32, %c0_i32_0 : i32, i32
  }
  func.func @transform_2(%arg0: i32) -> (i32, i32) {
    %c0_i32 = arith.constant 0 : i32
    %c0_i32_0 = arith.constant 0 : i32
    %c0_i32_1 = arith.constant 0 : i32
    return %c0_i32, %c0_i32_0 : i32, i32
  }
  func.func @transform_3(%arg0: i32) -> (i32, i32) {
    %c0_i32 = arith.constant 0 : i32
    %c0_i32_0 = arith.constant 0 : i32
    %c0_i32_1 = arith.constant 0 : i32
    return %c0_i32, %c0_i32_0 : i32, i32
  }
  func.func @transform_4(%arg0: i32) -> (i32, i32) {
    %c0_i32 = arith.constant 0 : i32
    %c0_i32_0 = arith.constant 0 : i32
    %c0_i32_1 = arith.constant 0 : i32
    return %c0_i32, %c0_i32_0 : i32, i32
  }
  func.func @transform_5(%arg0: i32) -> (i32, i32) {
    %c0_i32 = arith.constant 0 : i32
    %c0_i32_0 = arith.constant 0 : i32
    return %arg0, %c0_i32 : i32, i32
  }
  func.func @transform_6(%arg0: i32) -> (i32, i32) {
    %c0_i32 = arith.constant 0 : i32
    %c0_i32_0 = arith.constant 0 : i32
    return %arg0, %c0_i32 : i32, i32
  }
}

module attributes {stable_mosaic.version = 14 : i64} {
  func.func @_final_body(%arg0: i32, %arg1: memref<2x1024x144xf32, #tpu.memory_space<vmem>>, %arg2: memref<1x128xf32, #tpu.memory_space<vmem>>, %arg3: memref<128x128xf32, #tpu.memory_space<vmem>>, %arg4: memref<1x128xf32, #tpu.memory_space<vmem>>, %arg5: memref<1024x128xf32, #tpu.memory_space<vmem>>) attributes {dimension_semantics = [#tpu.dimension_semantics<arbitrary>], iteration_bounds = array<i64: 10>, scalar_prefetch = 0 : i64, scratch_operands = 0 : i64, tpu.core_type = #tpu.core_type<tc>, window_params = [{transform_indices = @transform_0, window_bounds = array<i64: 2, 1024, 144>}, {pipeline_mode = #tpu.pipeline_mode<synchronous>, transform_indices = @transform_1, window_bounds = array<i64: 1, 128>}, {pipeline_mode = #tpu.pipeline_mode<synchronous>, transform_indices = @transform_2, window_bounds = array<i64: 128, 128>}, {pipeline_mode = #tpu.pipeline_mode<synchronous>, transform_indices = @transform_3, window_bounds = array<i64: 1, 128>}, {transform_indices = @transform_4, window_bounds = array<i64: 1024, 128>}]} {
    %get3A = arith.constant 0 : index
    %get3A_0 = arith.constant 0 : index
    %get3A_1 = arith.constant 0 : index
    %get3A_2 = vector.load %arg1[%get3A, %get3A_0, %get3A_1] : memref<2x1024x144xf32, #tpu.memory_space<vmem>>, vector<1x1024x144xf32>
    %get3A_3 = vector.shape_cast %get3A_2 : vector<1x1024x144xf32> to vector<1024x144xf32>
    %get3A_4 = arith.constant 1 : index
    %get3A_5 = arith.constant 0 : index
    %get3A_6 = arith.constant 0 : index
    %get3A_7 = vector.load %arg1[%get3A_4, %get3A_5, %get3A_6] : memref<2x1024x144xf32, #tpu.memory_space<vmem>>, vector<1x1024x144xf32>
    %get3A_8 = vector.shape_cast %get3A_7 : vector<1x1024x144xf32> to vector<1024x144xf32>
    %add3A = arith.addf %get3A_3, %get3A_8 : vector<1024x144xf32>
    %slice3A = vector.extract_strided_slice %add3A {offsets = [0, 0], sizes = [1024, 128], strides = [1, 1]} : vector<1024x144xf32> to vector<1024x128xf32>
    %slice3A_9 = vector.extract_strided_slice %add3A {offsets = [0, 128], sizes = [1024, 1], strides = [1, 1]} : vector<1024x144xf32> to vector<1024x1xf32>
    %add3A_10 = arith.constant 1.000000e-16 : f32
    %add3A_11 = vector.broadcast %add3A_10 : f32 to vector<1024x1xf32>
    %add3A_12 = arith.addf %slice3A_9, %add3A_11 : vector<1024x1xf32>
    %div3A = vector.broadcast %add3A_12 : vector<1024x1xf32> to vector<1024x128xf32>
    %div3A_13 = arith.divf %slice3A, %div3A : vector<1024x128xf32>
    %get3A_14 = arith.constant 0 : index
    %get3A_15 = arith.constant 0 : index
    %get3A_16 = vector.load %arg2[%get3A_14, %get3A_15] : memref<1x128xf32, #tpu.memory_space<vmem>>, vector<1x128xf32>
    %add3A_17 = vector.broadcast %get3A_16 : vector<1x128xf32> to vector<1024x128xf32>
    %add3A_18 = arith.addf %div3A_13, %add3A_17 : vector<1024x128xf32>
    %get3A_19 = arith.constant 0 : index
    %get3A_20 = arith.constant 0 : index
    %get3A_21 = vector.load %arg3[%get3A_19, %get3A_20] : memref<128x128xf32, #tpu.memory_space<vmem>>, vector<128x128xf32>
    %dot_general3A = arith.constant dense<0.000000e+00> : vector<1024x128xf32>
    %dot_general3A_22 = tpu.matmul %add3A_18, %get3A_21, %dot_general3A {dimension_numbers = #tpu.dot_dimension_numbers<[1], [0], [0], [1], [0, 0, 1, 1], [], []>, transpose_lhs_hint = false} : vector<1024x128xf32>, vector<128x128xf32>, vector<1024x128xf32> -> vector<1024x128xf32>
    %get3A_23 = arith.constant 0 : index
    %get3A_24 = arith.constant 0 : index
    %get3A_25 = vector.load %arg4[%get3A_23, %get3A_24] : memref<1x128xf32, #tpu.memory_space<vmem>>, vector<1x128xf32>
    %add3A_26 = vector.broadcast %get3A_25 : vector<1x128xf32> to vector<1024x128xf32>
    %add3A_27 = arith.addf %dot_general3A_22, %add3A_26 : vector<1024x128xf32>
    %swap3A = arith.constant 0 : index
    %swap3A_28 = arith.constant 0 : index
    %swap3A_29 = vector.load %arg5[%swap3A, %swap3A_28] : memref<1024x128xf32, #tpu.memory_space<vmem>>, vector<1024x128xf32>
    tpu.vector_store %arg5[%swap3A, %swap3A_28], %add3A_27 {strides = array<i32>} : memref<1024x128xf32, #tpu.memory_space<vmem>>, vector<1024x128xf32>,
    return
  }
  func.func @transform_0(%arg0: i32) -> (i32, i32, i32) {
    %c0_i32 = arith.constant 0 : i32
    %c0_i32_0 = arith.constant 0 : i32
    %c0_i32_1 = arith.constant 0 : i32
    return %c0_i32, %arg0, %c0_i32_0 : i32, i32, i32
  }
  func.func @transform_1(%arg0: i32) -> (i32, i32) {
    %c0_i32 = arith.constant 0 : i32
    %c0_i32_0 = arith.constant 0 : i32
    %c0_i32_1 = arith.constant 0 : i32
    return %c0_i32, %c0_i32_0 : i32, i32
  }
  func.func @transform_2(%arg0: i32) -> (i32, i32) {
    %c0_i32 = arith.constant 0 : i32
    %c0_i32_0 = arith.constant 0 : i32
    %c0_i32_1 = arith.constant 0 : i32
    return %c0_i32, %c0_i32_0 : i32, i32
  }
  func.func @transform_3(%arg0: i32) -> (i32, i32) {
    %c0_i32 = arith.constant 0 : i32
    %c0_i32_0 = arith.constant 0 : i32
    %c0_i32_1 = arith.constant 0 : i32
    return %c0_i32, %c0_i32_0 : i32, i32
  }
  func.func @transform_4(%arg0: i32) -> (i32, i32) {
    %c0_i32 = arith.constant 0 : i32
    %c0_i32_0 = arith.constant 0 : i32
    return %arg0, %c0_i32 : i32, i32
  }
}

</mosaic_0001>

<sc_bundles>
// kernel: kernel.10.cloned.1.call-start
scs
__scs_entry_jumppad:
0x0: {  	(pc) =	sbr.rel $0x88, $3  }
0x1: {  	(tag) =	ssettag $0x0;
	lr =	simm.s32 $0x1  }
0x2: {  	[smem:$0x3F95] =	sst lr;
	_ =	strace $0xD0000000  }
0x3: {  	_ = 	snop  }
0x4: {  	_ = 	snop  }
0x5: {  	_ = 	snop  }
0x6: {  	_ = 	snop  }
0x7: {  	_ = 	snop  }
__scs_overlays_trampoline_lowered:
0x8: {  	[smem:$0x3FA4] =	sst s0  }
0x9: {  	[smem:$0x3FA5] =	sst s1  }
0xa: {  	[smem:$0x3FA6] =	sst s2  }
0xb: {  	[smem:$0x3FA7] =	sst s3  }
0xc: {  	[smem:$0x3FA8] =	sst s4  }
0xd: {  	[smem:$0x3FA9] =	sst s5  }
0xe: {  	[smem:$0x3FAA] =	sst s6  }
0xf: {  	[smem:$0x3FAB] =	sst s7  }
0x10: {  	[smem:$0x3FAC] =	sst s8  }
0x11: {  	[smem:$0x3FAD] =	sst s9;
	s0 =	simm.s32 @!p0 $0x0  }
0x12: {  	s1 =	sld [smem:$0x3F93];
	s0 =	simm.s32 @p0 $0x1  }
0x13: {  	[smem:$0x3FAE] =	sst s0;
	s0 =	simm.s32 @!p1 $0x0  }
0x14: {  	s2 =	sld [smem:$0x3F92];
	s0 =	simm.s32 @p1 $0x1  }
0x15: {  	[smem:$0x3FAF] =	sst s0;
	s0 =	simm.s32 @!p2 $0x0  }
0x16: {  	s3 =	sld [smem:$0x3FDB];
	s0 =	simm.s32 @p2 $0x1  }
0x17: {  	s4 =	simm.s32 $0x1BF5;
	[smem:$0x3FB1] =	sst s0  }
0x18: {  	s0 =	sld [smem:$0x3F94];
	_ =	swait.ge [sflag:s4], $0x0  }
0x19: {  	s7 =	sld [smem:$0x3F95]  }
0x1a: {  	s8 =	sadd.s32 $0xFFFFE003, lr  }
0x1b: {  	s9 =	sadd.s32 $0xFFFFFEF7, lr;
	s5 =	simm.s32 $0xFFFFFFFF;
	p2 =	slt.u32 s8, $0xFFFFF086  }
0x1c: {  	p1 =	slt.u32 s9, $0xF7A;
	s5 =	simm.s32 @!p2 $0x0  }
0x1d: {  	s5 =	simm.s32 @p1 $0x1;
	p0 =	seq.s32 s7, s2  }
0x1e: {  	s7 =	smul.u32 @!p0 $0xF7A, s2;
	p2 =	seq.s32 @!p0 s5, $0x0  }
0x1f: {  	s9 =	smul.u32 $0xF7A, s1;
	s8 =	simm.s32 @!p0 $0x1BF5;
	p2 =	por !p2, p0  }
0x20: {  	[sflag:s8] =	ssyncset.s32 @!p0 $0xFFFFF086;
	s6 =	sadd.s32 @!p0 s3, s7;
	s7 =	simm.s32 @!p0 $0x108  }
0x21: {  	s3 =	sadd.s32 s3, s9;
	s6 =	sadd.s32 @!p0 $0x88, s6;
	s7 =	simm.s32 @p2 $0x1082  }
0x22: {  	[simem:s7], [sflag:s8] =	dma.local @!p0 [hbm:s6], $0xF7A  }
0x23: {  	s9 =	sor.u32 $0xD0000000, s2;
	s6 =	simm.s32 $0x108;
	_ =	swait.ge @!p0 [sflag:s8], $0x0  }
0x24: {  	s3 =	sadd.s32 $0x88, s3;
	s6 =	simm.s32 @!p1 $0x1082;
	[sflag:s4] =	ssyncset.s32 $0xFFFFF086  }
0x25: {  	[simem:s6], [sflag:s4] =	dma.local [hbm:s3], $0xF7A  }
0x26: {  	[smem:$0x3F95] =	sst s1;
	(tag) =	ssettag s2;
	_ =	strace s9  }
0x27: {  	s1 =	sld [smem:$0x3FA5]  }
0x28: {  	s2 =	sld [smem:$0x3FA6]  }
0x29: {  	s4 =	sld [smem:$0x3FA8]  }
0x2a: {  	p0 =	seq.s32 s5, $0x0;
	s5 =	sld [smem:$0x3FA9]  }
0x2b: {  	s6 =	sld [smem:$0x3FAA]  }
0x2c: {  	s7 =	sld [smem:$0x3FAB]  }
0x2d: {  	s3 =	simm.s32 $0x108;
	s8 =	sld [smem:$0x3FAC]  }
0x2e: {  	s3 =	simm.s32 @!p0 $0x1082;
	s9 =	sld [smem:$0x3FAD]  }
0x2f: {  	lr =	sadd.s32 s0, s3;
	s0 =	sld [smem:$0x3FA4]  }
0x30: {  	s3 =	sld [smem:$0x3FA7]  }
0x31: {  	[smem:$0x3FB0] =	sst s10  }
0x32: {  	s10 =	sld [smem:$0x3FAE];
	_ =	sdelay $0x3  }
0x33: {  	p0 =	seq.s32 s10, $0x1;
	s10 =	sld [smem:$0x3FB0];
	_ =	sdelay $0x3  }
0x34: {  	[smem:$0x3FB0] =	sst s10  }
0x35: {  	s10 =	sld [smem:$0x3FAF];
	_ =	sdelay $0x3  }
0x36: {  	p1 =	seq.s32 s10, $0x1;
	s10 =	sld [smem:$0x3FB0];
	_ =	sdelay $0x3  }
0x37: {  	[smem:$0x3FB0] =	sst s10  }
0x38: {  	s10 =	sld [smem:$0x3FB1]  }
0x39: {  	_ = 	snop;
	(pc) =	sbr.ind lr, $3  }
0x3a: {  	_ = 	snop  }
0x3b: {  	_ = 	snop  }
0x3c: {  	p2 =	seq.s32 s10, $0x1;
	s10 =	sld [smem:$0x3FB0]  }
0x3d: {  	_ =	shalt  }
0x3e: {  	_ =	shalt  }
0x3f: {  	_ =	shalt  }
0x40: {  	_ =	shalt  }
0x41: {  	_ =	shalt  }
0x42: {  	_ =	shalt  }
0x43: {  	_ =	shalt  }
0x44: {  	_ =	shalt  }
0x45: {  	_ =	shalt  }
0x46: {  	_ =	shalt  }
0x47: {  	_ =	shalt  }
0x48: {  	_ =	shalt  }
0x49: {  	_ =	shalt  }
0x4a: {  	_ =	shalt  }
0x4b: {  	_ =	shalt  }
0x4c: {  	_ =	shalt  }
0x4d: {  	_ =	shalt  }
0x4e: {  	_ =	shalt  }
0x4f: {  	_ =	shalt  }
0x50: {  	_ =	shalt  }
0x51: {  	_ =	shalt  }
0x52: {  	_ =	shalt  }
0x53: {  	_ =	shalt  }
0x54: {  	_ =	shalt  }
0x55: {  	_ =	shalt  }
0x56: {  	_ =	shalt  }
0x57: {  	_ =	shalt  }
0x58: {  	_ =	shalt  }
0x59: {  	_ =	shalt  }
0x5a: {  	_ =	shalt  }
0x5b: {  	_ =	shalt  }
0x5c: {  	_ =	shalt  }
0x5d: {  	_ =	shalt  }
0x5e: {  	_ =	shalt  }
0x5f: {  	_ =	shalt  }
0x60: {  	_ =	shalt  }
0x61: {  	_ =	shalt  }
0x62: {  	_ =	shalt  }
0x63: {  	_ =	shalt  }
0x64: {  	_ =	shalt  }
0x65: {  	_ =	shalt  }
0x66: {  	_ =	shalt  }
0x67: {  	_ =	shalt  }
0x68: {  	_ =	shalt  }
0x69: {  	_ =	shalt  }
0x6a: {  	_ =	shalt  }
0x6b: {  	_ =	shalt  }
0x6c: {  	_ =	shalt  }
0x6d: {  	_ =	shalt  }
0x6e: {  	_ =	shalt  }
0x6f: {  	_ =	shalt  }
0x70: {  	_ =	shalt  }
0x71: {  	_ =	shalt  }
0x72: {  	_ =	shalt  }
0x73: {  	_ =	shalt  }
0x74: {  	_ =	shalt  }
0x75: {  	_ =	shalt  }
0x76: {  	_ =	shalt  }
0x77: {  	_ =	shalt  }
0x78: {  	_ =	shalt  }
0x79: {  	_ =	shalt  }
0x7a: {  	_ =	shalt  }
0x7b: {  	_ =	shalt  }
0x7c: {  	_ =	shalt  }
0x7d: {  	_ =	shalt  }
0x7e: {  	_ =	shalt  }
0x7f: {  	_ =	shalt  }
0x80: {  	_ =	shalt  }
0x81: {  	_ =	shalt  }
0x82: {  	_ =	shalt  }
0x83: {  	_ =	shalt  }
0x84: {  	_ =	shalt  }
0x85: {  	_ =	shalt  }
0x86: {  	_ =	shalt  }
0x87: {  	_ =	shalt  }
.Lfunc_end0:
.L_simem_size_0:
called_computation.1_lowered:
.L_overlay_start_0:
0x88: {  	s2 =	sld [smem:$0x3FD9]  }
0x89: {  	s3 =	sld [smem:$0x3FFE];
	_ =	sdelay $0x1  }
0x8a: {  	s1 =	srdreg.scid  }
0x8b: {  	s0 =	sand.u32 $0x1, s1  }
0x8c: {  	s17 =	sshll.u32 s0, $0xA;
	s2 =	sadd.s32 s3, s2  }
0x8d: {  	s2 =	sadd.s32 s2, s17  }
0x8e: {  	[smem:$0x3FBC] =	sst s2  }
0x8f: {  	_ = 	snop  }
0x90: {  	s2 =	sld [smem:$0x3FD0];
	(tm) =	ssettm $0x1  }
0x91: {  	s18 =	sld [smem:$0x3FFB];
	_ =	sdelay $0x3  }
0x92: {  	_ =	strace s18  }
0x93: {  	s3 =	sld [smem:$0x3FFC];
	_ =	sdelay $0x3  }
0x94: {  	_ =	strace s3  }
0x95: {  	s3 =	sld [smem:$0x3FFD];
	_ =	sdelay $0x3  }
0x96: {  	_ =	strace s3  }
0x97: {  	_ =	strace $0x8FFFFFFF  }
0x98: {  	s19 =	sld [smem:$0x3FDB];
	_ =	sdelay $0x1  }
0x99: {  	s4 =	simm.s32 $_scs_section_size  }
0x9a: {  	s5 =	simm.s32 $_size__tile_overlayer_lowered;
	s6 =	simm.s32 $_tile_overlayer_lowered  }
0x9b: {  	s22 =	simm.s32 $0x1BFF;
	s21 =	sshll.u32 s6, $0x1;
	s3 =	sadd.s32 s4, s19  }
0x9c: {  	s7 =	simm.s32 $0x0;
	s20 =	sshll.u32 s5, $0x1;
	s5 =	sadd.s32 s21, s3  }
0x9d: {  	[timem:s7], [sflag:s22] =	dma.local [hbm:s5], s20  }
0x9e: {  	_ =	swait.ge [sflag:s22], s20  }
0x9f: {  	s4 =	ssub.s32 $0x0, s20;
	[sflag:s22] =	ssyncset.done $0x0  }
0xa0: {  	[sflag:s22] =	ssyncadd.s32 s4;
	_ =	sdelay $0x1  }
0xa1: {  	s23 =	simm.s32 $0x1B8B  }
0xa2: {  	_ =	swait.ge [sflag:s23], $0x1  }
0xa3: {  	[sflag:s23] =	ssyncset.done $0x0  }
0xa4: {  	s25 =	simm.s32 $0x1B8E;
	s24 =	sld [smem:$0x3FFE];
	[sflag:s23] =	ssyncadd.s32 $0xFFFFFFFF  }
0xa5: {  	s26 =	simm.s32 $execute0_lowered;
	[smem:$0x3FD2] =	sst s25  }
0xa6: {  	s5 =	sshll.u32 s26, $0x1;
	_ =	strace $0x80000049;
	[dreg:$0x1] =	wrdreg $0xFFFFFFFF  }
0xa7: {  	s28 =	simm.s32 $_size_execute0_lowered;
	s3 =	sadd.s32 s3, s5;
	[dreg:$0x0] =	wrdreg $0x0  }
0xa8: {  	s5 =	sshll.u32 s28, $0x1;
	[dreg:$0x2] =	wrdreg s3  }
0xa9: {  	[dreg:$0x3] =	wrdreg s5  }
0xaa: {  	[dreg:$0x4] =	wrdreg $0xC0  }
0xab: {  	_ =	task [dreg:s7], $0x5FFFF  }
0xac: {  	[dreg:$0x1] =	wrdreg $0xFFFFFFFF  }
0xad: {  	[dreg:$0x0] =	wrdreg $0x60  }
0xae: {  	[dreg:$0x2] =	wrdreg s24  }
0xaf: {  	[dreg:$0x3] =	wrdreg s2  }
0xb0: {  	[dreg:$0x4] =	wrdreg $0x5FF00  }
0xb1: {  	[dreg:$0x5] =	wrdreg $0x9  }
0xb2: {  	_ =	task.clear_ibuf [dreg:s7], $0x6FFFF;
	_ =	strace $0x90000049  }
0xb3: {  	s29 =	simm.s32 $0x9;
	_ =	strace $0x8000004B  }
0xb4: {  	_ =	swait.ge [sflag:s29], $0x1  }
0xb5: {  	[sflag:s29] =	ssyncadd.s32 $0xFFFFFFFF  }
0xb6: {  	_ =	strace $0x9000004B  }
0xb7: {  	_ =	sfence  }
0xb8: {  	s30 =	sld [smem:$0x0];
	_ =	sdelay $0x2  }
0xb9: {  	s31 =	sshll.u32 s1, $0xD;
	s1 =	sshrl.u32 s1, $0x2  }
0xba: {  	s3 =	sand.u32 $0x4000, s31;
	s1 =	sadd.s32 s1, s30  }
0xbb: {  	s0 =	sor.u32 s3, s0;
	s1 =	sshll.u32 s1, $0x11  }
0xbc: {  	s0 =	sor.u32 s1, s0  }
0xbd: {  	s0 =	sadd.s32 $0x8F2B, s0  }
0xbe: {  	[sflag:s0] =	ssyncadd.remote.s32 $0x1  }
0xbf: {  	_ =	sfence.sel $0xFFFF  }
0xc0: {  	[dreg:$0x0] =	wrdreg $0xFFFFFFFF;
	(pc) =	sbr.abs _section_cstart, $3  }
0xc1: {  	[dreg:$0x1] =	wrdreg $0xFFFFFFFF  }
0xc2: {  	_ =	task.clear_ibuf [dreg:s7], $0x2FFFF;
	_ =	strace $0x9FFFFFFF  }
0xc3: {  	(tm) =	ssettm $0x7FFFFFFF  }
tec
execute0_lowered:
.L_overlay_start_1:
0x0: {  	(tag) =	ssettag $0x1  }
0x1: {  	s0 =	rddreg [dreg:$0x0]  }
0x2: {  	s1 =	rddreg [dreg:$0x1]  }
0x3: {  	s13 =	rddreg [dreg:$0x2];
	s4 =	simm.s32 $0x0  }
0x4: {  	s2 =	srdreg.scid;
	s12 =	stileid.u32;
	s30 =	simm.s32 $0x7  }
0x5: {  	s31 =	simm.s32 $0x9;
	s14 =	simm.s32 $0x8;
	s15 =	simm.s32 $0xA  }
0x6: {  	s17 =	simm.s32 $0x6;
	[smem:$0x7FF] =	sst s4;
	s2 =	sand.u32 $0x1, s2  }
0x7: {  	s3 =	smul.u32 $0x16800, s12;
	s5 =	sadd.s32 $0xB400, s0;
	s6 =	sadd.s32 $0x38400, s0  }
0x8: {  	s7 =	sadd.s32 $0x1600, s0;
	s19 =	sadd.s32 $0x3D400, s0;
	s16 =	smov.u32 s13  }
0x9: {  	s20 =	sshll.u32 s12, $0x6;
	_ =	strace $0x8000004A;
	s8 =	smul.u32 $0x168000, s2  }
0xa: {  	s9 =	sshll.u32 s2, $0x4;
	s2 =	ssub.s32 $0x2, s2;
	[dreg:$0x4] =	wrdreg s19  }
0xb: {  	s9 =	sor.u32 s12, s9;
	s11 =	sshrl.u32 s2, $0x1;
	s12 =	simm.s32 $0xC8  }
0xc: {  	s8 =	sadd.s32 s3, s8;
	s2 =	ssub.s32 s2, s11;
	s3 =	sadd.s32 s3, s13  }
0xd: {  	s11 =	sor.u32 $0x1C0D, s20;
	s13 =	simm.s32 $0x0;
	s10 =	sshrl.u32 s8, $0x3  }
0xe: {  	s8 =	smul.u32 $0x2710, s9;
	s29 =	smax.u32 s2, $0x1;
	[dreg:$0x5] =	wrdreg s11  }
0xf: {  	s2 =	simm.s32 $0x4;
	s0 =	sadd.s32 s10, s0;
	[dreg:$0xc] =	wrdreg s29  }
0x10: {  	s21 =	sadd.s32 $0x28, s8;
	s23 =	sshrl.u32 s8, $0x3;
	s28 =	sadd.s32 $0x78, s8  }
0x11: {  	s0 =	sadd.s32 $0x40200, s0;
	s22 =	smov.u32 s21;
	[dreg:$0xa] =	wrdreg s28  }
0x12: {  	s10 =	sshrl.u32 s21, $0x3;
	s24 =	sadd.s32 s7, s23;
	[dreg:$0xb] =	wrdreg s0  }
.Ltmp0:
0x13: {  	s9 =	sadd.s32 s1, s23;
	[dreg:$0x6] =	wrdreg s24;
	(pc) =	sbr.rel .LBB2_1-.Ltmp0, $4  }
0x14: {  	s23 =	simm.s32 $0x28;
	[dreg:$0x7] =	wrdreg s9;
	s25 =	sadd.s32 s7, s10  }
0x15: {  	s0 =	simm.s32 $0x2;
	s26 =	sadd.s32 s1, s10;
	[dreg:$0x8] =	wrdreg s25  }
0x16: {  	s21 =	simm.s32 $0x5;
	s9 =	sshrl.u32 s3, $0x3;
	[dreg:$0x9] =	wrdreg s26  }
0x17: {  	vm0 =	vmmov $0x1;
	v0 =	vimm.s32 $0x0;
	s10 =	simm.s32 $0xD;
	s25 =	simm.s32 $0xB;
	[dreg:$0xd] =	wrdreg s9  }
.LBB2_8:
0x18: {  	s3 =	simm.s32 $0xC  }
0x19: {  	_ =	swait.ge [sflag:s3], $0x1680  }
0x1a: {  	[sflag:s3] =	ssyncset.done $0x0  }
0x1b: {  	[sflag:s3] =	ssyncadd.s32 $0xFFFFE980  }
0x1c: {  	[bflag:$0x0] =	sbarrier.arrive $0xFFFF  }
0x1d: {  	s11 =	rddreg [dreg:$0x5]  }
0x1e: {  	s28 =	rddreg [dreg:$0xb]  }
0x1f: {  	s10 =	simm.s32 $0xD;
	s9 =	rddreg [dreg:$0xd]  }
0x20: {  	[hbm:s28], [sflag:s11] =	dma.local [spmem:s9], $0x2D00  }
0x21: {  	_ =	swait.ge [sflag:s10], $0x2D00  }
0x22: {  	s13 =	rddreg [dreg:$0xe]  }
0x23: {  	s29 =	rddreg [dreg:$0xc];
	s13 =	sadd.s32 $0x1, s13  }
0x24: {  	p0 =	sne.s32 s13, s29  }
.Ltmp1:
0x25: {  	_ = 	snop;
	(pc) =	sbr.rel @!p0 .LBB2_9-.Ltmp1, $3  }
0x26: {  	_ =	sdelay $0x1  }
0x27: {  	[sflag:s10] =	ssyncset.done $0x0  }
0x28: {  	[sflag:s10] =	ssyncadd.s32 $0xFFFFD300  }
.LBB2_1:
0x29: {  	[dreg:$0xe] =	wrdreg s13  }
0x2a: {  	s3 =	rddreg [dreg:$0x4]  }
0x2b: {  	[spmem:s9], [sflag:s11] =	dma.local [hbm:s3], $0x2D00  }
0x2c: {  	_ =	swait.ge [sflag:s10], $0x2D00  }
0x2d: {  	[sflag:s10] =	ssyncset.done $0x0  }
0x2e: {  	[sflag:s10] =	ssyncadd.s32 $0xFFFFD300  }
0x2f: {  	[bflag:$0x0] =	sbarrier.arrive $0xFFFF  }
0x30: {  	s9 =	rddreg [dreg:$0x6]  }
0x31: {  	[tilespmem:s4], [sflag:$0x1] =	stream.linear.gather [hbm4b:s9+s4], $0x28, $0x38;
	[tilespmem:$0x1C7F0] =	vst v63  }
0x32: {  	s11 =	simm.s32 $0x50;
	s10 =	rddreg [dreg:$0x7]  }
0x33: {  	[tilespmem:s11], [sflag:$0x3] =	stream.linear.gather [hbm4b:s10+s4], $0x28, $0x38;
	[tilespmem:$0x1C7F0] =	vst v63  }
0x34: {  	s13 =	simm.s32 $0xA0  }
0x35: {  	[tilespmem:s13], [sflag:$0x5] =	stream.linear.gather [hbm4b:s10+s4], $0x28, $0x38;
	[tilespmem:$0x1C7F0] =	vst v63  }
0x36: {  	s18 =	rddreg [dreg:$0x8]  }
0x37: {  	[tilespmem:s23], [sflag:$0x2] =	stream.linear.gather [hbm4b:s18+s4], $0x28, $0x38;
	[tilespmem:$0x1C7F0] =	vst v63  }
0x38: {  	s20 =	simm.s32 $0x78;
	s24 =	simm.s32 $0x1;
	s19 =	rddreg [dreg:$0x9]  }
0x39: {  	[tilespmem:s20], [sflag:$0x4] =	stream.linear.gather [hbm4b:s19+s4], $0x28, $0x38;
	[tilespmem:$0x1C7F0] =	vst v63  }
0x3a: {  	_ =	swait.ge [sflag:s24], $0x28  }
0x3b: {  	[sflag:s24] =	ssyncset.done $0x0  }
0x3c: {  	s26 =	simm.s32 $0x3;
	[sflag:s24] =	ssyncadd.s32 $0xFFFFFFD8  }
0x3d: {  	_ =	swait.ge [sflag:s26], $0x28  }
0x3e: {  	[sflag:s26] =	ssyncset.done $0x0  }
0x3f: {  	s28 =	simm.s32 $0xF0;
	[sflag:s26] =	ssyncadd.s32 $0xFFFFFFD8  }
0x40: {  	[tilespmem:s28], [sflag:$0x7] =	stream.indirect.gather [hbm4b:s5+s23], $0x90, s4, s23, $0xb8;
	[tilespmem:$0x1C7F0] =	vst v63  }
0x41: {  	s29 =	simm.s32 $0x2DF0  }
0x42: {  	[tilespmem:s29], [sflag:$0x9] =	stream.indirect.gather [hbm4b:s6+s23], $0x10, s11, s23, $0xb8;
	[tilespmem:$0x1C7F0] =	vst v63  }
0x43: {  	s11 =	simm.s32 $0x0  }
.LBB2_2:
0x44: {  	s3 =	sshll.u32 s11, $0x1  }
0x45: {  	_ =	swait.ge [sflag:s30], $0x1680;
	p0 =	seq.s32 s11, $0x7C;
	s13 =	sadd.s32 $0x2, s3  }
0x46: {  	[sflag:s30] =	ssyncset.done $0x0;
	s3 =	smul.u32 @!p0 $0x28, s13  }
0x47: {  	[sflag:s30] =	ssyncadd.s32 $0xFFFFE980  }
0x48: {  	_ =	swait.ge [sflag:s31], $0x280;
	s3 =	sadd.s32 @!p0 s8, s3  }
0x49: {  	[sflag:s31] =	ssyncset.done $0x0;
	s3 =	sshrl.u32 @!p0 s3, $0x3  }
0x4a: {  	s10 =	simm.s32 @!p0 $0x0;
	[sflag:s31] =	ssyncadd.s32 $0xFFFFFD80;
	s9 =	sadd.s32 @!p0 s7, s3  }
0x4b: {  	[tilespmem:s10], [sflag:$0x1] =	stream.linear.gather @!p0 [hbm4b:s9+s10], $0x28, $0x38;
	[tilespmem:$0x1C7F0] =	vst v63  }
0x4c: {  	s3 =	sadd.s32 @!p0 s1, s3;
	s9 =	simm.s32 @!p0 $0x50  }
0x4d: {  	[tilespmem:s9], [sflag:$0x3] =	stream.linear.gather @!p0 [hbm4b:s3+s10], $0x28, $0x38;
	[tilespmem:$0x1C7F0] =	vst v63  }
0x4e: {  	_ =	swait.ge [sflag:s0], $0x28  }
0x4f: {  	[sflag:s0] =	ssyncset.done $0x0  }
0x50: {  	[sflag:s0] =	ssyncadd.s32 $0xFFFFFFD8  }
0x51: {  	_ =	swait.ge [sflag:s2], $0x28  }
0x52: {  	[sflag:s2] =	ssyncset.done $0x0  }
0x53: {  	s20 =	simm.s32 $0x1770;
	[sflag:s2] =	ssyncadd.s32 $0xFFFFFFD8  }
0x54: {  	[tilespmem:s20], [sflag:$0x8] =	stream.indirect.gather [hbm4b:s5+s23], $0x90, s23, s23, $0xb8;
	[tilespmem:$0x1C7F0] =	vst v63  }
0x55: {  	s24 =	simm.s32 $0x78;
	s26 =	simm.s32 $0x3070;
	s18 =	simm.s32 $0x210  }
0x56: {  	[tilespmem:s26], [sflag:$0xA] =	stream.indirect.gather [hbm4b:s6+s23], $0x10, s24, s23, $0xb8;
	[tilespmem:$0x1C7F0] =	vst v63  }
0x57: {  	s9 =	simm.s32 $0x2E10;
	v1 =	vld [tilespmem:s18+$0x110]  }
0x58: {  	v2 =	vld [tilespmem:s9+$0x10];
	_ =	sdelay $0x4  }
0x59: {  	v3 =	vld [tilespmem:s18+$0xFFFFFFF0];
	v1 =	vadd.f32 v2, v1  }
0x5a: {  	v4 =	vld [tilespmem:s9+$0xFFFFFFF0]  }
0x5b: {  	v2 =	vmul.f32 $2.000000030e-01, v1  }
0x5c: {  	vm1 =	vge.f32 v1, $0.0e+00  }
0x5d: {  	v5 =	vld [tilespmem:s9+$0xFFFFFFE0];
	v1 =	vsel vm1, v1, v2  }
0x5e: {  	v6 =	vld [tilespmem:s18+$0xFFFFFF60];
	v1 =	vmul.f32 $1.442695020e+00, v1  }
0x5f: {  	v3 =	vadd.f32 v4, v3;
	v4 =	vld [tilespmem:s9+$0x0]  }
0x60: {  	v2 =	vld [tilespmem:s18+$0x80];
	(erf) = vpow2.f32 v1;
	_ =	sdelay $0x1  }
0x61: {  	v7 =	vmul.f32 $2.000000030e-01, v3  }
0x62: {  	vm1 =	vge.f32 v3, $0.0e+00  }
0x63: {  	v1 =	vsel vm1, v3, v7;
	v3 =	vadd.f32 v5, v6  }
0x64: {  	v1 =	vmul.f32 $1.442695020e+00, v1;
	v2 =	vadd.f32 v4, v2  }
0x65: {  	v4 =	vmul.f32 $2.000000030e-01, v3  }
0x66: {  	(erf) = vpow2.f32 v1;
	v1 =	vmul.f32 $2.000000030e-01, v2  }
0x67: {  	vm2 =	vge.f32 v3, $0.0e+00;
	vm1 =	vge.f32 v2, $0.0e+00  }
0x68: {  	v1 =	vsel vm1, v2, v1;
	v2 =	vsel vm2, v3, v4;
	v3 =	vpop (erf)  }
0x69: {  	s19 =	simm.s32 $0x3410;
	v1 =	vmul.f32 $1.442695020e+00, v1;
	v3 =	vnsel vm0, $0x0, v3  }
0x6a: {  	[tilespmem:s19+$0x110] =	vst v3  }
0x6b: {  	v2 =	vmul.f32 $1.442695020e+00, v2;
	(erf) = vpow2.f32 v1;
	v1 =	vld [tilespmem:s18+$0x90];
	_ =	sdelay $0x1  }
0x6c: {  	(erf) = vpow2.f32 v2  }
0x6d: {  	v6 =	vperm.xlane v3, v0;
	_ =	sdelay $0x1  }
0x6e: {  	v1 =	vmul.f32 v1, v6  }
0x6f: {  	v2 =	vpop (erf)  }
0x70: {  	v2 =	vnsel vm0, $0x0, v2;
	[tilespmem:s19+$0x90] =	vst v1  }
0x71: {  	[tilespmem:s19+$0xFFFFFFF0] =	vst v2;
	v8 =	vperm.xlane v2, v0;
	v2 =	vld [tilespmem:s18+$0xA0]  }
0x72: {  	s20 =	simm.s32 $0x450  }
0x73: {  	s10 =	simm.s32 $0x2E50;
	v9 =	vld [tilespmem:s20+$0x110];
	v1 =	vpop (erf)  }
0x74: {  	v11 =	vld [tilespmem:s10+$0x10];
	v4 =	vpop (erf)  }
0x75: {  	v12 =	vld [tilespmem:s10+$0xFFFFFFE0];
	v4 =	vnsel vm0, $0x0, v4  }
0x76: {  	v3 =	vld [tilespmem:s18+$0xFFFFFF70];
	v1 =	vnsel vm0, $0x0, v1;
	[tilespmem:s19+$0xFFFFFF60] =	vst v4;
	v2 =	vmul.f32 v2, v6  }
0x77: {  	[tilespmem:s19+$0x80] =	vst v1;
	v7 =	vld [tilespmem:s18+$0xFFFFFEE0]  }
0x78: {  	v5 =	vld [tilespmem:s18+$0x0];
	[tilespmem:s19+$0xA0] =	vst v2  }
0x79: {  	v2 =	vld [tilespmem:s18+$0xB0]  }
0x7a: {  	v13 =	vld [tilespmem:s20+$0xFFFFFFF0];
	v11 =	vadd.f32 v11, v9;
	v10 =	vperm.xlane v4, v0  }
0x7b: {  	v14 =	vld [tilespmem:s10+$0xFFFFFFF0];
	v3 =	vmul.f32 v3, v8;
	v9 =	vperm.xlane v1, v0  }
0x7c: {  	v15 =	vld [tilespmem:s20+$0xFFFFFF60];
	v16 =	vmul.f32 $2.000000030e-01, v11;
	v7 =	vmul.f32 v7, v10  }
0x7d: {  	vm1 =	vge.f32 v11, $0.0e+00;
	[tilespmem:s19+$0xFFFFFF70] =	vst v3;
	v4 =	vld [tilespmem:s20+$0x80];
	v5 =	vmul.f32 v5, v9  }
0x7e: {  	[tilespmem:s19+$0xFFFFFEE0] =	vst v7;
	v7 =	vsel vm1, v11, v16;
	v1 =	vmul.f32 v2, v6;
	v2 =	vld [tilespmem:s10+$0x0]  }
0x7f: {  	v3 =	vld [tilespmem:s18+$0xFFFFFF80];
	[tilespmem:s19+$0x0] =	vst v5;
	v7 =	vmul.f32 $1.442695020e+00, v7  }
0x80: {  	v5 =	vld [tilespmem:s18+$0xFFFFFEF0];
	[tilespmem:s19+$0xB0] =	vst v1  }
0x81: {  	v1 =	vadd.f32 v14, v13;
	(erf) = vpow2.f32 v7;
	v11 =	vld [tilespmem:s18+$0xC0];
	_ =	sdelay $0x1  }
0x82: {  	v13 =	vld [tilespmem:s18+$0x10];
	v14 =	vmul.f32 $2.000000030e-01, v1;
	v2 =	vadd.f32 v2, v4  }
0x83: {  	v3 =	vmul.f32 v3, v8;
	vm1 =	vge.f32 v1, $0.0e+00;
	v4 =	vadd.f32 v12, v15  }
0x84: {  	v5 =	vmul.f32 v5, v10;
	v1 =	vsel vm1, v1, v14;
	v7 =	vmul.f32 $2.000000030e-01, v2  }
0x85: {  	vm1 =	vge.f32 v2, $0.0e+00;
	v12 =	vmul.f32 $2.000000030e-01, v4;
	v11 =	vmul.f32 v11, v6  }
0x86: {  	[tilespmem:s19+$0xFFFFFF80] =	vst v3;
	vm2 =	vge.f32 v4, $0.0e+00;
	v1 =	vmul.f32 $1.442695020e+00, v1;
	v2 =	vsel vm1, v2, v7  }
0x87: {  	v3 =	vld [tilespmem:s18+$0xFFFFFF90];
	v4 =	vsel vm2, v4, v12;
	v7 =	vmul.f32 v13, v9;
	v2 =	vmul.f32 $1.442695020e+00, v2;
	[tilespmem:s19+$0xC0] =	vst v11  }
0x88: {  	[tilespmem:s19+$0xFFFFFEF0] =	vst v5;
	(erf) = vpow2.f32 v1;
	v4 =	vmul.f32 $1.442695020e+00, v4;
	v1 =	vld [tilespmem:s18+$0xD0]  }
0x89: {  	[tilespmem:s19+$0x10] =	vst v7;
	v5 =	vpop (erf);
	(erf) = vpow2.f32 v2;
	v2 =	vld [tilespmem:s18+$0xFFFFFF00]  }
0x8a: {  	s26 =	simm.s32 $0x3650;
	v5 =	vnsel vm0, $0x0, v5;
	(erf) = vpow2.f32 v4;
	v4 =	vld [tilespmem:s18+$0x20]  }
0x8b: {  	[tilespmem:s26+$0x110] =	vst v5  }
0x8c: {  	s24 =	simm.s32 $0x2E90;
	v3 =	vmul.f32 v3, v8;
	v7 =	vld [tilespmem:s20+$0x90]  }
0x8d: {  	v18 =	vld [tilespmem:s24+$0x10];
	v1 =	vmul.f32 v1, v6  }
0x8e: {  	v20 =	vld [tilespmem:s24+$0xFFFFFFE0];
	[tilespmem:s19+$0xFFFFFF90] =	vst v3;
	v2 =	vmul.f32 v2, v10  }
0x8f: {  	v12 =	vld [tilespmem:s18+$0xFFFFFFA0];
	v11 =	vperm.xlane v5, v0;
	[tilespmem:s19+$0xD0] =	vst v1;
	v1 =	vmul.f32 v4, v9  }
0x90: {  	s28 =	simm.s32 $0x690;
	[tilespmem:s19+$0xFFFFFF00] =	vst v2;
	v2 =	vld [tilespmem:s18+$0xE0]  }
0x91: {  	v21 =	vld [tilespmem:s28+$0xFFFFFFF0];
	v7 =	vmul.f32 v7, v11;
	[tilespmem:s19+$0x20] =	vst v1  }
0x92: {  	v3 =	vpop (erf);
	v5 =	vld [tilespmem:s18+$0x30]  }
0x93: {  	v22 =	vld [tilespmem:s24+$0xFFFFFFF0];
	v1 =	vnsel vm0, $0x0, v3;
	[tilespmem:s26+$0x90] =	vst v7  }
0x94: {  	v3 =	vpop (erf);
	[tilespmem:s26+$0xFFFFFFF0] =	vst v1;
	v7 =	vmul.f32 v12, v8;
	v12 =	vld [tilespmem:s20+$0xA0]  }
0x95: {  	v3 =	vnsel vm0, $0x0, v3;
	v14 =	vld [tilespmem:s20+$0xFFFFFF70];
	v2 =	vmul.f32 v2, v6  }
0x96: {  	v23 =	vld [tilespmem:s28+$0xFFFFFF60];
	v13 =	vpop (erf);
	[tilespmem:s26+$0x80] =	vst v3  }
0x97: {  	v4 =	vld [tilespmem:s18+$0xFFFFFF10];
	v13 =	vnsel vm0, $0x0, v13;
	[tilespmem:s19+$0xE0] =	vst v2;
	v2 =	vmul.f32 v5, v9  }
0x98: {  	v1 =	vperm.xlane v1, v0;
	[tilespmem:s26+$0xFFFFFF60] =	vst v13;
	v15 =	vld [tilespmem:s20+$0x0]  }
0x99: {  	v16 =	vld [tilespmem:s20+$0xFFFFFEE0];
	[tilespmem:s19+$0x30] =	vst v2;
	v2 =	vmul.f32 v12, v11  }
0x9a: {  	[tilespmem:s19+$0xFFFFFFA0] =	vst v7;
	v5 =	vmul.f32 v14, v1;
	v12 =	vld [tilespmem:s28+$0x110]  }
0x9b: {  	v7 =	vld [tilespmem:s18+$0xFFFFFFB0];
	[tilespmem:s26+$0xA0] =	vst v2  }
0x9c: {  	v4 =	vmul.f32 v4, v10;
	[tilespmem:s26+$0xFFFFFF70] =	vst v5;
	v19 =	vld [tilespmem:s20+$0xB0]  }
0x9d: {  	v17 =	vld [tilespmem:s20+$0xFFFFFF80];
	v2 =	vperm.xlane v3, v0;
	v3 =	vperm.xlane v13, v0  }
0x9e: {  	[tilespmem:s19+$0xFFFFFF10] =	vst v4;
	v4 =	vld [tilespmem:s18+$0xF0]  }
0x9f: {  	v14 =	vld [tilespmem:s18+$0xFFFFFF20];
	v16 =	vmul.f32 v16, v3;
	v12 =	vadd.f32 v18, v12  }
0xa0: {  	v13 =	vld [tilespmem:s28+$0x80];
	v15 =	vmul.f32 v15, v2  }
0xa1: {  	[tilespmem:s26+$0xFFFFFEE0] =	vst v16;
	v24 =	vmul.f32 $2.000000030e-01, v12;
	v18 =	vmul.f32 v19, v11;
	v19 =	vld [tilespmem:s24+$0x0]  }
0xa2: {  	v5 =	vld [tilespmem:s18+$0x40];
	[tilespmem:s26+$0x0] =	vst v15;
	vm1 =	vge.f32 v12, $0.0e+00;
	v15 =	vmul.f32 v17, v1  }
0xa3: {  	v7 =	vmul.f32 v7, v8;
	v16 =	vadd.f32 v22, v21;
	v21 =	vld [tilespmem:s20+$0x10];
	v12 =	vsel vm1, v12, v24;
	[tilespmem:s26+$0xB0] =	vst v18  }
0xa4: {  	v4 =	vmul.f32 v4, v6;
	[tilespmem:s26+$0xFFFFFF80] =	vst v15;
	v15 =	vadd.f32 v20, v23;
	v12 =	vmul.f32 $1.442695020e+00, v12;
	v18 =	vld [tilespmem:s20+$0xC0]  }
0xa5: {  	[tilespmem:s19+$0xFFFFFFB0] =	vst v7;
	v14 =	vmul.f32 v14, v10;
	v17 =	vld [tilespmem:s20+$0xFFFFFEF0];
	v22 =	vmul.f32 $2.000000030e-01, v16;
	vm1 =	vge.f32 v16, $0.0e+00  }
0xa6: {  	[tilespmem:s19+$0xF0] =	vst v4;
	(erf) = vpow2.f32 v12;
	v12 =	vld [tilespmem:s20+$0xFFFFFF90];
	v13 =	vadd.f32 v19, v13;
	v19 =	vmul.f32 $2.000000030e-01, v15  }
0xa7: {  	v5 =	vmul.f32 v5, v9;
	v4 =	vld [tilespmem:s18+$0xFFFFFFC0];
	[tilespmem:s19+$0xFFFFFF20] =	vst v14;
	v14 =	vsel vm1, v16, v22;
	vm2 =	vge.f32 v15, $0.0e+00  }
0xa8: {  	v7 =	vld [tilespmem:s18+$0xFFFFFF30];
	s24 =	simm.s32 $0x2ED0;
	v16 =	vmul.f32 $2.000000030e-01, v13;
	v15 =	vsel vm2, v15, v19;
	v19 =	vmul.f32 v21, v2  }
0xa9: {  	[tilespmem:s19+$0x40] =	vst v5;
	v26 =	vld [tilespmem:s24+$0x10];
	vm1 =	vge.f32 v13, $0.0e+00;
	v18 =	vmul.f32 v18, v11  }
0xaa: {  	v28 =	vld [tilespmem:s24+$0xFFFFFFF0];
	v14 =	vmul.f32 $1.442695020e+00, v14;
	v13 =	vsel vm1, v13, v16;
	v16 =	vmul.f32 v17, v3;
	[tilespmem:s26+$0x10] =	vst v19  }
0xab: {  	v12 =	vmul.f32 v12, v1;
	v13 =	vmul.f32 $1.442695020e+00, v13;
	[tilespmem:s26+$0xC0] =	vst v18;
	v5 =	vld [tilespmem:s20+$0x20]  }
0xac: {  	v4 =	vmul.f32 v4, v8;
	(erf) = vpow2.f32 v14;
	[tilespmem:s26+$0xFFFFFEF0] =	vst v16;
	v14 =	vld [tilespmem:s20+$0xD0]  }
0xad: {  	v15 =	vmul.f32 $1.442695020e+00, v15;
	[tilespmem:s26+$0xFFFFFF90] =	vst v12;
	(erf) = vpow2.f32 v13;
	v13 =	vld [tilespmem:s20+$0xFFFFFF00]  }
0xae: {  	v7 =	vmul.f32 v7, v10;
	v16 =	vld [tilespmem:s20+$0xFFFFFFA0]  }
0xaf: {  	[tilespmem:s19+$0xFFFFFFC0] =	vst v4;
	(erf) = vpow2.f32 v15;
	v15 =	vld [tilespmem:s18+$0x50];
	v12 =	vpop (erf)  }
0xb0: {  	s29 =	simm.s32 $0x3890;
	[tilespmem:s19+$0xFFFFFF30] =	vst v7;
	v17 =	vld [tilespmem:s18+$0x100];
	v7 =	vnsel vm0, $0x0, v12;
	v5 =	vmul.f32 v5, v2  }
0xb1: {  	[tilespmem:s29+$0x110] =	vst v7;
	v12 =	vmul.f32 v14, v11;
	v14 =	vld [tilespmem:s18+$0xFFFFFF40]  }
0xb2: {  	v18 =	vld [tilespmem:s28+$0x90];
	v4 =	vmul.f32 v13, v3;
	[tilespmem:s26+$0x20] =	vst v5  }
0xb3: {  	v16 =	vmul.f32 v16, v1;
	[tilespmem:s26+$0xD0] =	vst v12;
	v20 =	vld [tilespmem:s20+$0x30]  }
0xb4: {  	v12 =	vmul.f32 v15, v9;
	[tilespmem:s26+$0xFFFFFF00] =	vst v4;
	v4 =	vld [tilespmem:s20+$0xE0]  }
0xb5: {  	v7 =	vperm.xlane v7, v0;
	v15 =	vpop (erf);
	[tilespmem:s26+$0xFFFFFFA0] =	vst v16;
	v19 =	vld [tilespmem:s20+$0xFFFFFF10]  }
0xb6: {  	v5 =	vnsel vm0, $0x0, v15;
	[tilespmem:s19+$0x50] =	vst v12;
	v16 =	vld [tilespmem:s20+$0xFFFFFFB0];
	v15 =	vpop (erf)  }
0xb7: {  	[tilespmem:s29+$0xFFFFFFF0] =	vst v5;
	v21 =	vld [tilespmem:s18+$0x60];
	v18 =	vmul.f32 v18, v7;
	v12 =	vnsel vm0, $0x0, v15  }
0xb8: {  	v22 =	vld [tilespmem:s28+$0xFFFFFF70];
	[tilespmem:s29+$0x80] =	vst v12  }
0xb9: {  	v15 =	vpop (erf);
	[tilespmem:s29+$0x90] =	vst v18;
	v23 =	vld [tilespmem:s28+$0x0]  }
0xba: {  	s9 =	simm.s32 $0x8D0;
	v15 =	vnsel vm0, $0x0, v15;
	v24 =	vmul.f32 v4, v11;
	v4 =	vperm.xlane v5, v0;
	v5 =	vld [tilespmem:s28+$0xA0]  }
0xbb: {  	v17 =	vmul.f32 v17, v6;
	[tilespmem:s29+$0xFFFFFF60] =	vst v15;
	v6 =	vperm.xlane v15, v0;
	v15 =	vld [tilespmem:s9+$0xFFFFFFF0]  }
0xbc: {  	v25 =	vld [tilespmem:s28+$0xFFFFFEE0];
	v18 =	vmul.f32 v19, v3  }
0xbd: {  	v19 =	vmul.f32 v20, v2;
	[tilespmem:s26+$0xE0] =	vst v24;
	v24 =	vld [tilespmem:s9+$0x110]  }
0xbe: {  	v20 =	vmul.f32 v22, v4;
	[tilespmem:s26+$0xFFFFFF10] =	vst v18;
	v18 =	vld [tilespmem:s20+$0xF0]  }
0xbf: {  	[tilespmem:s26+$0x30] =	vst v19;
	v22 =	vld [tilespmem:s20+$0xFFFFFF20]  }
0xc0: {  	[tilespmem:s29+$0xFFFFFF70] =	vst v20;
	v19 =	vld [tilespmem:s20+$0x40]  }
0xc1: {  	v20 =	vld [tilespmem:s28+$0xFFFFFF80];
	v5 =	vmul.f32 v5, v7  }
0xc2: {  	[tilespmem:s19+$0x100] =	vst v17;
	v17 =	vmul.f32 v25, v6;
	v25 =	vld [tilespmem:s9+$0x80]  }
0xc3: {  	[tilespmem:s29+$0xA0] =	vst v5;
	v5 =	vperm.xlane v12, v0;
	v12 =	vld [tilespmem:s24+$0xFFFFFFE0]  }
0xc4: {  	v18 =	vmul.f32 v18, v11;
	v27 =	vld [tilespmem:s28+$0xB0]  }
0xc5: {  	v24 =	vadd.f32 v26, v24;
	v26 =	vld [tilespmem:s24+$0x0];
	[tilespmem:s29+$0xFFFFFEE0] =	vst v17  }
0xc6: {  	v16 =	vmul.f32 v16, v1;
	v17 =	vmul.f32 v22, v3;
	v22 =	vld [tilespmem:s9+$0xFFFFFF60];
	[tilespmem:s26+$0xF0] =	vst v18  }
0xc7: {  	v15 =	vadd.f32 v28, v15;
	v23 =	vmul.f32 v23, v5;
	v18 =	vld [tilespmem:s20+$0x100]  }
0xc8: {  	v13 =	vld [tilespmem:s18+$0xFFFFFFD0];
	v14 =	vmul.f32 v14, v10;
	[tilespmem:s26+$0xFFFFFFB0] =	vst v16  }
0xc9: {  	v16 =	vmul.f32 $2.000000030e-01, v15;
	[tilespmem:s29+$0x0] =	vst v23;
	v23 =	vmul.f32 v27, v7  }
0xca: {  	vm1 =	vge.f32 v24, $0.0e+00;
	v19 =	vmul.f32 v19, v2;
	[tilespmem:s26+$0xFFFFFF20] =	vst v17;
	v27 =	vmul.f32 $2.000000030e-01, v24  }
0xcb: {  	v20 =	vmul.f32 v20, v4;
	v17 =	vmul.f32 v21, v9;
	v12 =	vadd.f32 v12, v22;
	[tilespmem:s29+$0xB0] =	vst v23;
	v23 =	vld [tilespmem:s28+$0xFFFFFEF0]  }
0xcc: {  	[tilespmem:s19+$0xFFFFFF40] =	vst v14;
	v24 =	vsel vm1, v24, v27;
	v21 =	vld [tilespmem:s28+$0xC0];
	v11 =	vmul.f32 v18, v11;
	v18 =	vadd.f32 v26, v25  }
0xcd: {  	v13 =	vmul.f32 v13, v8;
	[tilespmem:s29+$0xFFFFFF80] =	vst v20;
	vm1 =	vge.f32 v15, $0.0e+00;
	v20 =	vmul.f32 $1.442695020e+00, v24;
	v24 =	vld [tilespmem:s28+$0x10]  }
0xce: {  	[tilespmem:s26+$0x40] =	vst v19;
	v19 =	vld [tilespmem:s20+$0xFFFFFF30];
	v14 =	vsel vm1, v15, v16;
	vm2 =	vge.f32 v12, $0.0e+00;
	v15 =	vmul.f32 $2.000000030e-01, v18  }
0xcf: {  	[tilespmem:s19+$0xFFFFFFD0] =	vst v13;
	v25 =	vld [tilespmem:s28+$0xFFFFFF90];
	v13 =	vmul.f32 $2.000000030e-01, v12;
	(erf) = vpow2.f32 v20;
	vm1 =	vge.f32 v18, $0.0e+00  }
0xd0: {  	v16 =	vld [tilespmem:s20+$0xFFFFFFC0];
	[tilespmem:s26+$0x100] =	vst v11;
	v11 =	vmul.f32 $1.442695020e+00, v14;
	v14 =	vsel vm1, v18, v15;
	v15 =	vmul.f32 v23, v6  }
0xd1: {  	v12 =	vsel vm2, v12, v13;
	v18 =	vld [tilespmem:s18+$0xFFFFFF50];
	v20 =	vmul.f32 v21, v7;
	v13 =	vmul.f32 $1.442695020e+00, v14  }
0xd2: {  	(erf) = vpow2.f32 v11;
	v21 =	vld [tilespmem:s20+$0x50];
	v14 =	vmul.f32 v24, v5;
	[tilespmem:s29+$0xFFFFFEF0] =	vst v15  }
0xd3: {  	v12 =	vmul.f32 $1.442695020e+00, v12;
	[tilespmem:s29+$0xC0] =	vst v20;
	(erf) = vpow2.f32 v13;
	v13 =	vld [tilespmem:s28+$0xFFFFFF00]  }
0xd4: {  	v15 =	vmul.f32 v25, v4;
	[tilespmem:s29+$0x10] =	vst v14;
	v11 =	vld [tilespmem:s28+$0xD0]  }
0xd5: {  	[tilespmem:s19+$0x60] =	vst v17;
	(erf) = vpow2.f32 v12;
	v12 =	vld [tilespmem:s28+$0x20]  }
0xd6: {  	v20 =	vld [tilespmem:s18+$0xFFFFFFE0];
	[tilespmem:s29+$0xFFFFFF90] =	vst v15;
	v15 =	vmul.f32 v16, v1  }
0xd7: {  	v14 =	vmul.f32 v19, v3;
	v16 =	vld [tilespmem:s18+$0x70]  }
0xd8: {  	v19 =	vld [tilespmem:s28+$0xFFFFFFA0];
	[tilespmem:s26+$0xFFFFFFC0] =	vst v15;
	v17 =	vpop (erf)  }
0xd9: {  	s18 =	simm.s32 $0x3AD0;
	[tilespmem:s26+$0xFFFFFF30] =	vst v14;
	v22 =	vld [tilespmem:s20+$0xFFFFFFD0];
	v14 =	vnsel vm0, $0x0, v17;
	v13 =	vmul.f32 v13, v6;
	v11 =	vmul.f32 v11, v7  }
0xda: {  	v17 =	vld [tilespmem:s20+$0xFFFFFF40];
	[tilespmem:s18+$0x110] =	vst v14;
	v12 =	vmul.f32 v12, v5  }
0xdb: {  	v15 =	vld [tilespmem:s9+$0x90];
	[tilespmem:s29+$0xD0] =	vst v11;
	v11 =	vmul.f32 v21, v2  }
0xdc: {  	[tilespmem:s29+$0xFFFFFF00] =	vst v13;
	v21 =	vld [tilespmem:s28+$0xE0]  }
0xdd: {  	v23 =	vld [tilespmem:s28+$0xFFFFFF10];
	[tilespmem:s29+$0x20] =	vst v12;
	v13 =	vpop (erf)  }
0xde: {  	v14 =	vperm.xlane v14, v0;
	v25 =	vld [tilespmem:s28+$0x30];
	v24 =	vnsel vm0, $0x0, v13;
	v12 =	vpop (erf);
	[tilespmem:s26+$0x50] =	vst v11  }
0xdf: {  	[tilespmem:s18+$0xFFFFFFF0] =	vst v24;
	v26 =	vnsel vm0, $0x0, v12;
	v27 =	vld [tilespmem:s20+$0x60];
	v11 =	vpop (erf)  }
0xe0: {  	v13 =	vmul.f32 v18, v10;
	v18 =	vld [tilespmem:s9+$0xFFFFFF70];
	[tilespmem:s18+$0x80] =	vst v26;
	v15 =	vmul.f32 v15, v14;
	v10 =	vnsel vm0, $0x0, v11  }
0xe1: {  	v12 =	vmul.f32 v20, v8;
	v20 =	vld [tilespmem:s9+$0x0];
	[tilespmem:s18+$0xFFFFFF60] =	vst v10;
	v8 =	vmul.f32 v21, v7  }
0xe2: {  	v11 =	vmul.f32 v16, v9;
	[tilespmem:s18+$0x90] =	vst v15;
	v15 =	vmul.f32 v23, v6;
	v63 =	vld [tilespmem:s9+$0xFFFFFEE0]  }
0xe3: {  	v16 =	vmul.f32 v19, v4;
	v9 =	vperm.xlane v24, v0;
	v24 =	vld [tilespmem:s9+$0xA0];
	[tilespmem:s29+$0xE0] =	vst v8  }
0xe4: {  	v23 =	vmul.f32 v25, v5;
	v8 =	vperm.xlane v26, v0;
	[tilespmem:s29+$0xFFFFFF10] =	vst v15;
	v19 =	vld [tilespmem:s28+$0xF0]  }
0xe5: {  	v10 =	vperm.xlane v10, v0;
	[tilespmem:s29+$0xFFFFFFA0] =	vst v16;
	v25 =	vmul.f32 v18, v9;
	v21 =	vld [tilespmem:s28+$0xFFFFFF20]  }
0xe6: {  	v15 =	vmul.f32 v17, v3;
	[tilespmem:s29+$0x30] =	vst v23;
	v18 =	vld [tilespmem:s28+$0xFFFFFFB0];
	v26 =	vmul.f32 v20, v8  }
0xe7: {  	v17 =	vmul.f32 v22, v1;
	v20 =	vld [tilespmem:s28+$0x40];
	[tilespmem:s18+$0xFFFFFF70] =	vst v25;
	v23 =	vmul.f32 v63, v10  }
0xe8: {  	s3 =	simm.s32 $0xC;
	s10 =	simm.s32 $0xB10;
	v16 =	vmul.f32 v27, v2;
	v22 =	vld [tilespmem:s9+$0xFFFFFF80];
	[tilespmem:s18+$0x0] =	vst v26;
	v24 =	vmul.f32 v24, v14  }
.LBB2_3:
0xe9: {  	v25 =	vld [tilespmem:s10+$0x110];
	[tilespmem:s18+$0xFFFFFEE0] =	vst v23;
	s24 =	sadd.s32 $0x40, s24;
	v19 =	vmul.f32 v19, v7  }
0xea: {  	v23 =	vld [tilespmem:s24+$0x10];
	[tilespmem:s18+$0xA0] =	vst v24;
	v21 =	vmul.f32 v21, v6  }
0xeb: {  	v24 =	vld [tilespmem:s9+$0xB0];
	v18 =	vmul.f32 v18, v4;
	[tilespmem:s29+$0xF0] =	vst v19  }
0xec: {  	s3 =	sadd.s32 $0x4, s3;
	[tilespmem:s29+$0xFFFFFF20] =	vst v21;
	v19 =	vmul.f32 v20, v5;
	v20 =	vld [tilespmem:s28+$0x100]  }
0xed: {  	p1 =	slt.u32 s3, $0x24;
	v21 =	vld [tilespmem:s24+$0xFFFFFFE0];
	v22 =	vmul.f32 v22, v9;
	[tilespmem:s29+$0xFFFFFFB0] =	vst v18  }
0xee: {  	v18 =	vld [tilespmem:s10+$0xFFFFFFF0];
	[tilespmem:s29+$0x40] =	vst v19  }
0xef: {  	v19 =	vld [tilespmem:s24+$0xFFFFFFF0];
	[tilespmem:s18+$0xFFFFFF80] =	vst v22  }
0xf0: {  	v23 =	vadd.f32 v23, v25;
	v22 =	vld [tilespmem:s10+$0x80];
	v24 =	vmul.f32 v24, v14;
	[tilespmem:s26+$0xFFFFFF40] =	vst v15  }
0xf1: {  	v15 =	vld [tilespmem:s24+$0x0];
	v20 =	vmul.f32 v20, v7;
	[tilespmem:s26+$0xFFFFFFD0] =	vst v17;
	v7 =	vmov v14  }
0xf2: {  	v17 =	vmul.f32 $2.000000030e-01, v23;
	v14 =	vld [tilespmem:s10+$0xFFFFFF60];
	[tilespmem:s18+$0xB0] =	vst v24  }
0xf3: {  	vm1 =	vge.f32 v23, $0.0e+00;
	v24 =	vld [tilespmem:s9+$0xFFFFFEF0];
	[tilespmem:s29+$0x100] =	vst v20  }
0xf4: {  	v17 =	vsel vm1, v23, v17;
	v18 =	vadd.f32 v19, v18;
	v19 =	vld [tilespmem:s9+$0xC0];
	[tilespmem:s26+$0x60] =	vst v16  }
0xf5: {  	v16 =	vmul.f32 $1.442695020e+00, v17;
	v17 =	vld [tilespmem:s9+$0x10];
	[tilespmem:s19+$0xFFFFFF50] =	vst v13  }
0xf6: {  	vm1 =	vge.f32 v18, $0.0e+00;
	v13 =	vmul.f32 $2.000000030e-01, v18;
	v15 =	vadd.f32 v15, v22;
	v20 =	vld [tilespmem:s9+$0xFFFFFF90];
	[tilespmem:s19+$0xFFFFFFE0] =	vst v12  }
0xf7: {  	v12 =	vadd.f32 v21, v14;
	(erf) = vpow2.f32 v16;
	v14 =	vld [tilespmem:s28+$0xFFFFFF30];
	[tilespmem:s19+$0x70] =	vst v11;
	s19 =	smov.u32 s26;
	s26 =	smov.u32 s29;
	s29 =	smov.u32 s18  }
0xf8: {  	v11 =	vsel vm1, v18, v13;
	vm1 =	vge.f32 v15, $0.0e+00;
	v13 =	vmul.f32 $2.000000030e-01, v15;
	v16 =	vld [tilespmem:s28+$0xFFFFFFC0]  }
0xf9: {  	vm2 =	vge.f32 v12, $0.0e+00;
	v18 =	vmul.f32 $2.000000030e-01, v12;
	v19 =	vmul.f32 v19, v7;
	v21 =	vld [tilespmem:s28+$0x50]  }
0xfa: {  	v11 =	vmul.f32 $1.442695020e+00, v11;
	v13 =	vsel vm1, v15, v13;
	v15 =	vmul.f32 v24, v10;
	v22 =	vld [tilespmem:s20+$0xFFFFFF50]  }
0xfb: {  	v17 =	vmul.f32 v17, v8;
	v12 =	vsel vm2, v12, v18;
	v13 =	vmul.f32 $1.442695020e+00, v13;
	[tilespmem:s18+$0xC0] =	vst v19;
	v18 =	vld [tilespmem:s20+$0xFFFFFFE0]  }
0xfc: {  	v12 =	vmul.f32 $1.442695020e+00, v12;
	(erf) = vpow2.f32 v11;
	[tilespmem:s18+$0xFFFFFEF0] =	vst v15;
	v11 =	vld [tilespmem:s9+$0xD0]  }
0xfd: {  	(erf) = vpow2.f32 v13;
	v15 =	vld [tilespmem:s9+$0xFFFFFF00];
	v13 =	vmul.f32 v20, v9;
	[tilespmem:s18+$0x10] =	vst v17  }
0xfe: {  	(erf) = vpow2.f32 v12;
	v17 =	vld [tilespmem:s9+$0x20];
	v12 =	vmul.f32 v14, v6  }
0xff: {  	v14 =	vmul.f32 v16, v4;
	v16 =	vmul.f32 v21, v5;
	[tilespmem:s18+$0xFFFFFF90] =	vst v13;
	v19 =	vld [tilespmem:s20+$0x70];
	s20 =	smov.u32 s28;
	s28 =	smov.u32 s9;
	s9 =	smov.u32 s10  }
0x100: {  	v13 =	vmul.f32 v22, v3;
	v20 =	vpop (erf);
	v21 =	vld [tilespmem:s28+$0xFFFFFFA0];
	[tilespmem:s26+$0xFFFFFF30] =	vst v12;
	v12 =	vmul.f32 v18, v1;
	v1 =	vmov v4  }
0x101: {  	s18 =	sadd.s32 $0x240, s18;
	v3 =	vmovc v6;
	v6 =	vmovc v10;
	v4 =	vmov v9;
	v18 =	vnsel vm0, $0x0, v20;
	v11 =	vmul.f32 v11, v7;
	v20 =	vld [tilespmem:s20+$0xFFFFFF40];
	[tilespmem:s26+$0xFFFFFFC0] =	vst v14  }
0x102: {  	[tilespmem:s18+$0x110] =	vst v18;
	v9 =	vmul.f32 v15, v6;
	v10 =	vld [tilespmem:s20+$0xFFFFFFD0]  }
0x103: {  	v22 =	vld [tilespmem:s10+$0x90];
	v14 =	vmul.f32 v17, v8;
	[tilespmem:s29+$0xD0] =	vst v11  }
0x104: {  	[tilespmem:s29+$0xFFFFFF00] =	vst v9;
	v23 =	vld [tilespmem:s28+$0xE0];
	v11 =	vmul.f32 v19, v2;
	v2 =	vmov v5;
	v5 =	vmov v8  }
0x105: {  	v8 =	vpop (erf);
	v19 =	vld [tilespmem:s28+$0xFFFFFF10];
	v24 =	vmul.f32 v21, v4;
	[tilespmem:s29+$0x20] =	vst v14  }
0x106: {  	v14 =	vperm.xlane v18, v0;
	v8 =	vnsel vm0, $0x0, v8;
	v17 =	vpop (erf);
	v18 =	vld [tilespmem:s28+$0x30];
	v15 =	vmul.f32 v20, v3;
	[tilespmem:s26+$0x50] =	vst v16  }
0x107: {  	[tilespmem:s18+$0xFFFFFFF0] =	vst v8;
	v9 =	vperm.xlane v8, v0;
	v8 =	vnsel vm0, $0x0, v17;
	v16 =	vpop (erf);
	v17 =	vmul.f32 v10, v1;
	v20 =	vld [tilespmem:s20+$0x60]  }
0x108: {  	v10 =	vnsel vm0, $0x0, v16;
	v21 =	vld [tilespmem:s10+$0xFFFFFF70];
	[tilespmem:s18+$0x80] =	vst v8;
	v8 =	vperm.xlane v8, v0;
	v16 =	vmul.f32 v22, v14  }
0x109: {  	[tilespmem:s18+$0xFFFFFF60] =	vst v10;
	v10 =	vperm.xlane v10, v0;
	v22 =	vld [tilespmem:s10+$0x0];
	v23 =	vmul.f32 v23, v7  }
0x10a: {  	v25 =	vld [tilespmem:s10+$0xFFFFFEE0];
	[tilespmem:s18+$0x90] =	vst v16;
	v16 =	vmul.f32 v19, v6  }
0x10b: {  	v26 =	vld [tilespmem:s10+$0xA0];
	v27 =	vmul.f32 v18, v5;
	[tilespmem:s29+$0xE0] =	vst v23  }
.Ltmp2:
0x10c: {  	[tilespmem:s29+$0xFFFFFF10] =	vst v16;
	v19 =	vld [tilespmem:s28+$0xF0];
	v16 =	vmul.f32 v20, v2;
	(pc) =	sbr.rel @p1 .LBB2_3-.Ltmp2, $4  }
0x10d: {  	v20 =	vmul.f32 v21, v9;
	v21 =	vld [tilespmem:s28+$0xFFFFFF20];
	[tilespmem:s29+$0xFFFFFFA0] =	vst v24  }
0x10e: {  	v24 =	vmul.f32 v22, v8;
	v18 =	vld [tilespmem:s28+$0xFFFFFFB0];
	[tilespmem:s29+$0x30] =	vst v27  }
0x10f: {  	v23 =	vmul.f32 v25, v10;
	[tilespmem:s18+$0xFFFFFF70] =	vst v20;
	v20 =	vld [tilespmem:s28+$0x40]  }
0x110: {  	s10 =	sadd.s32 $0x240, s10;
	v22 =	vld [tilespmem:s9+$0xFFFFFF80];
	[tilespmem:s18+$0x0] =	vst v24;
	v24 =	vmul.f32 v26, v14  }
0x111: {  	_ = 	snop  }
0x112: {  	[tilespmem:s18+$0xA0] =	vst v24  }
0x113: {  	v24 =	vld [tilespmem:s9+$0xB0];
	_ =	sdelay $0x1  }
0x114: {  	[tilespmem:s18+$0xFFFFFEE0] =	vst v23  }
0x115: {  	v23 =	vld [tilespmem:s9+$0xFFFFFEF0];
	_ =	sdelay $0x1  }
0x116: {  	v25 =	vld [tilespmem:s9+$0x10];
	v24 =	vmul.f32 v24, v14;
	_ =	sdelay $0x1  }
0x117: {  	[tilespmem:s18+$0xB0] =	vst v24  }
0x118: {  	v23 =	vmul.f32 v23, v10;
	v24 =	vld [tilespmem:s9+$0xC0]  }
0x119: {  	v22 =	vmul.f32 v22, v9  }
0x11a: {  	v25 =	vmul.f32 v25, v8;
	[tilespmem:s18+$0xFFFFFEF0] =	vst v23  }
0x11b: {  	[tilespmem:s18+$0xFFFFFF80] =	vst v22;
	v22 =	vld [tilespmem:s9+$0xFFFFFF00]  }
0x11c: {  	[tilespmem:s18+$0x10] =	vst v25;
	v23 =	vld [tilespmem:s9+$0xFFFFFF90]  }
0x11d: {  	[tilespmem:s26+$0xFFFFFF40] =	vst v15;
	v25 =	vld [tilespmem:s9+$0x20];
	v24 =	vmul.f32 v24, v14  }
0x11e: {  	v19 =	vmul.f32 v19, v7;
	[tilespmem:s26+$0xFFFFFFD0] =	vst v17  }
0x11f: {  	v21 =	vmul.f32 v21, v6;
	[tilespmem:s18+$0xC0] =	vst v24  }
0x120: {  	[tilespmem:s29+$0xF0] =	vst v19;
	v22 =	vmul.f32 v22, v10;
	v19 =	vld [tilespmem:s9+$0xD0]  }
0x121: {  	[tilespmem:s29+$0xFFFFFF20] =	vst v21;
	v21 =	vmul.f32 v23, v9  }
0x122: {  	v23 =	vmul.f32 v25, v8;
	[tilespmem:s18+$0xFFFFFF00] =	vst v22  }
0x123: {  	v18 =	vmul.f32 v18, v4;
	[tilespmem:s18+$0xFFFFFF90] =	vst v21;
	v21 =	vld [tilespmem:s9+$0xFFFFFF10]  }
0x124: {  	[tilespmem:s18+$0x20] =	vst v23;
	v22 =	vld [tilespmem:s9+$0xFFFFFFA0]  }
0x125: {  	[tilespmem:s29+$0xFFFFFFB0] =	vst v18;
	v18 =	vmul.f32 v19, v14;
	v19 =	vld [tilespmem:s9+$0x30]  }
0x126: {  	[tilespmem:s26+$0x60] =	vst v16;
	v23 =	vld [tilespmem:s28+$0x100]  }
0x127: {  	v20 =	vmul.f32 v20, v5;
	[tilespmem:s18+$0xD0] =	vst v18  }
0x128: {  	[tilespmem:s19+$0xFFFFFFE0] =	vst v12;
	v18 =	vmul.f32 v21, v10;
	v15 =	vld [tilespmem:s9+$0xE0]  }
0x129: {  	[tilespmem:s29+$0x40] =	vst v20;
	v17 =	vmul.f32 v22, v9  }
0x12a: {  	v12 =	vld [tilespmem:s28+$0x50];
	[tilespmem:s18+$0xFFFFFF10] =	vst v18;
	v19 =	vmul.f32 v19, v8  }
0x12b: {  	v7 =	vmul.f32 v23, v7;
	[tilespmem:s18+$0xFFFFFFA0] =	vst v17;
	v18 =	vld [tilespmem:s9+$0xFFFFFF20]  }
0x12c: {  	v17 =	vld [tilespmem:s9+$0xFFFFFFB0];
	[tilespmem:s18+$0x30] =	vst v19  }
0x12d: {  	[tilespmem:s29+$0x100] =	vst v7;
	v7 =	vmul.f32 v15, v14;
	v15 =	vld [tilespmem:s9+$0x40]  }
0x12e: {  	[tilespmem:s19+$0xFFFFFF50] =	vst v13;
	v16 =	vld [tilespmem:s28+$0xFFFFFF30]  }
0x12f: {  	[tilespmem:s19+$0x70] =	vst v11;
	v12 =	vmul.f32 v12, v5;
	v19 =	vld [tilespmem:s28+$0xFFFFFFC0]  }
0x130: {  	[tilespmem:s18+$0xE0] =	vst v7;
	v13 =	vmul.f32 v18, v10  }
0x131: {  	[tilespmem:s29+$0x50] =	vst v12;
	v17 =	vmul.f32 v17, v9;
	v7 =	vld [tilespmem:s9+$0xF0]  }
0x132: {  	v11 =	vld [tilespmem:s28+$0x60];
	[tilespmem:s18+$0xFFFFFF20] =	vst v13;
	v13 =	vmul.f32 v15, v8  }
0x133: {  	[tilespmem:s18+$0xFFFFFFB0] =	vst v17;
	v15 =	vmul.f32 v16, v6;
	v16 =	vld [tilespmem:s9+$0xFFFFFF30]  }
0x134: {  	v17 =	vmul.f32 v19, v4;
	[tilespmem:s18+$0x40] =	vst v13;
	v13 =	vld [tilespmem:s9+$0xFFFFFFC0]  }
0x135: {  	[tilespmem:s29+$0xFFFFFF30] =	vst v15;
	v15 =	vld [tilespmem:s9+$0x50]  }
0x136: {  	[tilespmem:s29+$0xFFFFFFC0] =	vst v17;
	v7 =	vmul.f32 v7, v14;
	v18 =	vld [tilespmem:s28+$0xFFFFFF40]  }
0x137: {  	v17 =	vld [tilespmem:s28+$0xFFFFFFD0]  }
0x138: {  	[tilespmem:s18+$0xF0] =	vst v7;
	v12 =	vmul.f32 v16, v10  }
0x139: {  	v7 =	vld [tilespmem:s9+$0x100];
	v13 =	vmul.f32 v13, v9  }
0x13a: {  	v16 =	vld [tilespmem:s20+$0xFFFFFF50];
	[tilespmem:s18+$0xFFFFFF30] =	vst v12;
	v15 =	vmul.f32 v15, v8  }
0x13b: {  	v12 =	vmul.f32 v18, v6;
	v18 =	vld [tilespmem:s9+$0xFFFFFF40];
	[tilespmem:s18+$0xFFFFFFC0] =	vst v13  }
0x13c: {  	v11 =	vmul.f32 v11, v5;
	v13 =	vmul.f32 v17, v4;
	v17 =	vld [tilespmem:s9+$0xFFFFFFD0];
	[tilespmem:s18+$0x50] =	vst v15  }
0x13d: {  	[tilespmem:s29+$0xFFFFFF40] =	vst v12;
	v12 =	vld [tilespmem:s9+$0x60]  }
0x13e: {  	[tilespmem:s29+$0x60] =	vst v11;
	v7 =	vmul.f32 v7, v14;
	v14 =	vld [tilespmem:s20+$0xFFFFFFE0]  }
0x13f: {  	v3 =	vmul.f32 v16, v3;
	[tilespmem:s29+$0xFFFFFFD0] =	vst v13;
	v13 =	vld [tilespmem:s20+$0x70]  }
0x140: {  	[tilespmem:s18+$0x100] =	vst v7;
	v7 =	vld [tilespmem:s28+$0xFFFFFF50];
	v11 =	vmul.f32 v18, v10  }
0x141: {  	[tilespmem:s26+$0xFFFFFF50] =	vst v3;
	v3 =	vld [tilespmem:s28+$0xFFFFFFE0];
	v15 =	vmul.f32 v17, v9  }
0x142: {  	v16 =	vld [tilespmem:s28+$0x70];
	[tilespmem:s18+$0xFFFFFF40] =	vst v11;
	v12 =	vmul.f32 v12, v8  }
0x143: {  	v1 =	vmul.f32 v14, v1;
	v11 =	vld [tilespmem:s9+$0xFFFFFF50];
	[tilespmem:s18+$0xFFFFFFD0] =	vst v15  }
0x144: {  	v2 =	vmul.f32 v13, v2;
	[tilespmem:s18+$0x60] =	vst v12;
	v12 =	vld [tilespmem:s9+$0xFFFFFFE0]  }
0x145: {  	[tilespmem:s26+$0xFFFFFFE0] =	vst v1;
	v1 =	vmul.f32 v7, v6;
	v6 =	vld [tilespmem:s9+$0x70]  }
0x146: {  	[tilespmem:s26+$0x70] =	vst v2;
	v2 =	vmul.f32 v3, v4  }
0x147: {  	v3 =	vmul.f32 v16, v5;
	[tilespmem:s29+$0xFFFFFF50] =	vst v1  }
0x148: {  	[tilespmem:s29+$0xFFFFFFE0] =	vst v2;
	v1 =	vmul.f32 v11, v10  }
0x149: {  	[tilespmem:s29+$0x70] =	vst v3;
	v2 =	vmul.f32 v12, v9  }
0x14a: {  	[tilespmem:s18+$0xFFFFFF50] =	vst v1;
	v3 =	vmul.f32 v6, v8  }
0x14b: {  	[tilespmem:s18+$0xFFFFFFE0] =	vst v2  }
0x14c: {  	[tilespmem:s18+$0x70] =	vst v3  }
0x14d: {  	_ =	swait.ge [sflag:s21], $0x28  }
0x14e: {  	[sflag:s21] =	ssyncset.done $0x0  }
0x14f: {  	s3 =	simm.s32 $0xA0;
	s24 =	simm.s32 $0x32F0;
	[sflag:s21] =	ssyncadd.s32 $0xFFFFFFD8  }
0x150: {  	[spmem:s16] =	stream.indirect.scatter.add.f32 [tilespmem:s24], [sflag:$0xB], $0x90, s3, s23, $0xb8;
	[tilespmem:$0x1C7F0] =	vst v63  }
0x151: {  	p1 =	seq.s32 s11, $0x0;
	s3 =	smul.u32 $0x50, s11  }
0x152: {  	s9 =	simm.s32 @!p1 $0xC  }
0x153: {  	_ =	swait.ge @!p1 [sflag:s9], $0x1680;
	s10 =	sadd.s32 s3, s22  }
0x154: {  	[sflag:s9] =	ssyncset.done @!p1 $0x0;
	s10 =	sshrl.u32 s10, $0x3  }
0x155: {  	[sflag:s9] =	ssyncadd.s32 @!p1 $0xFFFFE980;
	s26 =	sadd.s32 s1, s10  }
0x156: {  	[tilespmem:s12], [sflag:$0x6] =	stream.linear.gather [hbm4b:s26+s4], $0x28, $0x38;
	[tilespmem:$0x1C7F0] =	vst v63  }
0x157: {  	_ =	swait.ge [sflag:s14], $0x1680  }
0x158: {  	[sflag:s14] =	ssyncset.done $0x0  }
0x159: {  	[sflag:s14] =	ssyncadd.s32 $0xFFFFE980  }
0x15a: {  	_ =	swait.ge [sflag:s15], $0x280  }
0x15b: {  	s9 =	rddreg [dreg:$0xa]  }
0x15c: {  	s3 =	sadd.s32 @!p0 s3, s9  }
0x15d: {  	s18 =	simm.s32 @!p0 $0x28;
	[sflag:s15] =	ssyncset.done $0x0;
	s3 =	sshrl.u32 @!p0 s3, $0x3  }
0x15e: {  	s10 =	simm.s32 @!p0 $0x0;
	[sflag:s15] =	ssyncadd.s32 $0xFFFFFD80;
	s9 =	sadd.s32 @!p0 s7, s3  }
0x15f: {  	[tilespmem:s18], [sflag:$0x2] =	stream.linear.gather @!p0 [hbm4b:s9+s10], $0x28, $0x38;
	[tilespmem:$0x1C7F0] =	vst v63  }
0x160: {  	s3 =	sadd.s32 @!p0 s1, s3;
	s9 =	simm.s32 @!p0 $0x78  }
0x161: {  	[tilespmem:s9], [sflag:$0x4] =	stream.linear.gather @!p0 [hbm4b:s3+s10], $0x28, $0x38;
	[tilespmem:$0x1C7F0] =	vst v63  }
0x162: {  	s3 =	simm.s32 @!p0 $0x1  }
0x163: {  	_ =	swait.ge @!p0 [sflag:s3], $0x28  }
0x164: {  	[sflag:s3] =	ssyncset.done @!p0 $0x0  }
0x165: {  	[sflag:s3] =	ssyncadd.s32 @!p0 $0xFFFFFFD8;
	s3 =	simm.s32 @!p0 $0x3  }
0x166: {  	_ =	swait.ge @!p0 [sflag:s3], $0x28  }
0x167: {  	[sflag:s3] =	ssyncset.done @!p0 $0x0  }
0x168: {  	[sflag:s3] =	ssyncadd.s32 @!p0 $0xFFFFFFD8;
	s3 =	simm.s32 @!p0 $0xF0  }
0x169: {  	[tilespmem:s3], [sflag:$0x7] =	stream.indirect.gather @!p0 [hbm4b:s5+s18], $0x90, s10, s18, $0xb8;
	[tilespmem:$0x1C7F0] =	vst v63  }
0x16a: {  	s9 =	simm.s32 @!p0 $0x2DF0;
	s3 =	simm.s32 @!p0 $0x50  }
0x16b: {  	[tilespmem:s9], [sflag:$0x9] =	stream.indirect.gather @!p0 [hbm4b:s6+s18], $0x10, s3, s18, $0xb8;
	[tilespmem:$0x1C7F0] =	vst v63  }
0x16c: {  	s18 =	simm.s32 $0x1890  }
0x16d: {  	s9 =	simm.s32 $0x3090;
	v1 =	vld [tilespmem:s18+$0x110]  }
0x16e: {  	v2 =	vld [tilespmem:s9+$0x10];
	_ =	sdelay $0x4  }
0x16f: {  	v3 =	vld [tilespmem:s18+$0xFFFFFFF0];
	v1 =	vadd.f32 v2, v1  }
0x170: {  	v4 =	vld [tilespmem:s9+$0xFFFFFFF0]  }
0x171: {  	v2 =	vmul.f32 $2.000000030e-01, v1  }
0x172: {  	vm1 =	vge.f32 v1, $0.0e+00  }
0x173: {  	v5 =	vld [tilespmem:s9+$0xFFFFFFE0];
	v1 =	vsel vm1, v1, v2  }
0x174: {  	v6 =	vld [tilespmem:s18+$0xFFFFFF60];
	v1 =	vmul.f32 $1.442695020e+00, v1  }
0x175: {  	v3 =	vadd.f32 v4, v3;
	v4 =	vld [tilespmem:s9+$0x0]  }
0x176: {  	v2 =	vld [tilespmem:s18+$0x80];
	(erf) = vpow2.f32 v1;
	_ =	sdelay $0x1  }
0x177: {  	v7 =	vmul.f32 $2.000000030e-01, v3  }
0x178: {  	vm1 =	vge.f32 v3, $0.0e+00  }
0x179: {  	v1 =	vsel vm1, v3, v7;
	v3 =	vadd.f32 v5, v6  }
0x17a: {  	v1 =	vmul.f32 $1.442695020e+00, v1;
	v2 =	vadd.f32 v4, v2  }
0x17b: {  	v4 =	vmul.f32 $2.000000030e-01, v3  }
0x17c: {  	(erf) = vpow2.f32 v1;
	v1 =	vmul.f32 $2.000000030e-01, v2  }
0x17d: {  	vm2 =	vge.f32 v3, $0.0e+00;
	vm1 =	vge.f32 v2, $0.0e+00  }
0x17e: {  	v1 =	vsel vm1, v2, v1;
	v2 =	vsel vm2, v3, v4;
	v3 =	vpop (erf)  }
0x17f: {  	s19 =	simm.s32 $0x4A90;
	v1 =	vmul.f32 $1.442695020e+00, v1;
	v3 =	vnsel vm0, $0x0, v3  }
0x180: {  	[tilespmem:s19+$0x110] =	vst v3  }
0x181: {  	v2 =	vmul.f32 $1.442695020e+00, v2;
	(erf) = vpow2.f32 v1;
	v1 =	vld [tilespmem:s18+$0x90];
	_ =	sdelay $0x1  }
0x182: {  	(erf) = vpow2.f32 v2  }
0x183: {  	v6 =	vperm.xlane v3, v0;
	_ =	sdelay $0x1  }
0x184: {  	v1 =	vmul.f32 v1, v6  }
0x185: {  	v2 =	vpop (erf)  }
0x186: {  	v2 =	vnsel vm0, $0x0, v2;
	[tilespmem:s19+$0x90] =	vst v1  }
0x187: {  	[tilespmem:s19+$0xFFFFFFF0] =	vst v2;
	v8 =	vperm.xlane v2, v0;
	v2 =	vld [tilespmem:s18+$0xA0]  }
0x188: {  	s20 =	simm.s32 $0x1AD0  }
0x189: {  	s10 =	simm.s32 $0x30D0;
	v9 =	vld [tilespmem:s20+$0x110];
	v1 =	vpop (erf)  }
0x18a: {  	v11 =	vld [tilespmem:s10+$0x10];
	v4 =	vpop (erf)  }
0x18b: {  	v12 =	vld [tilespmem:s10+$0xFFFFFFE0];
	v4 =	vnsel vm0, $0x0, v4  }
0x18c: {  	v3 =	vld [tilespmem:s18+$0xFFFFFF70];
	v1 =	vnsel vm0, $0x0, v1;
	[tilespmem:s19+$0xFFFFFF60] =	vst v4;
	v2 =	vmul.f32 v2, v6  }
0x18d: {  	[tilespmem:s19+$0x80] =	vst v1;
	v7 =	vld [tilespmem:s18+$0xFFFFFEE0]  }
0x18e: {  	v5 =	vld [tilespmem:s18+$0x0];
	[tilespmem:s19+$0xA0] =	vst v2  }
0x18f: {  	v2 =	vld [tilespmem:s18+$0xB0]  }
0x190: {  	v13 =	vld [tilespmem:s20+$0xFFFFFFF0];
	v11 =	vadd.f32 v11, v9;
	v10 =	vperm.xlane v4, v0  }
0x191: {  	v14 =	vld [tilespmem:s10+$0xFFFFFFF0];
	v3 =	vmul.f32 v3, v8;
	v9 =	vperm.xlane v1, v0  }
0x192: {  	v15 =	vld [tilespmem:s20+$0xFFFFFF60];
	v16 =	vmul.f32 $2.000000030e-01, v11;
	v7 =	vmul.f32 v7, v10  }
0x193: {  	vm1 =	vge.f32 v11, $0.0e+00;
	[tilespmem:s19+$0xFFFFFF70] =	vst v3;
	v4 =	vld [tilespmem:s20+$0x80];
	v5 =	vmul.f32 v5, v9  }
0x194: {  	[tilespmem:s19+$0xFFFFFEE0] =	vst v7;
	v7 =	vsel vm1, v11, v16;
	v1 =	vmul.f32 v2, v6;
	v2 =	vld [tilespmem:s10+$0x0]  }
0x195: {  	v3 =	vld [tilespmem:s18+$0xFFFFFF80];
	[tilespmem:s19+$0x0] =	vst v5;
	v7 =	vmul.f32 $1.442695020e+00, v7  }
0x196: {  	v5 =	vld [tilespmem:s18+$0xFFFFFEF0];
	[tilespmem:s19+$0xB0] =	vst v1  }
0x197: {  	v1 =	vadd.f32 v14, v13;
	(erf) = vpow2.f32 v7;
	v11 =	vld [tilespmem:s18+$0xC0];
	_ =	sdelay $0x1  }
0x198: {  	v13 =	vld [tilespmem:s18+$0x10];
	v14 =	vmul.f32 $2.000000030e-01, v1;
	v2 =	vadd.f32 v2, v4  }
0x199: {  	v3 =	vmul.f32 v3, v8;
	vm1 =	vge.f32 v1, $0.0e+00;
	v4 =	vadd.f32 v12, v15  }
0x19a: {  	v5 =	vmul.f32 v5, v10;
	v1 =	vsel vm1, v1, v14;
	v7 =	vmul.f32 $2.000000030e-01, v2  }
0x19b: {  	vm1 =	vge.f32 v2, $0.0e+00;
	v12 =	vmul.f32 $2.000000030e-01, v4;
	v11 =	vmul.f32 v11, v6  }
0x19c: {  	[tilespmem:s19+$0xFFFFFF80] =	vst v3;
	vm2 =	vge.f32 v4, $0.0e+00;
	v1 =	vmul.f32 $1.442695020e+00, v1;
	v2 =	vsel vm1, v2, v7  }
0x19d: {  	v3 =	vld [tilespmem:s18+$0xFFFFFF90];
	v4 =	vsel vm2, v4, v12;
	v7 =	vmul.f32 v13, v9;
	v2 =	vmul.f32 $1.442695020e+00, v2;
	[tilespmem:s19+$0xC0] =	vst v11  }
0x19e: {  	[tilespmem:s19+$0xFFFFFEF0] =	vst v5;
	(erf) = vpow2.f32 v1;
	v4 =	vmul.f32 $1.442695020e+00, v4;
	v1 =	vld [tilespmem:s18+$0xD0]  }
0x19f: {  	[tilespmem:s19+$0x10] =	vst v7;
	v5 =	vpop (erf);
	(erf) = vpow2.f32 v2;
	v2 =	vld [tilespmem:s18+$0xFFFFFF00]  }
0x1a0: {  	s26 =	simm.s32 $0x4CD0;
	v5 =	vnsel vm0, $0x0, v5;
	(erf) = vpow2.f32 v4;
	v4 =	vld [tilespmem:s18+$0x20]  }
0x1a1: {  	[tilespmem:s26+$0x110] =	vst v5  }
0x1a2: {  	s24 =	simm.s32 $0x3110;
	v3 =	vmul.f32 v3, v8;
	v7 =	vld [tilespmem:s20+$0x90]  }
0x1a3: {  	v18 =	vld [tilespmem:s24+$0x10];
	v1 =	vmul.f32 v1, v6  }
0x1a4: {  	v20 =	vld [tilespmem:s24+$0xFFFFFFE0];
	[tilespmem:s19+$0xFFFFFF90] =	vst v3;
	v2 =	vmul.f32 v2, v10  }
0x1a5: {  	v12 =	vld [tilespmem:s18+$0xFFFFFFA0];
	v11 =	vperm.xlane v5, v0;
	[tilespmem:s19+$0xD0] =	vst v1;
	v1 =	vmul.f32 v4, v9  }
0x1a6: {  	s28 =	simm.s32 $0x1D10;
	[tilespmem:s19+$0xFFFFFF00] =	vst v2;
	v2 =	vld [tilespmem:s18+$0xE0]  }
0x1a7: {  	v21 =	vld [tilespmem:s28+$0xFFFFFFF0];
	v7 =	vmul.f32 v7, v11;
	[tilespmem:s19+$0x20] =	vst v1  }
0x1a8: {  	v3 =	vpop (erf);
	v5 =	vld [tilespmem:s18+$0x30]  }
0x1a9: {  	v22 =	vld [tilespmem:s24+$0xFFFFFFF0];
	v1 =	vnsel vm0, $0x0, v3;
	[tilespmem:s26+$0x90] =	vst v7  }
0x1aa: {  	v3 =	vpop (erf);
	[tilespmem:s26+$0xFFFFFFF0] =	vst v1;
	v7 =	vmul.f32 v12, v8;
	v12 =	vld [tilespmem:s20+$0xA0]  }
0x1ab: {  	v3 =	vnsel vm0, $0x0, v3;
	v14 =	vld [tilespmem:s20+$0xFFFFFF70];
	v2 =	vmul.f32 v2, v6  }
0x1ac: {  	v23 =	vld [tilespmem:s28+$0xFFFFFF60];
	v13 =	vpop (erf);
	[tilespmem:s26+$0x80] =	vst v3  }
0x1ad: {  	v4 =	vld [tilespmem:s18+$0xFFFFFF10];
	v13 =	vnsel vm0, $0x0, v13;
	[tilespmem:s19+$0xE0] =	vst v2;
	v2 =	vmul.f32 v5, v9  }
0x1ae: {  	v1 =	vperm.xlane v1, v0;
	[tilespmem:s26+$0xFFFFFF60] =	vst v13;
	v15 =	vld [tilespmem:s20+$0x0]  }
0x1af: {  	v16 =	vld [tilespmem:s20+$0xFFFFFEE0];
	[tilespmem:s19+$0x30] =	vst v2;
	v2 =	vmul.f32 v12, v11  }
0x1b0: {  	[tilespmem:s19+$0xFFFFFFA0] =	vst v7;
	v5 =	vmul.f32 v14, v1;
	v12 =	vld [tilespmem:s28+$0x110]  }
0x1b1: {  	v7 =	vld [tilespmem:s18+$0xFFFFFFB0];
	[tilespmem:s26+$0xA0] =	vst v2  }
0x1b2: {  	v4 =	vmul.f32 v4, v10;
	[tilespmem:s26+$0xFFFFFF70] =	vst v5;
	v19 =	vld [tilespmem:s20+$0xB0]  }
0x1b3: {  	v17 =	vld [tilespmem:s20+$0xFFFFFF80];
	v2 =	vperm.xlane v3, v0;
	v3 =	vperm.xlane v13, v0  }
0x1b4: {  	[tilespmem:s19+$0xFFFFFF10] =	vst v4;
	v4 =	vld [tilespmem:s18+$0xF0]  }
0x1b5: {  	v14 =	vld [tilespmem:s18+$0xFFFFFF20];
	v16 =	vmul.f32 v16, v3;
	v12 =	vadd.f32 v18, v12  }
0x1b6: {  	v13 =	vld [tilespmem:s28+$0x80];
	v15 =	vmul.f32 v15, v2  }
0x1b7: {  	[tilespmem:s26+$0xFFFFFEE0] =	vst v16;
	v24 =	vmul.f32 $2.000000030e-01, v12;
	v18 =	vmul.f32 v19, v11;
	v19 =	vld [tilespmem:s24+$0x0]  }
0x1b8: {  	v5 =	vld [tilespmem:s18+$0x40];
	[tilespmem:s26+$0x0] =	vst v15;
	vm1 =	vge.f32 v12, $0.0e+00;
	v15 =	vmul.f32 v17, v1  }
0x1b9: {  	v7 =	vmul.f32 v7, v8;
	v16 =	vadd.f32 v22, v21;
	v21 =	vld [tilespmem:s20+$0x10];
	v12 =	vsel vm1, v12, v24;
	[tilespmem:s26+$0xB0] =	vst v18  }
0x1ba: {  	v4 =	vmul.f32 v4, v6;
	[tilespmem:s26+$0xFFFFFF80] =	vst v15;
	v15 =	vadd.f32 v20, v23;
	v12 =	vmul.f32 $1.442695020e+00, v12;
	v18 =	vld [tilespmem:s20+$0xC0]  }
0x1bb: {  	[tilespmem:s19+$0xFFFFFFB0] =	vst v7;
	v14 =	vmul.f32 v14, v10;
	v17 =	vld [tilespmem:s20+$0xFFFFFEF0];
	v22 =	vmul.f32 $2.000000030e-01, v16;
	vm1 =	vge.f32 v16, $0.0e+00  }
0x1bc: {  	[tilespmem:s19+$0xF0] =	vst v4;
	(erf) = vpow2.f32 v12;
	v12 =	vld [tilespmem:s20+$0xFFFFFF90];
	v13 =	vadd.f32 v19, v13;
	v19 =	vmul.f32 $2.000000030e-01, v15  }
0x1bd: {  	v5 =	vmul.f32 v5, v9;
	v4 =	vld [tilespmem:s18+$0xFFFFFFC0];
	[tilespmem:s19+$0xFFFFFF20] =	vst v14;
	v14 =	vsel vm1, v16, v22;
	vm2 =	vge.f32 v15, $0.0e+00  }
0x1be: {  	v7 =	vld [tilespmem:s18+$0xFFFFFF30];
	s24 =	simm.s32 $0x3150;
	v16 =	vmul.f32 $2.000000030e-01, v13;
	v15 =	vsel vm2, v15, v19;
	v19 =	vmul.f32 v21, v2  }
0x1bf: {  	[tilespmem:s19+$0x40] =	vst v5;
	v26 =	vld [tilespmem:s24+$0x10];
	vm1 =	vge.f32 v13, $0.0e+00;
	v18 =	vmul.f32 v18, v11  }
0x1c0: {  	v28 =	vld [tilespmem:s24+$0xFFFFFFF0];
	v14 =	vmul.f32 $1.442695020e+00, v14;
	v13 =	vsel vm1, v13, v16;
	v16 =	vmul.f32 v17, v3;
	[tilespmem:s26+$0x10] =	vst v19  }
0x1c1: {  	v12 =	vmul.f32 v12, v1;
	v13 =	vmul.f32 $1.442695020e+00, v13;
	[tilespmem:s26+$0xC0] =	vst v18;
	v5 =	vld [tilespmem:s20+$0x20]  }
0x1c2: {  	v4 =	vmul.f32 v4, v8;
	(erf) = vpow2.f32 v14;
	[tilespmem:s26+$0xFFFFFEF0] =	vst v16;
	v14 =	vld [tilespmem:s20+$0xD0]  }
0x1c3: {  	v15 =	vmul.f32 $1.442695020e+00, v15;
	[tilespmem:s26+$0xFFFFFF90] =	vst v12;
	(erf) = vpow2.f32 v13;
	v13 =	vld [tilespmem:s20+$0xFFFFFF00]  }
0x1c4: {  	v7 =	vmul.f32 v7, v10;
	v16 =	vld [tilespmem:s20+$0xFFFFFFA0]  }
0x1c5: {  	[tilespmem:s19+$0xFFFFFFC0] =	vst v4;
	(erf) = vpow2.f32 v15;
	v15 =	vld [tilespmem:s18+$0x50];
	v12 =	vpop (erf)  }
0x1c6: {  	s29 =	simm.s32 $0x4F10;
	[tilespmem:s19+$0xFFFFFF30] =	vst v7;
	v17 =	vld [tilespmem:s18+$0x100];
	v7 =	vnsel vm0, $0x0, v12;
	v5 =	vmul.f32 v5, v2  }
0x1c7: {  	[tilespmem:s29+$0x110] =	vst v7;
	v12 =	vmul.f32 v14, v11;
	v14 =	vld [tilespmem:s18+$0xFFFFFF40]  }
0x1c8: {  	v18 =	vld [tilespmem:s28+$0x90];
	v4 =	vmul.f32 v13, v3;
	[tilespmem:s26+$0x20] =	vst v5  }
0x1c9: {  	v16 =	vmul.f32 v16, v1;
	[tilespmem:s26+$0xD0] =	vst v12;
	v20 =	vld [tilespmem:s20+$0x30]  }
0x1ca: {  	v12 =	vmul.f32 v15, v9;
	[tilespmem:s26+$0xFFFFFF00] =	vst v4;
	v4 =	vld [tilespmem:s20+$0xE0]  }
0x1cb: {  	v7 =	vperm.xlane v7, v0;
	v15 =	vpop (erf);
	[tilespmem:s26+$0xFFFFFFA0] =	vst v16;
	v19 =	vld [tilespmem:s20+$0xFFFFFF10]  }
0x1cc: {  	v5 =	vnsel vm0, $0x0, v15;
	[tilespmem:s19+$0x50] =	vst v12;
	v16 =	vld [tilespmem:s20+$0xFFFFFFB0];
	v15 =	vpop (erf)  }
0x1cd: {  	[tilespmem:s29+$0xFFFFFFF0] =	vst v5;
	v21 =	vld [tilespmem:s18+$0x60];
	v18 =	vmul.f32 v18, v7;
	v12 =	vnsel vm0, $0x0, v15  }
0x1ce: {  	v22 =	vld [tilespmem:s28+$0xFFFFFF70];
	[tilespmem:s29+$0x80] =	vst v12  }
0x1cf: {  	v15 =	vpop (erf);
	[tilespmem:s29+$0x90] =	vst v18;
	v23 =	vld [tilespmem:s28+$0x0]  }
0x1d0: {  	s9 =	simm.s32 $0x1F50;
	v15 =	vnsel vm0, $0x0, v15;
	v24 =	vmul.f32 v4, v11;
	v4 =	vperm.xlane v5, v0;
	v5 =	vld [tilespmem:s28+$0xA0]  }
0x1d1: {  	v17 =	vmul.f32 v17, v6;
	[tilespmem:s29+$0xFFFFFF60] =	vst v15;
	v6 =	vperm.xlane v15, v0;
	v15 =	vld [tilespmem:s9+$0xFFFFFFF0]  }
0x1d2: {  	v25 =	vld [tilespmem:s28+$0xFFFFFEE0];
	v18 =	vmul.f32 v19, v3  }
0x1d3: {  	v19 =	vmul.f32 v20, v2;
	[tilespmem:s26+$0xE0] =	vst v24;
	v24 =	vld [tilespmem:s9+$0x110]  }
0x1d4: {  	v20 =	vmul.f32 v22, v4;
	[tilespmem:s26+$0xFFFFFF10] =	vst v18;
	v18 =	vld [tilespmem:s20+$0xF0]  }
0x1d5: {  	[tilespmem:s26+$0x30] =	vst v19;
	v22 =	vld [tilespmem:s20+$0xFFFFFF20]  }
0x1d6: {  	[tilespmem:s29+$0xFFFFFF70] =	vst v20;
	v19 =	vld [tilespmem:s20+$0x40]  }
0x1d7: {  	v20 =	vld [tilespmem:s28+$0xFFFFFF80];
	v5 =	vmul.f32 v5, v7  }
0x1d8: {  	[tilespmem:s19+$0x100] =	vst v17;
	v17 =	vmul.f32 v25, v6;
	v25 =	vld [tilespmem:s9+$0x80]  }
0x1d9: {  	[tilespmem:s29+$0xA0] =	vst v5;
	v5 =	vperm.xlane v12, v0;
	v12 =	vld [tilespmem:s24+$0xFFFFFFE0]  }
0x1da: {  	v18 =	vmul.f32 v18, v11;
	v27 =	vld [tilespmem:s28+$0xB0]  }
0x1db: {  	v24 =	vadd.f32 v26, v24;
	v26 =	vld [tilespmem:s24+$0x0];
	[tilespmem:s29+$0xFFFFFEE0] =	vst v17  }
0x1dc: {  	v16 =	vmul.f32 v16, v1;
	v17 =	vmul.f32 v22, v3;
	v22 =	vld [tilespmem:s9+$0xFFFFFF60];
	[tilespmem:s26+$0xF0] =	vst v18  }
0x1dd: {  	v15 =	vadd.f32 v28, v15;
	v23 =	vmul.f32 v23, v5;
	v18 =	vld [tilespmem:s20+$0x100]  }
0x1de: {  	v13 =	vld [tilespmem:s18+$0xFFFFFFD0];
	v14 =	vmul.f32 v14, v10;
	[tilespmem:s26+$0xFFFFFFB0] =	vst v16  }
0x1df: {  	v16 =	vmul.f32 $2.000000030e-01, v15;
	[tilespmem:s29+$0x0] =	vst v23;
	v23 =	vmul.f32 v27, v7  }
0x1e0: {  	vm1 =	vge.f32 v24, $0.0e+00;
	v19 =	vmul.f32 v19, v2;
	[tilespmem:s26+$0xFFFFFF20] =	vst v17;
	v27 =	vmul.f32 $2.000000030e-01, v24  }
0x1e1: {  	v20 =	vmul.f32 v20, v4;
	v17 =	vmul.f32 v21, v9;
	v12 =	vadd.f32 v12, v22;
	[tilespmem:s29+$0xB0] =	vst v23;
	v23 =	vld [tilespmem:s28+$0xFFFFFEF0]  }
0x1e2: {  	[tilespmem:s19+$0xFFFFFF40] =	vst v14;
	v24 =	vsel vm1, v24, v27;
	v21 =	vld [tilespmem:s28+$0xC0];
	v11 =	vmul.f32 v18, v11;
	v18 =	vadd.f32 v26, v25  }
0x1e3: {  	v13 =	vmul.f32 v13, v8;
	[tilespmem:s29+$0xFFFFFF80] =	vst v20;
	vm1 =	vge.f32 v15, $0.0e+00;
	v20 =	vmul.f32 $1.442695020e+00, v24;
	v24 =	vld [tilespmem:s28+$0x10]  }
0x1e4: {  	[tilespmem:s26+$0x40] =	vst v19;
	v19 =	vld [tilespmem:s20+$0xFFFFFF30];
	v14 =	vsel vm1, v15, v16;
	vm2 =	vge.f32 v12, $0.0e+00;
	v15 =	vmul.f32 $2.000000030e-01, v18  }
0x1e5: {  	[tilespmem:s19+$0xFFFFFFD0] =	vst v13;
	v25 =	vld [tilespmem:s28+$0xFFFFFF90];
	v13 =	vmul.f32 $2.000000030e-01, v12;
	(erf) = vpow2.f32 v20;
	vm1 =	vge.f32 v18, $0.0e+00  }
0x1e6: {  	v16 =	vld [tilespmem:s20+$0xFFFFFFC0];
	[tilespmem:s26+$0x100] =	vst v11;
	v11 =	vmul.f32 $1.442695020e+00, v14;
	v14 =	vsel vm1, v18, v15;
	v15 =	vmul.f32 v23, v6  }
0x1e7: {  	v12 =	vsel vm2, v12, v13;
	v18 =	vld [tilespmem:s18+$0xFFFFFF50];
	v20 =	vmul.f32 v21, v7;
	v13 =	vmul.f32 $1.442695020e+00, v14  }
0x1e8: {  	(erf) = vpow2.f32 v11;
	v21 =	vld [tilespmem:s20+$0x50];
	v14 =	vmul.f32 v24, v5;
	[tilespmem:s29+$0xFFFFFEF0] =	vst v15  }
0x1e9: {  	v12 =	vmul.f32 $1.442695020e+00, v12;
	[tilespmem:s29+$0xC0] =	vst v20;
	(erf) = vpow2.f32 v13;
	v13 =	vld [tilespmem:s28+$0xFFFFFF00]  }
0x1ea: {  	v15 =	vmul.f32 v25, v4;
	[tilespmem:s29+$0x10] =	vst v14;
	v11 =	vld [tilespmem:s28+$0xD0]  }
0x1eb: {  	[tilespmem:s19+$0x60] =	vst v17;
	(erf) = vpow2.f32 v12;
	v12 =	vld [tilespmem:s28+$0x20]  }
0x1ec: {  	v20 =	vld [tilespmem:s18+$0xFFFFFFE0];
	[tilespmem:s29+$0xFFFFFF90] =	vst v15;
	v15 =	vmul.f32 v16, v1  }
0x1ed: {  	v14 =	vmul.f32 v19, v3;
	v16 =	vld [tilespmem:s18+$0x70]  }
0x1ee: {  	v19 =	vld [tilespmem:s28+$0xFFFFFFA0];
	[tilespmem:s26+$0xFFFFFFC0] =	vst v15;
	v17 =	vpop (erf)  }
0x1ef: {  	s18 =	simm.s32 $0x5150;
	[tilespmem:s26+$0xFFFFFF30] =	vst v14;
	v22 =	vld [tilespmem:s20+$0xFFFFFFD0];
	v14 =	vnsel vm0, $0x0, v17;
	v13 =	vmul.f32 v13, v6;
	v11 =	vmul.f32 v11, v7  }
0x1f0: {  	v17 =	vld [tilespmem:s20+$0xFFFFFF40];
	[tilespmem:s18+$0x110] =	vst v14;
	v12 =	vmul.f32 v12, v5  }
0x1f1: {  	v15 =	vld [tilespmem:s9+$0x90];
	[tilespmem:s29+$0xD0] =	vst v11;
	v11 =	vmul.f32 v21, v2  }
0x1f2: {  	[tilespmem:s29+$0xFFFFFF00] =	vst v13;
	v21 =	vld [tilespmem:s28+$0xE0]  }
0x1f3: {  	v23 =	vld [tilespmem:s28+$0xFFFFFF10];
	[tilespmem:s29+$0x20] =	vst v12;
	v13 =	vpop (erf)  }
0x1f4: {  	v14 =	vperm.xlane v14, v0;
	v25 =	vld [tilespmem:s28+$0x30];
	v24 =	vnsel vm0, $0x0, v13;
	v12 =	vpop (erf);
	[tilespmem:s26+$0x50] =	vst v11  }
0x1f5: {  	[tilespmem:s18+$0xFFFFFFF0] =	vst v24;
	v26 =	vnsel vm0, $0x0, v12;
	v27 =	vld [tilespmem:s20+$0x60];
	v11 =	vpop (erf)  }
0x1f6: {  	v13 =	vmul.f32 v18, v10;
	v18 =	vld [tilespmem:s9+$0xFFFFFF70];
	[tilespmem:s18+$0x80] =	vst v26;
	v15 =	vmul.f32 v15, v14;
	v10 =	vnsel vm0, $0x0, v11  }
0x1f7: {  	v12 =	vmul.f32 v20, v8;
	v20 =	vld [tilespmem:s9+$0x0];
	[tilespmem:s18+$0xFFFFFF60] =	vst v10;
	v8 =	vmul.f32 v21, v7  }
0x1f8: {  	v11 =	vmul.f32 v16, v9;
	[tilespmem:s18+$0x90] =	vst v15;
	v15 =	vmul.f32 v23, v6;
	v63 =	vld [tilespmem:s9+$0xFFFFFEE0]  }
0x1f9: {  	v16 =	vmul.f32 v19, v4;
	v9 =	vperm.xlane v24, v0;
	v24 =	vld [tilespmem:s9+$0xA0];
	[tilespmem:s29+$0xE0] =	vst v8  }
0x1fa: {  	v23 =	vmul.f32 v25, v5;
	v8 =	vperm.xlane v26, v0;
	[tilespmem:s29+$0xFFFFFF10] =	vst v15;
	v19 =	vld [tilespmem:s28+$0xF0]  }
0x1fb: {  	v10 =	vperm.xlane v10, v0;
	[tilespmem:s29+$0xFFFFFFA0] =	vst v16;
	v25 =	vmul.f32 v18, v9;
	v21 =	vld [tilespmem:s28+$0xFFFFFF20]  }
0x1fc: {  	v15 =	vmul.f32 v17, v3;
	[tilespmem:s29+$0x30] =	vst v23;
	v18 =	vld [tilespmem:s28+$0xFFFFFFB0];
	v26 =	vmul.f32 v20, v8  }
0x1fd: {  	v17 =	vmul.f32 v22, v1;
	v20 =	vld [tilespmem:s28+$0x40];
	[tilespmem:s18+$0xFFFFFF70] =	vst v25;
	v23 =	vmul.f32 v63, v10  }
0x1fe: {  	s3 =	simm.s32 $0xC;
	s10 =	simm.s32 $0x2190;
	v16 =	vmul.f32 v27, v2;
	v22 =	vld [tilespmem:s9+$0xFFFFFF80];
	[tilespmem:s18+$0x0] =	vst v26;
	v24 =	vmul.f32 v24, v14  }
.LBB2_5:
0x1ff: {  	v25 =	vld [tilespmem:s10+$0x110];
	[tilespmem:s18+$0xFFFFFEE0] =	vst v23;
	s24 =	sadd.s32 $0x40, s24;
	v19 =	vmul.f32 v19, v7  }
0x200: {  	v23 =	vld [tilespmem:s24+$0x10];
	[tilespmem:s18+$0xA0] =	vst v24;
	v21 =	vmul.f32 v21, v6  }
0x201: {  	v24 =	vld [tilespmem:s9+$0xB0];
	v18 =	vmul.f32 v18, v4;
	[tilespmem:s29+$0xF0] =	vst v19  }
0x202: {  	s3 =	sadd.s32 $0x4, s3;
	[tilespmem:s29+$0xFFFFFF20] =	vst v21;
	v19 =	vmul.f32 v20, v5;
	v20 =	vld [tilespmem:s28+$0x100]  }
0x203: {  	p1 =	slt.u32 s3, $0x24;
	v21 =	vld [tilespmem:s24+$0xFFFFFFE0];
	v22 =	vmul.f32 v22, v9;
	[tilespmem:s29+$0xFFFFFFB0] =	vst v18  }
0x204: {  	v18 =	vld [tilespmem:s10+$0xFFFFFFF0];
	[tilespmem:s29+$0x40] =	vst v19  }
0x205: {  	v19 =	vld [tilespmem:s24+$0xFFFFFFF0];
	[tilespmem:s18+$0xFFFFFF80] =	vst v22  }
0x206: {  	v23 =	vadd.f32 v23, v25;
	v22 =	vld [tilespmem:s10+$0x80];
	v24 =	vmul.f32 v24, v14;
	[tilespmem:s26+$0xFFFFFF40] =	vst v15  }
0x207: {  	v15 =	vld [tilespmem:s24+$0x0];
	v20 =	vmul.f32 v20, v7;
	[tilespmem:s26+$0xFFFFFFD0] =	vst v17;
	v7 =	vmov v14  }
0x208: {  	v17 =	vmul.f32 $2.000000030e-01, v23;
	v14 =	vld [tilespmem:s10+$0xFFFFFF60];
	[tilespmem:s18+$0xB0] =	vst v24  }
0x209: {  	vm1 =	vge.f32 v23, $0.0e+00;
	v24 =	vld [tilespmem:s9+$0xFFFFFEF0];
	[tilespmem:s29+$0x100] =	vst v20  }
0x20a: {  	v17 =	vsel vm1, v23, v17;
	v18 =	vadd.f32 v19, v18;
	v19 =	vld [tilespmem:s9+$0xC0];
	[tilespmem:s26+$0x60] =	vst v16  }
0x20b: {  	v16 =	vmul.f32 $1.442695020e+00, v17;
	v17 =	vld [tilespmem:s9+$0x10];
	[tilespmem:s19+$0xFFFFFF50] =	vst v13  }
0x20c: {  	vm1 =	vge.f32 v18, $0.0e+00;
	v13 =	vmul.f32 $2.000000030e-01, v18;
	v15 =	vadd.f32 v15, v22;
	v20 =	vld [tilespmem:s9+$0xFFFFFF90];
	[tilespmem:s19+$0xFFFFFFE0] =	vst v12  }
0x20d: {  	v12 =	vadd.f32 v21, v14;
	(erf) = vpow2.f32 v16;
	v14 =	vld [tilespmem:s28+$0xFFFFFF30];
	[tilespmem:s19+$0x70] =	vst v11;
	s19 =	smov.u32 s26;
	s26 =	smov.u32 s29;
	s29 =	smov.u32 s18  }
0x20e: {  	v11 =	vsel vm1, v18, v13;
	vm1 =	vge.f32 v15, $0.0e+00;
	v13 =	vmul.f32 $2.000000030e-01, v15;
	v16 =	vld [tilespmem:s28+$0xFFFFFFC0]  }
0x20f: {  	vm2 =	vge.f32 v12, $0.0e+00;
	v18 =	vmul.f32 $2.000000030e-01, v12;
	v19 =	vmul.f32 v19, v7;
	v21 =	vld [tilespmem:s28+$0x50]  }
0x210: {  	v11 =	vmul.f32 $1.442695020e+00, v11;
	v13 =	vsel vm1, v15, v13;
	v15 =	vmul.f32 v24, v10;
	v22 =	vld [tilespmem:s20+$0xFFFFFF50]  }
0x211: {  	v17 =	vmul.f32 v17, v8;
	v12 =	vsel vm2, v12, v18;
	v13 =	vmul.f32 $1.442695020e+00, v13;
	[tilespmem:s18+$0xC0] =	vst v19;
	v18 =	vld [tilespmem:s20+$0xFFFFFFE0]  }
0x212: {  	v12 =	vmul.f32 $1.442695020e+00, v12;
	(erf) = vpow2.f32 v11;
	[tilespmem:s18+$0xFFFFFEF0] =	vst v15;
	v11 =	vld [tilespmem:s9+$0xD0]  }
0x213: {  	(erf) = vpow2.f32 v13;
	v15 =	vld [tilespmem:s9+$0xFFFFFF00];
	v13 =	vmul.f32 v20, v9;
	[tilespmem:s18+$0x10] =	vst v17  }
0x214: {  	(erf) = vpow2.f32 v12;
	v17 =	vld [tilespmem:s9+$0x20];
	v12 =	vmul.f32 v14, v6  }
0x215: {  	v14 =	vmul.f32 v16, v4;
	v16 =	vmul.f32 v21, v5;
	[tilespmem:s18+$0xFFFFFF90] =	vst v13;
	v19 =	vld [tilespmem:s20+$0x70];
	s20 =	smov.u32 s28;
	s28 =	smov.u32 s9;
	s9 =	smov.u32 s10  }
0x216: {  	v13 =	vmul.f32 v22, v3;
	v20 =	vpop (erf);
	v21 =	vld [tilespmem:s28+$0xFFFFFFA0];
	[tilespmem:s26+$0xFFFFFF30] =	vst v12;
	v12 =	vmul.f32 v18, v1;
	v1 =	vmov v4  }
0x217: {  	s18 =	sadd.s32 $0x240, s18;
	v3 =	vmovc v6;
	v6 =	vmovc v10;
	v4 =	vmov v9;
	v18 =	vnsel vm0, $0x0, v20;
	v11 =	vmul.f32 v11, v7;
	v20 =	vld [tilespmem:s20+$0xFFFFFF40];
	[tilespmem:s26+$0xFFFFFFC0] =	vst v14  }
0x218: {  	[tilespmem:s18+$0x110] =	vst v18;
	v9 =	vmul.f32 v15, v6;
	v10 =	vld [tilespmem:s20+$0xFFFFFFD0]  }
0x219: {  	v22 =	vld [tilespmem:s10+$0x90];
	v14 =	vmul.f32 v17, v8;
	[tilespmem:s29+$0xD0] =	vst v11  }
0x21a: {  	[tilespmem:s29+$0xFFFFFF00] =	vst v9;
	v23 =	vld [tilespmem:s28+$0xE0];
	v11 =	vmul.f32 v19, v2;
	v2 =	vmov v5;
	v5 =	vmov v8  }
0x21b: {  	v8 =	vpop (erf);
	v19 =	vld [tilespmem:s28+$0xFFFFFF10];
	v24 =	vmul.f32 v21, v4;
	[tilespmem:s29+$0x20] =	vst v14  }
0x21c: {  	v14 =	vperm.xlane v18, v0;
	v8 =	vnsel vm0, $0x0, v8;
	v17 =	vpop (erf);
	v18 =	vld [tilespmem:s28+$0x30];
	v15 =	vmul.f32 v20, v3;
	[tilespmem:s26+$0x50] =	vst v16  }
0x21d: {  	[tilespmem:s18+$0xFFFFFFF0] =	vst v8;
	v9 =	vperm.xlane v8, v0;
	v8 =	vnsel vm0, $0x0, v17;
	v16 =	vpop (erf);
	v17 =	vmul.f32 v10, v1;
	v20 =	vld [tilespmem:s20+$0x60]  }
0x21e: {  	v10 =	vnsel vm0, $0x0, v16;
	v21 =	vld [tilespmem:s10+$0xFFFFFF70];
	[tilespmem:s18+$0x80] =	vst v8;
	v8 =	vperm.xlane v8, v0;
	v16 =	vmul.f32 v22, v14  }
0x21f: {  	[tilespmem:s18+$0xFFFFFF60] =	vst v10;
	v10 =	vperm.xlane v10, v0;
	v22 =	vld [tilespmem:s10+$0x0];
	v23 =	vmul.f32 v23, v7  }
0x220: {  	v25 =	vld [tilespmem:s10+$0xFFFFFEE0];
	[tilespmem:s18+$0x90] =	vst v16;
	v16 =	vmul.f32 v19, v6  }
0x221: {  	v26 =	vld [tilespmem:s10+$0xA0];
	v27 =	vmul.f32 v18, v5;
	[tilespmem:s29+$0xE0] =	vst v23  }
.Ltmp3:
0x222: {  	[tilespmem:s29+$0xFFFFFF10] =	vst v16;
	v19 =	vld [tilespmem:s28+$0xF0];
	v16 =	vmul.f32 v20, v2;
	(pc) =	sbr.rel @p1 .LBB2_5-.Ltmp3, $4  }
0x223: {  	v20 =	vmul.f32 v21, v9;
	v21 =	vld [tilespmem:s28+$0xFFFFFF20];
	[tilespmem:s29+$0xFFFFFFA0] =	vst v24  }
0x224: {  	v24 =	vmul.f32 v22, v8;
	v18 =	vld [tilespmem:s28+$0xFFFFFFB0];
	[tilespmem:s29+$0x30] =	vst v27  }
0x225: {  	v23 =	vmul.f32 v25, v10;
	[tilespmem:s18+$0xFFFFFF70] =	vst v20;
	v20 =	vld [tilespmem:s28+$0x40]  }
0x226: {  	s10 =	sadd.s32 $0x240, s10;
	v22 =	vld [tilespmem:s9+$0xFFFFFF80];
	[tilespmem:s18+$0x0] =	vst v24;
	v24 =	vmul.f32 v26, v14  }
0x227: {  	_ = 	snop  }
0x228: {  	v25 =	vld [tilespmem:s9+$0x10];
	[tilespmem:s18+$0xA0] =	vst v24  }
0x229: {  	[tilespmem:s18+$0xFFFFFEE0] =	vst v23;
	v24 =	vld [tilespmem:s9+$0xB0]  }
0x22a: {  	v23 =	vld [tilespmem:s9+$0xFFFFFEF0];
	_ =	sdelay $0x2  }
0x22b: {  	v25 =	vmul.f32 v25, v8  }
0x22c: {  	v24 =	vmul.f32 v24, v14  }
0x22d: {  	v23 =	vmul.f32 v23, v10;
	[tilespmem:s18+$0x10] =	vst v25  }
0x22e: {  	v22 =	vmul.f32 v22, v9;
	v25 =	vld [tilespmem:s9+$0x20];
	[tilespmem:s18+$0xB0] =	vst v24  }
0x22f: {  	[tilespmem:s18+$0xFFFFFEF0] =	vst v23;
	v24 =	vld [tilespmem:s9+$0xC0]  }
0x230: {  	[tilespmem:s18+$0xFFFFFF80] =	vst v22;
	v61 =	vld [tilespmem:s9+$0xFFFFFF00]  }
0x231: {  	v62 =	vld [tilespmem:s9+$0xFFFFFF90];
	_ =	sdelay $0x1  }
0x232: {  	[tilespmem:s26+$0xFFFFFF40] =	vst v15;
	v25 =	vmul.f32 v25, v8  }
0x233: {  	[tilespmem:s26+$0xFFFFFFD0] =	vst v17;
	v24 =	vmul.f32 v24, v14  }
0x234: {  	v22 =	vmul.f32 v61, v10;
	[tilespmem:s18+$0x20] =	vst v25  }
0x235: {  	[tilespmem:s18+$0xC0] =	vst v24;
	v24 =	vmul.f32 v62, v9  }
0x236: {  	[tilespmem:s18+$0xFFFFFF00] =	vst v22;
	v29 =	vld [tilespmem:s9+$0x30]  }
0x237: {  	v26 =	vld [tilespmem:s9+$0xFFFFFF10];
	[tilespmem:s18+$0xFFFFFF90] =	vst v24  }
0x238: {  	[tilespmem:s26+$0x60] =	vst v16;
	v27 =	vld [tilespmem:s9+$0xFFFFFFA0]  }
0x239: {  	v19 =	vmul.f32 v19, v7;
	[tilespmem:s19+$0xFFFFFF50] =	vst v13  }
0x23a: {  	[tilespmem:s19+$0xFFFFFFE0] =	vst v12;
	v18 =	vmul.f32 v18, v4  }
0x23b: {  	[tilespmem:s29+$0xF0] =	vst v19;
	v63 =	vld [tilespmem:s9+$0xD0];
	v19 =	vmul.f32 v29, v8  }
0x23c: {  	v50 =	vld [tilespmem:s20+$0xFFFFFF50];
	[tilespmem:s29+$0xFFFFFFB0] =	vst v18;
	v32 =	vmul.f32 v26, v10  }
0x23d: {  	v56 =	vld [tilespmem:s20+$0xFFFFFFE0];
	[tilespmem:s18+$0x30] =	vst v19;
	v33 =	vmul.f32 v27, v9  }
0x23e: {  	v21 =	vmul.f32 v21, v6;
	[tilespmem:s18+$0xFFFFFF10] =	vst v32;
	v36 =	vld [tilespmem:s9+$0x40]  }
0x23f: {  	v20 =	vmul.f32 v20, v5;
	v18 =	vld [tilespmem:s9+$0xFFFFFF20];
	[tilespmem:s18+$0xFFFFFFA0] =	vst v33  }
0x240: {  	[tilespmem:s29+$0xFFFFFF20] =	vst v21;
	v28 =	vmul.f32 v63, v14;
	v17 =	vld [tilespmem:s9+$0xFFFFFFB0]  }
0x241: {  	v37 =	vld [tilespmem:s28+$0xFFFFFF30];
	[tilespmem:s29+$0x40] =	vst v20  }
0x242: {  	v40 =	vld [tilespmem:s28+$0x50];
	v3 =	vmul.f32 v50, v3;
	[tilespmem:s18+$0xD0] =	vst v28  }
0x243: {  	[tilespmem:s19+$0x70] =	vst v11;
	v31 =	vld [tilespmem:s9+$0xE0];
	v41 =	vmul.f32 v36, v8  }
0x244: {  	v38 =	vld [tilespmem:s28+$0xFFFFFFC0];
	[tilespmem:s26+$0xFFFFFF50] =	vst v3;
	v39 =	vmul.f32 v18, v10  }
0x245: {  	v30 =	vld [tilespmem:s28+$0x100];
	[tilespmem:s18+$0x40] =	vst v41;
	v17 =	vmul.f32 v17, v9  }
0x246: {  	v42 =	vmul.f32 v37, v6;
	[tilespmem:s18+$0xFFFFFF20] =	vst v39;
	v46 =	vld [tilespmem:s9+$0x50]  }
0x247: {  	v12 =	vmul.f32 v40, v5;
	v43 =	vld [tilespmem:s9+$0xFFFFFF30];
	[tilespmem:s18+$0xFFFFFFB0] =	vst v17  }
0x248: {  	[tilespmem:s29+$0xFFFFFF30] =	vst v42;
	v35 =	vmul.f32 v31, v14;
	v45 =	vld [tilespmem:s9+$0xFFFFFFC0]  }
0x249: {  	v44 =	vmul.f32 v38, v4;
	v47 =	vld [tilespmem:s28+$0xFFFFFF40];
	[tilespmem:s29+$0x50] =	vst v12  }
0x24a: {  	v1 =	vmul.f32 v56, v1;
	v49 =	vld [tilespmem:s28+$0x60];
	[tilespmem:s18+$0xE0] =	vst v35  }
0x24b: {  	v34 =	vmul.f32 v30, v7;
	[tilespmem:s29+$0xFFFFFFC0] =	vst v44;
	v7 =	vld [tilespmem:s9+$0xF0];
	v15 =	vmul.f32 v46, v8  }
0x24c: {  	[tilespmem:s26+$0xFFFFFFE0] =	vst v1;
	v17 =	vld [tilespmem:s28+$0xFFFFFFD0];
	v48 =	vmul.f32 v43, v10  }
0x24d: {  	v57 =	vld [tilespmem:s20+$0x70];
	[tilespmem:s18+$0x50] =	vst v15;
	v13 =	vmul.f32 v45, v9  }
0x24e: {  	v51 =	vmul.f32 v47, v6;
	[tilespmem:s18+$0xFFFFFF30] =	vst v48;
	v55 =	vld [tilespmem:s9+$0x60]  }
0x24f: {  	v11 =	vmul.f32 v49, v5;
	v52 =	vld [tilespmem:s9+$0xFFFFFF40];
	[tilespmem:s18+$0xFFFFFFC0] =	vst v13  }
0x250: {  	[tilespmem:s29+$0xFFFFFF40] =	vst v51;
	v7 =	vmul.f32 v7, v14;
	v54 =	vld [tilespmem:s9+$0xFFFFFFD0]  }
0x251: {  	v58 =	vld [tilespmem:s28+$0xFFFFFF50];
	[tilespmem:s29+$0x60] =	vst v11;
	v53 =	vmul.f32 v17, v4  }
0x252: {  	v2 =	vmul.f32 v57, v2;
	v61 =	vld [tilespmem:s28+$0x70];
	[tilespmem:s18+$0xF0] =	vst v7  }
0x253: {  	v7 =	vld [tilespmem:s9+$0x100];
	[tilespmem:s29+$0xFFFFFFD0] =	vst v53;
	v12 =	vmul.f32 v55, v8  }
0x254: {  	[tilespmem:s26+$0x70] =	vst v2;
	v3 =	vld [tilespmem:s28+$0xFFFFFFE0];
	v59 =	vmul.f32 v52, v10  }
0x255: {  	[tilespmem:s18+$0x60] =	vst v12;
	v60 =	vmul.f32 v54, v9  }
0x256: {  	[tilespmem:s18+$0xFFFFFF40] =	vst v59;
	v63 =	vld [tilespmem:s9+$0x70]  }
0x257: {  	v1 =	vmul.f32 v58, v6;
	v11 =	vld [tilespmem:s9+$0xFFFFFF50];
	[tilespmem:s18+$0xFFFFFFD0] =	vst v60  }
0x258: {  	[tilespmem:s29+$0x100] =	vst v34;
	v7 =	vmul.f32 v7, v14;
	v62 =	vld [tilespmem:s9+$0xFFFFFFE0]  }
0x259: {  	[tilespmem:s29+$0xFFFFFF50] =	vst v1;
	v2 =	vmul.f32 v3, v4;
	v3 =	vmul.f32 v61, v5  }
0x25a: {  	[tilespmem:s18+$0x100] =	vst v7  }
0x25b: {  	[tilespmem:s29+$0x70] =	vst v3;
	v3 =	vmul.f32 v63, v8  }
0x25c: {  	[tilespmem:s29+$0xFFFFFFE0] =	vst v2;
	v1 =	vmul.f32 v11, v10  }
0x25d: {  	[tilespmem:s18+$0x70] =	vst v3;
	v2 =	vmul.f32 v62, v9  }
0x25e: {  	[tilespmem:s18+$0xFFFFFF50] =	vst v1  }
0x25f: {  	[tilespmem:s18+$0xFFFFFFE0] =	vst v2  }
0x260: {  	_ =	swait.ge [sflag:s17], $0x28  }
0x261: {  	[sflag:s17] =	ssyncset.done $0x0  }
.Ltmp4:
0x262: {  	s3 =	simm.s32 $0x4970;
	[sflag:s17] =	ssyncadd.s32 $0xFFFFFFD8;
	(pc) =	sbr.rel @p0 .LBB2_8-.Ltmp4, $4  }
0x263: {  	[spmem:s16] =	stream.indirect.scatter.add.f32 [tilespmem:s3], [sflag:$0xC], $0x90, s12, s23, $0xb8;
	[tilespmem:$0x1C7F0] =	vst v63  }
0x264: {  	_ =	swait.ge [sflag:s25], $0x1680  }
0x265: {  	[sflag:s25] =	ssyncset.done $0x0  }
0x266: {  	[sflag:s25] =	ssyncadd.s32 $0xFFFFE980  }
0x267: {  	s3 =	smul.u32 $0x28, s13  }
.Ltmp5:
0x268: {  	_ = 	snop;
	(pc) =	sbr.rel .LBB2_2-.Ltmp5, $4  }
0x269: {  	s3 =	sadd.s32 s8, s3  }
0x26a: {  	s3 =	sshrl.u32 s3, $0x3  }
0x26b: {  	s9 =	simm.s32 $0xA0;
	s11 =	sadd.s32 $0x1, s11;
	s3 =	sadd.s32 s1, s3  }
0x26c: {  	[tilespmem:s9], [sflag:$0x5] =	stream.linear.gather [hbm4b:s3+s4], $0x28, $0x38;
	[tilespmem:$0x1C7F0] =	vst v63  }
.LBB2_9:
0x26d: {  	_ =	sfence.sel $0x180000  }
0x26e: {  	[bflag:$0x0] =	sbarrier.arrive $0xFFFF  }
0x26f: {  	_ =	strace $0x9000004A  }
0x270: {  	s0 =	stileid.u32;
	[bflag:$0x2] =	sbarrier.arrive $0xFFFF  }
0x271: {  	p0 =	sne.s32 s0, $0x0;
	s0 =	rddreg [dreg:$0x3]  }
0x272: {  	s0 =	sadd.s32 @!p0 $0x100000, s0  }
0x273: {  	[sflag:s0] =	ssyncadd.tile.s32 @!p0 $0x1;
	_ =	shalt  }
.Lfunc_end2:
_tile_overlayer_lowered:
.L_overlay_start_2:
0x274: {  	(tag) =	ssettag $0x2  }
0x275: {  	s0 =	rddreg [dreg:$0x0];
	s2 =	stileid.u32  }
0x276: {  	s1 =	rddreg [dreg:$0x1];
	p0 =	sne.s32 s2, $0x0  }
0x277: {  	s3 =	rddreg [dreg:$0x2];
	[bflag:$0x3] =	sbarrier.arrive $0xFFFF;
	s2 =	simm.s32 @!p0 $0x1C0D  }
0x278: {  	[timem:s3], [sflag:s2] =	dma.local @!p0 [hbm:s0], s1  }
0x279: {  	s0 =	simm.s32 @!p0 $0xD  }
0x27a: {  	_ =	swait.ge @!p0 [sflag:s0], s1  }
0x27b: {  	s1 =	ssub.s32 @!p0 $0x0, s1;
	[sflag:s0] =	ssyncset.done @!p0 $0x0  }
0x27c: {  	[sflag:s0] =	ssyncadd.s32 @!p0 s1  }
0x27d: {  	[bflag:$0x3] =	sbarrier.arrive $0xFFFF  }
0x27e: {  	_ =	shalt  }

// kernel: kernel.7.cloned.1.call-start
scs
__scs_entry_jumppad:
0x0: {  	(pc) =	sbr.rel $0x88, $3  }
0x1: {  	(tag) =	ssettag $0x0;
	lr =	simm.s32 $0x1  }
0x2: {  	[smem:$0x3F95] =	sst lr;
	_ =	strace $0xD0000000  }
0x3: {  	_ = 	snop  }
0x4: {  	_ = 	snop  }
0x5: {  	_ = 	snop  }
0x6: {  	_ = 	snop  }
0x7: {  	_ = 	snop  }
__scs_overlays_trampoline_lowered:
0x8: {  	[smem:$0x3FA4] =	sst s0  }
0x9: {  	[smem:$0x3FA5] =	sst s1  }
0xa: {  	[smem:$0x3FA6] =	sst s2  }
0xb: {  	[smem:$0x3FA7] =	sst s3  }
0xc: {  	[smem:$0x3FA8] =	sst s4  }
0xd: {  	[smem:$0x3FA9] =	sst s5  }
0xe: {  	[smem:$0x3FAA] =	sst s6  }
0xf: {  	[smem:$0x3FAB] =	sst s7  }
0x10: {  	[smem:$0x3FAC] =	sst s8  }
0x11: {  	[smem:$0x3FAD] =	sst s9;
	s0 =	simm.s32 @!p0 $0x0  }
0x12: {  	s1 =	sld [smem:$0x3F93];
	s0 =	simm.s32 @p0 $0x1  }
0x13: {  	[smem:$0x3FAE] =	sst s0;
	s0 =	simm.s32 @!p1 $0x0  }
0x14: {  	s2 =	sld [smem:$0x3F92];
	s0 =	simm.s32 @p1 $0x1  }
0x15: {  	[smem:$0x3FAF] =	sst s0;
	s0 =	simm.s32 @!p2 $0x0  }
0x16: {  	s3 =	sld [smem:$0x3FDB];
	s0 =	simm.s32 @p2 $0x1  }
0x17: {  	s4 =	simm.s32 $0x1BF5;
	[smem:$0x3FB1] =	sst s0  }
0x18: {  	s0 =	sld [smem:$0x3F94];
	_ =	swait.ge [sflag:s4], $0x0  }
0x19: {  	s7 =	sld [smem:$0x3F95]  }
0x1a: {  	s8 =	sadd.s32 $0xFFFFE003, lr  }
0x1b: {  	s9 =	sadd.s32 $0xFFFFFEF7, lr;
	s5 =	simm.s32 $0xFFFFFFFF;
	p2 =	slt.u32 s8, $0xFFFFF086  }
0x1c: {  	p1 =	slt.u32 s9, $0xF7A;
	s5 =	simm.s32 @!p2 $0x0  }
0x1d: {  	s5 =	simm.s32 @p1 $0x1;
	p0 =	seq.s32 s7, s2  }
0x1e: {  	s7 =	smul.u32 @!p0 $0xF7A, s2;
	p2 =	seq.s32 @!p0 s5, $0x0  }
0x1f: {  	s9 =	smul.u32 $0xF7A, s1;
	s8 =	simm.s32 @!p0 $0x1BF5;
	p2 =	por !p2, p0  }
0x20: {  	[sflag:s8] =	ssyncset.s32 @!p0 $0xFFFFF086;
	s6 =	sadd.s32 @!p0 s3, s7;
	s7 =	simm.s32 @!p0 $0x108  }
0x21: {  	s3 =	sadd.s32 s3, s9;
	s6 =	sadd.s32 @!p0 $0x88, s6;
	s7 =	simm.s32 @p2 $0x1082  }
0x22: {  	[simem:s7], [sflag:s8] =	dma.local @!p0 [hbm:s6], $0xF7A  }
0x23: {  	s9 =	sor.u32 $0xD0000000, s2;
	s6 =	simm.s32 $0x108;
	_ =	swait.ge @!p0 [sflag:s8], $0x0  }
0x24: {  	s3 =	sadd.s32 $0x88, s3;
	s6 =	simm.s32 @!p1 $0x1082;
	[sflag:s4] =	ssyncset.s32 $0xFFFFF086  }
0x25: {  	[simem:s6], [sflag:s4] =	dma.local [hbm:s3], $0xF7A  }
0x26: {  	[smem:$0x3F95] =	sst s1;
	(tag) =	ssettag s2;
	_ =	strace s9  }
0x27: {  	s1 =	sld [smem:$0x3FA5]  }
0x28: {  	s2 =	sld [smem:$0x3FA6]  }
0x29: {  	s4 =	sld [smem:$0x3FA8]  }
0x2a: {  	p0 =	seq.s32 s5, $0x0;
	s5 =	sld [smem:$0x3FA9]  }
0x2b: {  	s6 =	sld [smem:$0x3FAA]  }
0x2c: {  	s7 =	sld [smem:$0x3FAB]  }
0x2d: {  	s3 =	simm.s32 $0x108;
	s8 =	sld [smem:$0x3FAC]  }
0x2e: {  	s3 =	simm.s32 @!p0 $0x1082;
	s9 =	sld [smem:$0x3FAD]  }
0x2f: {  	lr =	sadd.s32 s0, s3;
	s0 =	sld [smem:$0x3FA4]  }
0x30: {  	s3 =	sld [smem:$0x3FA7]  }
0x31: {  	[smem:$0x3FB0] =	sst s10  }
0x32: {  	s10 =	sld [smem:$0x3FAE];
	_ =	sdelay $0x3  }
0x33: {  	p0 =	seq.s32 s10, $0x1;
	s10 =	sld [smem:$0x3FB0];
	_ =	sdelay $0x3  }
0x34: {  	[smem:$0x3FB0] =	sst s10  }
0x35: {  	s10 =	sld [smem:$0x3FAF];
	_ =	sdelay $0x3  }
0x36: {  	p1 =	seq.s32 s10, $0x1;
	s10 =	sld [smem:$0x3FB0];
	_ =	sdelay $0x3  }
0x37: {  	[smem:$0x3FB0] =	sst s10  }
0x38: {  	s10 =	sld [smem:$0x3FB1]  }
0x39: {  	_ = 	snop;
	(pc) =	sbr.ind lr, $3  }
0x3a: {  	_ = 	snop  }
0x3b: {  	_ = 	snop  }
0x3c: {  	p2 =	seq.s32 s10, $0x1;
	s10 =	sld [smem:$0x3FB0]  }
0x3d: {  	_ =	shalt  }
0x3e: {  	_ =	shalt  }
0x3f: {  	_ =	shalt  }
0x40: {  	_ =	shalt  }
0x41: {  	_ =	shalt  }
0x42: {  	_ =	shalt  }
0x43: {  	_ =	shalt  }
0x44: {  	_ =	shalt  }
0x45: {  	_ =	shalt  }
0x46: {  	_ =	shalt  }
0x47: {  	_ =	shalt  }
0x48: {  	_ =	shalt  }
0x49: {  	_ =	shalt  }
0x4a: {  	_ =	shalt  }
0x4b: {  	_ =	shalt  }
0x4c: {  	_ =	shalt  }
0x4d: {  	_ =	shalt  }
0x4e: {  	_ =	shalt  }
0x4f: {  	_ =	shalt  }
0x50: {  	_ =	shalt  }
0x51: {  	_ =	shalt  }
0x52: {  	_ =	shalt  }
0x53: {  	_ =	shalt  }
0x54: {  	_ =	shalt  }
0x55: {  	_ =	shalt  }
0x56: {  	_ =	shalt  }
0x57: {  	_ =	shalt  }
0x58: {  	_ =	shalt  }
0x59: {  	_ =	shalt  }
0x5a: {  	_ =	shalt  }
0x5b: {  	_ =	shalt  }
0x5c: {  	_ =	shalt  }
0x5d: {  	_ =	shalt  }
0x5e: {  	_ =	shalt  }
0x5f: {  	_ =	shalt  }
0x60: {  	_ =	shalt  }
0x61: {  	_ =	shalt  }
0x62: {  	_ =	shalt  }
0x63: {  	_ =	shalt  }
0x64: {  	_ =	shalt  }
0x65: {  	_ =	shalt  }
0x66: {  	_ =	shalt  }
0x67: {  	_ =	shalt  }
0x68: {  	_ =	shalt  }
0x69: {  	_ =	shalt  }
0x6a: {  	_ =	shalt  }
0x6b: {  	_ =	shalt  }
0x6c: {  	_ =	shalt  }
0x6d: {  	_ =	shalt  }
0x6e: {  	_ =	shalt  }
0x6f: {  	_ =	shalt  }
0x70: {  	_ =	shalt  }
0x71: {  	_ =	shalt  }
0x72: {  	_ =	shalt  }
0x73: {  	_ =	shalt  }
0x74: {  	_ =	shalt  }
0x75: {  	_ =	shalt  }
0x76: {  	_ =	shalt  }
0x77: {  	_ =	shalt  }
0x78: {  	_ =	shalt  }
0x79: {  	_ =	shalt  }
0x7a: {  	_ =	shalt  }
0x7b: {  	_ =	shalt  }
0x7c: {  	_ =	shalt  }
0x7d: {  	_ =	shalt  }
0x7e: {  	_ =	shalt  }
0x7f: {  	_ =	shalt  }
0x80: {  	_ =	shalt  }
0x81: {  	_ =	shalt  }
0x82: {  	_ =	shalt  }
0x83: {  	_ =	shalt  }
0x84: {  	_ =	shalt  }
0x85: {  	_ =	shalt  }
0x86: {  	_ =	shalt  }
0x87: {  	_ =	shalt  }
.Lfunc_end0:
.L_simem_size_0:
called_computation_lowered:
.L_overlay_start_0:
0x88: {  	s2 =	sld [smem:$0x3FD9]  }
0x89: {  	s3 =	sld [smem:$0x3FFE];
	_ =	sdelay $0x1  }
0x8a: {  	s1 =	srdreg.scid  }
0x8b: {  	s0 =	sand.u32 $0x1, s1  }
0x8c: {  	s17 =	sshll.u32 s0, $0xA;
	s2 =	sadd.s32 s3, s2  }
0x8d: {  	s2 =	sadd.s32 s2, s17  }
0x8e: {  	[smem:$0x3FBC] =	sst s2  }
0x8f: {  	_ = 	snop  }
0x90: {  	s2 =	sld [smem:$0x3FD0];
	(tm) =	ssettm $0x1  }
0x91: {  	s18 =	sld [smem:$0x3FFB];
	_ =	sdelay $0x3  }
0x92: {  	_ =	strace s18  }
0x93: {  	s3 =	sld [smem:$0x3FFC];
	_ =	sdelay $0x3  }
0x94: {  	_ =	strace s3  }
0x95: {  	s3 =	sld [smem:$0x3FFD];
	_ =	sdelay $0x3  }
0x96: {  	_ =	strace s3  }
0x97: {  	_ =	strace $0x8FFFFFFF  }
0x98: {  	s19 =	sld [smem:$0x3FDB];
	_ =	sdelay $0x1  }
0x99: {  	s4 =	simm.s32 $_scs_section_size  }
0x9a: {  	s5 =	simm.s32 $_size__tile_overlayer_lowered;
	s6 =	simm.s32 $_tile_overlayer_lowered  }
0x9b: {  	s22 =	simm.s32 $0x1BFF;
	s21 =	sshll.u32 s6, $0x1;
	s3 =	sadd.s32 s4, s19  }
0x9c: {  	s7 =	simm.s32 $0x0;
	s20 =	sshll.u32 s5, $0x1;
	s5 =	sadd.s32 s21, s3  }
0x9d: {  	[timem:s7], [sflag:s22] =	dma.local [hbm:s5], s20  }
0x9e: {  	_ =	swait.ge [sflag:s22], s20  }
0x9f: {  	s4 =	ssub.s32 $0x0, s20;
	[sflag:s22] =	ssyncset.done $0x0  }
0xa0: {  	[sflag:s22] =	ssyncadd.s32 s4;
	_ =	sdelay $0x1  }
0xa1: {  	s23 =	simm.s32 $0x1B8B  }
0xa2: {  	_ =	swait.ge [sflag:s23], $0x1  }
0xa3: {  	[sflag:s23] =	ssyncset.done $0x0  }
0xa4: {  	s25 =	simm.s32 $0x1B8E;
	s24 =	sld [smem:$0x3FFE];
	[sflag:s23] =	ssyncadd.s32 $0xFFFFFFFF  }
0xa5: {  	s26 =	simm.s32 $execute0_lowered;
	[smem:$0x3FD2] =	sst s25  }
0xa6: {  	s5 =	sshll.u32 s26, $0x1;
	_ =	strace $0x80000046;
	[dreg:$0x1] =	wrdreg $0xFFFFFFFF  }
0xa7: {  	s28 =	simm.s32 $_size_execute0_lowered;
	s3 =	sadd.s32 s3, s5;
	[dreg:$0x0] =	wrdreg $0x0  }
0xa8: {  	s5 =	sshll.u32 s28, $0x1;
	[dreg:$0x2] =	wrdreg s3  }
0xa9: {  	[dreg:$0x3] =	wrdreg s5  }
0xaa: {  	[dreg:$0x4] =	wrdreg $0xC0  }
0xab: {  	_ =	task [dreg:s7], $0x5FFFF  }
0xac: {  	[dreg:$0x1] =	wrdreg $0xFFFFFFFF  }
0xad: {  	[dreg:$0x0] =	wrdreg $0x60  }
0xae: {  	[dreg:$0x2] =	wrdreg s24  }
0xaf: {  	[dreg:$0x3] =	wrdreg s2  }
0xb0: {  	[dreg:$0x4] =	wrdreg $0x5FF00  }
0xb1: {  	[dreg:$0x5] =	wrdreg $0x9  }
0xb2: {  	_ =	task.clear_ibuf [dreg:s7], $0x6FFFF;
	_ =	strace $0x90000046  }
0xb3: {  	s29 =	simm.s32 $0x9;
	_ =	strace $0x80000048  }
0xb4: {  	_ =	swait.ge [sflag:s29], $0x1  }
0xb5: {  	[sflag:s29] =	ssyncadd.s32 $0xFFFFFFFF  }
0xb6: {  	_ =	strace $0x90000048  }
0xb7: {  	_ =	sfence  }
0xb8: {  	s30 =	sld [smem:$0x0];
	_ =	sdelay $0x2  }
0xb9: {  	s31 =	sshll.u32 s1, $0xD;
	s1 =	sshrl.u32 s1, $0x2  }
0xba: {  	s3 =	sand.u32 $0x4000, s31;
	s1 =	sadd.s32 s1, s30  }
0xbb: {  	s0 =	sor.u32 s3, s0;
	s1 =	sshll.u32 s1, $0x11  }
0xbc: {  	s0 =	sor.u32 s1, s0  }
0xbd: {  	s0 =	sadd.s32 $0x8F2B, s0  }
0xbe: {  	[sflag:s0] =	ssyncadd.remote.s32 $0x1  }
0xbf: {  	_ =	sfence.sel $0xFFFF  }
0xc0: {  	[dreg:$0x0] =	wrdreg $0xFFFFFFFF;
	(pc) =	sbr.abs _section_cstart, $3  }
0xc1: {  	[dreg:$0x1] =	wrdreg $0xFFFFFFFF  }
0xc2: {  	_ =	task.clear_ibuf [dreg:s7], $0x2FFFF;
	_ =	strace $0x9FFFFFFF  }
0xc3: {  	(tm) =	ssettm $0x7FFFFFFF  }
tec
execute0_lowered:
.L_overlay_start_1:
0x0: {  	(tag) =	ssettag $0x1  }
0x1: {  	s0 =	rddreg [dreg:$0x0]  }
0x2: {  	s1 =	rddreg [dreg:$0x1]  }
0x3: {  	s13 =	rddreg [dreg:$0x2]  }
0x4: {  	s4 =	simm.s32 $0x0;
	s2 =	srdreg.scid;
	s12 =	stileid.u32  }
0x5: {  	s30 =	simm.s32 $0x7;
	s31 =	simm.s32 $0x9;
	s14 =	simm.s32 $0x8  }
0x6: {  	s15 =	simm.s32 $0xA;
	s17 =	simm.s32 $0x6;
	[smem:$0x7FF] =	sst s4  }
0x7: {  	s2 =	sand.u32 $0x1, s2;
	s3 =	smul.u32 $0x16800, s12;
	s5 =	sadd.s32 $0xB400, s0  }
0x8: {  	s6 =	sadd.s32 $0x38400, s0;
	s7 =	sadd.s32 $0x1600, s0;
	s19 =	sadd.s32 $0x3D400, s0  }
0x9: {  	s20 =	sshll.u32 s12, $0x6;
	_ =	strace $0x80000047;
	s8 =	smul.u32 $0x168000, s2  }
0xa: {  	s9 =	sshll.u32 s2, $0x4;
	s2 =	ssub.s32 $0x2, s2;
	[dreg:$0x4] =	wrdreg s19  }
0xb: {  	s9 =	sor.u32 s12, s9;
	s11 =	sshrl.u32 s2, $0x1;
	s12 =	simm.s32 $0xC8  }
0xc: {  	s8 =	sadd.s32 s3, s8;
	s2 =	ssub.s32 s2, s11;
	s3 =	sadd.s32 s3, s13  }
0xd: {  	s11 =	sor.u32 $0x1C0D, s20;
	s13 =	simm.s32 $0x0;
	s10 =	sshrl.u32 s8, $0x3  }
0xe: {  	s8 =	smul.u32 $0x2710, s9;
	s29 =	smax.u32 s2, $0x1;
	[dreg:$0x5] =	wrdreg s11  }
0xf: {  	s2 =	simm.s32 $0x4;
	s0 =	sadd.s32 s10, s0;
	[dreg:$0xc] =	wrdreg s29  }
0x10: {  	s21 =	sadd.s32 $0x28, s8;
	s23 =	sshrl.u32 s8, $0x3;
	s28 =	sadd.s32 $0x78, s8  }
0x11: {  	s0 =	sadd.s32 $0x40200, s0;
	s22 =	smov.u32 s21;
	[dreg:$0xa] =	wrdreg s28  }
0x12: {  	s10 =	sshrl.u32 s21, $0x3;
	s24 =	sadd.s32 s7, s23;
	[dreg:$0xb] =	wrdreg s0  }
.Ltmp0:
0x13: {  	s9 =	sadd.s32 s1, s23;
	[dreg:$0x6] =	wrdreg s24;
	(pc) =	sbr.rel .LBB2_1-.Ltmp0, $4  }
0x14: {  	s23 =	simm.s32 $0x28;
	[dreg:$0x7] =	wrdreg s9;
	s25 =	sadd.s32 s7, s10  }
0x15: {  	vm0 =	vmmov $0xff;
	v0 =	vimm.s32 $0x0;
	v1 =	vimm.s32 $0x1;
	s0 =	simm.s32 $0x2;
	s26 =	sadd.s32 s1, s10;
	[dreg:$0x8] =	wrdreg s25  }
0x16: {  	v2 =	vimm.s32 $0x2;
	v3 =	vimm.s32 $0x3;
	v4 =	vimm.s32 $0x4;
	s21 =	simm.s32 $0x5;
	s9 =	sshrl.u32 s3, $0x3;
	[dreg:$0x9] =	wrdreg s26  }
0x17: {  	v5 =	vimm.s32 $0x5;
	v6 =	vimm.s32 $0x6;
	v7 =	vimm.s32 $0x7;
	s10 =	simm.s32 $0xD;
	s25 =	simm.s32 $0xB;
	[dreg:$0xd] =	wrdreg s9  }
.LBB2_8:
0x18: {  	s3 =	simm.s32 $0xC  }
0x19: {  	_ =	swait.ge [sflag:s3], $0x1680  }
0x1a: {  	[sflag:s3] =	ssyncset.done $0x0  }
0x1b: {  	[sflag:s3] =	ssyncadd.s32 $0xFFFFE980  }
0x1c: {  	[bflag:$0x0] =	sbarrier.arrive $0xFFFF  }
0x1d: {  	s11 =	rddreg [dreg:$0x5]  }
0x1e: {  	s28 =	rddreg [dreg:$0xb]  }
0x1f: {  	s10 =	simm.s32 $0xD;
	s9 =	rddreg [dreg:$0xd]  }
0x20: {  	[hbm:s28], [sflag:s11] =	dma.local [spmem:s9], $0x2D00  }
0x21: {  	_ =	swait.ge [sflag:s10], $0x2D00  }
0x22: {  	s13 =	rddreg [dreg:$0xe]  }
0x23: {  	s29 =	rddreg [dreg:$0xc];
	s13 =	sadd.s32 $0x1, s13  }
0x24: {  	p0 =	sne.s32 s13, s29  }
.Ltmp1:
0x25: {  	_ = 	snop;
	(pc) =	sbr.rel @!p0 .LBB2_9-.Ltmp1, $3  }
0x26: {  	_ =	sdelay $0x1  }
0x27: {  	[sflag:s10] =	ssyncset.done $0x0  }
0x28: {  	[sflag:s10] =	ssyncadd.s32 $0xFFFFD300  }
.LBB2_1:
0x29: {  	[dreg:$0xe] =	wrdreg s13  }
0x2a: {  	s3 =	rddreg [dreg:$0x4]  }
0x2b: {  	[spmem:s9], [sflag:s11] =	dma.local [hbm:s3], $0x2D00  }
0x2c: {  	_ =	swait.ge [sflag:s10], $0x2D00  }
0x2d: {  	[sflag:s10] =	ssyncset.done $0x0  }
0x2e: {  	[sflag:s10] =	ssyncadd.s32 $0xFFFFD300  }
0x2f: {  	[bflag:$0x0] =	sbarrier.arrive $0xFFFF  }
0x30: {  	s10 =	rddreg [dreg:$0x6]  }
0x31: {  	[tilespmem:s4], [sflag:$0x1] =	stream.linear.gather [hbm4b:s10+s4], $0x28, $0x38;
	[tilespmem:$0x1C7F0] =	vst v63  }
0x32: {  	s13 =	simm.s32 $0x50;
	s11 =	rddreg [dreg:$0x7]  }
0x33: {  	[tilespmem:s13], [sflag:$0x3] =	stream.linear.gather [hbm4b:s11+s4], $0x28, $0x38;
	[tilespmem:$0x1C7F0] =	vst v63  }
0x34: {  	s16 =	simm.s32 $0xA0  }
0x35: {  	[tilespmem:s16], [sflag:$0x5] =	stream.linear.gather [hbm4b:s11+s4], $0x28, $0x38;
	[tilespmem:$0x1C7F0] =	vst v63  }
0x36: {  	s18 =	rddreg [dreg:$0x8]  }
0x37: {  	[tilespmem:s23], [sflag:$0x2] =	stream.linear.gather [hbm4b:s18+s4], $0x28, $0x38;
	[tilespmem:$0x1C7F0] =	vst v63  }
0x38: {  	s20 =	simm.s32 $0x78;
	s24 =	simm.s32 $0x1;
	s19 =	rddreg [dreg:$0x9]  }
0x39: {  	[tilespmem:s20], [sflag:$0x4] =	stream.linear.gather [hbm4b:s19+s4], $0x28, $0x38;
	[tilespmem:$0x1C7F0] =	vst v63  }
0x3a: {  	_ =	swait.ge [sflag:s24], $0x28  }
0x3b: {  	[sflag:s24] =	ssyncset.done $0x0  }
0x3c: {  	s26 =	simm.s32 $0x3;
	[sflag:s24] =	ssyncadd.s32 $0xFFFFFFD8  }
0x3d: {  	_ =	swait.ge [sflag:s26], $0x28  }
0x3e: {  	[sflag:s26] =	ssyncset.done $0x0  }
0x3f: {  	s28 =	simm.s32 $0xF0;
	[sflag:s26] =	ssyncadd.s32 $0xFFFFFFD8  }
0x40: {  	[tilespmem:s28], [sflag:$0x7] =	stream.indirect.gather [hbm4b:s5+s23], $0x90, s4, s23, $0xb8;
	[tilespmem:$0x1C7F0] =	vst v63  }
0x41: {  	s29 =	simm.s32 $0x2DF0;
	s11 =	simm.s32 $0x0  }
0x42: {  	[tilespmem:s29], [sflag:$0x9] =	stream.indirect.gather [hbm4b:s6+s23], $0x10, s13, s23, $0xb8;
	[tilespmem:$0x1C7F0] =	vst v63  }
.LBB2_2:
0x43: {  	s3 =	sshll.u32 s11, $0x1  }
0x44: {  	_ =	swait.ge [sflag:s30], $0x1680;
	p0 =	seq.s32 s11, $0x7C;
	s13 =	sadd.s32 $0x2, s3  }
0x45: {  	[sflag:s30] =	ssyncset.done $0x0;
	s3 =	smul.u32 @!p0 $0x28, s13  }
0x46: {  	[sflag:s30] =	ssyncadd.s32 $0xFFFFE980  }
0x47: {  	_ =	swait.ge [sflag:s31], $0x280;
	s3 =	sadd.s32 @!p0 s8, s3  }
0x48: {  	[sflag:s31] =	ssyncset.done $0x0;
	s3 =	sshrl.u32 @!p0 s3, $0x3  }
0x49: {  	s10 =	simm.s32 @!p0 $0x0;
	[sflag:s31] =	ssyncadd.s32 $0xFFFFFD80;
	s9 =	sadd.s32 @!p0 s7, s3  }
0x4a: {  	[tilespmem:s10], [sflag:$0x1] =	stream.linear.gather @!p0 [hbm4b:s9+s10], $0x28, $0x38;
	[tilespmem:$0x1C7F0] =	vst v63  }
0x4b: {  	s3 =	sadd.s32 @!p0 s1, s3;
	s9 =	simm.s32 @!p0 $0x50  }
0x4c: {  	[tilespmem:s9], [sflag:$0x3] =	stream.linear.gather @!p0 [hbm4b:s3+s10], $0x28, $0x38;
	[tilespmem:$0x1C7F0] =	vst v63  }
0x4d: {  	_ =	swait.ge [sflag:s0], $0x28  }
0x4e: {  	[sflag:s0] =	ssyncset.done $0x0  }
0x4f: {  	[sflag:s0] =	ssyncadd.s32 $0xFFFFFFD8  }
0x50: {  	_ =	swait.ge [sflag:s2], $0x28  }
0x51: {  	[sflag:s2] =	ssyncset.done $0x0  }
0x52: {  	s19 =	simm.s32 $0x1770;
	[sflag:s2] =	ssyncadd.s32 $0xFFFFFFD8  }
0x53: {  	[tilespmem:s19], [sflag:$0x8] =	stream.indirect.gather [hbm4b:s5+s23], $0x90, s23, s23, $0xb8;
	[tilespmem:$0x1C7F0] =	vst v63  }
0x54: {  	s20 =	simm.s32 $0x78;
	s24 =	simm.s32 $0x3070  }
0x55: {  	[tilespmem:s24], [sflag:$0xA] =	stream.indirect.gather [hbm4b:s6+s23], $0x10, s20, s23, $0xb8;
	[tilespmem:$0x1C7F0] =	vst v63  }
0x56: {  	s24 =	simm.s32 $0x210  }
0x57: {  	s26 =	simm.s32 $0x2E10;
	v8 =	vld [tilespmem:s24+$0x110]  }
0x58: {  	v9 =	vld [tilespmem:s26+$0x10];
	_ =	sdelay $0x4  }
0x59: {  	v8 =	vadd.f32 v9, v8  }
0x5a: {  	v10 =	vld [tilespmem:s24+$0xFFFFFFF0]  }
0x5b: {  	v11 =	vld [tilespmem:s26+$0xFFFFFFF0];
	v9 =	vmul.f32 $2.000000030e-01, v8  }
0x5c: {  	vm1 =	vge.f32 v8, $0.0e+00  }
0x5d: {  	v8 =	vsel vm1, v8, v9  }
0x5e: {  	v8 =	vmul.f32 $1.442695020e+00, v8  }
0x5f: {  	v12 =	vld [tilespmem:s26+$0x0]  }
0x60: {  	v10 =	vadd.f32 v11, v10;
	(erf) = vpow2.f32 v8;
	v8 =	vld [tilespmem:s24+$0x80];
	_ =	sdelay $0x1  }
0x61: {  	v11 =	vld [tilespmem:s24+$0xFFFFFF60];
	v13 =	vmul.f32 $2.000000030e-01, v10  }
0x62: {  	v9 =	vld [tilespmem:s26+$0xFFFFFFE0];
	vm1 =	vge.f32 v10, $0.0e+00  }
0x63: {  	v10 =	vsel vm1, v10, v13  }
0x64: {  	v12 =	vadd.f32 v12, v8;
	v8 =	vmul.f32 $1.442695020e+00, v10;
	_ =	sdelay $0x2  }
0x65: {  	v9 =	vadd.f32 v9, v11  }
0x66: {  	v10 =	vmul.f32 $2.000000030e-01, v12;
	(erf) = vpow2.f32 v8;
	v8 =	vpop (erf)  }
0x67: {  	s19 =	simm.s32 $0x3410;
	v11 =	vmul.f32 $2.000000030e-01, v9;
	vm1 =	vge.f32 v12, $0.0e+00;
	v8 =	vnsel vm0, $0x0, v8  }
0x68: {  	vm2 =	vge.f32 v9, $0.0e+00;
	v10 =	vsel vm1, v12, v10;
	[tilespmem:s19+$0x110] =	vst v8  }
0x69: {  	v9 =	vsel vm2, v9, v11;
	v10 =	vmul.f32 $1.442695020e+00, v10;
	v11 =	vld [tilespmem:s24+$0x90]  }
0x6a: {  	v9 =	vmul.f32 $1.442695020e+00, v9  }
0x6b: {  	(erf) = vpow2.f32 v10  }
0x6c: {  	(erf) = vpow2.f32 v9;
	v9 =	vperm.xlane v8, v0;
	_ =	sdelay $0x1  }
0x6d: {  	v9 =	vmul.f32 v11, v9;
	_ =	sdelay $0x1  }
0x6e: {  	[tilespmem:s19+$0x90] =	vst v9  }
0x6f: {  	v9 =	vld [tilespmem:s24+$0xA0]  }
0x70: {  	s9 =	simm.s32 $0x2E50  }
0x71: {  	s18 =	simm.s32 $0x450;
	v17 =	vld [tilespmem:s9+$0x10]  }
0x72: {  	v13 =	vld [tilespmem:s18+$0x110];
	v12 =	vperm.xlane v8, v1;
	v10 =	vpop (erf)  }
0x73: {  	v15 =	vnsel vm0, $0x0, v10  }
0x74: {  	v19 =	vld [tilespmem:s18+$0xFFFFFFF0];
	[tilespmem:s19+$0xFFFFFFF0] =	vst v15;
	v11 =	vpop (erf);
	v9 =	vmul.f32 v9, v12  }
0x75: {  	v10 =	vld [tilespmem:s24+$0xFFFFFF70];
	v16 =	vnsel vm0, $0x0, v11;
	v11 =	vpop (erf)  }
0x76: {  	v24 =	vld [tilespmem:s9+$0xFFFFFFF0];
	v18 =	vnsel vm0, $0x0, v11;
	[tilespmem:s19+$0xA0] =	vst v9  }
0x77: {  	v13 =	vadd.f32 v17, v13;
	[tilespmem:s19+$0xFFFFFF60] =	vst v18;
	v9 =	vld [tilespmem:s24+$0xB0]  }
0x78: {  	v14 =	vperm.xlane v15, v0;
	[tilespmem:s19+$0x80] =	vst v16;
	v12 =	vld [tilespmem:s24+$0xFFFFFEE0]  }
0x79: {  	v21 =	vmul.f32 $2.000000030e-01, v13;
	v11 =	vld [tilespmem:s24+$0x0]  }
0x7a: {  	v26 =	vld [tilespmem:s18+$0x80];
	v20 =	vperm.xlane v8, v2;
	v10 =	vmul.f32 v10, v14  }
0x7b: {  	v17 =	vld [tilespmem:s9+$0xFFFFFFE0];
	vm1 =	vge.f32 v13, $0.0e+00;
	v22 =	vperm.xlane v18, v0  }
0x7c: {  	v13 =	vsel vm1, v13, v21;
	v21 =	vld [tilespmem:s9+$0x0];
	v14 =	vperm.xlane v16, v0;
	[tilespmem:s19+$0xFFFFFF70] =	vst v10;
	v9 =	vmul.f32 v9, v20  }
0x7d: {  	v10 =	vld [tilespmem:s24+$0xFFFFFF80];
	v12 =	vmul.f32 v12, v22  }
0x7e: {  	v13 =	vmul.f32 $1.442695020e+00, v13;
	v22 =	vld [tilespmem:s18+$0xFFFFFF60];
	[tilespmem:s19+$0xB0] =	vst v9;
	v9 =	vmul.f32 v11, v14  }
0x7f: {  	[tilespmem:s19+$0xFFFFFEE0] =	vst v12;
	v11 =	vld [tilespmem:s24+$0xC0]  }
0x80: {  	(erf) = vpow2.f32 v13;
	[tilespmem:s19+$0x0] =	vst v9;
	v9 =	vld [tilespmem:s24+$0xFFFFFEF0]  }
0x81: {  	v21 =	vadd.f32 v21, v26;
	v25 =	vperm.xlane v15, v1  }
0x82: {  	v26 =	vperm.xlane v8, v3;
	v27 =	vperm.xlane v16, v1;
	v12 =	vadd.f32 v24, v19  }
0x83: {  	v23 =	vperm.xlane v18, v1;
	v10 =	vmul.f32 v10, v25;
	v19 =	vld [tilespmem:s24+$0x10]  }
0x84: {  	v24 =	vmul.f32 $2.000000030e-01, v12;
	v17 =	vadd.f32 v17, v22;
	v22 =	vmul.f32 $2.000000030e-01, v21  }
0x85: {  	vm1 =	vge.f32 v12, $0.0e+00;
	v11 =	vmul.f32 v11, v26;
	v9 =	vmul.f32 v9, v23  }
0x86: {  	[tilespmem:s19+$0xFFFFFF80] =	vst v10;
	v12 =	vsel vm1, v12, v24;
	vm1 =	vge.f32 v21, $0.0e+00;
	v24 =	vmul.f32 $2.000000030e-01, v17  }
0x87: {  	vm2 =	vge.f32 v17, $0.0e+00;
	v12 =	vmul.f32 $1.442695020e+00, v12;
	v21 =	vsel vm1, v21, v22;
	v23 =	vld [tilespmem:s24+$0xFFFFFF90];
	[tilespmem:s19+$0xC0] =	vst v11  }
0x88: {  	v10 =	vsel vm2, v17, v24;
	v11 =	vmul.f32 $1.442695020e+00, v21;
	v17 =	vmul.f32 v19, v27;
	v21 =	vld [tilespmem:s24+$0xD0];
	[tilespmem:s19+$0xFFFFFEF0] =	vst v9  }
0x89: {  	v13 =	vperm.xlane v15, v2;
	(erf) = vpow2.f32 v12;
	v12 =	vld [tilespmem:s24+$0xFFFFFF00];
	v9 =	vpop (erf)  }
0x8a: {  	s20 =	simm.s32 $0x3650;
	v20 =	vperm.xlane v18, v2;
	v19 =	vmul.f32 $1.442695020e+00, v10;
	[tilespmem:s19+$0x10] =	vst v17;
	v10 =	vnsel vm0, $0x0, v9  }
0x8b: {  	(erf) = vpow2.f32 v11;
	v11 =	vperm.xlane v8, v4;
	v9 =	vld [tilespmem:s24+$0x20];
	[tilespmem:s20+$0x110] =	vst v10  }
0x8c: {  	v14 =	vperm.xlane v16, v2;
	(erf) = vpow2.f32 v19;
	v17 =	vld [tilespmem:s18+$0x90]  }
0x8d: {  	v13 =	vmul.f32 v23, v13;
	v21 =	vmul.f32 v21, v11  }
0x8e: {  	v12 =	vmul.f32 v12, v20;
	v20 =	vperm.xlane v10, v0  }
0x8f: {  	[tilespmem:s19+$0xFFFFFF90] =	vst v13  }
0x90: {  	[tilespmem:s19+$0xD0] =	vst v21;
	v9 =	vmul.f32 v9, v14  }
0x91: {  	v23 =	vld [tilespmem:s24+$0xFFFFFFA0];
	[tilespmem:s19+$0xFFFFFF00] =	vst v12;
	v17 =	vmul.f32 v17, v20  }
0x92: {  	v21 =	vld [tilespmem:s24+$0xE0];
	v20 =	vpop (erf);
	[tilespmem:s19+$0x20] =	vst v9  }
0x93: {  	v29 =	vperm.xlane v15, v3;
	v32 =	vld [tilespmem:s24+$0xFFFFFF10];
	v9 =	vperm.xlane v16, v7;
	v31 =	vnsel vm0, $0x0, v20;
	[tilespmem:s20+$0x90] =	vst v17  }
0x94: {  	v24 =	vperm.xlane v15, v5;
	v27 =	vperm.xlane v15, v4;
	v20 =	vpop (erf);
	v33 =	vld [tilespmem:s24+$0x30];
	[tilespmem:s20+$0xFFFFFFF0] =	vst v31  }
0x95: {  	v12 =	vperm.xlane v15, v6;
	v17 =	vperm.xlane v15, v7;
	v36 =	vnsel vm0, $0x0, v20;
	v15 =	vpop (erf);
	v20 =	vld [tilespmem:s18+$0xA0];
	[tilespmem:$0x1FFF0] =	vst v9  }
0x96: {  	s10 =	simm.s32 $0x2E90;
	v30 =	vnsel vm0, $0x0, v15;
	v15 =	vld [tilespmem:s18+$0xFFFFFF70]  }
0x97: {  	s26 =	simm.s32 $0x690;
	v34 =	vperm.xlane v8, v5;
	v28 =	vperm.xlane v18, v3;
	v44 =	vld [tilespmem:s10+$0x10]  }
0x98: {  	v25 =	vperm.xlane v16, v6;
	v22 =	vperm.xlane v16, v4;
	v48 =	vld [tilespmem:s26+$0xFFFFFFF0]  }
0x99: {  	v26 =	vperm.xlane v16, v3;
	v19 =	vperm.xlane v18, v4;
	v49 =	vld [tilespmem:s10+$0xFFFFFFF0]  }
0x9a: {  	v14 =	vperm.xlane v16, v5;
	v16 =	vmul.f32 v21, v34;
	[tilespmem:s20+$0x80] =	vst v36;
	v59 =	vld [tilespmem:s26+$0x80]  }
0x9b: {  	v58 =	vperm.xlane v10, v2;
	v11 =	vperm.xlane v18, v5;
	[tilespmem:s20+$0xFFFFFF60] =	vst v30;
	v60 =	vld [tilespmem:s10+$0x0]  }
0x9c: {  	v21 =	vmul.f32 v23, v29;
	v56 =	vld [tilespmem:s18+$0x0];
	[tilespmem:s19+$0xE0] =	vst v16;
	v16 =	vperm.xlane v10, v1  }
0x9d: {  	v13 =	vperm.xlane v18, v6;
	v23 =	vperm.xlane v31, v0;
	v37 =	vld [tilespmem:s18+$0xFFFFFEE0]  }
0x9e: {  	v18 =	vperm.xlane v18, v7;
	[tilespmem:s19+$0xFFFFFFA0] =	vst v21;
	v21 =	vld [tilespmem:s24+$0xF0];
	v16 =	vmul.f32 v20, v16  }
0x9f: {  	v35 =	vperm.xlane v36, v0;
	v41 =	vld [tilespmem:s24+$0xFFFFFFB0];
	v15 =	vmul.f32 v15, v23  }
0xa0: {  	v40 =	vperm.xlane v31, v1;
	v43 =	vperm.xlane v31, v2;
	v20 =	vld [tilespmem:s26+$0x110];
	[tilespmem:s20+$0xA0] =	vst v16  }
0xa1: {  	v45 =	vperm.xlane v36, v2;
	v46 =	vmul.f32 v56, v35;
	[tilespmem:s20+$0xFFFFFF70] =	vst v15;
	v15 =	vld [tilespmem:s18+$0xB0]  }
0xa2: {  	v38 =	vperm.xlane v30, v0;
	v28 =	vmul.f32 v32, v28;
	v61 =	vld [tilespmem:s10+$0xFFFFFFE0]  }
0xa3: {  	v39 =	vperm.xlane v30, v1;
	v26 =	vmul.f32 v33, v26;
	v57 =	vld [tilespmem:s18+$0xFFFFFF80];
	[tilespmem:s20+$0x0] =	vst v46  }
0xa4: {  	[tilespmem:s19+$0xFFFFFF10] =	vst v28;
	v37 =	vmul.f32 v37, v38;
	v16 =	vperm.xlane v8, v6;
	v56 =	vld [tilespmem:s18+$0x10]  }
0xa5: {  	v42 =	vperm.xlane v30, v2;
	v52 =	vld [tilespmem:s26+$0xFFFFFF60];
	[tilespmem:s19+$0x30] =	vst v26;
	v27 =	vmul.f32 v41, v27;
	v20 =	vadd.f32 v44, v20  }
0xa6: {  	v32 =	vadd.f32 v60, v59;
	v59 =	vld [tilespmem:s24+$0xFFFFFF20];
	v50 =	vmul.f32 v21, v16;
	[tilespmem:s20+$0xFFFFFEE0] =	vst v37;
	v21 =	vmul.f32 v15, v58  }
0xa7: {  	v23 =	vperm.xlane v36, v1;
	[tilespmem:s19+$0xFFFFFFB0] =	vst v27;
	v51 =	vmul.f32 $2.000000030e-01, v20  }
0xa8: {  	v62 =	vadd.f32 v49, v48;
	v54 =	vld [tilespmem:s18+$0xFFFFFEF0];
	vm1 =	vge.f32 v20, $0.0e+00;
	v53 =	vmul.f32 v57, v40;
	[tilespmem:s20+$0xB0] =	vst v21  }
0xa9: {  	v48 =	vperm.xlane v10, v4;
	[tilespmem:s19+$0xF0] =	vst v50;
	v20 =	vsel vm1, v20, v51;
	v26 =	vmul.f32 v56, v23;
	v63 =	vld [tilespmem:s18+$0xC0]  }
0xaa: {  	v55 =	vmul.f32 $2.000000030e-01, v62;
	v49 =	vld [tilespmem:s24+$0xFFFFFFC0];
	v20 =	vmul.f32 $1.442695020e+00, v20;
	[tilespmem:s20+$0xFFFFFF80] =	vst v53  }
0xab: {  	v58 =	vmul.f32 $2.000000030e-01, v32;
	v57 =	vadd.f32 v61, v52;
	v61 =	vld [tilespmem:s24+$0x100];
	[tilespmem:s20+$0x10] =	vst v26;
	v26 =	vmul.f32 v59, v19  }
0xac: {  	vm1 =	vge.f32 v62, $0.0e+00;
	(erf) = vpow2.f32 v20;
	v20 =	vperm.xlane v10, v3;
	v28 =	vld [tilespmem:s18+$0xFFFFFF90]  }
0xad: {  	v40 =	vsel vm1, v62, v55;
	v38 =	vmul.f32 v54, v39;
	v60 =	vmul.f32 $2.000000030e-01, v57;
	v27 =	vld [tilespmem:s18+$0x20];
	[tilespmem:s19+$0xFFFFFF20] =	vst v26  }
0xae: {  	vm1 =	vge.f32 v32, $0.0e+00;
	v40 =	vmul.f32 $1.442695020e+00, v40;
	v52 =	vld [tilespmem:s24+$0xFFFFFF30];
	v20 =	vmul.f32 v63, v20  }
0xaf: {  	v32 =	vsel vm1, v32, v58;
	vm1 =	vge.f32 v57, $0.0e+00;
	v24 =	vmul.f32 v49, v24;
	[tilespmem:s20+$0xFFFFFEF0] =	vst v38;
	v63 =	vld [tilespmem:s24+$0x40]  }
0xb0: {  	v32 =	vmul.f32 $1.442695020e+00, v32;
	(erf) = vpow2.f32 v40;
	v46 =	vld [tilespmem:s18+$0xFFFFFF00];
	[tilespmem:s20+$0xC0] =	vst v20;
	v20 =	vsel vm1, v57, v60  }
0xb1: {  	v28 =	vmul.f32 v28, v43;
	v62 =	vld [tilespmem:s18+$0xD0];
	v20 =	vmul.f32 $1.442695020e+00, v20  }
0xb2: {  	v8 =	vperm.xlane v8, v7;
	[tilespmem:s19+$0xFFFFFFC0] =	vst v24;
	v54 =	vmul.f32 v27, v45  }
0xb3: {  	(erf) = vpow2.f32 v32;
	[tilespmem:s20+$0xFFFFFF90] =	vst v28;
	v11 =	vmul.f32 v52, v11  }
0xb4: {  	v44 =	vld [tilespmem:s24+$0xFFFFFFD0];
	[tilespmem:s20+$0x20] =	vst v54;
	(erf) = vpow2.f32 v20;
	v51 =	vmul.f32 v63, v22  }
0xb5: {  	v50 =	vld [tilespmem:s18+$0xFFFFFFA0];
	v22 =	vmul.f32 v61, v8;
	v8 =	vmul.f32 v46, v42;
	[tilespmem:s19+$0xFFFFFF30] =	vst v11;
	v20 =	vpop (erf)  }
0xb6: {  	s28 =	simm.s32 $0x3890;
	v47 =	vperm.xlane v31, v3;
	v45 =	vld [tilespmem:s18+$0x30];
	[tilespmem:s19+$0x40] =	vst v51;
	v20 =	vnsel vm0, $0x0, v20;
	v28 =	vmul.f32 v62, v48  }
0xb7: {  	v29 =	vperm.xlane v30, v3;
	v33 =	vperm.xlane v31, v7;
	v54 =	vld [tilespmem:s24+$0xFFFFFF40];
	[tilespmem:s28+$0x110] =	vst v20  }
0xb8: {  	v35 =	vperm.xlane v31, v4;
	v15 =	vperm.xlane v30, v4;
	v53 =	vld [tilespmem:s26+$0x90];
	[tilespmem:s20+$0xD0] =	vst v28  }
0xb9: {  	v21 =	vperm.xlane v30, v5;
	v23 =	vperm.xlane v31, v5;
	[tilespmem:s20+$0xFFFFFF00] =	vst v8;
	v8 =	vpop (erf);
	v55 =	vld [tilespmem:s18+$0xE0]  }
0xba: {  	v26 =	vperm.xlane v30, v6;
	v32 =	vperm.xlane v30, v7;
	v42 =	vld [tilespmem:s24+$0x50];
	v30 =	vnsel vm0, $0x0, v8  }
0xbb: {  	v43 =	vld [tilespmem:s18+$0xFFFFFF10];
	v56 =	vperm.xlane v20, v0;
	v58 =	vmul.f32 v50, v47;
	[tilespmem:s28+$0xFFFFFFF0] =	vst v30  }
0xbc: {  	s16 =	simm.s32 $0x2ED0;
	v57 =	vperm.xlane v10, v5;
	v28 =	vperm.xlane v31, v6;
	v31 =	vpop (erf);
	v24 =	vld [tilespmem:s26+$0xFFFFFF70]  }
0xbd: {  	v34 =	vperm.xlane v36, v3;
	v50 =	vld [tilespmem:s16+$0x10];
	v39 =	vnsel vm0, $0x0, v31;
	[tilespmem:s20+$0xFFFFFFA0] =	vst v58;
	v31 =	vmul.f32 v53, v56  }
0xbe: {  	v16 =	vperm.xlane v36, v4;
	[tilespmem:s28+$0x80] =	vst v39;
	v63 =	vld [tilespmem:s18+$0xFFFFFFB0];
	v41 =	vmul.f32 v55, v57  }
0xbf: {  	v19 =	vperm.xlane v36, v5;
	v60 =	vperm.xlane v30, v0;
	v38 =	vld [tilespmem:s26+$0x0];
	[tilespmem:s28+$0x90] =	vst v31  }
0xc0: {  	v27 =	vperm.xlane v36, v6;
	v12 =	vmul.f32 v44, v12;
	v59 =	vpop (erf);
	v47 =	vld [tilespmem:s26+$0xA0];
	[tilespmem:s20+$0xE0] =	vst v41  }
0xc1: {  	v11 =	vperm.xlane v20, v1;
	v40 =	vnsel vm0, $0x0, v59;
	v24 =	vmul.f32 v24, v60;
	v61 =	vld [tilespmem:s18+$0xF0]  }
0xc2: {  	v8 =	vperm.xlane v36, v7;
	v48 =	vperm.xlane v30, v1;
	v59 =	vld [tilespmem:s16+$0xFFFFFFE0];
	[tilespmem:s28+$0xFFFFFF60] =	vst v40  }
0xc3: {  	v37 =	vperm.xlane v30, v5;
	v52 =	vperm.xlane v39, v1;
	v62 =	vld [tilespmem:s26+$0xFFFFFEE0];
	[tilespmem:s28+$0xFFFFFF70] =	vst v24  }
0xc4: {  	s29 =	simm.s32 $0x8D0;
	v29 =	vmul.f32 v43, v29;
	v60 =	vperm.xlane v10, v6;
	v56 =	vld [tilespmem:s26+$0xFFFFFF80]  }
0xc5: {  	v31 =	vperm.xlane v39, v0;
	v11 =	vmul.f32 v47, v11;
	v47 =	vld [tilespmem:s29+$0x110]  }
0xc6: {  	v46 =	vperm.xlane v40, v0;
	v36 =	vmul.f32 v61, v60;
	v61 =	vld [tilespmem:s29+$0xFFFFFFF0]  }
0xc7: {  	v49 =	vmul.f32 v38, v31;
	v60 =	vmul.f32 v63, v35;
	v63 =	vld [tilespmem:s16+$0xFFFFFFF0];
	[tilespmem:s28+$0xA0] =	vst v11  }
0xc8: {  	v13 =	vmul.f32 v54, v13;
	v43 =	vmul.f32 v45, v34;
	[tilespmem:s20+$0xFFFFFF10] =	vst v29;
	v58 =	vld [tilespmem:s26+$0xB0]  }
0xc9: {  	v14 =	vmul.f32 v42, v14;
	v54 =	vld [tilespmem:s18+$0xFFFFFF20];
	[tilespmem:s28+$0x0] =	vst v49;
	v46 =	vmul.f32 v62, v46  }
0xca: {  	v53 =	vperm.xlane v30, v2;
	v51 =	vperm.xlane v40, v2;
	v44 =	vld [tilespmem:s26+$0x10]  }
0xcb: {  	v62 =	vperm.xlane v20, v2;
	[tilespmem:s28+$0xFFFFFEE0] =	vst v46;
	v48 =	vmul.f32 v56, v48;
	v56 =	vld [tilespmem:s29+$0x80];
	v47 =	vadd.f32 v50, v47  }
0xcc: {  	v55 =	vperm.xlane v39, v2;
	v57 =	vperm.xlane v30, v3;
	v42 =	vld [tilespmem:s26+$0xFFFFFEF0];
	v61 =	vadd.f32 v63, v61  }
0xcd: {  	[tilespmem:s20+$0xF0] =	vst v36;
	v9 =	vmul.f32 $2.000000030e-01, v47;
	v50 =	vmul.f32 v58, v62;
	v58 =	vld [tilespmem:s16+$0x0]  }
0xce: {  	[tilespmem:s19+$0xFFFFFFD0] =	vst v12;
	v34 =	vperm.xlane v40, v4;
	v45 =	vld [tilespmem:s18+$0x100];
	vm1 =	vge.f32 v47, $0.0e+00;
	v29 =	vmul.f32 $2.000000030e-01, v61  }
0xcf: {  	[tilespmem:s20+$0x30] =	vst v43;
	v41 =	vperm.xlane v40, v1;
	v62 =	vld [tilespmem:s29+$0xFFFFFF60];
	v9 =	vsel vm1, v47, v9;
	vm1 =	vge.f32 v61, $0.0e+00  }
0xd0: {  	v24 =	vperm.xlane v40, v3;
	[tilespmem:s28+$0xB0] =	vst v50;
	v9 =	vmul.f32 $1.442695020e+00, v9;
	v29 =	vsel vm1, v61, v29;
	v61 =	vld [tilespmem:s18+$0x40]  }
0xd1: {  	[tilespmem:s19+$0xFFFFFF40] =	vst v13;
	v31 =	vperm.xlane v39, v3;
	v38 =	vperm.xlane v30, v4;
	v47 =	vld [tilespmem:s26+$0xC0]  }
0xd2: {  	[tilespmem:s28+$0xFFFFFF80] =	vst v48;
	v49 =	vmul.f32 v44, v52;
	v52 =	vld [tilespmem:s24+$0xFFFFFF50];
	(erf) = vpow2.f32 v9;
	v63 =	vadd.f32 v58, v56  }
0xd3: {  	v12 =	vmul.f32 v54, v15;
	v54 =	vperm.xlane v20, v4;
	[tilespmem:s20+$0xFFFFFFB0] =	vst v60;
	v50 =	vld [tilespmem:s26+$0xFFFFFF90]  }
0xd4: {  	[tilespmem:s19+$0x50] =	vst v14;
	v9 =	vperm.xlane v20, v3;
	v43 =	vadd.f32 v59, v62;
	v62 =	vld [tilespmem:s18+$0xFFFFFFC0];
	v60 =	vmul.f32 $2.000000030e-01, v63  }
0xd5: {  	[tilespmem:s20+$0xFFFFFF20] =	vst v12;
	v13 =	vmul.f32 $1.442695020e+00, v29;
	v58 =	vld [tilespmem:s24+$0xFFFFFFE0];
	vm1 =	vge.f32 v63, $0.0e+00;
	v56 =	vmul.f32 v61, v16  }
0xd6: {  	[tilespmem:s28+$0x10] =	vst v49;
	v14 =	vmul.f32 $2.000000030e-01, v43;
	v9 =	vmul.f32 v47, v9;
	v29 =	vsel vm1, v63, v60;
	v63 =	vld [tilespmem:s24+$0x60]  }
0xd7: {  	v15 =	vperm.xlane v30, v6;
	v41 =	vmul.f32 v42, v41;
	vm2 =	vge.f32 v43, $0.0e+00;
	v60 =	vld [tilespmem:s18+$0xFFFFFF30];
	[tilespmem:s20+$0x40] =	vst v56  }
0xd8: {  	(erf) = vpow2.f32 v13;
	v14 =	vsel vm2, v43, v14;
	v29 =	vmul.f32 $1.442695020e+00, v29;
	[tilespmem:s28+$0xC0] =	vst v9;
	v49 =	vld [tilespmem:s18+$0x50]  }
0xd9: {  	[tilespmem:s28+$0xFFFFFEF0] =	vst v41;
	v9 =	vmul.f32 $1.442695020e+00, v14;
	v14 =	vmul.f32 v50, v53;
	v13 =	vld [tilespmem:s26+$0xD0]  }
0xda: {  	v23 =	vmul.f32 v62, v23;
	(erf) = vpow2.f32 v29;
	v29 =	vld [tilespmem:s26+$0xFFFFFF00]  }
0xdb: {  	v46 =	vperm.xlane v10, v7;
	[tilespmem:s28+$0xFFFFFF90] =	vst v14;
	(erf) = vpow2.f32 v9;
	v9 =	vld [tilespmem:s26+$0x20];
	v16 =	vpop (erf)  }
0xdc: {  	s9 =	simm.s32 $0x3AD0;
	v35 =	vperm.xlane v40, v5;
	[tilespmem:s20+$0xFFFFFFC0] =	vst v23;
	v59 =	vld [tilespmem:s26+$0xFFFFFFA0];
	v16 =	vnsel vm0, $0x0, v16;
	v21 =	vmul.f32 v60, v21  }
0xdd: {  	v45 =	vmul.f32 v45, v46;
	v46 =	vld [tilespmem:s18+$0xFFFFFFD0];
	v25 =	vmul.f32 v63, v25;
	[tilespmem:s9+$0x110] =	vst v16  }
0xde: {  	v11 =	vperm.xlane v39, v5;
	v12 =	vmul.f32 v13, v54;
	v61 =	vld [tilespmem:s29+$0x90];
	[tilespmem:s20+$0xFFFFFF30] =	vst v21  }
0xdf: {  	v36 =	vperm.xlane v39, v4;
	[tilespmem:s19+$0x60] =	vst v25;
	v29 =	vmul.f32 v29, v51;
	v60 =	vld [tilespmem:s18+$0xFFFFFF40]  }
0xe0: {  	v48 =	vmul.f32 v58, v17;
	v44 =	vld [tilespmem:s24+$0x70];
	v62 =	vmul.f32 v9, v55;
	[tilespmem:s28+$0xD0] =	vst v12  }
0xe1: {  	v17 =	vperm.xlane v16, v0;
	v23 =	vmul.f32 v59, v57;
	[tilespmem:s28+$0xFFFFFF00] =	vst v29;
	v29 =	vld [tilespmem:s26+$0xE0]  }
0xe2: {  	v47 =	vmul.f32 v52, v18;
	v14 =	vperm.xlane v39, v6;
	v18 =	vpop (erf);
	v50 =	vld [tilespmem:s26+$0xFFFFFF10];
	[tilespmem:s28+$0x20] =	vst v62  }
0xe3: {  	v9 =	vperm.xlane v39, v7;
	v39 =	vnsel vm0, $0x0, v18;
	[tilespmem:s28+$0xFFFFFFA0] =	vst v23;
	v18 =	vpop (erf);
	v51 =	vld [tilespmem:s26+$0x30];
	v17 =	vmul.f32 v61, v17  }
0xe4: {  	v10 =	vperm.xlane v40, v6;
	v13 =	vperm.xlane v40, v7;
	[tilespmem:s9+$0xFFFFFFF0] =	vst v39;
	v59 =	vld [tilespmem:s26+$0xFFFFFFB0];
	v40 =	vnsel vm0, $0x0, v18;
	v18 =	vpop (erf)  }
0xe5: {  	v12 =	vperm.xlane v30, v7;
	v30 =	vperm.xlane v20, v5;
	v41 =	vnsel vm0, $0x0, v18;
	v18 =	vld [tilespmem:s29+$0xFFFFFF70];
	[tilespmem:s9+$0x90] =	vst v17  }
0xe6: {  	[tilespmem:s9+$0xFFFFFF60] =	vst v41;
	v56 =	vld [tilespmem:s29+$0xA0]  }
0xe7: {  	[tilespmem:s9+$0x80] =	vst v40;
	v29 =	vmul.f32 v29, v30;
	v54 =	vld [tilespmem:s29+$0xFFFFFEE0]  }
0xe8: {  	s10 =	simm.s32 $0x2F10;
	v21 =	vperm.xlane v16, v1;
	v63 =	vperm.xlane v39, v0;
	v52 =	vld [tilespmem:s29+$0x0]  }
0xe9: {  	v61 =	vld [tilespmem:s10+$0x10];
	v30 =	vperm.xlane v40, v0;
	v53 =	vperm.xlane v41, v0;
	[tilespmem:s28+$0xE0] =	vst v29  }
0xea: {  	v50 =	vmul.f32 v50, v24;
	v23 =	vld [tilespmem:s26+$0xF0];
	v18 =	vmul.f32 v18, v63  }
0xeb: {  	s24 =	simm.s32 $0xB10;
	v51 =	vmul.f32 v51, v31;
	v38 =	vmul.f32 v59, v38;
	v59 =	vld [tilespmem:s10+$0xFFFFFFE0]  }
0xec: {  	v21 =	vmul.f32 v56, v21;
	[tilespmem:s9+$0xFFFFFF70] =	vst v18;
	v53 =	vmul.f32 v54, v53;
	v54 =	vld [tilespmem:s24+$0x110]  }
0xed: {  	[tilespmem:s28+$0xFFFFFF10] =	vst v50;
	v25 =	vmul.f32 v52, v30;
	v18 =	vperm.xlane v20, v6;
	v52 =	vld [tilespmem:s29+$0xFFFFFF80]  }
0xee: {  	v49 =	vmul.f32 v49, v19;
	v50 =	vld [tilespmem:s10+$0x0];
	[tilespmem:s9+$0xA0] =	vst v21  }
0xef: {  	v28 =	vmul.f32 v46, v28;
	[tilespmem:s28+$0x30] =	vst v51;
	v18 =	vmul.f32 v23, v18;
	v62 =	vld [tilespmem:s29+$0xB0]  }
0xf0: {  	v58 =	vperm.xlane v39, v2;
	v17 =	vperm.xlane v39, v1;
	v51 =	vld [tilespmem:s24+$0xFFFFFF60];
	[tilespmem:s9+$0x0] =	vst v25  }
0xf1: {  	v19 =	vperm.xlane v39, v6;
	v26 =	vmul.f32 v60, v26;
	v25 =	vld [tilespmem:s10+$0xFFFFFFF0];
	[tilespmem:s28+$0xF0] =	vst v18  }
0xf2: {  	[tilespmem:s20+$0x100] =	vst v45;
	v63 =	vld [tilespmem:s26+$0x100];
	v54 =	vadd.f32 v61, v54;
	v45 =	vmul.f32 v52, v17;
	v17 =	vperm.xlane v16, v2  }
0xf3: {  	[tilespmem:s19+$0x100] =	vst v22;
	v57 =	vperm.xlane v40, v1;
	v43 =	vperm.xlane v40, v2;
	v52 =	vld [tilespmem:s24+$0xFFFFFFF0]  }
0xf4: {  	[tilespmem:s19+$0xFFFFFF50] =	vst v47;
	v61 =	vld [tilespmem:s24+$0x80];
	v17 =	vmul.f32 v62, v17;
	v62 =	vmul.f32 $2.000000030e-01, v54  }
0xf5: {  	v55 =	vperm.xlane v41, v1;
	v42 =	vperm.xlane v41, v2;
	[tilespmem:s9+$0xFFFFFEE0] =	vst v53;
	vm1 =	vge.f32 v54, $0.0e+00  }
0xf6: {  	v24 =	vperm.xlane v41, v4;
	v29 =	vperm.xlane v41, v3;
	v54 =	vsel vm1, v54, v62;
	[tilespmem:s9+$0xB0] =	vst v17;
	v62 =	vld [tilespmem:s29+$0xFFFFFEF0]  }
0xf7: {  	[tilespmem:s28+$0xFFFFFFB0] =	vst v38;
	v53 =	vperm.xlane v20, v7;
	v38 =	vld [tilespmem:s29+$0xC0];
	v60 =	vmul.f32 $1.442695020e+00, v54  }
0xf8: {  	[tilespmem:s19+$0xFFFFFFE0] =	vst v48;
	v23 =	vperm.xlane v41, v5;
	v46 =	vld [tilespmem:s29+$0x10];
	v48 =	vadd.f32 v59, v51;
	v25 =	vadd.f32 v25, v52  }
0xf9: {  	[tilespmem:s20+$0xFFFFFFD0] =	vst v28;
	v51 =	vld [tilespmem:s26+$0xFFFFFF20];
	v53 =	vmul.f32 v63, v53;
	v50 =	vadd.f32 v50, v61;
	(erf) = vpow2.f32 v60  }
0xfa: {  	[tilespmem:s9+$0xFFFFFF80] =	vst v45;
	v63 =	vmul.f32 $2.000000030e-01, v25;
	v60 =	vperm.xlane v16, v3  }
0xfb: {  	[tilespmem:s20+$0xFFFFFF40] =	vst v26;
	v52 =	vld [tilespmem:s29+$0xFFFFFF90];
	v61 =	vmul.f32 $2.000000030e-01, v50;
	vm1 =	vge.f32 v25, $0.0e+00;
	v59 =	vmul.f32 v62, v55  }
0xfc: {  	[tilespmem:s28+$0x100] =	vst v53;
	v53 =	vld [tilespmem:s26+$0x40];
	v25 =	vsel vm1, v25, v63;
	vm1 =	vge.f32 v50, $0.0e+00;
	v38 =	vmul.f32 v38, v60  }
0xfd: {  	v46 =	vmul.f32 v46, v57;
	v25 =	vmul.f32 $1.442695020e+00, v25;
	v26 =	vsel vm1, v50, v61;
	[tilespmem:s9+$0xFFFFFEF0] =	vst v59  }
0xfe: {  	v28 =	vmul.f32 v51, v34;
	v26 =	vmul.f32 $1.442695020e+00, v26;
	[tilespmem:s9+$0xC0] =	vst v38;
	v47 =	vld [tilespmem:s29+$0xFFFFFF00]  }
0xff: {  	[tilespmem:s20+$0x50] =	vst v49;
	v63 =	vmul.f32 $2.000000030e-01, v48;
	(erf) = vpow2.f32 v25;
	v25 =	vld [tilespmem:s29+$0xD0]  }
0x100: {  	[tilespmem:s9+$0x10] =	vst v46;
	(erf) = vpow2.f32 v26;
	v26 =	vmul.f32 v52, v58  }
0x101: {  	v20 =	vperm.xlane v41, v6;
	vm2 =	vge.f32 v48, $0.0e+00;
	v46 =	vld [tilespmem:s29+$0x20];
	[tilespmem:s28+$0xFFFFFF20] =	vst v28;
	v36 =	vmul.f32 v53, v36  }
0x102: {  	v54 =	vld [tilespmem:s26+$0xFFFFFFC0];
	v62 =	vperm.xlane v16, v4;
	v48 =	vsel vm2, v48, v63;
	[tilespmem:s9+$0xFFFFFF90] =	vst v26;
	v26 =	vperm.xlane v41, v7;
	v41 =	vpop (erf)  }
0x103: {  	s3 =	simm.s32 $0x3D10;
	v60 =	vld [tilespmem:s18+$0x60];
	v48 =	vmul.f32 $1.442695020e+00, v48;
	[tilespmem:s28+$0x40] =	vst v36;
	v34 =	vnsel vm0, $0x0, v41;
	v59 =	vmul.f32 v47, v42  }
0x104: {  	v22 =	vperm.xlane v40, v4;
	v61 =	vld [tilespmem:s18+$0xFFFFFF50];
	v25 =	vmul.f32 v25, v62;
	[tilespmem:s3+$0x110] =	vst v34  }
0x105: {  	v31 =	vperm.xlane v39, v4;
	v63 =	vld [tilespmem:s18+$0xFFFFFFE0];
	(erf) = vpow2.f32 v48;
	[tilespmem:s9+$0xFFFFFF00] =	vst v59  }
0x106: {  	v56 =	vperm.xlane v39, v3;
	v30 =	vperm.xlane v40, v3;
	v58 =	vld [tilespmem:s26+$0xFFFFFF30];
	[tilespmem:s9+$0xD0] =	vst v25  }
0x107: {  	v21 =	vperm.xlane v39, v5;
	v18 =	vperm.xlane v40, v5;
	v25 =	vld [tilespmem:$0x1FFF0]  }
0x108: {  	v17 =	vperm.xlane v40, v6;
	v28 =	vperm.xlane v40, v7;
	v57 =	vld [tilespmem:s29+$0xFFFFFFA0]  }
0x109: {  	v43 =	vmul.f32 v46, v43;
	v37 =	vmul.f32 v54, v37;
	v40 =	vld [tilespmem:s24+$0x90]  }
0x10a: {  	v54 =	vmul.f32 v60, v27;
	v27 =	vperm.xlane v39, v7;
	v38 =	vld [tilespmem:s29+$0xE0]  }
0x10b: {  	v39 =	vld [tilespmem:s26+$0x50];
	v42 =	vmul.f32 v61, v32;
	v41 =	vmul.f32 v63, v33  }
0x10c: {  	v60 =	vperm.xlane v34, v0;
	v48 =	vld [tilespmem:s29+$0xFFFFFF10];
	[tilespmem:s9+$0x20] =	vst v43;
	v36 =	vmul.f32 v44, v25;
	v25 =	vpop (erf)  }
0x10d: {  	v63 =	vperm.xlane v16, v5;
	v49 =	vmul.f32 v58, v35;
	[tilespmem:s28+$0xFFFFFFC0] =	vst v37;
	v50 =	vld [tilespmem:s29+$0x30];
	v25 =	vnsel vm0, $0x0, v25;
	v61 =	vpop (erf)  }
0x10e: {  	v33 =	vmul.f32 v57, v56;
	v43 =	vld [tilespmem:s26+$0xFFFFFFD0];
	v40 =	vmul.f32 v40, v60;
	[tilespmem:s3+$0xFFFFFFF0] =	vst v25;
	v32 =	vnsel vm0, $0x0, v61;
	v62 =	vpop (erf)  }
0x10f: {  	v37 =	vmul.f32 v38, v63;
	v52 =	vperm.xlane v25, v0;
	v35 =	vnsel vm0, $0x0, v62;
	v55 =	vld [tilespmem:s24+$0xFFFFFF70];
	[tilespmem:s3+$0x80] =	vst v32  }
0x110: {  	v51 =	vperm.xlane v25, v1;
	v44 =	vperm.xlane v25, v2;
	[tilespmem:s3+$0xFFFFFF60] =	vst v35;
	v58 =	vld [tilespmem:s24+$0x0]  }
0x111: {  	[tilespmem:s3+$0x90] =	vst v40;
	v61 =	vperm.xlane v34, v1;
	v56 =	vperm.xlane v32, v0;
	v59 =	vld [tilespmem:s24+$0xFFFFFEE0]  }
0x112: {  	v60 =	vld [tilespmem:s24+$0xA0];
	[tilespmem:s9+$0xE0] =	vst v37;
	v45 =	vperm.xlane v32, v1;
	v37 =	vperm.xlane v32, v2  }
0x113: {  	[tilespmem:s28+$0xFFFFFF30] =	vst v49;
	v53 =	vld [tilespmem:s29+$0xF0];
	v57 =	vperm.xlane v35, v0;
	v46 =	vperm.xlane v35, v1  }
0x114: {  	[tilespmem:s20+$0x60] =	vst v54;
	v49 =	vld [tilespmem:s26+$0xFFFFFF40];
	v38 =	vperm.xlane v35, v2;
	v40 =	vmul.f32 v55, v52  }
0x115: {  	[tilespmem:s9+$0xFFFFFFA0] =	vst v33;
	v33 =	vld [tilespmem:s18+$0x70];
	v47 =	vperm.xlane v35, v3;
	v58 =	vmul.f32 v58, v56  }
0x116: {  	v52 =	vld [tilespmem:s29+$0xFFFFFFB0];
	v55 =	vperm.xlane v16, v6;
	v56 =	vmul.f32 v59, v57;
	[tilespmem:s3+$0xFFFFFF70] =	vst v40  }
0x117: {  	s16 =	simm.s32 $0xD50;
	s18 =	simm.s32 $0x10;
	v40 =	vperm.xlane v25, v3;
	v57 =	vmul.f32 v60, v61;
	v54 =	vld [tilespmem:s24+$0xFFFFFF80];
	[tilespmem:s3+$0x0] =	vst v58  }
.LBB2_3:
0x118: {  	v58 =	vld [tilespmem:s16+$0x110];
	[tilespmem:s3+$0xFFFFFEE0] =	vst v56;
	v56 =	vperm.xlane v32, v3;
	s10 =	sadd.s32 $0x40, s10;
	v53 =	vmul.f32 v53, v55  }
0x119: {  	v48 =	vmul.f32 v48, v29;
	v50 =	vmul.f32 v50, v30;
	v29 =	vmov v47;
	v55 =	vld [tilespmem:s10+$0x10];
	[tilespmem:s3+$0xA0] =	vst v57  }
0x11a: {  	v59 =	vperm.xlane v25, v4;
	v57 =	vperm.xlane v35, v4;
	v60 =	vld [tilespmem:s24+$0xB0];
	[tilespmem:s9+$0xF0] =	vst v53;
	v30 =	vmov v56  }
0x11b: {  	s18 =	sadd.s32 $0x4, s18;
	v53 =	vperm.xlane v32, v4;
	[tilespmem:s9+$0xFFFFFF10] =	vst v48;
	v48 =	vmul.f32 v52, v31;
	v52 =	vld [tilespmem:s29+$0x100]  }
0x11c: {  	v47 =	vperm.xlane v35, v5;
	p1 =	slt.u32 s18, $0x24;
	v31 =	vmov v59;
	v56 =	vld [tilespmem:s10+$0xFFFFFFE0];
	v51 =	vmul.f32 v54, v51;
	[tilespmem:s9+$0x30] =	vst v50  }
0x11d: {  	v59 =	vperm.xlane v34, v2;
	v54 =	vperm.xlane v25, v5;
	v50 =	vld [tilespmem:s16+$0xFFFFFFF0];
	[tilespmem:s9+$0xFFFFFFB0] =	vst v48  }
0x11e: {  	v61 =	vperm.xlane v16, v7;
	v16 =	vmov v34;
	v48 =	vld [tilespmem:s10+$0xFFFFFFF0];
	[tilespmem:s3+$0xFFFFFF80] =	vst v51;
	v51 =	vperm.xlane v32, v5  }
0x11f: {  	v39 =	vmul.f32 v39, v11;
	v55 =	vadd.f32 v55, v58;
	v34 =	vld [tilespmem:s16+$0x80];
	v58 =	vmul.f32 v60, v59;
	[tilespmem:s20+$0xFFFFFF50] =	vst v42  }
0x120: {  	v11 =	vmovc v18;
	v59 =	vperm.xlane v35, v6;
	v42 =	vld [tilespmem:s10+$0x0];
	v52 =	vmul.f32 v52, v61;
	[tilespmem:s20+$0xFFFFFFE0] =	vst v41;
	v18 =	vmov v51  }
0x121: {  	v60 =	vperm.xlane v25, v6;
	v51 =	vmul.f32 $2.000000030e-01, v55;
	v41 =	vld [tilespmem:s16+$0xFFFFFF60];
	[tilespmem:s3+$0xB0] =	vst v58  }
0x122: {  	v49 =	vmul.f32 v49, v10;
	v10 =	vmovc v20;
	vm1 =	vge.f32 v55, $0.0e+00;
	v61 =	vperm.xlane v32, v6;
	v58 =	vld [tilespmem:s24+$0xFFFFFEF0];
	[tilespmem:s9+$0x100] =	vst v52  }
0x123: {  	v43 =	vmul.f32 v43, v15;
	v52 =	vsel vm1, v55, v51;
	v48 =	vadd.f32 v48, v50;
	v50 =	vld [tilespmem:s24+$0xC0];
	[tilespmem:s28+$0x50] =	vst v39  }
0x124: {  	v15 =	vmovc v19;
	v35 =	vperm.xlane v35, v7;
	v20 =	vmovc v59;
	v19 =	vmov v60;
	v39 =	vmul.f32 $1.442695020e+00, v52;
	v51 =	vld [tilespmem:s24+$0x10];
	[tilespmem:s28+$0xFFFFFF40] =	vst v49  }
0x125: {  	vm1 =	vge.f32 v48, $0.0e+00;
	v49 =	vmul.f32 $2.000000030e-01, v48;
	v34 =	vadd.f32 v42, v34;
	v42 =	vld [tilespmem:s24+$0xFFFFFF90];
	[tilespmem:s28+$0xFFFFFFD0] =	vst v43  }
0x126: {  	v41 =	vadd.f32 v56, v41;
	(erf) = vpow2.f32 v39;
	v39 =	vperm.xlane v16, v3;
	v43 =	vld [tilespmem:s29+$0xFFFFFF20];
	[tilespmem:s19+$0x70] =	vst v36;
	s19 =	smov.u32 s20;
	s20 =	smov.u32 s28;
	s28 =	smov.u32 s9  }
0x127: {  	s9 =	smov.u32 s3;
	v36 =	vsel vm1, v48, v49;
	vm1 =	vge.f32 v34, $0.0e+00;
	v48 =	vmul.f32 $2.000000030e-01, v34;
	v49 =	vld [tilespmem:s29+$0x40]  }
0x128: {  	vm2 =	vge.f32 v41, $0.0e+00;
	v52 =	vmul.f32 $2.000000030e-01, v41;
	v39 =	vmul.f32 v50, v39;
	v50 =	vld [tilespmem:s29+$0xFFFFFFC0]  }
0x129: {  	v46 =	vmul.f32 v58, v46;
	v36 =	vmul.f32 $1.442695020e+00, v36;
	v34 =	vsel vm1, v34, v48;
	v48 =	vld [tilespmem:s26+$0x60]  }
0x12a: {  	v45 =	vmul.f32 v51, v45;
	v41 =	vsel vm2, v41, v52;
	v34 =	vmul.f32 $1.442695020e+00, v34;
	[tilespmem:s3+$0xC0] =	vst v39;
	v51 =	vld [tilespmem:s26+$0xFFFFFF50]  }
0x12b: {  	v39 =	vmul.f32 $1.442695020e+00, v41;
	(erf) = vpow2.f32 v36;
	[tilespmem:s3+$0xFFFFFEF0] =	vst v46;
	v36 =	vld [tilespmem:s24+$0xD0]  }
0x12c: {  	v46 =	vmul.f32 v42, v44;
	(erf) = vpow2.f32 v34;
	v41 =	vld [tilespmem:s24+$0xFFFFFF00];
	[tilespmem:s3+$0x10] =	vst v45  }
0x12d: {  	(erf) = vpow2.f32 v39;
	v42 =	vld [tilespmem:s24+$0x20];
	v39 =	vmul.f32 v43, v24;
	v24 =	vmov v57  }
0x12e: {  	v44 =	vmul.f32 v49, v22;
	v22 =	vmov v53;
	v43 =	vperm.xlane v16, v4;
	[tilespmem:s3+$0xFFFFFF90] =	vst v46;
	v45 =	vld [tilespmem:s26+$0xFFFFFFE0]  }
0x12f: {  	v49 =	vmul.f32 v50, v21;
	v21 =	vmov v54;
	v55 =	vmul.f32 v48, v14;
	v34 =	vpop (erf);
	v46 =	vld [tilespmem:s24+$0xFFFFFFA0];
	[tilespmem:s28+$0xFFFFFF20] =	vst v39  }
0x130: {  	v25 =	vperm.xlane v25, v7;
	s3 =	sadd.s32 $0x240, s3;
	v14 =	vmovc v17;
	v34 =	vnsel vm0, $0x0, v34;
	v36 =	vmul.f32 v36, v43;
	v43 =	vld [tilespmem:s29+$0xFFFFFF30];
	[tilespmem:s28+$0x40] =	vst v44  }
0x131: {  	v17 =	vmov v61;
	v44 =	vperm.xlane v32, v7;
	[tilespmem:s3+$0x110] =	vst v34;
	v38 =	vmul.f32 v41, v38;
	v39 =	vld [tilespmem:s29+$0x50]  }
0x132: {  	v52 =	vld [tilespmem:s16+$0x90];
	v50 =	vmul.f32 v42, v37;
	[tilespmem:s9+$0xD0] =	vst v36;
	v42 =	vmul.f32 v51, v13;
	v13 =	vmovc v26;
	v26 =	vmov v35  }
0x133: {  	v36 =	vmul.f32 v33, v8;
	[tilespmem:s9+$0xFFFFFF00] =	vst v38;
	v37 =	vld [tilespmem:s24+$0xE0];
	v41 =	vmul.f32 v45, v12;
	v12 =	vmovc v27;
	v27 =	vmov v25  }
0x134: {  	v8 =	vmov v9;
	v9 =	vmov v28;
	v25 =	vpop (erf);
	v48 =	vld [tilespmem:s24+$0xFFFFFF10];
	v33 =	vmul.f32 v46, v40;
	[tilespmem:s9+$0x20] =	vst v50  }
0x135: {  	v46 =	vperm.xlane v34, v0;
	v25 =	vnsel vm0, $0x0, v25;
	v32 =	vpop (erf);
	v50 =	vld [tilespmem:s24+$0x30];
	v40 =	vmul.f32 v43, v23;
	[tilespmem:s28+$0xFFFFFFC0] =	vst v49  }
0x136: {  	v38 =	vperm.xlane v16, v5;
	[tilespmem:s3+$0xFFFFFFF0] =	vst v25;
	v49 =	vperm.xlane v25, v0;
	v32 =	vnsel vm0, $0x0, v32;
	v23 =	vpop (erf);
	v43 =	vld [tilespmem:s29+$0xFFFFFFD0]  }
0x137: {  	v35 =	vnsel vm0, $0x0, v23;
	v54 =	vld [tilespmem:s16+$0xFFFFFF70];
	[tilespmem:s3+$0x80] =	vst v32;
	v56 =	vperm.xlane v32, v0;
	v45 =	vmul.f32 v52, v46;
	v23 =	vmovc v47  }
0x138: {  	v28 =	vmov v44;
	[tilespmem:s3+$0xFFFFFF60] =	vst v35;
	v57 =	vperm.xlane v35, v0;
	v58 =	vld [tilespmem:s16+$0x0];
	v37 =	vmul.f32 v37, v38  }
0x139: {  	v51 =	vperm.xlane v25, v1;
	v46 =	vperm.xlane v35, v1;
	v59 =	vld [tilespmem:s16+$0xFFFFFEE0];
	[tilespmem:s3+$0x90] =	vst v45  }
0x13a: {  	v38 =	vperm.xlane v35, v2;
	v45 =	vperm.xlane v32, v1;
	v60 =	vld [tilespmem:s16+$0xA0];
	[tilespmem:s9+$0xE0] =	vst v37  }
.Ltmp2:
0x13b: {  	v44 =	vperm.xlane v25, v2;
	v37 =	vperm.xlane v32, v2;
	[tilespmem:s9+$0xFFFFFFA0] =	vst v33;
	v53 =	vld [tilespmem:s24+$0xF0];
	(pc) =	sbr.rel @p1 .LBB2_3-.Ltmp2, $4  }
0x13c: {  	v47 =	vperm.xlane v35, v3;
	v33 =	vmul.f32 v54, v49;
	v52 =	vld [tilespmem:s24+$0xFFFFFFB0];
	[tilespmem:s28+$0xFFFFFF30] =	vst v40  }
0x13d: {  	v61 =	vperm.xlane v34, v1;
	v58 =	vmul.f32 v58, v56;
	v49 =	vld [tilespmem:s29+$0xFFFFFF40];
	[tilespmem:s20+$0x60] =	vst v55  }
0x13e: {  	v55 =	vperm.xlane v16, v6;
	v56 =	vmul.f32 v59, v57;
	[tilespmem:s3+$0xFFFFFF70] =	vst v33;
	v33 =	vld [tilespmem:s26+$0x70];
	s26 =	smov.u32 s29;
	s29 =	smov.u32 s24;
	s24 =	smov.u32 s16  }
0x13f: {  	v40 =	vperm.xlane v25, v3;
	s16 =	sadd.s32 $0x240, s16;
	v54 =	vld [tilespmem:s24+$0xFFFFFF80];
	[tilespmem:s3+$0x0] =	vst v58;
	v57 =	vmul.f32 v60, v61  }
0x140: {  	_ = 	snop  }
0x141: {  	[tilespmem:s3+$0xA0] =	vst v57  }
0x142: {  	v57 =	vld [tilespmem:s24+$0xB0]  }
0x143: {  	[tilespmem:s3+$0xFFFFFEE0] =	vst v56  }
0x144: {  	v56 =	vld [tilespmem:s24+$0xFFFFFEF0]  }
0x145: {  	v58 =	vperm.xlane v34, v2  }
0x146: {  	v29 =	vmul.f32 v48, v29  }
0x147: {  	v60 =	vld [tilespmem:s24+$0x10];
	v57 =	vmul.f32 v57, v58  }
0x148: {  	[tilespmem:s9+$0xFFFFFF10] =	vst v29;
	v51 =	vmul.f32 v54, v51  }
0x149: {  	v46 =	vmul.f32 v56, v46;
	[tilespmem:s3+$0xB0] =	vst v57  }
0x14a: {  	[tilespmem:s3+$0xFFFFFF80] =	vst v51;
	v61 =	vld [tilespmem:s24+$0xC0]  }
0x14b: {  	v53 =	vmul.f32 v53, v55;
	v29 =	vld [tilespmem:s24+$0xFFFFFF90];
	[tilespmem:s3+$0xFFFFFEF0] =	vst v46  }
0x14c: {  	v45 =	vmul.f32 v60, v45;
	v46 =	vld [tilespmem:s24+$0xFFFFFF00]  }
0x14d: {  	v30 =	vmul.f32 v50, v30;
	v62 =	vperm.xlane v34, v3;
	[tilespmem:s9+$0xF0] =	vst v53  }
0x14e: {  	v31 =	vmul.f32 v52, v31;
	[tilespmem:s3+$0x10] =	vst v45  }
0x14f: {  	[tilespmem:s9+$0x30] =	vst v30;
	v45 =	vld [tilespmem:s24+$0x20];
	v30 =	vmul.f32 v61, v62  }
0x150: {  	v63 =	vld [tilespmem:s29+$0x100];
	[tilespmem:s9+$0xFFFFFFB0] =	vst v31;
	v29 =	vmul.f32 v29, v44  }
0x151: {  	[tilespmem:s3+$0xC0] =	vst v30;
	v30 =	vmul.f32 v46, v38  }
0x152: {  	[tilespmem:s3+$0xFFFFFF90] =	vst v29;
	v31 =	vld [tilespmem:s24+$0xD0]  }
0x153: {  	v16 =	vperm.xlane v16, v7;
	v11 =	vmul.f32 v39, v11;
	v50 =	vld [tilespmem:s24+$0xFFFFFFA0];
	[tilespmem:s3+$0xFFFFFF00] =	vst v30  }
0x154: {  	[tilespmem:s20+$0xFFFFFF50] =	vst v42;
	v29 =	vmul.f32 v45, v37;
	v30 =	vld [tilespmem:s24+$0xFFFFFF10]  }
0x155: {  	v48 =	vperm.xlane v34, v4;
	[tilespmem:s28+$0x50] =	vst v11;
	v16 =	vmul.f32 v63, v16  }
0x156: {  	v10 =	vmul.f32 v49, v10;
	v11 =	vld [tilespmem:s29+$0xFFFFFF20];
	[tilespmem:s3+$0x20] =	vst v29  }
0x157: {  	[tilespmem:s9+$0x100] =	vst v16;
	v29 =	vld [tilespmem:s24+$0x30];
	v16 =	vmul.f32 v31, v48  }
0x158: {  	[tilespmem:s28+$0xFFFFFF40] =	vst v10;
	v31 =	vmul.f32 v50, v40  }
0x159: {  	v51 =	vld [tilespmem:s29+$0x40];
	[tilespmem:s3+$0xD0] =	vst v16;
	v16 =	vmul.f32 v30, v47  }
0x15a: {  	v30 =	vperm.xlane v32, v3;
	[tilespmem:s3+$0xFFFFFFA0] =	vst v31;
	v10 =	vld [tilespmem:s24+$0xE0]  }
0x15b: {  	v15 =	vmul.f32 v43, v15;
	v11 =	vmul.f32 v11, v24;
	v24 =	vld [tilespmem:s24+$0xFFFFFFB0];
	[tilespmem:s3+$0xFFFFFF10] =	vst v16  }
0x15c: {  	[tilespmem:s20+$0xFFFFFFE0] =	vst v41;
	v16 =	vmul.f32 v29, v30;
	v29 =	vld [tilespmem:s24+$0xFFFFFF20]  }
0x15d: {  	[tilespmem:s28+$0xFFFFFFD0] =	vst v15;
	v15 =	vperm.xlane v34, v5;
	v52 =	vld [tilespmem:s26+$0x60]  }
0x15e: {  	v30 =	vld [tilespmem:s29+$0xFFFFFFC0];
	[tilespmem:s3+$0x30] =	vst v16;
	v16 =	vperm.xlane v35, v4  }
0x15f: {  	[tilespmem:s9+$0xFFFFFF20] =	vst v11;
	v11 =	vld [tilespmem:s24+$0x40];
	v10 =	vmul.f32 v10, v15;
	v15 =	vperm.xlane v25, v4  }
0x160: {  	[tilespmem:s19+$0x70] =	vst v36;
	v22 =	vmul.f32 v51, v22;
	v31 =	vld [tilespmem:s29+$0xFFFFFF30]  }
0x161: {  	[tilespmem:s3+$0xE0] =	vst v10;
	v10 =	vmul.f32 v29, v16;
	v15 =	vmul.f32 v24, v15;
	v24 =	vld [tilespmem:s26+$0xFFFFFF50]  }
0x162: {  	[tilespmem:s9+$0x40] =	vst v22;
	v16 =	vperm.xlane v32, v4;
	v22 =	vld [tilespmem:s24+$0xF0]  }
0x163: {  	v21 =	vmul.f32 v30, v21;
	[tilespmem:s3+$0xFFFFFF20] =	vst v10  }
0x164: {  	[tilespmem:s3+$0xFFFFFFB0] =	vst v15;
	v10 =	vmul.f32 v11, v16;
	v11 =	vld [tilespmem:s24+$0xFFFFFF30]  }
0x165: {  	[tilespmem:s9+$0xFFFFFFC0] =	vst v21;
	v15 =	vmul.f32 v31, v23;
	v16 =	vperm.xlane v34, v6;
	v21 =	vld [tilespmem:s24+$0xFFFFFFC0]  }
0x166: {  	v14 =	vmul.f32 v52, v14;
	v23 =	vld [tilespmem:s29+$0x50];
	[tilespmem:s3+$0x40] =	vst v10;
	v10 =	vperm.xlane v35, v5  }
0x167: {  	[tilespmem:s9+$0xFFFFFF30] =	vst v15;
	v13 =	vmul.f32 v24, v13;
	v15 =	vmul.f32 v22, v16;
	v16 =	vld [tilespmem:s24+$0x50]  }
0x168: {  	[tilespmem:s28+$0x60] =	vst v14;
	v29 =	vld [tilespmem:s26+$0xFFFFFFE0];
	v22 =	vperm.xlane v25, v5  }
0x169: {  	v14 =	vld [tilespmem:s29+$0xFFFFFF40];
	[tilespmem:s28+$0xFFFFFF50] =	vst v13;
	v10 =	vmul.f32 v11, v10  }
0x16a: {  	[tilespmem:s3+$0xF0] =	vst v15;
	v11 =	vperm.xlane v32, v5;
	v15 =	vld [tilespmem:s29+$0xFFFFFFD0];
	v13 =	vmul.f32 v21, v22  }
0x16b: {  	v18 =	vmul.f32 v23, v18;
	v21 =	vld [tilespmem:s24+$0x100];
	[tilespmem:s3+$0xFFFFFF30] =	vst v10  }
0x16c: {  	[tilespmem:s3+$0xFFFFFFC0] =	vst v13;
	v10 =	vld [tilespmem:s24+$0xFFFFFF40];
	v11 =	vmul.f32 v16, v11  }
0x16d: {  	v12 =	vmul.f32 v29, v12;
	[tilespmem:s9+$0x50] =	vst v18;
	v13 =	vld [tilespmem:s24+$0xFFFFFFD0]  }
0x16e: {  	v14 =	vmul.f32 v14, v20;
	v18 =	vld [tilespmem:s29+$0x60];
	v16 =	vperm.xlane v34, v7;
	[tilespmem:s3+$0x50] =	vst v11  }
0x16f: {  	[tilespmem:s28+$0xFFFFFFE0] =	vst v12;
	v11 =	vperm.xlane v35, v6;
	v12 =	vmul.f32 v15, v19;
	v15 =	vld [tilespmem:s24+$0x60]  }
0x170: {  	[tilespmem:s9+$0xFFFFFF40] =	vst v14;
	v19 =	vperm.xlane v25, v6;
	v16 =	vmul.f32 v21, v16  }
0x171: {  	[tilespmem:s9+$0xFFFFFFD0] =	vst v12;
	v12 =	vld [tilespmem:s29+$0xFFFFFF50];
	v10 =	vmul.f32 v10, v11  }
0x172: {  	v11 =	vperm.xlane v32, v6;
	[tilespmem:s3+$0x100] =	vst v16;
	v14 =	vld [tilespmem:s29+$0xFFFFFFE0];
	v13 =	vmul.f32 v13, v19  }
0x173: {  	v17 =	vmul.f32 v18, v17;
	v16 =	vld [tilespmem:s26+$0x70];
	[tilespmem:s3+$0xFFFFFF40] =	vst v10  }
0x174: {  	[tilespmem:s3+$0xFFFFFFD0] =	vst v13;
	v10 =	vld [tilespmem:s24+$0xFFFFFF50];
	v11 =	vmul.f32 v15, v11  }
0x175: {  	v8 =	vmul.f32 v33, v8;
	[tilespmem:s9+$0x60] =	vst v17;
	v13 =	vld [tilespmem:s24+$0xFFFFFFE0]  }
0x176: {  	v15 =	vld [tilespmem:s29+$0x70];
	v12 =	vmul.f32 v12, v26;
	[tilespmem:s3+$0x60] =	vst v11  }
0x177: {  	[tilespmem:s20+$0x70] =	vst v8;
	v11 =	vperm.xlane v35, v7;
	v8 =	vmul.f32 v14, v27;
	v14 =	vld [tilespmem:s24+$0x70]  }
0x178: {  	v17 =	vperm.xlane v25, v7;
	v9 =	vmul.f32 v16, v9;
	[tilespmem:s9+$0xFFFFFF50] =	vst v12  }
0x179: {  	[tilespmem:s9+$0xFFFFFFE0] =	vst v8;
	v8 =	vmul.f32 v10, v11  }
0x17a: {  	[tilespmem:s28+$0x70] =	vst v9;
	v10 =	vperm.xlane v32, v7;
	v9 =	vmul.f32 v13, v17  }
0x17b: {  	v11 =	vmul.f32 v15, v28;
	[tilespmem:s3+$0xFFFFFF50] =	vst v8  }
0x17c: {  	[tilespmem:s3+$0xFFFFFFE0] =	vst v9;
	v8 =	vmul.f32 v14, v10  }
0x17d: {  	[tilespmem:s9+$0x70] =	vst v11  }
0x17e: {  	[tilespmem:s3+$0x70] =	vst v8  }
0x17f: {  	_ =	swait.ge [sflag:s21], $0x28  }
0x180: {  	s19 =	simm.s32 $0xA0;
	[sflag:s21] =	ssyncset.done $0x0  }
0x181: {  	s10 =	simm.s32 $0x32F0;
	p1 =	seq.s32 s11, $0x0;
	[sflag:s21] =	ssyncadd.s32 $0xFFFFFFD8  }
0x182: {  	s9 =	simm.s32 @!p1 $0xC;
	s3 =	smul.u32 $0x50, s11;
	s18 =	rddreg [dreg:$0x2]  }
0x183: {  	[spmem:s18] =	stream.indirect.scatter.add.f32 [tilespmem:s10], [sflag:$0xB], $0x90, s19, s23, $0xb8;
	[tilespmem:$0x1C7F0] =	vst v63  }
0x184: {  	s20 =	sadd.s32 s3, s22;
	_ =	swait.ge @!p1 [sflag:s9], $0x1680  }
0x185: {  	s10 =	sshrl.u32 s20, $0x3;
	[sflag:s9] =	ssyncset.done @!p1 $0x0  }
0x186: {  	s24 =	sadd.s32 s1, s10;
	[sflag:s9] =	ssyncadd.s32 @!p1 $0xFFFFE980  }
0x187: {  	[tilespmem:s12], [sflag:$0x6] =	stream.linear.gather [hbm4b:s24+s4], $0x28, $0x38;
	[tilespmem:$0x1C7F0] =	vst v63  }
0x188: {  	_ =	swait.ge [sflag:s14], $0x1680  }
0x189: {  	[sflag:s14] =	ssyncset.done $0x0  }
0x18a: {  	[sflag:s14] =	ssyncadd.s32 $0xFFFFE980  }
0x18b: {  	_ =	swait.ge [sflag:s15], $0x280  }
0x18c: {  	s9 =	rddreg [dreg:$0xa]  }
0x18d: {  	s3 =	sadd.s32 @!p0 s3, s9  }
0x18e: {  	s16 =	simm.s32 @!p0 $0x28;
	[sflag:s15] =	ssyncset.done $0x0;
	s3 =	sshrl.u32 @!p0 s3, $0x3  }
0x18f: {  	s10 =	simm.s32 @!p0 $0x0;
	[sflag:s15] =	ssyncadd.s32 $0xFFFFFD80;
	s9 =	sadd.s32 @!p0 s7, s3  }
0x190: {  	[tilespmem:s16], [sflag:$0x2] =	stream.linear.gather @!p0 [hbm4b:s9+s10], $0x28, $0x38;
	[tilespmem:$0x1C7F0] =	vst v63  }
0x191: {  	s3 =	sadd.s32 @!p0 s1, s3;
	s9 =	simm.s32 @!p0 $0x78  }
0x192: {  	[tilespmem:s9], [sflag:$0x4] =	stream.linear.gather @!p0 [hbm4b:s3+s10], $0x28, $0x38;
	[tilespmem:$0x1C7F0] =	vst v63  }
0x193: {  	s3 =	simm.s32 @!p0 $0x1  }
0x194: {  	_ =	swait.ge @!p0 [sflag:s3], $0x28  }
0x195: {  	[sflag:s3] =	ssyncset.done @!p0 $0x0  }
0x196: {  	[sflag:s3] =	ssyncadd.s32 @!p0 $0xFFFFFFD8;
	s3 =	simm.s32 @!p0 $0x3  }
0x197: {  	_ =	swait.ge @!p0 [sflag:s3], $0x28  }
0x198: {  	[sflag:s3] =	ssyncset.done @!p0 $0x0  }
0x199: {  	[sflag:s3] =	ssyncadd.s32 @!p0 $0xFFFFFFD8;
	s3 =	simm.s32 @!p0 $0xF0  }
0x19a: {  	[tilespmem:s3], [sflag:$0x7] =	stream.indirect.gather @!p0 [hbm4b:s5+s16], $0x90, s10, s16, $0xb8;
	[tilespmem:$0x1C7F0] =	vst v63  }
0x19b: {  	s24 =	simm.s32 $0x1890;
	s9 =	simm.s32 @!p0 $0x2DF0;
	s3 =	simm.s32 @!p0 $0x50  }
0x19c: {  	[tilespmem:s9], [sflag:$0x9] =	stream.indirect.gather @!p0 [hbm4b:s6+s16], $0x10, s3, s16, $0xb8;
	[tilespmem:$0x1C7F0] =	vst v63  }
0x19d: {  	s26 =	simm.s32 $0x3090;
	v8 =	vld [tilespmem:s24+$0x110]  }
0x19e: {  	v9 =	vld [tilespmem:s26+$0x10];
	_ =	sdelay $0x4  }
0x19f: {  	v8 =	vadd.f32 v9, v8  }
0x1a0: {  	v10 =	vld [tilespmem:s24+$0xFFFFFFF0]  }
0x1a1: {  	v11 =	vld [tilespmem:s26+$0xFFFFFFF0];
	v9 =	vmul.f32 $2.000000030e-01, v8  }
0x1a2: {  	vm1 =	vge.f32 v8, $0.0e+00  }
0x1a3: {  	v8 =	vsel vm1, v8, v9  }
0x1a4: {  	v8 =	vmul.f32 $1.442695020e+00, v8  }
0x1a5: {  	v12 =	vld [tilespmem:s26+$0x0]  }
0x1a6: {  	v10 =	vadd.f32 v11, v10;
	(erf) = vpow2.f32 v8;
	v8 =	vld [tilespmem:s24+$0x80];
	_ =	sdelay $0x1  }
0x1a7: {  	v11 =	vld [tilespmem:s24+$0xFFFFFF60];
	v13 =	vmul.f32 $2.000000030e-01, v10  }
0x1a8: {  	v9 =	vld [tilespmem:s26+$0xFFFFFFE0];
	vm1 =	vge.f32 v10, $0.0e+00  }
0x1a9: {  	v10 =	vsel vm1, v10, v13  }
0x1aa: {  	v12 =	vadd.f32 v12, v8;
	v8 =	vmul.f32 $1.442695020e+00, v10;
	_ =	sdelay $0x2  }
0x1ab: {  	v9 =	vadd.f32 v9, v11  }
0x1ac: {  	v10 =	vmul.f32 $2.000000030e-01, v12;
	(erf) = vpow2.f32 v8;
	v8 =	vpop (erf)  }
0x1ad: {  	s19 =	simm.s32 $0x4A90;
	v11 =	vmul.f32 $2.000000030e-01, v9;
	vm1 =	vge.f32 v12, $0.0e+00;
	v8 =	vnsel vm0, $0x0, v8  }
0x1ae: {  	vm2 =	vge.f32 v9, $0.0e+00;
	v10 =	vsel vm1, v12, v10;
	[tilespmem:s19+$0x110] =	vst v8  }
0x1af: {  	v9 =	vsel vm2, v9, v11;
	v10 =	vmul.f32 $1.442695020e+00, v10;
	v11 =	vld [tilespmem:s24+$0x90]  }
0x1b0: {  	v9 =	vmul.f32 $1.442695020e+00, v9  }
0x1b1: {  	(erf) = vpow2.f32 v10  }
0x1b2: {  	(erf) = vpow2.f32 v9;
	v9 =	vperm.xlane v8, v0;
	_ =	sdelay $0x1  }
0x1b3: {  	v9 =	vmul.f32 v11, v9;
	_ =	sdelay $0x1  }
0x1b4: {  	[tilespmem:s19+$0x90] =	vst v9  }
0x1b5: {  	v9 =	vld [tilespmem:s24+$0xA0]  }
0x1b6: {  	s9 =	simm.s32 $0x30D0  }
0x1b7: {  	s18 =	simm.s32 $0x1AD0;
	v17 =	vld [tilespmem:s9+$0x10]  }
0x1b8: {  	v13 =	vld [tilespmem:s18+$0x110];
	v12 =	vperm.xlane v8, v1;
	v10 =	vpop (erf)  }
0x1b9: {  	v15 =	vnsel vm0, $0x0, v10  }
0x1ba: {  	v19 =	vld [tilespmem:s18+$0xFFFFFFF0];
	[tilespmem:s19+$0xFFFFFFF0] =	vst v15;
	v11 =	vpop (erf);
	v9 =	vmul.f32 v9, v12  }
0x1bb: {  	v10 =	vld [tilespmem:s24+$0xFFFFFF70];
	v16 =	vnsel vm0, $0x0, v11;
	v11 =	vpop (erf)  }
0x1bc: {  	v24 =	vld [tilespmem:s9+$0xFFFFFFF0];
	v18 =	vnsel vm0, $0x0, v11;
	[tilespmem:s19+$0xA0] =	vst v9  }
0x1bd: {  	v13 =	vadd.f32 v17, v13;
	[tilespmem:s19+$0xFFFFFF60] =	vst v18;
	v9 =	vld [tilespmem:s24+$0xB0]  }
0x1be: {  	v14 =	vperm.xlane v15, v0;
	[tilespmem:s19+$0x80] =	vst v16;
	v12 =	vld [tilespmem:s24+$0xFFFFFEE0]  }
0x1bf: {  	v21 =	vmul.f32 $2.000000030e-01, v13;
	v11 =	vld [tilespmem:s24+$0x0]  }
0x1c0: {  	v26 =	vld [tilespmem:s18+$0x80];
	v20 =	vperm.xlane v8, v2;
	v10 =	vmul.f32 v10, v14  }
0x1c1: {  	v17 =	vld [tilespmem:s9+$0xFFFFFFE0];
	vm1 =	vge.f32 v13, $0.0e+00;
	v22 =	vperm.xlane v18, v0  }
0x1c2: {  	v13 =	vsel vm1, v13, v21;
	v21 =	vld [tilespmem:s9+$0x0];
	v14 =	vperm.xlane v16, v0;
	[tilespmem:s19+$0xFFFFFF70] =	vst v10;
	v9 =	vmul.f32 v9, v20  }
0x1c3: {  	v10 =	vld [tilespmem:s24+$0xFFFFFF80];
	v12 =	vmul.f32 v12, v22  }
0x1c4: {  	v13 =	vmul.f32 $1.442695020e+00, v13;
	v22 =	vld [tilespmem:s18+$0xFFFFFF60];
	[tilespmem:s19+$0xB0] =	vst v9;
	v9 =	vmul.f32 v11, v14  }
0x1c5: {  	[tilespmem:s19+$0xFFFFFEE0] =	vst v12;
	v11 =	vld [tilespmem:s24+$0xC0]  }
0x1c6: {  	(erf) = vpow2.f32 v13;
	[tilespmem:s19+$0x0] =	vst v9;
	v9 =	vld [tilespmem:s24+$0xFFFFFEF0]  }
0x1c7: {  	v21 =	vadd.f32 v21, v26;
	v25 =	vperm.xlane v15, v1  }
0x1c8: {  	v26 =	vperm.xlane v8, v3;
	v27 =	vperm.xlane v16, v1;
	v12 =	vadd.f32 v24, v19  }
0x1c9: {  	v23 =	vperm.xlane v18, v1;
	v10 =	vmul.f32 v10, v25;
	v19 =	vld [tilespmem:s24+$0x10]  }
0x1ca: {  	v24 =	vmul.f32 $2.000000030e-01, v12;
	v17 =	vadd.f32 v17, v22;
	v22 =	vmul.f32 $2.000000030e-01, v21  }
0x1cb: {  	vm1 =	vge.f32 v12, $0.0e+00;
	v11 =	vmul.f32 v11, v26;
	v9 =	vmul.f32 v9, v23  }
0x1cc: {  	[tilespmem:s19+$0xFFFFFF80] =	vst v10;
	v12 =	vsel vm1, v12, v24;
	vm1 =	vge.f32 v21, $0.0e+00;
	v24 =	vmul.f32 $2.000000030e-01, v17  }
0x1cd: {  	vm2 =	vge.f32 v17, $0.0e+00;
	v12 =	vmul.f32 $1.442695020e+00, v12;
	v21 =	vsel vm1, v21, v22;
	v23 =	vld [tilespmem:s24+$0xFFFFFF90];
	[tilespmem:s19+$0xC0] =	vst v11  }
0x1ce: {  	v10 =	vsel vm2, v17, v24;
	v11 =	vmul.f32 $1.442695020e+00, v21;
	v17 =	vmul.f32 v19, v27;
	v21 =	vld [tilespmem:s24+$0xD0];
	[tilespmem:s19+$0xFFFFFEF0] =	vst v9  }
0x1cf: {  	v13 =	vperm.xlane v15, v2;
	(erf) = vpow2.f32 v12;
	v12 =	vld [tilespmem:s24+$0xFFFFFF00];
	v9 =	vpop (erf)  }
0x1d0: {  	s20 =	simm.s32 $0x4CD0;
	v20 =	vperm.xlane v18, v2;
	v19 =	vmul.f32 $1.442695020e+00, v10;
	[tilespmem:s19+$0x10] =	vst v17;
	v10 =	vnsel vm0, $0x0, v9  }
0x1d1: {  	(erf) = vpow2.f32 v11;
	v11 =	vperm.xlane v8, v4;
	v9 =	vld [tilespmem:s24+$0x20];
	[tilespmem:s20+$0x110] =	vst v10  }
0x1d2: {  	v14 =	vperm.xlane v16, v2;
	(erf) = vpow2.f32 v19;
	v17 =	vld [tilespmem:s18+$0x90]  }
0x1d3: {  	v13 =	vmul.f32 v23, v13;
	v21 =	vmul.f32 v21, v11  }
0x1d4: {  	v12 =	vmul.f32 v12, v20;
	v20 =	vperm.xlane v10, v0  }
0x1d5: {  	[tilespmem:s19+$0xFFFFFF90] =	vst v13  }
0x1d6: {  	[tilespmem:s19+$0xD0] =	vst v21;
	v9 =	vmul.f32 v9, v14  }
0x1d7: {  	v23 =	vld [tilespmem:s24+$0xFFFFFFA0];
	[tilespmem:s19+$0xFFFFFF00] =	vst v12;
	v17 =	vmul.f32 v17, v20  }
0x1d8: {  	v21 =	vld [tilespmem:s24+$0xE0];
	v20 =	vpop (erf);
	[tilespmem:s19+$0x20] =	vst v9  }
0x1d9: {  	v29 =	vperm.xlane v15, v3;
	v53 =	vld [tilespmem:s24+$0xFFFFFF10];
	v9 =	vperm.xlane v16, v7;
	v31 =	vnsel vm0, $0x0, v20;
	[tilespmem:s20+$0x90] =	vst v17  }
0x1da: {  	v24 =	vperm.xlane v15, v5;
	v27 =	vperm.xlane v15, v4;
	v20 =	vpop (erf);
	v54 =	vld [tilespmem:s24+$0x30];
	[tilespmem:s20+$0xFFFFFFF0] =	vst v31  }
0x1db: {  	v12 =	vperm.xlane v15, v6;
	v17 =	vperm.xlane v15, v7;
	v36 =	vnsel vm0, $0x0, v20;
	v15 =	vpop (erf);
	v20 =	vld [tilespmem:s18+$0xA0];
	[tilespmem:$0x1FFE0] =	vst v9  }
0x1dc: {  	s10 =	simm.s32 $0x3110;
	v30 =	vnsel vm0, $0x0, v15;
	v15 =	vld [tilespmem:s18+$0xFFFFFF70]  }
0x1dd: {  	s26 =	simm.s32 $0x1D10;
	v62 =	vld [tilespmem:s10+$0x10]  }
0x1de: {  	v57 =	vperm.xlane v8, v5;
	v25 =	vperm.xlane v16, v6;
	v63 =	vld [tilespmem:s26+$0xFFFFFFF0]  }
0x1df: {  	v22 =	vperm.xlane v16, v4;
	v26 =	vperm.xlane v16, v3;
	v56 =	vld [tilespmem:s10+$0xFFFFFFF0]  }
0x1e0: {  	v14 =	vperm.xlane v16, v5;
	v16 =	vmul.f32 v21, v57;
	[tilespmem:s20+$0x80] =	vst v36;
	v57 =	vld [tilespmem:s26+$0x80]  }
0x1e1: {  	v21 =	vmul.f32 v23, v29;
	[tilespmem:s20+$0xFFFFFF60] =	vst v30;
	v58 =	vld [tilespmem:s18+$0x0]  }
0x1e2: {  	v28 =	vperm.xlane v18, v3;
	v19 =	vperm.xlane v18, v4;
	v60 =	vld [tilespmem:s18+$0xFFFFFEE0];
	[tilespmem:s19+$0xE0] =	vst v16  }
0x1e3: {  	v55 =	vperm.xlane v10, v2;
	v16 =	vperm.xlane v10, v1;
	[tilespmem:s19+$0xFFFFFFA0] =	vst v21;
	v21 =	vld [tilespmem:s24+$0xF0]  }
0x1e4: {  	v48 =	vperm.xlane v10, v4;
	v59 =	vperm.xlane v36, v0;
	v41 =	vld [tilespmem:s24+$0xFFFFFFB0]  }
0x1e5: {  	v23 =	vperm.xlane v31, v0;
	v16 =	vmul.f32 v20, v16;
	v20 =	vld [tilespmem:s26+$0x110]  }
0x1e6: {  	v61 =	vperm.xlane v30, v0;
	v46 =	vmul.f32 v58, v59;
	v58 =	vld [tilespmem:s10+$0x0]  }
0x1e7: {  	v11 =	vperm.xlane v18, v5;
	v15 =	vmul.f32 v15, v23;
	v59 =	vld [tilespmem:s10+$0xFFFFFFE0]  }
0x1e8: {  	v13 =	vperm.xlane v18, v6;
	[tilespmem:s20+$0xA0] =	vst v16;
	v37 =	vmul.f32 v60, v61;
	v61 =	vld [tilespmem:s26+$0xFFFFFF60]  }
0x1e9: {  	v18 =	vperm.xlane v18, v7;
	v40 =	vperm.xlane v31, v1;
	[tilespmem:s20+$0xFFFFFF70] =	vst v15;
	v15 =	vld [tilespmem:s18+$0xB0]  }
0x1ea: {  	v43 =	vperm.xlane v31, v2;
	v28 =	vmul.f32 v53, v28  }
0x1eb: {  	v26 =	vmul.f32 v54, v26;
	v16 =	vperm.xlane v8, v6;
	v38 =	vld [tilespmem:s18+$0xFFFFFF80];
	[tilespmem:s20+$0x0] =	vst v46  }
0x1ec: {  	v45 =	vperm.xlane v36, v2;
	[tilespmem:s19+$0xFFFFFF10] =	vst v28;
	v20 =	vadd.f32 v62, v20;
	v62 =	vadd.f32 v56, v63;
	v56 =	vld [tilespmem:s18+$0x10]  }
0x1ed: {  	[tilespmem:s19+$0x30] =	vst v26;
	v27 =	vmul.f32 v41, v27;
	v50 =	vmul.f32 v21, v16  }
0x1ee: {  	[tilespmem:s20+$0xFFFFFEE0] =	vst v37;
	v32 =	vadd.f32 v58, v57;
	v57 =	vadd.f32 v59, v61;
	v59 =	vld [tilespmem:s24+$0xFFFFFF20];
	v21 =	vmul.f32 v15, v55  }
0x1ef: {  	v23 =	vperm.xlane v36, v1;
	[tilespmem:s19+$0xFFFFFFB0] =	vst v27;
	v60 =	vmul.f32 $2.000000030e-01, v20  }
0x1f0: {  	v39 =	vperm.xlane v30, v1;
	v54 =	vld [tilespmem:s18+$0xFFFFFEF0];
	vm1 =	vge.f32 v20, $0.0e+00;
	v53 =	vmul.f32 v38, v40;
	[tilespmem:s20+$0xB0] =	vst v21  }
0x1f1: {  	v42 =	vperm.xlane v30, v2;
	[tilespmem:s19+$0xF0] =	vst v50;
	v20 =	vsel vm1, v20, v60;
	v26 =	vmul.f32 v56, v23;
	v63 =	vld [tilespmem:s18+$0xC0]  }
0x1f2: {  	v49 =	vld [tilespmem:s24+$0xFFFFFFC0];
	v55 =	vmul.f32 $2.000000030e-01, v62;
	v20 =	vmul.f32 $1.442695020e+00, v20;
	[tilespmem:s20+$0xFFFFFF80] =	vst v53  }
0x1f3: {  	v61 =	vld [tilespmem:s24+$0x100];
	v58 =	vmul.f32 $2.000000030e-01, v32;
	[tilespmem:s20+$0x10] =	vst v26;
	v26 =	vmul.f32 v59, v19  }
0x1f4: {  	vm1 =	vge.f32 v62, $0.0e+00;
	(erf) = vpow2.f32 v20;
	v20 =	vperm.xlane v10, v3;
	v28 =	vld [tilespmem:s18+$0xFFFFFF90]  }
0x1f5: {  	v60 =	vmul.f32 $2.000000030e-01, v57;
	v40 =	vsel vm1, v62, v55;
	v38 =	vmul.f32 v54, v39;
	v27 =	vld [tilespmem:s18+$0x20];
	[tilespmem:s19+$0xFFFFFF20] =	vst v26  }
0x1f6: {  	vm1 =	vge.f32 v32, $0.0e+00;
	v40 =	vmul.f32 $1.442695020e+00, v40;
	v52 =	vld [tilespmem:s24+$0xFFFFFF30];
	v20 =	vmul.f32 v63, v20  }
0x1f7: {  	v32 =	vsel vm1, v32, v58;
	vm1 =	vge.f32 v57, $0.0e+00;
	v24 =	vmul.f32 v49, v24;
	[tilespmem:s20+$0xFFFFFEF0] =	vst v38;
	v63 =	vld [tilespmem:s24+$0x40]  }
0x1f8: {  	v32 =	vmul.f32 $1.442695020e+00, v32;
	(erf) = vpow2.f32 v40;
	v46 =	vld [tilespmem:s18+$0xFFFFFF00];
	[tilespmem:s20+$0xC0] =	vst v20;
	v20 =	vsel vm1, v57, v60  }
0x1f9: {  	v28 =	vmul.f32 v28, v43;
	v62 =	vld [tilespmem:s18+$0xD0];
	v20 =	vmul.f32 $1.442695020e+00, v20  }
0x1fa: {  	v8 =	vperm.xlane v8, v7;
	[tilespmem:s19+$0xFFFFFFC0] =	vst v24;
	v54 =	vmul.f32 v27, v45  }
0x1fb: {  	(erf) = vpow2.f32 v32;
	[tilespmem:s20+$0xFFFFFF90] =	vst v28;
	v11 =	vmul.f32 v52, v11  }
0x1fc: {  	v44 =	vld [tilespmem:s24+$0xFFFFFFD0];
	[tilespmem:s20+$0x20] =	vst v54;
	(erf) = vpow2.f32 v20;
	v51 =	vmul.f32 v63, v22  }
0x1fd: {  	v50 =	vld [tilespmem:s18+$0xFFFFFFA0];
	v22 =	vmul.f32 v61, v8;
	v8 =	vmul.f32 v46, v42;
	[tilespmem:s19+$0xFFFFFF30] =	vst v11;
	v20 =	vpop (erf)  }
0x1fe: {  	s28 =	simm.s32 $0x4F10;
	v47 =	vperm.xlane v31, v3;
	v45 =	vld [tilespmem:s18+$0x30];
	[tilespmem:s19+$0x40] =	vst v51;
	v20 =	vnsel vm0, $0x0, v20;
	v28 =	vmul.f32 v62, v48  }
0x1ff: {  	v35 =	vperm.xlane v31, v4;
	v33 =	vperm.xlane v31, v7;
	v54 =	vld [tilespmem:s24+$0xFFFFFF40];
	[tilespmem:s28+$0x110] =	vst v20  }
0x200: {  	v29 =	vperm.xlane v30, v3;
	v15 =	vperm.xlane v30, v4;
	v53 =	vld [tilespmem:s26+$0x90];
	[tilespmem:s20+$0xD0] =	vst v28  }
0x201: {  	v21 =	vperm.xlane v30, v5;
	v23 =	vperm.xlane v31, v5;
	[tilespmem:s20+$0xFFFFFF00] =	vst v8;
	v8 =	vpop (erf);
	v55 =	vld [tilespmem:s18+$0xE0]  }
0x202: {  	v26 =	vperm.xlane v30, v6;
	v32 =	vperm.xlane v30, v7;
	v42 =	vld [tilespmem:s24+$0x50];
	v30 =	vnsel vm0, $0x0, v8  }
0x203: {  	v43 =	vld [tilespmem:s18+$0xFFFFFF10];
	v56 =	vperm.xlane v20, v0;
	v58 =	vmul.f32 v50, v47;
	[tilespmem:s28+$0xFFFFFFF0] =	vst v30  }
0x204: {  	s16 =	simm.s32 $0x3150;
	v57 =	vperm.xlane v10, v5;
	v28 =	vperm.xlane v31, v6;
	v31 =	vpop (erf);
	v24 =	vld [tilespmem:s26+$0xFFFFFF70]  }
0x205: {  	v34 =	vperm.xlane v36, v3;
	v50 =	vld [tilespmem:s16+$0x10];
	v39 =	vnsel vm0, $0x0, v31;
	[tilespmem:s20+$0xFFFFFFA0] =	vst v58;
	v31 =	vmul.f32 v53, v56  }
0x206: {  	v16 =	vperm.xlane v36, v4;
	[tilespmem:s28+$0x80] =	vst v39;
	v63 =	vld [tilespmem:s18+$0xFFFFFFB0];
	v41 =	vmul.f32 v55, v57  }
0x207: {  	v19 =	vperm.xlane v36, v5;
	v60 =	vperm.xlane v30, v0;
	v38 =	vld [tilespmem:s26+$0x0];
	[tilespmem:s28+$0x90] =	vst v31  }
0x208: {  	v27 =	vperm.xlane v36, v6;
	v12 =	vmul.f32 v44, v12;
	v59 =	vpop (erf);
	v47 =	vld [tilespmem:s26+$0xA0];
	[tilespmem:s20+$0xE0] =	vst v41  }
0x209: {  	v11 =	vperm.xlane v20, v1;
	v40 =	vnsel vm0, $0x0, v59;
	v24 =	vmul.f32 v24, v60;
	v61 =	vld [tilespmem:s18+$0xF0]  }
0x20a: {  	v8 =	vperm.xlane v36, v7;
	v48 =	vperm.xlane v30, v1;
	v59 =	vld [tilespmem:s16+$0xFFFFFFE0];
	[tilespmem:s28+$0xFFFFFF60] =	vst v40  }
0x20b: {  	v37 =	vperm.xlane v30, v5;
	v52 =	vperm.xlane v39, v1;
	v62 =	vld [tilespmem:s26+$0xFFFFFEE0];
	[tilespmem:s28+$0xFFFFFF70] =	vst v24  }
0x20c: {  	s29 =	simm.s32 $0x1F50;
	v29 =	vmul.f32 v43, v29;
	v60 =	vperm.xlane v10, v6;
	v56 =	vld [tilespmem:s26+$0xFFFFFF80]  }
0x20d: {  	v31 =	vperm.xlane v39, v0;
	v11 =	vmul.f32 v47, v11;
	v47 =	vld [tilespmem:s29+$0x110]  }
0x20e: {  	v46 =	vperm.xlane v40, v0;
	v36 =	vmul.f32 v61, v60;
	v61 =	vld [tilespmem:s29+$0xFFFFFFF0]  }
0x20f: {  	v49 =	vmul.f32 v38, v31;
	v60 =	vmul.f32 v63, v35;
	v63 =	vld [tilespmem:s16+$0xFFFFFFF0];
	[tilespmem:s28+$0xA0] =	vst v11  }
0x210: {  	v13 =	vmul.f32 v54, v13;
	v43 =	vmul.f32 v45, v34;
	[tilespmem:s20+$0xFFFFFF10] =	vst v29;
	v58 =	vld [tilespmem:s26+$0xB0]  }
0x211: {  	v14 =	vmul.f32 v42, v14;
	v54 =	vld [tilespmem:s18+$0xFFFFFF20];
	[tilespmem:s28+$0x0] =	vst v49;
	v46 =	vmul.f32 v62, v46  }
0x212: {  	v53 =	vperm.xlane v30, v2;
	v51 =	vperm.xlane v40, v2;
	v44 =	vld [tilespmem:s26+$0x10]  }
0x213: {  	v62 =	vperm.xlane v20, v2;
	[tilespmem:s28+$0xFFFFFEE0] =	vst v46;
	v48 =	vmul.f32 v56, v48;
	v56 =	vld [tilespmem:s29+$0x80];
	v47 =	vadd.f32 v50, v47  }
0x214: {  	v55 =	vperm.xlane v39, v2;
	v57 =	vperm.xlane v30, v3;
	v42 =	vld [tilespmem:s26+$0xFFFFFEF0];
	v61 =	vadd.f32 v63, v61  }
0x215: {  	[tilespmem:s20+$0xF0] =	vst v36;
	v9 =	vmul.f32 $2.000000030e-01, v47;
	v50 =	vmul.f32 v58, v62;
	v58 =	vld [tilespmem:s16+$0x0]  }
0x216: {  	[tilespmem:s19+$0xFFFFFFD0] =	vst v12;
	v34 =	vperm.xlane v40, v4;
	v45 =	vld [tilespmem:s18+$0x100];
	vm1 =	vge.f32 v47, $0.0e+00;
	v29 =	vmul.f32 $2.000000030e-01, v61  }
0x217: {  	[tilespmem:s20+$0x30] =	vst v43;
	v41 =	vperm.xlane v40, v1;
	v62 =	vld [tilespmem:s29+$0xFFFFFF60];
	v9 =	vsel vm1, v47, v9;
	vm1 =	vge.f32 v61, $0.0e+00  }
0x218: {  	v24 =	vperm.xlane v40, v3;
	[tilespmem:s28+$0xB0] =	vst v50;
	v9 =	vmul.f32 $1.442695020e+00, v9;
	v29 =	vsel vm1, v61, v29;
	v61 =	vld [tilespmem:s18+$0x40]  }
0x219: {  	[tilespmem:s19+$0xFFFFFF40] =	vst v13;
	v31 =	vperm.xlane v39, v3;
	v38 =	vperm.xlane v30, v4;
	v47 =	vld [tilespmem:s26+$0xC0]  }
0x21a: {  	[tilespmem:s28+$0xFFFFFF80] =	vst v48;
	v49 =	vmul.f32 v44, v52;
	v52 =	vld [tilespmem:s24+$0xFFFFFF50];
	(erf) = vpow2.f32 v9;
	v63 =	vadd.f32 v58, v56  }
0x21b: {  	v12 =	vmul.f32 v54, v15;
	v54 =	vperm.xlane v20, v4;
	[tilespmem:s20+$0xFFFFFFB0] =	vst v60;
	v50 =	vld [tilespmem:s26+$0xFFFFFF90]  }
0x21c: {  	[tilespmem:s19+$0x50] =	vst v14;
	v9 =	vperm.xlane v20, v3;
	v43 =	vadd.f32 v59, v62;
	v62 =	vld [tilespmem:s18+$0xFFFFFFC0];
	v60 =	vmul.f32 $2.000000030e-01, v63  }
0x21d: {  	[tilespmem:s20+$0xFFFFFF20] =	vst v12;
	v13 =	vmul.f32 $1.442695020e+00, v29;
	v58 =	vld [tilespmem:s24+$0xFFFFFFE0];
	vm1 =	vge.f32 v63, $0.0e+00;
	v56 =	vmul.f32 v61, v16  }
0x21e: {  	[tilespmem:s28+$0x10] =	vst v49;
	v14 =	vmul.f32 $2.000000030e-01, v43;
	v9 =	vmul.f32 v47, v9;
	v29 =	vsel vm1, v63, v60;
	v63 =	vld [tilespmem:s24+$0x60]  }
0x21f: {  	v15 =	vperm.xlane v30, v6;
	v41 =	vmul.f32 v42, v41;
	vm2 =	vge.f32 v43, $0.0e+00;
	v60 =	vld [tilespmem:s18+$0xFFFFFF30];
	[tilespmem:s20+$0x40] =	vst v56  }
0x220: {  	(erf) = vpow2.f32 v13;
	v14 =	vsel vm2, v43, v14;
	v29 =	vmul.f32 $1.442695020e+00, v29;
	[tilespmem:s28+$0xC0] =	vst v9;
	v49 =	vld [tilespmem:s18+$0x50]  }
0x221: {  	[tilespmem:s28+$0xFFFFFEF0] =	vst v41;
	v9 =	vmul.f32 $1.442695020e+00, v14;
	v14 =	vmul.f32 v50, v53;
	v13 =	vld [tilespmem:s26+$0xD0]  }
0x222: {  	v23 =	vmul.f32 v62, v23;
	(erf) = vpow2.f32 v29;
	v29 =	vld [tilespmem:s26+$0xFFFFFF00]  }
0x223: {  	v46 =	vperm.xlane v10, v7;
	[tilespmem:s28+$0xFFFFFF90] =	vst v14;
	(erf) = vpow2.f32 v9;
	v9 =	vld [tilespmem:s26+$0x20];
	v16 =	vpop (erf)  }
0x224: {  	s9 =	simm.s32 $0x5150;
	v35 =	vperm.xlane v40, v5;
	[tilespmem:s20+$0xFFFFFFC0] =	vst v23;
	v59 =	vld [tilespmem:s26+$0xFFFFFFA0];
	v16 =	vnsel vm0, $0x0, v16;
	v21 =	vmul.f32 v60, v21  }
0x225: {  	v45 =	vmul.f32 v45, v46;
	v46 =	vld [tilespmem:s18+$0xFFFFFFD0];
	v25 =	vmul.f32 v63, v25;
	[tilespmem:s9+$0x110] =	vst v16  }
0x226: {  	v11 =	vperm.xlane v39, v5;
	v12 =	vmul.f32 v13, v54;
	v61 =	vld [tilespmem:s29+$0x90];
	[tilespmem:s20+$0xFFFFFF30] =	vst v21  }
0x227: {  	v36 =	vperm.xlane v39, v4;
	[tilespmem:s19+$0x60] =	vst v25;
	v29 =	vmul.f32 v29, v51;
	v60 =	vld [tilespmem:s18+$0xFFFFFF40]  }
0x228: {  	v48 =	vmul.f32 v58, v17;
	v44 =	vld [tilespmem:s24+$0x70];
	v62 =	vmul.f32 v9, v55;
	[tilespmem:s28+$0xD0] =	vst v12  }
0x229: {  	v17 =	vperm.xlane v16, v0;
	v23 =	vmul.f32 v59, v57;
	[tilespmem:s28+$0xFFFFFF00] =	vst v29;
	v29 =	vld [tilespmem:s26+$0xE0]  }
0x22a: {  	v47 =	vmul.f32 v52, v18;
	v14 =	vperm.xlane v39, v6;
	v18 =	vpop (erf);
	v50 =	vld [tilespmem:s26+$0xFFFFFF10];
	[tilespmem:s28+$0x20] =	vst v62  }
0x22b: {  	v9 =	vperm.xlane v39, v7;
	v39 =	vnsel vm0, $0x0, v18;
	[tilespmem:s28+$0xFFFFFFA0] =	vst v23;
	v18 =	vpop (erf);
	v51 =	vld [tilespmem:s26+$0x30];
	v17 =	vmul.f32 v61, v17  }
0x22c: {  	v10 =	vperm.xlane v40, v6;
	v13 =	vperm.xlane v40, v7;
	[tilespmem:s9+$0xFFFFFFF0] =	vst v39;
	v59 =	vld [tilespmem:s26+$0xFFFFFFB0];
	v40 =	vnsel vm0, $0x0, v18;
	v18 =	vpop (erf)  }
0x22d: {  	v12 =	vperm.xlane v30, v7;
	v30 =	vperm.xlane v20, v5;
	v41 =	vnsel vm0, $0x0, v18;
	v18 =	vld [tilespmem:s29+$0xFFFFFF70];
	[tilespmem:s9+$0x90] =	vst v17  }
0x22e: {  	[tilespmem:s9+$0xFFFFFF60] =	vst v41;
	v56 =	vld [tilespmem:s29+$0xA0]  }
0x22f: {  	[tilespmem:s9+$0x80] =	vst v40;
	v29 =	vmul.f32 v29, v30;
	v54 =	vld [tilespmem:s29+$0xFFFFFEE0]  }
0x230: {  	s10 =	simm.s32 $0x3190;
	v21 =	vperm.xlane v16, v1;
	v63 =	vperm.xlane v39, v0;
	v52 =	vld [tilespmem:s29+$0x0]  }
0x231: {  	v61 =	vld [tilespmem:s10+$0x10];
	v30 =	vperm.xlane v40, v0;
	v53 =	vperm.xlane v41, v0;
	[tilespmem:s28+$0xE0] =	vst v29  }
0x232: {  	v50 =	vmul.f32 v50, v24;
	v23 =	vld [tilespmem:s26+$0xF0];
	v18 =	vmul.f32 v18, v63  }
0x233: {  	s24 =	simm.s32 $0x2190;
	v51 =	vmul.f32 v51, v31;
	v38 =	vmul.f32 v59, v38;
	v59 =	vld [tilespmem:s10+$0xFFFFFFE0]  }
0x234: {  	v21 =	vmul.f32 v56, v21;
	[tilespmem:s9+$0xFFFFFF70] =	vst v18;
	v53 =	vmul.f32 v54, v53;
	v54 =	vld [tilespmem:s24+$0x110]  }
0x235: {  	[tilespmem:s28+$0xFFFFFF10] =	vst v50;
	v25 =	vmul.f32 v52, v30;
	v18 =	vperm.xlane v20, v6;
	v52 =	vld [tilespmem:s29+$0xFFFFFF80]  }
0x236: {  	v49 =	vmul.f32 v49, v19;
	v50 =	vld [tilespmem:s10+$0x0];
	[tilespmem:s9+$0xA0] =	vst v21  }
0x237: {  	v28 =	vmul.f32 v46, v28;
	[tilespmem:s28+$0x30] =	vst v51;
	v18 =	vmul.f32 v23, v18;
	v62 =	vld [tilespmem:s29+$0xB0]  }
0x238: {  	v58 =	vperm.xlane v39, v2;
	v17 =	vperm.xlane v39, v1;
	v51 =	vld [tilespmem:s24+$0xFFFFFF60];
	[tilespmem:s9+$0x0] =	vst v25  }
0x239: {  	v19 =	vperm.xlane v39, v6;
	v26 =	vmul.f32 v60, v26;
	v25 =	vld [tilespmem:s10+$0xFFFFFFF0];
	[tilespmem:s28+$0xF0] =	vst v18  }
0x23a: {  	[tilespmem:s20+$0x100] =	vst v45;
	v63 =	vld [tilespmem:s26+$0x100];
	v54 =	vadd.f32 v61, v54;
	v45 =	vmul.f32 v52, v17;
	v17 =	vperm.xlane v16, v2  }
0x23b: {  	[tilespmem:s19+$0x100] =	vst v22;
	v57 =	vperm.xlane v40, v1;
	v43 =	vperm.xlane v40, v2;
	v52 =	vld [tilespmem:s24+$0xFFFFFFF0]  }
0x23c: {  	[tilespmem:s19+$0xFFFFFF50] =	vst v47;
	v61 =	vld [tilespmem:s24+$0x80];
	v17 =	vmul.f32 v62, v17;
	v62 =	vmul.f32 $2.000000030e-01, v54  }
0x23d: {  	v55 =	vperm.xlane v41, v1;
	v42 =	vperm.xlane v41, v2;
	[tilespmem:s9+$0xFFFFFEE0] =	vst v53;
	vm1 =	vge.f32 v54, $0.0e+00  }
0x23e: {  	v24 =	vperm.xlane v41, v4;
	v29 =	vperm.xlane v41, v3;
	v54 =	vsel vm1, v54, v62;
	[tilespmem:s9+$0xB0] =	vst v17;
	v62 =	vld [tilespmem:s29+$0xFFFFFEF0]  }
0x23f: {  	[tilespmem:s28+$0xFFFFFFB0] =	vst v38;
	v53 =	vperm.xlane v20, v7;
	v38 =	vld [tilespmem:s29+$0xC0];
	v60 =	vmul.f32 $1.442695020e+00, v54  }
0x240: {  	[tilespmem:s19+$0xFFFFFFE0] =	vst v48;
	v23 =	vperm.xlane v41, v5;
	v46 =	vld [tilespmem:s29+$0x10];
	v48 =	vadd.f32 v59, v51;
	v25 =	vadd.f32 v25, v52  }
0x241: {  	[tilespmem:s20+$0xFFFFFFD0] =	vst v28;
	v51 =	vld [tilespmem:s26+$0xFFFFFF20];
	v53 =	vmul.f32 v63, v53;
	v50 =	vadd.f32 v50, v61;
	(erf) = vpow2.f32 v60  }
0x242: {  	[tilespmem:s9+$0xFFFFFF80] =	vst v45;
	v63 =	vmul.f32 $2.000000030e-01, v25;
	v60 =	vperm.xlane v16, v3  }
0x243: {  	[tilespmem:s20+$0xFFFFFF40] =	vst v26;
	v52 =	vld [tilespmem:s29+$0xFFFFFF90];
	v61 =	vmul.f32 $2.000000030e-01, v50;
	vm1 =	vge.f32 v25, $0.0e+00;
	v59 =	vmul.f32 v62, v55  }
0x244: {  	[tilespmem:s28+$0x100] =	vst v53;
	v53 =	vld [tilespmem:s26+$0x40];
	v25 =	vsel vm1, v25, v63;
	vm1 =	vge.f32 v50, $0.0e+00;
	v38 =	vmul.f32 v38, v60  }
0x245: {  	v46 =	vmul.f32 v46, v57;
	v25 =	vmul.f32 $1.442695020e+00, v25;
	v26 =	vsel vm1, v50, v61;
	[tilespmem:s9+$0xFFFFFEF0] =	vst v59  }
0x246: {  	v28 =	vmul.f32 v51, v34;
	v26 =	vmul.f32 $1.442695020e+00, v26;
	[tilespmem:s9+$0xC0] =	vst v38;
	v47 =	vld [tilespmem:s29+$0xFFFFFF00]  }
0x247: {  	[tilespmem:s20+$0x50] =	vst v49;
	v63 =	vmul.f32 $2.000000030e-01, v48;
	(erf) = vpow2.f32 v25;
	v25 =	vld [tilespmem:s29+$0xD0]  }
0x248: {  	[tilespmem:s9+$0x10] =	vst v46;
	(erf) = vpow2.f32 v26;
	v26 =	vmul.f32 v52, v58  }
0x249: {  	v20 =	vperm.xlane v41, v6;
	vm2 =	vge.f32 v48, $0.0e+00;
	v46 =	vld [tilespmem:s29+$0x20];
	[tilespmem:s28+$0xFFFFFF20] =	vst v28;
	v36 =	vmul.f32 v53, v36  }
0x24a: {  	v54 =	vld [tilespmem:s26+$0xFFFFFFC0];
	v62 =	vperm.xlane v16, v4;
	v48 =	vsel vm2, v48, v63;
	[tilespmem:s9+$0xFFFFFF90] =	vst v26;
	v26 =	vperm.xlane v41, v7;
	v41 =	vpop (erf)  }
0x24b: {  	s3 =	simm.s32 $0x5390;
	v60 =	vld [tilespmem:s18+$0x60];
	v48 =	vmul.f32 $1.442695020e+00, v48;
	[tilespmem:s28+$0x40] =	vst v36;
	v34 =	vnsel vm0, $0x0, v41;
	v59 =	vmul.f32 v47, v42  }
0x24c: {  	v22 =	vperm.xlane v40, v4;
	v61 =	vld [tilespmem:s18+$0xFFFFFF50];
	v25 =	vmul.f32 v25, v62;
	[tilespmem:s3+$0x110] =	vst v34  }
0x24d: {  	v31 =	vperm.xlane v39, v4;
	v63 =	vld [tilespmem:s18+$0xFFFFFFE0];
	(erf) = vpow2.f32 v48;
	[tilespmem:s9+$0xFFFFFF00] =	vst v59  }
0x24e: {  	v56 =	vperm.xlane v39, v3;
	v30 =	vperm.xlane v40, v3;
	v58 =	vld [tilespmem:s26+$0xFFFFFF30];
	[tilespmem:s9+$0xD0] =	vst v25  }
0x24f: {  	v21 =	vperm.xlane v39, v5;
	v18 =	vperm.xlane v40, v5;
	v25 =	vld [tilespmem:$0x1FFE0]  }
0x250: {  	v17 =	vperm.xlane v40, v6;
	v28 =	vperm.xlane v40, v7;
	v57 =	vld [tilespmem:s29+$0xFFFFFFA0]  }
0x251: {  	v43 =	vmul.f32 v46, v43;
	v37 =	vmul.f32 v54, v37;
	v40 =	vld [tilespmem:s24+$0x90]  }
0x252: {  	v54 =	vmul.f32 v60, v27;
	v27 =	vperm.xlane v39, v7;
	v38 =	vld [tilespmem:s29+$0xE0]  }
0x253: {  	v39 =	vld [tilespmem:s26+$0x50];
	v42 =	vmul.f32 v61, v32;
	v41 =	vmul.f32 v63, v33  }
0x254: {  	v60 =	vperm.xlane v34, v0;
	v48 =	vld [tilespmem:s29+$0xFFFFFF10];
	[tilespmem:s9+$0x20] =	vst v43;
	v36 =	vmul.f32 v44, v25;
	v25 =	vpop (erf)  }
0x255: {  	v63 =	vperm.xlane v16, v5;
	v49 =	vmul.f32 v58, v35;
	[tilespmem:s28+$0xFFFFFFC0] =	vst v37;
	v50 =	vld [tilespmem:s29+$0x30];
	v25 =	vnsel vm0, $0x0, v25;
	v61 =	vpop (erf)  }
0x256: {  	v33 =	vmul.f32 v57, v56;
	v43 =	vld [tilespmem:s26+$0xFFFFFFD0];
	v40 =	vmul.f32 v40, v60;
	[tilespmem:s3+$0xFFFFFFF0] =	vst v25;
	v32 =	vnsel vm0, $0x0, v61;
	v62 =	vpop (erf)  }
0x257: {  	v37 =	vmul.f32 v38, v63;
	v52 =	vperm.xlane v25, v0;
	v35 =	vnsel vm0, $0x0, v62;
	v55 =	vld [tilespmem:s24+$0xFFFFFF70];
	[tilespmem:s3+$0x80] =	vst v32  }
0x258: {  	v51 =	vperm.xlane v25, v1;
	v44 =	vperm.xlane v25, v2;
	[tilespmem:s3+$0xFFFFFF60] =	vst v35;
	v58 =	vld [tilespmem:s24+$0x0]  }
0x259: {  	[tilespmem:s3+$0x90] =	vst v40;
	v61 =	vperm.xlane v34, v1;
	v56 =	vperm.xlane v32, v0;
	v59 =	vld [tilespmem:s24+$0xFFFFFEE0]  }
0x25a: {  	v60 =	vld [tilespmem:s24+$0xA0];
	[tilespmem:s9+$0xE0] =	vst v37;
	v45 =	vperm.xlane v32, v1;
	v37 =	vperm.xlane v32, v2  }
0x25b: {  	[tilespmem:s28+$0xFFFFFF30] =	vst v49;
	v53 =	vld [tilespmem:s29+$0xF0];
	v57 =	vperm.xlane v35, v0;
	v46 =	vperm.xlane v35, v1  }
0x25c: {  	[tilespmem:s20+$0x60] =	vst v54;
	v49 =	vld [tilespmem:s26+$0xFFFFFF40];
	v38 =	vperm.xlane v35, v2;
	v40 =	vmul.f32 v55, v52  }
0x25d: {  	[tilespmem:s9+$0xFFFFFFA0] =	vst v33;
	v33 =	vld [tilespmem:s18+$0x70];
	v47 =	vperm.xlane v35, v3;
	v58 =	vmul.f32 v58, v56  }
0x25e: {  	v52 =	vld [tilespmem:s29+$0xFFFFFFB0];
	v55 =	vperm.xlane v16, v6;
	v56 =	vmul.f32 v59, v57;
	[tilespmem:s3+$0xFFFFFF70] =	vst v40  }
0x25f: {  	s16 =	simm.s32 $0x23D0;
	s18 =	simm.s32 $0x10;
	v40 =	vperm.xlane v25, v3;
	v57 =	vmul.f32 v60, v61;
	v54 =	vld [tilespmem:s24+$0xFFFFFF80];
	[tilespmem:s3+$0x0] =	vst v58  }
.LBB2_5:
0x260: {  	v58 =	vld [tilespmem:s16+$0x110];
	[tilespmem:s3+$0xFFFFFEE0] =	vst v56;
	v56 =	vperm.xlane v32, v3;
	s10 =	sadd.s32 $0x40, s10;
	v53 =	vmul.f32 v53, v55  }
0x261: {  	v48 =	vmul.f32 v48, v29;
	v50 =	vmul.f32 v50, v30;
	v29 =	vmov v47;
	v55 =	vld [tilespmem:s10+$0x10];
	[tilespmem:s3+$0xA0] =	vst v57  }
0x262: {  	v59 =	vperm.xlane v25, v4;
	v57 =	vperm.xlane v35, v4;
	v60 =	vld [tilespmem:s24+$0xB0];
	[tilespmem:s9+$0xF0] =	vst v53;
	v30 =	vmov v56  }
0x263: {  	s18 =	sadd.s32 $0x4, s18;
	v53 =	vperm.xlane v32, v4;
	[tilespmem:s9+$0xFFFFFF10] =	vst v48;
	v48 =	vmul.f32 v52, v31;
	v52 =	vld [tilespmem:s29+$0x100]  }
0x264: {  	v47 =	vperm.xlane v35, v5;
	p1 =	slt.u32 s18, $0x24;
	v31 =	vmov v59;
	v56 =	vld [tilespmem:s10+$0xFFFFFFE0];
	v51 =	vmul.f32 v54, v51;
	[tilespmem:s9+$0x30] =	vst v50  }
0x265: {  	v59 =	vperm.xlane v34, v2;
	v54 =	vperm.xlane v25, v5;
	v50 =	vld [tilespmem:s16+$0xFFFFFFF0];
	[tilespmem:s9+$0xFFFFFFB0] =	vst v48  }
0x266: {  	v61 =	vperm.xlane v16, v7;
	v16 =	vmov v34;
	v48 =	vld [tilespmem:s10+$0xFFFFFFF0];
	[tilespmem:s3+$0xFFFFFF80] =	vst v51;
	v51 =	vperm.xlane v32, v5  }
0x267: {  	v39 =	vmul.f32 v39, v11;
	v55 =	vadd.f32 v55, v58;
	v34 =	vld [tilespmem:s16+$0x80];
	v58 =	vmul.f32 v60, v59;
	[tilespmem:s20+$0xFFFFFF50] =	vst v42  }
0x268: {  	v11 =	vmovc v18;
	v59 =	vperm.xlane v35, v6;
	v42 =	vld [tilespmem:s10+$0x0];
	v52 =	vmul.f32 v52, v61;
	[tilespmem:s20+$0xFFFFFFE0] =	vst v41;
	v18 =	vmov v51  }
0x269: {  	v60 =	vperm.xlane v25, v6;
	v51 =	vmul.f32 $2.000000030e-01, v55;
	v41 =	vld [tilespmem:s16+$0xFFFFFF60];
	[tilespmem:s3+$0xB0] =	vst v58  }
0x26a: {  	v49 =	vmul.f32 v49, v10;
	v10 =	vmovc v20;
	vm1 =	vge.f32 v55, $0.0e+00;
	v61 =	vperm.xlane v32, v6;
	v58 =	vld [tilespmem:s24+$0xFFFFFEF0];
	[tilespmem:s9+$0x100] =	vst v52  }
0x26b: {  	v43 =	vmul.f32 v43, v15;
	v52 =	vsel vm1, v55, v51;
	v48 =	vadd.f32 v48, v50;
	v50 =	vld [tilespmem:s24+$0xC0];
	[tilespmem:s28+$0x50] =	vst v39  }
0x26c: {  	v15 =	vmovc v19;
	v35 =	vperm.xlane v35, v7;
	v20 =	vmovc v59;
	v19 =	vmov v60;
	v39 =	vmul.f32 $1.442695020e+00, v52;
	v51 =	vld [tilespmem:s24+$0x10];
	[tilespmem:s28+$0xFFFFFF40] =	vst v49  }
0x26d: {  	vm1 =	vge.f32 v48, $0.0e+00;
	v49 =	vmul.f32 $2.000000030e-01, v48;
	v34 =	vadd.f32 v42, v34;
	v42 =	vld [tilespmem:s24+$0xFFFFFF90];
	[tilespmem:s28+$0xFFFFFFD0] =	vst v43  }
0x26e: {  	v41 =	vadd.f32 v56, v41;
	(erf) = vpow2.f32 v39;
	v39 =	vperm.xlane v16, v3;
	v43 =	vld [tilespmem:s29+$0xFFFFFF20];
	[tilespmem:s19+$0x70] =	vst v36;
	s19 =	smov.u32 s20;
	s20 =	smov.u32 s28;
	s28 =	smov.u32 s9  }
0x26f: {  	s9 =	smov.u32 s3;
	v36 =	vsel vm1, v48, v49;
	vm1 =	vge.f32 v34, $0.0e+00;
	v48 =	vmul.f32 $2.000000030e-01, v34;
	v49 =	vld [tilespmem:s29+$0x40]  }
0x270: {  	vm2 =	vge.f32 v41, $0.0e+00;
	v52 =	vmul.f32 $2.000000030e-01, v41;
	v39 =	vmul.f32 v50, v39;
	v50 =	vld [tilespmem:s29+$0xFFFFFFC0]  }
0x271: {  	v46 =	vmul.f32 v58, v46;
	v36 =	vmul.f32 $1.442695020e+00, v36;
	v34 =	vsel vm1, v34, v48;
	v48 =	vld [tilespmem:s26+$0x60]  }
0x272: {  	v45 =	vmul.f32 v51, v45;
	v41 =	vsel vm2, v41, v52;
	v34 =	vmul.f32 $1.442695020e+00, v34;
	[tilespmem:s3+$0xC0] =	vst v39;
	v51 =	vld [tilespmem:s26+$0xFFFFFF50]  }
0x273: {  	v39 =	vmul.f32 $1.442695020e+00, v41;
	(erf) = vpow2.f32 v36;
	[tilespmem:s3+$0xFFFFFEF0] =	vst v46;
	v36 =	vld [tilespmem:s24+$0xD0]  }
0x274: {  	v46 =	vmul.f32 v42, v44;
	(erf) = vpow2.f32 v34;
	v41 =	vld [tilespmem:s24+$0xFFFFFF00];
	[tilespmem:s3+$0x10] =	vst v45  }
0x275: {  	(erf) = vpow2.f32 v39;
	v42 =	vld [tilespmem:s24+$0x20];
	v39 =	vmul.f32 v43, v24;
	v24 =	vmov v57  }
0x276: {  	v44 =	vmul.f32 v49, v22;
	v22 =	vmov v53;
	v43 =	vperm.xlane v16, v4;
	[tilespmem:s3+$0xFFFFFF90] =	vst v46;
	v45 =	vld [tilespmem:s26+$0xFFFFFFE0]  }
0x277: {  	v49 =	vmul.f32 v50, v21;
	v21 =	vmov v54;
	v55 =	vmul.f32 v48, v14;
	v34 =	vpop (erf);
	v46 =	vld [tilespmem:s24+$0xFFFFFFA0];
	[tilespmem:s28+$0xFFFFFF20] =	vst v39  }
0x278: {  	v25 =	vperm.xlane v25, v7;
	s3 =	sadd.s32 $0x240, s3;
	v14 =	vmovc v17;
	v34 =	vnsel vm0, $0x0, v34;
	v36 =	vmul.f32 v36, v43;
	v43 =	vld [tilespmem:s29+$0xFFFFFF30];
	[tilespmem:s28+$0x40] =	vst v44  }
0x279: {  	v17 =	vmov v61;
	v44 =	vperm.xlane v32, v7;
	[tilespmem:s3+$0x110] =	vst v34;
	v38 =	vmul.f32 v41, v38;
	v39 =	vld [tilespmem:s29+$0x50]  }
0x27a: {  	v52 =	vld [tilespmem:s16+$0x90];
	v50 =	vmul.f32 v42, v37;
	[tilespmem:s9+$0xD0] =	vst v36;
	v42 =	vmul.f32 v51, v13;
	v13 =	vmovc v26;
	v26 =	vmov v35  }
0x27b: {  	v36 =	vmul.f32 v33, v8;
	[tilespmem:s9+$0xFFFFFF00] =	vst v38;
	v37 =	vld [tilespmem:s24+$0xE0];
	v41 =	vmul.f32 v45, v12;
	v12 =	vmovc v27;
	v27 =	vmov v25  }
0x27c: {  	v8 =	vmov v9;
	v9 =	vmov v28;
	v25 =	vpop (erf);
	v48 =	vld [tilespmem:s24+$0xFFFFFF10];
	v33 =	vmul.f32 v46, v40;
	[tilespmem:s9+$0x20] =	vst v50  }
0x27d: {  	v46 =	vperm.xlane v34, v0;
	v25 =	vnsel vm0, $0x0, v25;
	v32 =	vpop (erf);
	v50 =	vld [tilespmem:s24+$0x30];
	v40 =	vmul.f32 v43, v23;
	[tilespmem:s28+$0xFFFFFFC0] =	vst v49  }
0x27e: {  	v38 =	vperm.xlane v16, v5;
	[tilespmem:s3+$0xFFFFFFF0] =	vst v25;
	v49 =	vperm.xlane v25, v0;
	v32 =	vnsel vm0, $0x0, v32;
	v23 =	vpop (erf);
	v43 =	vld [tilespmem:s29+$0xFFFFFFD0]  }
0x27f: {  	v35 =	vnsel vm0, $0x0, v23;
	v54 =	vld [tilespmem:s16+$0xFFFFFF70];
	[tilespmem:s3+$0x80] =	vst v32;
	v56 =	vperm.xlane v32, v0;
	v45 =	vmul.f32 v52, v46;
	v23 =	vmovc v47  }
0x280: {  	v28 =	vmov v44;
	[tilespmem:s3+$0xFFFFFF60] =	vst v35;
	v57 =	vperm.xlane v35, v0;
	v58 =	vld [tilespmem:s16+$0x0];
	v37 =	vmul.f32 v37, v38  }
0x281: {  	v51 =	vperm.xlane v25, v1;
	v46 =	vperm.xlane v35, v1;
	v59 =	vld [tilespmem:s16+$0xFFFFFEE0];
	[tilespmem:s3+$0x90] =	vst v45  }
0x282: {  	v38 =	vperm.xlane v35, v2;
	v45 =	vperm.xlane v32, v1;
	v60 =	vld [tilespmem:s16+$0xA0];
	[tilespmem:s9+$0xE0] =	vst v37  }
.Ltmp3:
0x283: {  	v44 =	vperm.xlane v25, v2;
	v37 =	vperm.xlane v32, v2;
	[tilespmem:s9+$0xFFFFFFA0] =	vst v33;
	v53 =	vld [tilespmem:s24+$0xF0];
	(pc) =	sbr.rel @p1 .LBB2_5-.Ltmp3, $4  }
0x284: {  	v47 =	vperm.xlane v35, v3;
	v33 =	vmul.f32 v54, v49;
	v52 =	vld [tilespmem:s24+$0xFFFFFFB0];
	[tilespmem:s28+$0xFFFFFF30] =	vst v40  }
0x285: {  	v61 =	vperm.xlane v34, v1;
	v58 =	vmul.f32 v58, v56;
	v49 =	vld [tilespmem:s29+$0xFFFFFF40];
	[tilespmem:s20+$0x60] =	vst v55  }
0x286: {  	v55 =	vperm.xlane v16, v6;
	v56 =	vmul.f32 v59, v57;
	[tilespmem:s3+$0xFFFFFF70] =	vst v33;
	v33 =	vld [tilespmem:s26+$0x70];
	s26 =	smov.u32 s29;
	s29 =	smov.u32 s24;
	s24 =	smov.u32 s16  }
0x287: {  	v40 =	vperm.xlane v25, v3;
	s16 =	sadd.s32 $0x240, s16;
	v54 =	vld [tilespmem:s24+$0xFFFFFF80];
	[tilespmem:s3+$0x0] =	vst v58;
	v57 =	vmul.f32 v60, v61  }
0x288: {  	[tilespmem:s3+$0xFFFFFEE0] =	vst v56  }
0x289: {  	v56 =	vld [tilespmem:s24+$0xFFFFFEF0];
	_ =	sdelay $0x1  }
0x28a: {  	v60 =	vld [tilespmem:s24+$0x10]  }
0x28b: {  	[tilespmem:s20+$0xFFFFFF50] =	vst v42  }
0x28c: {  	[tilespmem:s20+$0xFFFFFFE0] =	vst v41  }
0x28d: {  	[tilespmem:s3+$0xA0] =	vst v57;
	v46 =	vmul.f32 v56, v46  }
0x28e: {  	[tilespmem:s19+$0x70] =	vst v36;
	v57 =	vld [tilespmem:s24+$0xB0];
	v51 =	vmul.f32 v54, v51  }
0x28f: {  	v45 =	vmul.f32 v60, v45;
	[tilespmem:s3+$0xFFFFFEF0] =	vst v46  }
0x290: {  	v53 =	vmul.f32 v53, v55;
	[tilespmem:s3+$0xFFFFFF80] =	vst v51;
	v46 =	vld [tilespmem:s24+$0xFFFFFF00]  }
0x291: {  	v58 =	vperm.xlane v34, v2;
	v29 =	vmul.f32 v48, v29;
	v62 =	vld [tilespmem:s24+$0xFFFFFF90];
	[tilespmem:s3+$0x10] =	vst v45  }
0x292: {  	v30 =	vmul.f32 v50, v30;
	[tilespmem:s9+$0xF0] =	vst v53;
	v45 =	vld [tilespmem:s24+$0x20]  }
0x293: {  	[tilespmem:s9+$0xFFFFFF10] =	vst v29;
	v57 =	vmul.f32 v57, v58  }
0x294: {  	v11 =	vmul.f32 v39, v11;
	[tilespmem:s9+$0x30] =	vst v30  }
0x295: {  	[tilespmem:s3+$0xB0] =	vst v57;
	v55 =	vmul.f32 v46, v38  }
0x296: {  	[tilespmem:s28+$0x50] =	vst v11;
	v61 =	vld [tilespmem:s24+$0xC0];
	v29 =	vmul.f32 v62, v44  }
0x297: {  	v57 =	vmul.f32 v45, v37;
	[tilespmem:s3+$0xFFFFFF00] =	vst v55  }
0x298: {  	v15 =	vmul.f32 v43, v15;
	[tilespmem:s3+$0xFFFFFF90] =	vst v29;
	v30 =	vld [tilespmem:s24+$0xFFFFFF10]  }
0x299: {  	v63 =	vperm.xlane v34, v3;
	v31 =	vmul.f32 v52, v31;
	v59 =	vld [tilespmem:s24+$0xFFFFFFA0];
	[tilespmem:s3+$0x20] =	vst v57  }
0x29a: {  	v10 =	vmul.f32 v49, v10;
	[tilespmem:s28+$0xFFFFFFD0] =	vst v15;
	v29 =	vld [tilespmem:s24+$0x30]  }
0x29b: {  	[tilespmem:s9+$0xFFFFFFB0] =	vst v31;
	v54 =	vld [tilespmem:s29+$0x100];
	v53 =	vmul.f32 v61, v63  }
0x29c: {  	v8 =	vmul.f32 v33, v8;
	[tilespmem:s28+$0xFFFFFF40] =	vst v10;
	v44 =	vld [tilespmem:s29+$0x40]  }
0x29d: {  	v61 =	vld [tilespmem:s29+$0xFFFFFF20];
	v63 =	vperm.xlane v32, v3;
	[tilespmem:s3+$0xC0] =	vst v53;
	v62 =	vmul.f32 v30, v47  }
0x29e: {  	v16 =	vperm.xlane v16, v7;
	[tilespmem:s20+$0x70] =	vst v8;
	v56 =	vld [tilespmem:s24+$0xD0];
	v42 =	vmul.f32 v59, v40  }
0x29f: {  	v49 =	vld [tilespmem:s29+$0xFFFFFFC0];
	v45 =	vmul.f32 v29, v63;
	[tilespmem:s3+$0xFFFFFF10] =	vst v62  }
0x2a0: {  	v16 =	vmul.f32 v54, v16;
	[tilespmem:s3+$0xFFFFFFA0] =	vst v42;
	v46 =	vld [tilespmem:s24+$0xFFFFFF20]  }
0x2a1: {  	v58 =	vperm.xlane v34, v4;
	v22 =	vmul.f32 v44, v22;
	v48 =	vld [tilespmem:s24+$0xFFFFFFB0];
	[tilespmem:s3+$0x30] =	vst v45  }
0x2a2: {  	[tilespmem:s9+$0x100] =	vst v16;
	v11 =	vmul.f32 v61, v24;
	v51 =	vld [tilespmem:s24+$0x40]  }
0x2a3: {  	v50 =	vperm.xlane v35, v4;
	v54 =	vld [tilespmem:s26+$0x60];
	[tilespmem:s9+$0x40] =	vst v22;
	v60 =	vmul.f32 v56, v58  }
0x2a4: {  	v52 =	vperm.xlane v25, v4;
	v21 =	vmul.f32 v49, v21;
	v37 =	vld [tilespmem:s29+$0x50];
	[tilespmem:s9+$0xFFFFFF20] =	vst v11  }
0x2a5: {  	v53 =	vld [tilespmem:s29+$0xFFFFFF30];
	v56 =	vperm.xlane v32, v4;
	[tilespmem:s3+$0xD0] =	vst v60;
	v55 =	vmul.f32 v46, v50  }
0x2a6: {  	[tilespmem:s9+$0xFFFFFFC0] =	vst v21;
	v41 =	vld [tilespmem:s24+$0xE0];
	v15 =	vmul.f32 v48, v52  }
0x2a7: {  	v58 =	vld [tilespmem:s26+$0xFFFFFF50];
	v59 =	vmul.f32 v51, v56;
	[tilespmem:s3+$0xFFFFFF20] =	vst v55  }
0x2a8: {  	v14 =	vmul.f32 v54, v14;
	[tilespmem:s3+$0xFFFFFFB0] =	vst v15;
	v60 =	vld [tilespmem:s24+$0xFFFFFF30]  }
0x2a9: {  	v47 =	vperm.xlane v34, v5;
	v18 =	vmul.f32 v37, v18;
	v63 =	vld [tilespmem:s24+$0xFFFFFFC0];
	[tilespmem:s3+$0x40] =	vst v59  }
0x2aa: {  	[tilespmem:s28+$0x60] =	vst v14;
	v61 =	vmul.f32 v53, v23;
	v40 =	vld [tilespmem:s24+$0x50]  }
0x2ab: {  	v38 =	vperm.xlane v35, v5;
	v42 =	vld [tilespmem:s26+$0xFFFFFFE0];
	[tilespmem:s9+$0x50] =	vst v18;
	v10 =	vmul.f32 v41, v47  }
0x2ac: {  	v45 =	vld [tilespmem:s29+$0xFFFFFFD0];
	v13 =	vmul.f32 v58, v13;
	[tilespmem:s9+$0xFFFFFF30] =	vst v61;
	v41 =	vperm.xlane v25, v5  }
0x2ad: {  	v44 =	vperm.xlane v32, v5;
	v43 =	vld [tilespmem:s29+$0xFFFFFF40];
	[tilespmem:s3+$0xE0] =	vst v10;
	v10 =	vmul.f32 v60, v38  }
0x2ae: {  	v18 =	vld [tilespmem:s29+$0x60];
	[tilespmem:s28+$0xFFFFFF50] =	vst v13;
	v46 =	vmul.f32 v63, v41  }
0x2af: {  	v57 =	vld [tilespmem:s24+$0xF0];
	v11 =	vmul.f32 v40, v44;
	[tilespmem:s3+$0xFFFFFF30] =	vst v10  }
0x2b0: {  	v12 =	vmul.f32 v42, v12;
	[tilespmem:s3+$0xFFFFFFC0] =	vst v46;
	v10 =	vld [tilespmem:s24+$0xFFFFFF40]  }
0x2b1: {  	v50 =	vmul.f32 v45, v19;
	v13 =	vld [tilespmem:s24+$0xFFFFFFD0];
	[tilespmem:s3+$0x50] =	vst v11  }
0x2b2: {  	v62 =	vperm.xlane v34, v6;
	[tilespmem:s28+$0xFFFFFFE0] =	vst v12;
	v14 =	vmul.f32 v43, v20;
	v51 =	vld [tilespmem:s24+$0x60]  }
0x2b3: {  	v49 =	vperm.xlane v35, v6;
	v56 =	vld [tilespmem:s26+$0x70];
	[tilespmem:s9+$0xFFFFFFD0] =	vst v50;
	v17 =	vmul.f32 v18, v17  }
0x2b4: {  	v52 =	vperm.xlane v25, v6;
	v55 =	vld [tilespmem:s29+$0xFFFFFFE0];
	[tilespmem:s9+$0xFFFFFF40] =	vst v14;
	v39 =	vmul.f32 v57, v62  }
0x2b5: {  	v54 =	vperm.xlane v32, v6;
	[tilespmem:s9+$0x60] =	vst v17;
	v53 =	vld [tilespmem:s29+$0xFFFFFF50];
	v10 =	vmul.f32 v10, v49  }
0x2b6: {  	v57 =	vld [tilespmem:s29+$0x70];
	[tilespmem:s3+$0xF0] =	vst v39;
	v13 =	vmul.f32 v13, v52  }
0x2b7: {  	v47 =	vld [tilespmem:s24+$0x100];
	v11 =	vmul.f32 v51, v54;
	[tilespmem:s3+$0xFFFFFF40] =	vst v10  }
0x2b8: {  	v9 =	vmul.f32 v56, v9;
	[tilespmem:s3+$0xFFFFFFD0] =	vst v13;
	v10 =	vld [tilespmem:s24+$0xFFFFFF50]  }
0x2b9: {  	v8 =	vmul.f32 v55, v27;
	v13 =	vld [tilespmem:s24+$0xFFFFFFE0];
	[tilespmem:s3+$0x60] =	vst v11  }
0x2ba: {  	v48 =	vperm.xlane v34, v7;
	[tilespmem:s28+$0x70] =	vst v9;
	v12 =	vmul.f32 v53, v26;
	v59 =	vld [tilespmem:s24+$0x70]  }
0x2bb: {  	v58 =	vperm.xlane v35, v7;
	[tilespmem:s9+$0xFFFFFFE0] =	vst v8;
	v63 =	vmul.f32 v57, v28  }
0x2bc: {  	v60 =	vperm.xlane v25, v7;
	[tilespmem:s9+$0xFFFFFF50] =	vst v12;
	v16 =	vmul.f32 v47, v48  }
0x2bd: {  	v61 =	vperm.xlane v32, v7;
	[tilespmem:s9+$0x70] =	vst v63;
	v8 =	vmul.f32 v10, v58  }
0x2be: {  	[tilespmem:s3+$0x100] =	vst v16;
	v62 =	vmul.f32 v13, v60  }
0x2bf: {  	[tilespmem:s3+$0xFFFFFF50] =	vst v8;
	v8 =	vmul.f32 v59, v61  }
0x2c0: {  	[tilespmem:s3+$0xFFFFFFE0] =	vst v62  }
0x2c1: {  	[tilespmem:s3+$0x70] =	vst v8  }
0x2c2: {  	_ =	swait.ge [sflag:s17], $0x28  }
0x2c3: {  	[sflag:s17] =	ssyncset.done $0x0  }
0x2c4: {  	[sflag:s17] =	ssyncadd.s32 $0xFFFFFFD8  }
.Ltmp4:
0x2c5: {  	s29 =	simm.s32 $0x4970;
	s28 =	rddreg [dreg:$0x2];
	(pc) =	sbr.rel @p0 .LBB2_8-.Ltmp4, $4  }
0x2c6: {  	[spmem:s28] =	stream.indirect.scatter.add.f32 [tilespmem:s29], [sflag:$0xC], $0x90, s12, s23, $0xb8;
	[tilespmem:$0x1C7F0] =	vst v63  }
0x2c7: {  	_ =	swait.ge [sflag:s25], $0x1680  }
0x2c8: {  	[sflag:s25] =	ssyncset.done $0x0  }
0x2c9: {  	[sflag:s25] =	ssyncadd.s32 $0xFFFFE980  }
0x2ca: {  	s3 =	smul.u32 $0x28, s13  }
.Ltmp5:
0x2cb: {  	_ = 	snop;
	(pc) =	sbr.rel .LBB2_2-.Ltmp5, $4  }
0x2cc: {  	s3 =	sadd.s32 s8, s3  }
0x2cd: {  	s3 =	sshrl.u32 s3, $0x3  }
0x2ce: {  	s9 =	simm.s32 $0xA0;
	s11 =	sadd.s32 $0x1, s11;
	s3 =	sadd.s32 s1, s3  }
0x2cf: {  	[tilespmem:s9], [sflag:$0x5] =	stream.linear.gather [hbm4b:s3+s4], $0x28, $0x38;
	[tilespmem:$0x1C7F0] =	vst v63  }
.LBB2_9:
0x2d0: {  	_ =	sfence.sel $0x180000  }
0x2d1: {  	[bflag:$0x0] =	sbarrier.arrive $0xFFFF  }
0x2d2: {  	_ =	strace $0x90000047  }
0x2d3: {  	s0 =	stileid.u32;
	[bflag:$0x2] =	sbarrier.arrive $0xFFFF  }
0x2d4: {  	p0 =	sne.s32 s0, $0x0;
	s0 =	rddreg [dreg:$0x3]  }
0x2d5: {  	s0 =	sadd.s32 @!p0 $0x100000, s0  }
0x2d6: {  	[sflag:s0] =	ssyncadd.tile.s32 @!p0 $0x1;
	_ =	shalt  }
.Lfunc_end2:
_tile_overlayer_lowered:
.L_overlay_start_2:
0x2d7: {  	(tag) =	ssettag $0x2  }
0x2d8: {  	s0 =	rddreg [dreg:$0x0];
	s2 =	stileid.u32  }
0x2d9: {  	s1 =	rddreg [dreg:$0x1];
	p0 =	sne.s32 s2, $0x0  }
0x2da: {  	s3 =	rddreg [dreg:$0x2];
	[bflag:$0x3] =	sbarrier.arrive $0xFFFF;
	s2 =	simm.s32 @!p0 $0x1C0D  }
0x2db: {  	[timem:s3], [sflag:s2] =	dma.local @!p0 [hbm:s0], s1  }
0x2dc: {  	s0 =	simm.s32 @!p0 $0xD  }
0x2dd: {  	_ =	swait.ge @!p0 [sflag:s0], s1  }
0x2de: {  	s1 =	ssub.s32 @!p0 $0x0, s1;
	[sflag:s0] =	ssyncset.done @!p0 $0x0  }
0x2df: {  	[sflag:s0] =	ssyncadd.s32 @!p0 s1  }
0x2e0: {  	[bflag:$0x3] =	sbarrier.arrive $0xFFFF  }
0x2e1: {  	_ =	shalt  }

</sc_bundles>
